<compile_context>
chip_gen: v7x
topology: tpu7x:2x2x1
jax: 0.10.2.dev20260603
libtpu: 0.0.44.dev20260713+nightly
codegen_flags: <defaults>
</compile_context>

<pallas_src>
import jax
import jax.numpy as jnp
from jax import lax
from jax.experimental import pallas as pl
from jax.experimental.pallas import tpu as pltpu
from jax.experimental.pallas import tpu_sc as plsc

_H = 32
_NC = 2
_NS = 16
_LANES = 16


def _sc_tile_kernel(w_hbm, tile_hbm, w_v, sem):
    n = _H * _H
    per_w = n // (_NC * _NS)
    wid = lax.axis_index("s") * _NC + lax.axis_index("c")
    base = wid * per_w
    pltpu.sync_copy(w_hbm, w_v)
    c = _H // 2
    copies = []
    for t in range(per_w):
        ij = base + t
        i = ij // _H
        j = ij % _H
        z = jnp.maximum(jnp.abs(c - j) + jnp.abs(c - i) - 1, 0)
        copies.append(
            pltpu.make_async_copy(
                w_v.at[pl.ds(z, 1)], tile_hbm.at[pl.ds(ij, 1)], sem
            )
        )
    for cp in copies:
        cp.start()
    for cp in copies:
        cp.wait()


def _fanout_kernel(t_ref, o_ref, tile_ref, sems):
    tile_ref[0, :, :] = t_ref[...]
    tile_ref[1, :, :] = t_ref[...]
    nb = o_ref.shape[0]
    copies = [
        pltpu.make_async_copy(
            tile_ref, o_ref.at[pl.ds(2 * q, 2)], sems.at[q]
        )
        for q in range(nb // 2)
    ]
    for c in copies:
        c.start()
    for c in copies:
        c.wait()


def kernel(x, W):
    b = x.shape[0]
    nv, nf = W.shape
    h, w = x.shape[-2], x.shape[-1]
    n = h * w
    per_w = n // (_NC * _NS)
    mesh = plsc.VectorSubcoreMesh(core_axis_name="c", subcore_axis_name="s")
    tile = pl.kernel(
        _sc_tile_kernel,
        out_type=jax.ShapeDtypeStruct((n, nf), jnp.float32),
        mesh=mesh,
        scratch_types=[
            pltpu.MemorySpace.VMEM((nv, nf), jnp.float32),
            pltpu.SemaphoreType.DMA,
        ],
    )(W)
    out = pl.pallas_call(
        _fanout_kernel,
        in_specs=[pl.BlockSpec(memory_space=pltpu.MemorySpace.VMEM)],
        out_specs=pl.BlockSpec(memory_space=pltpu.MemorySpace.HBM),
        out_shape=jax.ShapeDtypeStruct((b, n, nf), jnp.float32),
        scratch_shapes=[
            pltpu.MemorySpace.VMEM((2, n, nf), jnp.float32),
            pltpu.SemaphoreType.DMA((b // 2,)),
        ],
    )(tile)
    return out.reshape(b, h, w, nf).transpose(0, 3, 1, 2)

# --- scband reference (transcript-rebuilt; emitter-appended) ---
"""Pipeline reference for scband-positional-encoding-13245679141210 (READ-ONLY COPY).

The authoritative reference and input builder live on the scoring server;
editing this copy changes nothing except your own understanding.
"""

import jax, jax.numpy as jnp
import numpy as np


def setup_inputs(seed: int = 0) -> dict:
    key = jax.random.key(seed)
    k1, k2 = jax.random.split(key)
    x = jax.random.normal(k1, (16, 768, 32, 32), dtype=jnp.float32)
    # row_embed weight: nn.init.uniform_ -> U[0, 1)
    W = jax.random.uniform(k2, (32, 512), dtype=jnp.float32)
    return {"x": x, "W": W}


def reference(x, W):
    h, w = x.shape[-2], x.shape[-1]
    cy, cx = h // 2, w // 2
    i = jnp.arange(h)
    j = jnp.arange(w)
    # shortest-path (manhattan) distance matrix, clamped at 0
    Z = jnp.maximum(jnp.abs(cx - j)[None, :] + jnp.abs(cy - i)[:, None] - 1, 0)
    # embedding lookup: gather rows of W by Z -> [h, w, num_pos_feats]
    pos = jnp.take(W, Z, axis=0)
    # permute to [num_pos_feats, h, w], add batch dim, repeat over batch
    pos = jnp.transpose(pos, (2, 0, 1))[None, :, :, :]
    pos = jnp.tile(pos, (x.shape[0], 1, 1, 1))
    return pos

if __name__ == "__main__":
    import jax
    _d = setup_inputs()
    print(jax.jit(kernel)(*tuple(_d.values())))

</pallas_src>

<mosaic_0001>
#map = affine_map<(d0, d1) -> (0, 0)>
module attributes {stable_mosaic.version = 14 : i64} {
  func.func @_sc_tile_kernel(%arg0: i32, %arg1: i32, %arg2: memref<32x512xf32, #tpu.memory_space<hbm>>, %arg3: memref<1024x512xf32, #tpu.memory_space<hbm>>, %arg4: memref<32x512xf32, #tpu.memory_space<vmem>>, %arg5: memref<!tpu.dma_semaphore, #tpu.memory_space<semaphore_mem>>) attributes {dimension_semantics = [#tpu.dimension_semantics<core_parallel>, #tpu.dimension_semantics<subcore_parallel>], iteration_bounds = array<i64: 2, 16>, scalar_prefetch = 0 : i64, scratch_operands = 2 : i64, tpu.core_type = #tpu.core_type<sc_vector_subcore>, window_params = [{transform_indices = #map}, {transform_indices = #map}]} {
    %mul3A = arith.constant 2 : i32
    %mul3A_0 = arith.muli %arg1, %mul3A : i32
    %add3A = arith.addi %mul3A_0, %arg0 : i32
    %mul3A_1 = arith.constant 32 : i32
    %mul3A_2 = arith.muli %add3A, %mul3A_1 : i32
    "tpu.region"() ({
      %run_scoped3A = tpu.sem_alloc : memref<!tpu.dma_semaphore, #tpu.memory_space<semaphore_mem>>
      tpu.enqueue_dma source(%arg2 : memref<32x512xf32, #tpu.memory_space<hbm>>) target(%arg4 : memref<32x512xf32, #tpu.memory_space<vmem>>) target_semaphore(%run_scoped3A : memref<!tpu.dma_semaphore, #tpu.memory_space<semaphore_mem>>)
      tpu.wait_dma2 semaphore(%run_scoped3A : memref<!tpu.dma_semaphore, #tpu.memory_space<semaphore_mem>>) src(%arg2 : memref<32x512xf32, #tpu.memory_space<hbm>>) dst(%arg4 : memref<32x512xf32, #tpu.memory_space<vmem>>)
      tpu.yield
    }) : () -> ()
    %add3A_3 = arith.constant 0 : i32
    %add3A_4 = arith.addi %mul3A_2, %add3A_3 : i32
    %jit3A = arith.constant 32 : i32
    %div3A = arith.divsi %add3A_4, %jit3A : i32
    %sign3A = arith.constant 0 : i32
    %sign3A_5 = arith.cmpi sgt, %add3A_4, %sign3A : i32
    %sign3A_6 = arith.extui %sign3A_5 : i1 to i32
    %sign3A_7 = arith.constant 0 : i32
    %sign3A_8 = arith.cmpi slt, %add3A_4, %sign3A_7 : i32
    %sign3A_9 = arith.extui %sign3A_8 : i1 to i32
    %sign3A_10 = arith.subi %sign3A_6, %sign3A_9 : i32
    %sign3A_11 = arith.constant 0 : i32
    %sign3A_12 = arith.cmpi sgt, %jit3A, %sign3A_11 : i32
    %sign3A_13 = arith.extui %sign3A_12 : i1 to i32
    %sign3A_14 = arith.constant 0 : i32
    %sign3A_15 = arith.cmpi slt, %jit3A, %sign3A_14 : i32
    %sign3A_16 = arith.extui %sign3A_15 : i1 to i32
    %sign3A_17 = arith.subi %sign3A_13, %sign3A_16 : i32
    %ne3A = arith.cmpi ne, %sign3A_10, %sign3A_17 : i32
    %rem3A = arith.remsi %add3A_4, %jit3A : i32
    %ne3A_18 = arith.constant 0 : i32
    %ne3A_19 = arith.cmpi ne, %rem3A, %ne3A_18 : i32
    %and3A = arith.andi %ne3A, %ne3A_19 : i1
    %sub3A = arith.constant 1 : i32
    %sub3A_20 = arith.subi %div3A, %sub3A : i32
    %select_n3A = arith.select %and3A, %sub3A_20, %div3A : i32
    %jit3A_21 = arith.constant 32 : i32
    %eq3A = arith.constant 0 : i32
    %eq3A_22 = arith.cmpi eq, %jit3A_21, %eq3A : i32
    %jit3A_23 = arith.constant 1 : i32
    %select_n3A_24 = arith.select %eq3A_22, %jit3A_23, %jit3A_21 : i32
    %rem3A_25 = arith.remsi %add3A_4, %select_n3A_24 : i32
    %ne3A_26 = arith.constant 0 : i32
    %ne3A_27 = arith.cmpi ne, %rem3A_25, %ne3A_26 : i32
    %lt3A = arith.constant 0 : i32
    %lt3A_28 = arith.cmpi slt, %rem3A_25, %lt3A : i32
    %lt3A_29 = arith.constant 0 : i32
    %lt3A_30 = arith.cmpi slt, %select_n3A_24, %lt3A_29 : i32
    %ne3A_31 = arith.xori %lt3A_28, %lt3A_30 : i1
    %and3A_32 = arith.andi %ne3A_31, %ne3A_27 : i1
    %add3A_33 = arith.addi %rem3A_25, %select_n3A_24 : i32
    %select_n3A_34 = arith.select %and3A_32, %add3A_33, %rem3A_25 : i32
    %sub3A_35 = arith.constant 16 : i32
    %sub3A_36 = arith.subi %sub3A_35, %select_n3A_34 : i32
    %abs3A = math.absi %sub3A_36 : i32
    %sub3A_37 = arith.constant 16 : i32
    %sub3A_38 = arith.subi %sub3A_37, %select_n3A : i32
    %abs3A_39 = math.absi %sub3A_38 : i32
    %add3A_40 = arith.addi %abs3A, %abs3A_39 : i32
    %sub3A_41 = arith.constant 1 : i32
    %sub3A_42 = arith.subi %add3A_40, %sub3A_41 : i32
    %max3A = arith.constant 0 : i32
    %max3A_43 = arith.maxsi %sub3A_42, %max3A : i32
    %add3A_44 = arith.constant 1 : i32
    %add3A_45 = arith.addi %mul3A_2, %add3A_44 : i32
    %jit3A_46 = arith.constant 32 : i32
    %div3A_47 = arith.divsi %add3A_45, %jit3A_46 : i32
    %sign3A_48 = arith.constant 0 : i32
    %sign3A_49 = arith.cmpi sgt, %add3A_45, %sign3A_48 : i32
    %sign3A_50 = arith.extui %sign3A_49 : i1 to i32
    %sign3A_51 = arith.constant 0 : i32
    %sign3A_52 = arith.cmpi slt, %add3A_45, %sign3A_51 : i32
    %sign3A_53 = arith.extui %sign3A_52 : i1 to i32
    %sign3A_54 = arith.subi %sign3A_50, %sign3A_53 : i32
    %sign3A_55 = arith.constant 0 : i32
    %sign3A_56 = arith.cmpi sgt, %jit3A_46, %sign3A_55 : i32
    %sign3A_57 = arith.extui %sign3A_56 : i1 to i32
    %sign3A_58 = arith.constant 0 : i32
    %sign3A_59 = arith.cmpi slt, %jit3A_46, %sign3A_58 : i32
    %sign3A_60 = arith.extui %sign3A_59 : i1 to i32
    %sign3A_61 = arith.subi %sign3A_57, %sign3A_60 : i32
    %ne3A_62 = arith.cmpi ne, %sign3A_54, %sign3A_61 : i32
    %rem3A_63 = arith.remsi %add3A_45, %jit3A_46 : i32
    %ne3A_64 = arith.constant 0 : i32
    %ne3A_65 = arith.cmpi ne, %rem3A_63, %ne3A_64 : i32
    %and3A_66 = arith.andi %ne3A_62, %ne3A_65 : i1
    %sub3A_67 = arith.constant 1 : i32
    %sub3A_68 = arith.subi %div3A_47, %sub3A_67 : i32
    %select_n3A_69 = arith.select %and3A_66, %sub3A_68, %div3A_47 : i32
    %jit3A_70 = arith.constant 32 : i32
    %eq3A_71 = arith.constant 0 : i32
    %eq3A_72 = arith.cmpi eq, %jit3A_70, %eq3A_71 : i32
    %jit3A_73 = arith.constant 1 : i32
    %select_n3A_74 = arith.select %eq3A_72, %jit3A_73, %jit3A_70 : i32
    %rem3A_75 = arith.remsi %add3A_45, %select_n3A_74 : i32
    %ne3A_76 = arith.constant 0 : i32
    %ne3A_77 = arith.cmpi ne, %rem3A_75, %ne3A_76 : i32
    %lt3A_78 = arith.constant 0 : i32
    %lt3A_79 = arith.cmpi slt, %rem3A_75, %lt3A_78 : i32
    %lt3A_80 = arith.constant 0 : i32
    %lt3A_81 = arith.cmpi slt, %select_n3A_74, %lt3A_80 : i32
    %ne3A_82 = arith.xori %lt3A_79, %lt3A_81 : i1
    %and3A_83 = arith.andi %ne3A_82, %ne3A_77 : i1
    %add3A_84 = arith.addi %rem3A_75, %select_n3A_74 : i32
    %select_n3A_85 = arith.select %and3A_83, %add3A_84, %rem3A_75 : i32
    %sub3A_86 = arith.constant 16 : i32
    %sub3A_87 = arith.subi %sub3A_86, %select_n3A_85 : i32
    %abs3A_88 = math.absi %sub3A_87 : i32
    %sub3A_89 = arith.constant 16 : i32
    %sub3A_90 = arith.subi %sub3A_89, %select_n3A_69 : i32
    %abs3A_91 = math.absi %sub3A_90 : i32
    %add3A_92 = arith.addi %abs3A_88, %abs3A_91 : i32
    %sub3A_93 = arith.constant 1 : i32
    %sub3A_94 = arith.subi %add3A_92, %sub3A_93 : i32
    %max3A_95 = arith.constant 0 : i32
    %max3A_96 = arith.maxsi %sub3A_94, %max3A_95 : i32
    %add3A_97 = arith.constant 2 : i32
    %add3A_98 = arith.addi %mul3A_2, %add3A_97 : i32
    %jit3A_99 = arith.constant 32 : i32
    %div3A_100 = arith.divsi %add3A_98, %jit3A_99 : i32
    %sign3A_101 = arith.constant 0 : i32
    %sign3A_102 = arith.cmpi sgt, %add3A_98, %sign3A_101 : i32
    %sign3A_103 = arith.extui %sign3A_102 : i1 to i32
    %sign3A_104 = arith.constant 0 : i32
    %sign3A_105 = arith.cmpi slt, %add3A_98, %sign3A_104 : i32
    %sign3A_106 = arith.extui %sign3A_105 : i1 to i32
    %sign3A_107 = arith.subi %sign3A_103, %sign3A_106 : i32
    %sign3A_108 = arith.constant 0 : i32
    %sign3A_109 = arith.cmpi sgt, %jit3A_99, %sign3A_108 : i32
    %sign3A_110 = arith.extui %sign3A_109 : i1 to i32
    %sign3A_111 = arith.constant 0 : i32
    %sign3A_112 = arith.cmpi slt, %jit3A_99, %sign3A_111 : i32
    %sign3A_113 = arith.extui %sign3A_112 : i1 to i32
    %sign3A_114 = arith.subi %sign3A_110, %sign3A_113 : i32
    %ne3A_115 = arith.cmpi ne, %sign3A_107, %sign3A_114 : i32
    %rem3A_116 = arith.remsi %add3A_98, %jit3A_99 : i32
    %ne3A_117 = arith.constant 0 : i32
    %ne3A_118 = arith.cmpi ne, %rem3A_116, %ne3A_117 : i32
    %and3A_119 = arith.andi %ne3A_115, %ne3A_118 : i1
    %sub3A_120 = arith.constant 1 : i32
    %sub3A_121 = arith.subi %div3A_100, %sub3A_120 : i32
    %select_n3A_122 = arith.select %and3A_119, %sub3A_121, %div3A_100 : i32
    %jit3A_123 = arith.constant 32 : i32
    %eq3A_124 = arith.constant 0 : i32
    %eq3A_125 = arith.cmpi eq, %jit3A_123, %eq3A_124 : i32
    %jit3A_126 = arith.constant 1 : i32
    %select_n3A_127 = arith.select %eq3A_125, %jit3A_126, %jit3A_123 : i32
    %rem3A_128 = arith.remsi %add3A_98, %select_n3A_127 : i32
    %ne3A_129 = arith.constant 0 : i32
    %ne3A_130 = arith.cmpi ne, %rem3A_128, %ne3A_129 : i32
    %lt3A_131 = arith.constant 0 : i32
    %lt3A_132 = arith.cmpi slt, %rem3A_128, %lt3A_131 : i32
    %lt3A_133 = arith.constant 0 : i32
    %lt3A_134 = arith.cmpi slt, %select_n3A_127, %lt3A_133 : i32
    %ne3A_135 = arith.xori %lt3A_132, %lt3A_134 : i1
    %and3A_136 = arith.andi %ne3A_135, %ne3A_130 : i1
    %add3A_137 = arith.addi %rem3A_128, %select_n3A_127 : i32
    %select_n3A_138 = arith.select %and3A_136, %add3A_137, %rem3A_128 : i32
    %sub3A_139 = arith.constant 16 : i32
    %sub3A_140 = arith.subi %sub3A_139, %select_n3A_138 : i32
    %abs3A_141 = math.absi %sub3A_140 : i32
    %sub3A_142 = arith.constant 16 : i32
    %sub3A_143 = arith.subi %sub3A_142, %select_n3A_122 : i32
    %abs3A_144 = math.absi %sub3A_143 : i32
    %add3A_145 = arith.addi %abs3A_141, %abs3A_144 : i32
    %sub3A_146 = arith.constant 1 : i32
    %sub3A_147 = arith.subi %add3A_145, %sub3A_146 : i32
    %max3A_148 = arith.constant 0 : i32
    %max3A_149 = arith.maxsi %sub3A_147, %max3A_148 : i32
    %add3A_150 = arith.constant 3 : i32
    %add3A_151 = arith.addi %mul3A_2, %add3A_150 : i32
    %jit3A_152 = arith.constant 32 : i32
    %div3A_153 = arith.divsi %add3A_151, %jit3A_152 : i32
    %sign3A_154 = arith.constant 0 : i32
    %sign3A_155 = arith.cmpi sgt, %add3A_151, %sign3A_154 : i32
    %sign3A_156 = arith.extui %sign3A_155 : i1 to i32
    %sign3A_157 = arith.constant 0 : i32
    %sign3A_158 = arith.cmpi slt, %add3A_151, %sign3A_157 : i32
    %sign3A_159 = arith.extui %sign3A_158 : i1 to i32
    %sign3A_160 = arith.subi %sign3A_156, %sign3A_159 : i32
    %sign3A_161 = arith.constant 0 : i32
    %sign3A_162 = arith.cmpi sgt, %jit3A_152, %sign3A_161 : i32
    %sign3A_163 = arith.extui %sign3A_162 : i1 to i32
    %sign3A_164 = arith.constant 0 : i32
    %sign3A_165 = arith.cmpi slt, %jit3A_152, %sign3A_164 : i32
    %sign3A_166 = arith.extui %sign3A_165 : i1 to i32
    %sign3A_167 = arith.subi %sign3A_163, %sign3A_166 : i32
    %ne3A_168 = arith.cmpi ne, %sign3A_160, %sign3A_167 : i32
    %rem3A_169 = arith.remsi %add3A_151, %jit3A_152 : i32
    %ne3A_170 = arith.constant 0 : i32
    %ne3A_171 = arith.cmpi ne, %rem3A_169, %ne3A_170 : i32
    %and3A_172 = arith.andi %ne3A_168, %ne3A_171 : i1
    %sub3A_173 = arith.constant 1 : i32
    %sub3A_174 = arith.subi %div3A_153, %sub3A_173 : i32
    %select_n3A_175 = arith.select %and3A_172, %sub3A_174, %div3A_153 : i32
    %jit3A_176 = arith.constant 32 : i32
    %eq3A_177 = arith.constant 0 : i32
    %eq3A_178 = arith.cmpi eq, %jit3A_176, %eq3A_177 : i32
    %jit3A_179 = arith.constant 1 : i32
    %select_n3A_180 = arith.select %eq3A_178, %jit3A_179, %jit3A_176 : i32
    %rem3A_181 = arith.remsi %add3A_151, %select_n3A_180 : i32
    %ne3A_182 = arith.constant 0 : i32
    %ne3A_183 = arith.cmpi ne, %rem3A_181, %ne3A_182 : i32
    %lt3A_184 = arith.constant 0 : i32
    %lt3A_185 = arith.cmpi slt, %rem3A_181, %lt3A_184 : i32
    %lt3A_186 = arith.constant 0 : i32
    %lt3A_187 = arith.cmpi slt, %select_n3A_180, %lt3A_186 : i32
    %ne3A_188 = arith.xori %lt3A_185, %lt3A_187 : i1
    %and3A_189 = arith.andi %ne3A_188, %ne3A_183 : i1
    %add3A_190 = arith.addi %rem3A_181, %select_n3A_180 : i32
    %select_n3A_191 = arith.select %and3A_189, %add3A_190, %rem3A_181 : i32
    %sub3A_192 = arith.constant 16 : i32
    %sub3A_193 = arith.subi %sub3A_192, %select_n3A_191 : i32
    %abs3A_194 = math.absi %sub3A_193 : i32
    %sub3A_195 = arith.constant 16 : i32
    %sub3A_196 = arith.subi %sub3A_195, %select_n3A_175 : i32
    %abs3A_197 = math.absi %sub3A_196 : i32
    %add3A_198 = arith.addi %abs3A_194, %abs3A_197 : i32
    %sub3A_199 = arith.constant 1 : i32
    %sub3A_200 = arith.subi %add3A_198, %sub3A_199 : i32
    %max3A_201 = arith.constant 0 : i32
    %max3A_202 = arith.maxsi %sub3A_200, %max3A_201 : i32
    %add3A_203 = arith.constant 4 : i32
    %add3A_204 = arith.addi %mul3A_2, %add3A_203 : i32
    %jit3A_205 = arith.constant 32 : i32
    %div3A_206 = arith.divsi %add3A_204, %jit3A_205 : i32
    %sign3A_207 = arith.constant 0 : i32
    %sign3A_208 = arith.cmpi sgt, %add3A_204, %sign3A_207 : i32
    %sign3A_209 = arith.extui %sign3A_208 : i1 to i32
    %sign3A_210 = arith.constant 0 : i32
    %sign3A_211 = arith.cmpi slt, %add3A_204, %sign3A_210 : i32
    %sign3A_212 = arith.extui %sign3A_211 : i1 to i32
    %sign3A_213 = arith.subi %sign3A_209, %sign3A_212 : i32
    %sign3A_214 = arith.constant 0 : i32
    %sign3A_215 = arith.cmpi sgt, %jit3A_205, %sign3A_214 : i32
    %sign3A_216 = arith.extui %sign3A_215 : i1 to i32
    %sign3A_217 = arith.constant 0 : i32
    %sign3A_218 = arith.cmpi slt, %jit3A_205, %sign3A_217 : i32
    %sign3A_219 = arith.extui %sign3A_218 : i1 to i32
    %sign3A_220 = arith.subi %sign3A_216, %sign3A_219 : i32
    %ne3A_221 = arith.cmpi ne, %sign3A_213, %sign3A_220 : i32
    %rem3A_222 = arith.remsi %add3A_204, %jit3A_205 : i32
    %ne3A_223 = arith.constant 0 : i32
    %ne3A_224 = arith.cmpi ne, %rem3A_222, %ne3A_223 : i32
    %and3A_225 = arith.andi %ne3A_221, %ne3A_224 : i1
    %sub3A_226 = arith.constant 1 : i32
    %sub3A_227 = arith.subi %div3A_206, %sub3A_226 : i32
    %select_n3A_228 = arith.select %and3A_225, %sub3A_227, %div3A_206 : i32
    %jit3A_229 = arith.constant 32 : i32
    %eq3A_230 = arith.constant 0 : i32
    %eq3A_231 = arith.cmpi eq, %jit3A_229, %eq3A_230 : i32
    %jit3A_232 = arith.constant 1 : i32
    %select_n3A_233 = arith.select %eq3A_231, %jit3A_232, %jit3A_229 : i32
    %rem3A_234 = arith.remsi %add3A_204, %select_n3A_233 : i32
    %ne3A_235 = arith.constant 0 : i32
    %ne3A_236 = arith.cmpi ne, %rem3A_234, %ne3A_235 : i32
    %lt3A_237 = arith.constant 0 : i32
    %lt3A_238 = arith.cmpi slt, %rem3A_234, %lt3A_237 : i32
    %lt3A_239 = arith.constant 0 : i32
    %lt3A_240 = arith.cmpi slt, %select_n3A_233, %lt3A_239 : i32
    %ne3A_241 = arith.xori %lt3A_238, %lt3A_240 : i1
    %and3A_242 = arith.andi %ne3A_241, %ne3A_236 : i1
    %add3A_243 = arith.addi %rem3A_234, %select_n3A_233 : i32
    %select_n3A_244 = arith.select %and3A_242, %add3A_243, %rem3A_234 : i32
    %sub3A_245 = arith.constant 16 : i32
    %sub3A_246 = arith.subi %sub3A_245, %select_n3A_244 : i32
    %abs3A_247 = math.absi %sub3A_246 : i32
    %sub3A_248 = arith.constant 16 : i32
    %sub3A_249 = arith.subi %sub3A_248, %select_n3A_228 : i32
    %abs3A_250 = math.absi %sub3A_249 : i32
    %add3A_251 = arith.addi %abs3A_247, %abs3A_250 : i32
    %sub3A_252 = arith.constant 1 : i32
    %sub3A_253 = arith.subi %add3A_251, %sub3A_252 : i32
    %max3A_254 = arith.constant 0 : i32
    %max3A_255 = arith.maxsi %sub3A_253, %max3A_254 : i32
    %add3A_256 = arith.constant 5 : i32
    %add3A_257 = arith.addi %mul3A_2, %add3A_256 : i32
    %jit3A_258 = arith.constant 32 : i32
    %div3A_259 = arith.divsi %add3A_257, %jit3A_258 : i32
    %sign3A_260 = arith.constant 0 : i32
    %sign3A_261 = arith.cmpi sgt, %add3A_257, %sign3A_260 : i32
    %sign3A_262 = arith.extui %sign3A_261 : i1 to i32
    %sign3A_263 = arith.constant 0 : i32
    %sign3A_264 = arith.cmpi slt, %add3A_257, %sign3A_263 : i32
    %sign3A_265 = arith.extui %sign3A_264 : i1 to i32
    %sign3A_266 = arith.subi %sign3A_262, %sign3A_265 : i32
    %sign3A_267 = arith.constant 0 : i32
    %sign3A_268 = arith.cmpi sgt, %jit3A_258, %sign3A_267 : i32
    %sign3A_269 = arith.extui %sign3A_268 : i1 to i32
    %sign3A_270 = arith.constant 0 : i32
    %sign3A_271 = arith.cmpi slt, %jit3A_258, %sign3A_270 : i32
    %sign3A_272 = arith.extui %sign3A_271 : i1 to i32
    %sign3A_273 = arith.subi %sign3A_269, %sign3A_272 : i32
    %ne3A_274 = arith.cmpi ne, %sign3A_266, %sign3A_273 : i32
    %rem3A_275 = arith.remsi %add3A_257, %jit3A_258 : i32
    %ne3A_276 = arith.constant 0 : i32
    %ne3A_277 = arith.cmpi ne, %rem3A_275, %ne3A_276 : i32
    %and3A_278 = arith.andi %ne3A_274, %ne3A_277 : i1
    %sub3A_279 = arith.constant 1 : i32
    %sub3A_280 = arith.subi %div3A_259, %sub3A_279 : i32
    %select_n3A_281 = arith.select %and3A_278, %sub3A_280, %div3A_259 : i32
    %jit3A_282 = arith.constant 32 : i32
    %eq3A_283 = arith.constant 0 : i32
    %eq3A_284 = arith.cmpi eq, %jit3A_282, %eq3A_283 : i32
    %jit3A_285 = arith.constant 1 : i32
    %select_n3A_286 = arith.select %eq3A_284, %jit3A_285, %jit3A_282 : i32
    %rem3A_287 = arith.remsi %add3A_257, %select_n3A_286 : i32
    %ne3A_288 = arith.constant 0 : i32
    %ne3A_289 = arith.cmpi ne, %rem3A_287, %ne3A_288 : i32
    %lt3A_290 = arith.constant 0 : i32
    %lt3A_291 = arith.cmpi slt, %rem3A_287, %lt3A_290 : i32
    %lt3A_292 = arith.constant 0 : i32
    %lt3A_293 = arith.cmpi slt, %select_n3A_286, %lt3A_292 : i32
    %ne3A_294 = arith.xori %lt3A_291, %lt3A_293 : i1
    %and3A_295 = arith.andi %ne3A_294, %ne3A_289 : i1
    %add3A_296 = arith.addi %rem3A_287, %select_n3A_286 : i32
    %select_n3A_297 = arith.select %and3A_295, %add3A_296, %rem3A_287 : i32
    %sub3A_298 = arith.constant 16 : i32
    %sub3A_299 = arith.subi %sub3A_298, %select_n3A_297 : i32
    %abs3A_300 = math.absi %sub3A_299 : i32
    %sub3A_301 = arith.constant 16 : i32
    %sub3A_302 = arith.subi %sub3A_301, %select_n3A_281 : i32
    %abs3A_303 = math.absi %sub3A_302 : i32
    %add3A_304 = arith.addi %abs3A_300, %abs3A_303 : i32
    %sub3A_305 = arith.constant 1 : i32
    %sub3A_306 = arith.subi %add3A_304, %sub3A_305 : i32
    %max3A_307 = arith.constant 0 : i32
    %max3A_308 = arith.maxsi %sub3A_306, %max3A_307 : i32
    %add3A_309 = arith.constant 6 : i32
    %add3A_310 = arith.addi %mul3A_2, %add3A_309 : i32
    %jit3A_311 = arith.constant 32 : i32
    %div3A_312 = arith.divsi %add3A_310, %jit3A_311 : i32
    %sign3A_313 = arith.constant 0 : i32
    %sign3A_314 = arith.cmpi sgt, %add3A_310, %sign3A_313 : i32
    %sign3A_315 = arith.extui %sign3A_314 : i1 to i32
    %sign3A_316 = arith.constant 0 : i32
    %sign3A_317 = arith.cmpi slt, %add3A_310, %sign3A_316 : i32
    %sign3A_318 = arith.extui %sign3A_317 : i1 to i32
    %sign3A_319 = arith.subi %sign3A_315, %sign3A_318 : i32
    %sign3A_320 = arith.constant 0 : i32
    %sign3A_321 = arith.cmpi sgt, %jit3A_311, %sign3A_320 : i32
    %sign3A_322 = arith.extui %sign3A_321 : i1 to i32
    %sign3A_323 = arith.constant 0 : i32
    %sign3A_324 = arith.cmpi slt, %jit3A_311, %sign3A_323 : i32
    %sign3A_325 = arith.extui %sign3A_324 : i1 to i32
    %sign3A_326 = arith.subi %sign3A_322, %sign3A_325 : i32
    %ne3A_327 = arith.cmpi ne, %sign3A_319, %sign3A_326 : i32
    %rem3A_328 = arith.remsi %add3A_310, %jit3A_311 : i32
    %ne3A_329 = arith.constant 0 : i32
    %ne3A_330 = arith.cmpi ne, %rem3A_328, %ne3A_329 : i32
    %and3A_331 = arith.andi %ne3A_327, %ne3A_330 : i1
    %sub3A_332 = arith.constant 1 : i32
    %sub3A_333 = arith.subi %div3A_312, %sub3A_332 : i32
    %select_n3A_334 = arith.select %and3A_331, %sub3A_333, %div3A_312 : i32
    %jit3A_335 = arith.constant 32 : i32
    %eq3A_336 = arith.constant 0 : i32
    %eq3A_337 = arith.cmpi eq, %jit3A_335, %eq3A_336 : i32
    %jit3A_338 = arith.constant 1 : i32
    %select_n3A_339 = arith.select %eq3A_337, %jit3A_338, %jit3A_335 : i32
    %rem3A_340 = arith.remsi %add3A_310, %select_n3A_339 : i32
    %ne3A_341 = arith.constant 0 : i32
    %ne3A_342 = arith.cmpi ne, %rem3A_340, %ne3A_341 : i32
    %lt3A_343 = arith.constant 0 : i32
    %lt3A_344 = arith.cmpi slt, %rem3A_340, %lt3A_343 : i32
    %lt3A_345 = arith.constant 0 : i32
    %lt3A_346 = arith.cmpi slt, %select_n3A_339, %lt3A_345 : i32
    %ne3A_347 = arith.xori %lt3A_344, %lt3A_346 : i1
    %and3A_348 = arith.andi %ne3A_347, %ne3A_342 : i1
    %add3A_349 = arith.addi %rem3A_340, %select_n3A_339 : i32
    %select_n3A_350 = arith.select %and3A_348, %add3A_349, %rem3A_340 : i32
    %sub3A_351 = arith.constant 16 : i32
    %sub3A_352 = arith.subi %sub3A_351, %select_n3A_350 : i32
    %abs3A_353 = math.absi %sub3A_352 : i32
    %sub3A_354 = arith.constant 16 : i32
    %sub3A_355 = arith.subi %sub3A_354, %select_n3A_334 : i32
    %abs3A_356 = math.absi %sub3A_355 : i32
    %add3A_357 = arith.addi %abs3A_353, %abs3A_356 : i32
    %sub3A_358 = arith.constant 1 : i32
    %sub3A_359 = arith.subi %add3A_357, %sub3A_358 : i32
    %max3A_360 = arith.constant 0 : i32
    %max3A_361 = arith.maxsi %sub3A_359, %max3A_360 : i32
    %add3A_362 = arith.constant 7 : i32
    %add3A_363 = arith.addi %mul3A_2, %add3A_362 : i32
    %jit3A_364 = arith.constant 32 : i32
    %div3A_365 = arith.divsi %add3A_363, %jit3A_364 : i32
    %sign3A_366 = arith.constant 0 : i32
    %sign3A_367 = arith.cmpi sgt, %add3A_363, %sign3A_366 : i32
    %sign3A_368 = arith.extui %sign3A_367 : i1 to i32
    %sign3A_369 = arith.constant 0 : i32
    %sign3A_370 = arith.cmpi slt, %add3A_363, %sign3A_369 : i32
    %sign3A_371 = arith.extui %sign3A_370 : i1 to i32
    %sign3A_372 = arith.subi %sign3A_368, %sign3A_371 : i32
    %sign3A_373 = arith.constant 0 : i32
    %sign3A_374 = arith.cmpi sgt, %jit3A_364, %sign3A_373 : i32
    %sign3A_375 = arith.extui %sign3A_374 : i1 to i32
    %sign3A_376 = arith.constant 0 : i32
    %sign3A_377 = arith.cmpi slt, %jit3A_364, %sign3A_376 : i32
    %sign3A_378 = arith.extui %sign3A_377 : i1 to i32
    %sign3A_379 = arith.subi %sign3A_375, %sign3A_378 : i32
    %ne3A_380 = arith.cmpi ne, %sign3A_372, %sign3A_379 : i32
    %rem3A_381 = arith.remsi %add3A_363, %jit3A_364 : i32
    %ne3A_382 = arith.constant 0 : i32
    %ne3A_383 = arith.cmpi ne, %rem3A_381, %ne3A_382 : i32
    %and3A_384 = arith.andi %ne3A_380, %ne3A_383 : i1
    %sub3A_385 = arith.constant 1 : i32
    %sub3A_386 = arith.subi %div3A_365, %sub3A_385 : i32
    %select_n3A_387 = arith.select %and3A_384, %sub3A_386, %div3A_365 : i32
    %jit3A_388 = arith.constant 32 : i32
    %eq3A_389 = arith.constant 0 : i32
    %eq3A_390 = arith.cmpi eq, %jit3A_388, %eq3A_389 : i32
    %jit3A_391 = arith.constant 1 : i32
    %select_n3A_392 = arith.select %eq3A_390, %jit3A_391, %jit3A_388 : i32
    %rem3A_393 = arith.remsi %add3A_363, %select_n3A_392 : i32
    %ne3A_394 = arith.constant 0 : i32
    %ne3A_395 = arith.cmpi ne, %rem3A_393, %ne3A_394 : i32
    %lt3A_396 = arith.constant 0 : i32
    %lt3A_397 = arith.cmpi slt, %rem3A_393, %lt3A_396 : i32
    %lt3A_398 = arith.constant 0 : i32
    %lt3A_399 = arith.cmpi slt, %select_n3A_392, %lt3A_398 : i32
    %ne3A_400 = arith.xori %lt3A_397, %lt3A_399 : i1
    %and3A_401 = arith.andi %ne3A_400, %ne3A_395 : i1
    %add3A_402 = arith.addi %rem3A_393, %select_n3A_392 : i32
    %select_n3A_403 = arith.select %and3A_401, %add3A_402, %rem3A_393 : i32
    %sub3A_404 = arith.constant 16 : i32
    %sub3A_405 = arith.subi %sub3A_404, %select_n3A_403 : i32
    %abs3A_406 = math.absi %sub3A_405 : i32
    %sub3A_407 = arith.constant 16 : i32
    %sub3A_408 = arith.subi %sub3A_407, %select_n3A_387 : i32
    %abs3A_409 = math.absi %sub3A_408 : i32
    %add3A_410 = arith.addi %abs3A_406, %abs3A_409 : i32
    %sub3A_411 = arith.constant 1 : i32
    %sub3A_412 = arith.subi %add3A_410, %sub3A_411 : i32
    %max3A_413 = arith.constant 0 : i32
    %max3A_414 = arith.maxsi %sub3A_412, %max3A_413 : i32
    %add3A_415 = arith.constant 8 : i32
    %add3A_416 = arith.addi %mul3A_2, %add3A_415 : i32
    %jit3A_417 = arith.constant 32 : i32
    %div3A_418 = arith.divsi %add3A_416, %jit3A_417 : i32
    %sign3A_419 = arith.constant 0 : i32
    %sign3A_420 = arith.cmpi sgt, %add3A_416, %sign3A_419 : i32
    %sign3A_421 = arith.extui %sign3A_420 : i1 to i32
    %sign3A_422 = arith.constant 0 : i32
    %sign3A_423 = arith.cmpi slt, %add3A_416, %sign3A_422 : i32
    %sign3A_424 = arith.extui %sign3A_423 : i1 to i32
    %sign3A_425 = arith.subi %sign3A_421, %sign3A_424 : i32
    %sign3A_426 = arith.constant 0 : i32
    %sign3A_427 = arith.cmpi sgt, %jit3A_417, %sign3A_426 : i32
    %sign3A_428 = arith.extui %sign3A_427 : i1 to i32
    %sign3A_429 = arith.constant 0 : i32
    %sign3A_430 = arith.cmpi slt, %jit3A_417, %sign3A_429 : i32
    %sign3A_431 = arith.extui %sign3A_430 : i1 to i32
    %sign3A_432 = arith.subi %sign3A_428, %sign3A_431 : i32
    %ne3A_433 = arith.cmpi ne, %sign3A_425, %sign3A_432 : i32
    %rem3A_434 = arith.remsi %add3A_416, %jit3A_417 : i32
    %ne3A_435 = arith.constant 0 : i32
    %ne3A_436 = arith.cmpi ne, %rem3A_434, %ne3A_435 : i32
    %and3A_437 = arith.andi %ne3A_433, %ne3A_436 : i1
    %sub3A_438 = arith.constant 1 : i32
    %sub3A_439 = arith.subi %div3A_418, %sub3A_438 : i32
    %select_n3A_440 = arith.select %and3A_437, %sub3A_439, %div3A_418 : i32
    %jit3A_441 = arith.constant 32 : i32
    %eq3A_442 = arith.constant 0 : i32
    %eq3A_443 = arith.cmpi eq, %jit3A_441, %eq3A_442 : i32
    %jit3A_444 = arith.constant 1 : i32
    %select_n3A_445 = arith.select %eq3A_443, %jit3A_444, %jit3A_441 : i32
    %rem3A_446 = arith.remsi %add3A_416, %select_n3A_445 : i32
    %ne3A_447 = arith.constant 0 : i32
    %ne3A_448 = arith.cmpi ne, %rem3A_446, %ne3A_447 : i32
    %lt3A_449 = arith.constant 0 : i32
    %lt3A_450 = arith.cmpi slt, %rem3A_446, %lt3A_449 : i32
    %lt3A_451 = arith.constant 0 : i32
    %lt3A_452 = arith.cmpi slt, %select_n3A_445, %lt3A_451 : i32
    %ne3A_453 = arith.xori %lt3A_450, %lt3A_452 : i1
    %and3A_454 = arith.andi %ne3A_453, %ne3A_448 : i1
    %add3A_455 = arith.addi %rem3A_446, %select_n3A_445 : i32
    %select_n3A_456 = arith.select %and3A_454, %add3A_455, %rem3A_446 : i32
    %sub3A_457 = arith.constant 16 : i32
    %sub3A_458 = arith.subi %sub3A_457, %select_n3A_456 : i32
    %abs3A_459 = math.absi %sub3A_458 : i32
    %sub3A_460 = arith.constant 16 : i32
    %sub3A_461 = arith.subi %sub3A_460, %select_n3A_440 : i32
    %abs3A_462 = math.absi %sub3A_461 : i32
    %add3A_463 = arith.addi %abs3A_459, %abs3A_462 : i32
    %sub3A_464 = arith.constant 1 : i32
    %sub3A_465 = arith.subi %add3A_463, %sub3A_464 : i32
    %max3A_466 = arith.constant 0 : i32
    %max3A_467 = arith.maxsi %sub3A_465, %max3A_466 : i32
    %add3A_468 = arith.constant 9 : i32
    %add3A_469 = arith.addi %mul3A_2, %add3A_468 : i32
    %jit3A_470 = arith.constant 32 : i32
    %div3A_471 = arith.divsi %add3A_469, %jit3A_470 : i32
    %sign3A_472 = arith.constant 0 : i32
    %sign3A_473 = arith.cmpi sgt, %add3A_469, %sign3A_472 : i32
    %sign3A_474 = arith.extui %sign3A_473 : i1 to i32
    %sign3A_475 = arith.constant 0 : i32
    %sign3A_476 = arith.cmpi slt, %add3A_469, %sign3A_475 : i32
    %sign3A_477 = arith.extui %sign3A_476 : i1 to i32
    %sign3A_478 = arith.subi %sign3A_474, %sign3A_477 : i32
    %sign3A_479 = arith.constant 0 : i32
    %sign3A_480 = arith.cmpi sgt, %jit3A_470, %sign3A_479 : i32
    %sign3A_481 = arith.extui %sign3A_480 : i1 to i32
    %sign3A_482 = arith.constant 0 : i32
    %sign3A_483 = arith.cmpi slt, %jit3A_470, %sign3A_482 : i32
    %sign3A_484 = arith.extui %sign3A_483 : i1 to i32
    %sign3A_485 = arith.subi %sign3A_481, %sign3A_484 : i32
    %ne3A_486 = arith.cmpi ne, %sign3A_478, %sign3A_485 : i32
    %rem3A_487 = arith.remsi %add3A_469, %jit3A_470 : i32
    %ne3A_488 = arith.constant 0 : i32
    %ne3A_489 = arith.cmpi ne, %rem3A_487, %ne3A_488 : i32
    %and3A_490 = arith.andi %ne3A_486, %ne3A_489 : i1
    %sub3A_491 = arith.constant 1 : i32
    %sub3A_492 = arith.subi %div3A_471, %sub3A_491 : i32
    %select_n3A_493 = arith.select %and3A_490, %sub3A_492, %div3A_471 : i32
    %jit3A_494 = arith.constant 32 : i32
    %eq3A_495 = arith.constant 0 : i32
    %eq3A_496 = arith.cmpi eq, %jit3A_494, %eq3A_495 : i32
    %jit3A_497 = arith.constant 1 : i32
    %select_n3A_498 = arith.select %eq3A_496, %jit3A_497, %jit3A_494 : i32
    %rem3A_499 = arith.remsi %add3A_469, %select_n3A_498 : i32
    %ne3A_500 = arith.constant 0 : i32
    %ne3A_501 = arith.cmpi ne, %rem3A_499, %ne3A_500 : i32
    %lt3A_502 = arith.constant 0 : i32
    %lt3A_503 = arith.cmpi slt, %rem3A_499, %lt3A_502 : i32
    %lt3A_504 = arith.constant 0 : i32
    %lt3A_505 = arith.cmpi slt, %select_n3A_498, %lt3A_504 : i32
    %ne3A_506 = arith.xori %lt3A_503, %lt3A_505 : i1
    %and3A_507 = arith.andi %ne3A_506, %ne3A_501 : i1
    %add3A_508 = arith.addi %rem3A_499, %select_n3A_498 : i32
    %select_n3A_509 = arith.select %and3A_507, %add3A_508, %rem3A_499 : i32
    %sub3A_510 = arith.constant 16 : i32
    %sub3A_511 = arith.subi %sub3A_510, %select_n3A_509 : i32
    %abs3A_512 = math.absi %sub3A_511 : i32
    %sub3A_513 = arith.constant 16 : i32
    %sub3A_514 = arith.subi %sub3A_513, %select_n3A_493 : i32
    %abs3A_515 = math.absi %sub3A_514 : i32
    %add3A_516 = arith.addi %abs3A_512, %abs3A_515 : i32
    %sub3A_517 = arith.constant 1 : i32
    %sub3A_518 = arith.subi %add3A_516, %sub3A_517 : i32
    %max3A_519 = arith.constant 0 : i32
    %max3A_520 = arith.maxsi %sub3A_518, %max3A_519 : i32
    %add3A_521 = arith.constant 10 : i32
    %add3A_522 = arith.addi %mul3A_2, %add3A_521 : i32
    %jit3A_523 = arith.constant 32 : i32
    %div3A_524 = arith.divsi %add3A_522, %jit3A_523 : i32
    %sign3A_525 = arith.constant 0 : i32
    %sign3A_526 = arith.cmpi sgt, %add3A_522, %sign3A_525 : i32
    %sign3A_527 = arith.extui %sign3A_526 : i1 to i32
    %sign3A_528 = arith.constant 0 : i32
    %sign3A_529 = arith.cmpi slt, %add3A_522, %sign3A_528 : i32
    %sign3A_530 = arith.extui %sign3A_529 : i1 to i32
    %sign3A_531 = arith.subi %sign3A_527, %sign3A_530 : i32
    %sign3A_532 = arith.constant 0 : i32
    %sign3A_533 = arith.cmpi sgt, %jit3A_523, %sign3A_532 : i32
    %sign3A_534 = arith.extui %sign3A_533 : i1 to i32
    %sign3A_535 = arith.constant 0 : i32
    %sign3A_536 = arith.cmpi slt, %jit3A_523, %sign3A_535 : i32
    %sign3A_537 = arith.extui %sign3A_536 : i1 to i32
    %sign3A_538 = arith.subi %sign3A_534, %sign3A_537 : i32
    %ne3A_539 = arith.cmpi ne, %sign3A_531, %sign3A_538 : i32
    %rem3A_540 = arith.remsi %add3A_522, %jit3A_523 : i32
    %ne3A_541 = arith.constant 0 : i32
    %ne3A_542 = arith.cmpi ne, %rem3A_540, %ne3A_541 : i32
    %and3A_543 = arith.andi %ne3A_539, %ne3A_542 : i1
    %sub3A_544 = arith.constant 1 : i32
    %sub3A_545 = arith.subi %div3A_524, %sub3A_544 : i32
    %select_n3A_546 = arith.select %and3A_543, %sub3A_545, %div3A_524 : i32
    %jit3A_547 = arith.constant 32 : i32
    %eq3A_548 = arith.constant 0 : i32
    %eq3A_549 = arith.cmpi eq, %jit3A_547, %eq3A_548 : i32
    %jit3A_550 = arith.constant 1 : i32
    %select_n3A_551 = arith.select %eq3A_549, %jit3A_550, %jit3A_547 : i32
    %rem3A_552 = arith.remsi %add3A_522, %select_n3A_551 : i32
    %ne3A_553 = arith.constant 0 : i32
    %ne3A_554 = arith.cmpi ne, %rem3A_552, %ne3A_553 : i32
    %lt3A_555 = arith.constant 0 : i32
    %lt3A_556 = arith.cmpi slt, %rem3A_552, %lt3A_555 : i32
    %lt3A_557 = arith.constant 0 : i32
    %lt3A_558 = arith.cmpi slt, %select_n3A_551, %lt3A_557 : i32
    %ne3A_559 = arith.xori %lt3A_556, %lt3A_558 : i1
    %and3A_560 = arith.andi %ne3A_559, %ne3A_554 : i1
    %add3A_561 = arith.addi %rem3A_552, %select_n3A_551 : i32
    %select_n3A_562 = arith.select %and3A_560, %add3A_561, %rem3A_552 : i32
    %sub3A_563 = arith.constant 16 : i32
    %sub3A_564 = arith.subi %sub3A_563, %select_n3A_562 : i32
    %abs3A_565 = math.absi %sub3A_564 : i32
    %sub3A_566 = arith.constant 16 : i32
    %sub3A_567 = arith.subi %sub3A_566, %select_n3A_546 : i32
    %abs3A_568 = math.absi %sub3A_567 : i32
    %add3A_569 = arith.addi %abs3A_565, %abs3A_568 : i32
    %sub3A_570 = arith.constant 1 : i32
    %sub3A_571 = arith.subi %add3A_569, %sub3A_570 : i32
    %max3A_572 = arith.constant 0 : i32
    %max3A_573 = arith.maxsi %sub3A_571, %max3A_572 : i32
    %add3A_574 = arith.constant 11 : i32
    %add3A_575 = arith.addi %mul3A_2, %add3A_574 : i32
    %jit3A_576 = arith.constant 32 : i32
    %div3A_577 = arith.divsi %add3A_575, %jit3A_576 : i32
    %sign3A_578 = arith.constant 0 : i32
    %sign3A_579 = arith.cmpi sgt, %add3A_575, %sign3A_578 : i32
    %sign3A_580 = arith.extui %sign3A_579 : i1 to i32
    %sign3A_581 = arith.constant 0 : i32
    %sign3A_582 = arith.cmpi slt, %add3A_575, %sign3A_581 : i32
    %sign3A_583 = arith.extui %sign3A_582 : i1 to i32
    %sign3A_584 = arith.subi %sign3A_580, %sign3A_583 : i32
    %sign3A_585 = arith.constant 0 : i32
    %sign3A_586 = arith.cmpi sgt, %jit3A_576, %sign3A_585 : i32
    %sign3A_587 = arith.extui %sign3A_586 : i1 to i32
    %sign3A_588 = arith.constant 0 : i32
    %sign3A_589 = arith.cmpi slt, %jit3A_576, %sign3A_588 : i32
    %sign3A_590 = arith.extui %sign3A_589 : i1 to i32
    %sign3A_591 = arith.subi %sign3A_587, %sign3A_590 : i32
    %ne3A_592 = arith.cmpi ne, %sign3A_584, %sign3A_591 : i32
    %rem3A_593 = arith.remsi %add3A_575, %jit3A_576 : i32
    %ne3A_594 = arith.constant 0 : i32
    %ne3A_595 = arith.cmpi ne, %rem3A_593, %ne3A_594 : i32
    %and3A_596 = arith.andi %ne3A_592, %ne3A_595 : i1
    %sub3A_597 = arith.constant 1 : i32
    %sub3A_598 = arith.subi %div3A_577, %sub3A_597 : i32
    %select_n3A_599 = arith.select %and3A_596, %sub3A_598, %div3A_577 : i32
    %jit3A_600 = arith.constant 32 : i32
    %eq3A_601 = arith.constant 0 : i32
    %eq3A_602 = arith.cmpi eq, %jit3A_600, %eq3A_601 : i32
    %jit3A_603 = arith.constant 1 : i32
    %select_n3A_604 = arith.select %eq3A_602, %jit3A_603, %jit3A_600 : i32
    %rem3A_605 = arith.remsi %add3A_575, %select_n3A_604 : i32
    %ne3A_606 = arith.constant 0 : i32
    %ne3A_607 = arith.cmpi ne, %rem3A_605, %ne3A_606 : i32
    %lt3A_608 = arith.constant 0 : i32
    %lt3A_609 = arith.cmpi slt, %rem3A_605, %lt3A_608 : i32
    %lt3A_610 = arith.constant 0 : i32
    %lt3A_611 = arith.cmpi slt, %select_n3A_604, %lt3A_610 : i32
    %ne3A_612 = arith.xori %lt3A_609, %lt3A_611 : i1
    %and3A_613 = arith.andi %ne3A_612, %ne3A_607 : i1
    %add3A_614 = arith.addi %rem3A_605, %select_n3A_604 : i32
    %select_n3A_615 = arith.select %and3A_613, %add3A_614, %rem3A_605 : i32
    %sub3A_616 = arith.constant 16 : i32
    %sub3A_617 = arith.subi %sub3A_616, %select_n3A_615 : i32
    %abs3A_618 = math.absi %sub3A_617 : i32
    %sub3A_619 = arith.constant 16 : i32
    %sub3A_620 = arith.subi %sub3A_619, %select_n3A_599 : i32
    %abs3A_621 = math.absi %sub3A_620 : i32
    %add3A_622 = arith.addi %abs3A_618, %abs3A_621 : i32
    %sub3A_623 = arith.constant 1 : i32
    %sub3A_624 = arith.subi %add3A_622, %sub3A_623 : i32
    %max3A_625 = arith.constant 0 : i32
    %max3A_626 = arith.maxsi %sub3A_624, %max3A_625 : i32
    %add3A_627 = arith.constant 12 : i32
    %add3A_628 = arith.addi %mul3A_2, %add3A_627 : i32
    %jit3A_629 = arith.constant 32 : i32
    %div3A_630 = arith.divsi %add3A_628, %jit3A_629 : i32
    %sign3A_631 = arith.constant 0 : i32
    %sign3A_632 = arith.cmpi sgt, %add3A_628, %sign3A_631 : i32
    %sign3A_633 = arith.extui %sign3A_632 : i1 to i32
    %sign3A_634 = arith.constant 0 : i32
    %sign3A_635 = arith.cmpi slt, %add3A_628, %sign3A_634 : i32
    %sign3A_636 = arith.extui %sign3A_635 : i1 to i32
    %sign3A_637 = arith.subi %sign3A_633, %sign3A_636 : i32
    %sign3A_638 = arith.constant 0 : i32
    %sign3A_639 = arith.cmpi sgt, %jit3A_629, %sign3A_638 : i32
    %sign3A_640 = arith.extui %sign3A_639 : i1 to i32
    %sign3A_641 = arith.constant 0 : i32
    %sign3A_642 = arith.cmpi slt, %jit3A_629, %sign3A_641 : i32
    %sign3A_643 = arith.extui %sign3A_642 : i1 to i32
    %sign3A_644 = arith.subi %sign3A_640, %sign3A_643 : i32
    %ne3A_645 = arith.cmpi ne, %sign3A_637, %sign3A_644 : i32
    %rem3A_646 = arith.remsi %add3A_628, %jit3A_629 : i32
    %ne3A_647 = arith.constant 0 : i32
    %ne3A_648 = arith.cmpi ne, %rem3A_646, %ne3A_647 : i32
    %and3A_649 = arith.andi %ne3A_645, %ne3A_648 : i1
    %sub3A_650 = arith.constant 1 : i32
    %sub3A_651 = arith.subi %div3A_630, %sub3A_650 : i32
    %select_n3A_652 = arith.select %and3A_649, %sub3A_651, %div3A_630 : i32
    %jit3A_653 = arith.constant 32 : i32
    %eq3A_654 = arith.constant 0 : i32
    %eq3A_655 = arith.cmpi eq, %jit3A_653, %eq3A_654 : i32
    %jit3A_656 = arith.constant 1 : i32
    %select_n3A_657 = arith.select %eq3A_655, %jit3A_656, %jit3A_653 : i32
    %rem3A_658 = arith.remsi %add3A_628, %select_n3A_657 : i32
    %ne3A_659 = arith.constant 0 : i32
    %ne3A_660 = arith.cmpi ne, %rem3A_658, %ne3A_659 : i32
    %lt3A_661 = arith.constant 0 : i32
    %lt3A_662 = arith.cmpi slt, %rem3A_658, %lt3A_661 : i32
    %lt3A_663 = arith.constant 0 : i32
    %lt3A_664 = arith.cmpi slt, %select_n3A_657, %lt3A_663 : i32
    %ne3A_665 = arith.xori %lt3A_662, %lt3A_664 : i1
    %and3A_666 = arith.andi %ne3A_665, %ne3A_660 : i1
    %add3A_667 = arith.addi %rem3A_658, %select_n3A_657 : i32
    %select_n3A_668 = arith.select %and3A_666, %add3A_667, %rem3A_658 : i32
    %sub3A_669 = arith.constant 16 : i32
    %sub3A_670 = arith.subi %sub3A_669, %select_n3A_668 : i32
    %abs3A_671 = math.absi %sub3A_670 : i32
    %sub3A_672 = arith.constant 16 : i32
    %sub3A_673 = arith.subi %sub3A_672, %select_n3A_652 : i32
    %abs3A_674 = math.absi %sub3A_673 : i32
    %add3A_675 = arith.addi %abs3A_671, %abs3A_674 : i32
    %sub3A_676 = arith.constant 1 : i32
    %sub3A_677 = arith.subi %add3A_675, %sub3A_676 : i32
    %max3A_678 = arith.constant 0 : i32
    %max3A_679 = arith.maxsi %sub3A_677, %max3A_678 : i32
    %add3A_680 = arith.constant 13 : i32
    %add3A_681 = arith.addi %mul3A_2, %add3A_680 : i32
    %jit3A_682 = arith.constant 32 : i32
    %div3A_683 = arith.divsi %add3A_681, %jit3A_682 : i32
    %sign3A_684 = arith.constant 0 : i32
    %sign3A_685 = arith.cmpi sgt, %add3A_681, %sign3A_684 : i32
    %sign3A_686 = arith.extui %sign3A_685 : i1 to i32
    %sign3A_687 = arith.constant 0 : i32
    %sign3A_688 = arith.cmpi slt, %add3A_681, %sign3A_687 : i32
    %sign3A_689 = arith.extui %sign3A_688 : i1 to i32
    %sign3A_690 = arith.subi %sign3A_686, %sign3A_689 : i32
    %sign3A_691 = arith.constant 0 : i32
    %sign3A_692 = arith.cmpi sgt, %jit3A_682, %sign3A_691 : i32
    %sign3A_693 = arith.extui %sign3A_692 : i1 to i32
    %sign3A_694 = arith.constant 0 : i32
    %sign3A_695 = arith.cmpi slt, %jit3A_682, %sign3A_694 : i32
    %sign3A_696 = arith.extui %sign3A_695 : i1 to i32
    %sign3A_697 = arith.subi %sign3A_693, %sign3A_696 : i32
    %ne3A_698 = arith.cmpi ne, %sign3A_690, %sign3A_697 : i32
    %rem3A_699 = arith.remsi %add3A_681, %jit3A_682 : i32
    %ne3A_700 = arith.constant 0 : i32
    %ne3A_701 = arith.cmpi ne, %rem3A_699, %ne3A_700 : i32
    %and3A_702 = arith.andi %ne3A_698, %ne3A_701 : i1
    %sub3A_703 = arith.constant 1 : i32
    %sub3A_704 = arith.subi %div3A_683, %sub3A_703 : i32
    %select_n3A_705 = arith.select %and3A_702, %sub3A_704, %div3A_683 : i32
    %jit3A_706 = arith.constant 32 : i32
    %eq3A_707 = arith.constant 0 : i32
    %eq3A_708 = arith.cmpi eq, %jit3A_706, %eq3A_707 : i32
    %jit3A_709 = arith.constant 1 : i32
    %select_n3A_710 = arith.select %eq3A_708, %jit3A_709, %jit3A_706 : i32
    %rem3A_711 = arith.remsi %add3A_681, %select_n3A_710 : i32
    %ne3A_712 = arith.constant 0 : i32
    %ne3A_713 = arith.cmpi ne, %rem3A_711, %ne3A_712 : i32
    %lt3A_714 = arith.constant 0 : i32
    %lt3A_715 = arith.cmpi slt, %rem3A_711, %lt3A_714 : i32
    %lt3A_716 = arith.constant 0 : i32
    %lt3A_717 = arith.cmpi slt, %select_n3A_710, %lt3A_716 : i32
    %ne3A_718 = arith.xori %lt3A_715, %lt3A_717 : i1
    %and3A_719 = arith.andi %ne3A_718, %ne3A_713 : i1
    %add3A_720 = arith.addi %rem3A_711, %select_n3A_710 : i32
    %select_n3A_721 = arith.select %and3A_719, %add3A_720, %rem3A_711 : i32
    %sub3A_722 = arith.constant 16 : i32
    %sub3A_723 = arith.subi %sub3A_722, %select_n3A_721 : i32
    %abs3A_724 = math.absi %sub3A_723 : i32
    %sub3A_725 = arith.constant 16 : i32
    %sub3A_726 = arith.subi %sub3A_725, %select_n3A_705 : i32
    %abs3A_727 = math.absi %sub3A_726 : i32
    %add3A_728 = arith.addi %abs3A_724, %abs3A_727 : i32
    %sub3A_729 = arith.constant 1 : i32
    %sub3A_730 = arith.subi %add3A_728, %sub3A_729 : i32
    %max3A_731 = arith.constant 0 : i32
    %max3A_732 = arith.maxsi %sub3A_730, %max3A_731 : i32
    %add3A_733 = arith.constant 14 : i32
    %add3A_734 = arith.addi %mul3A_2, %add3A_733 : i32
    %jit3A_735 = arith.constant 32 : i32
    %div3A_736 = arith.divsi %add3A_734, %jit3A_735 : i32
    %sign3A_737 = arith.constant 0 : i32
    %sign3A_738 = arith.cmpi sgt, %add3A_734, %sign3A_737 : i32
    %sign3A_739 = arith.extui %sign3A_738 : i1 to i32
    %sign3A_740 = arith.constant 0 : i32
    %sign3A_741 = arith.cmpi slt, %add3A_734, %sign3A_740 : i32
    %sign3A_742 = arith.extui %sign3A_741 : i1 to i32
    %sign3A_743 = arith.subi %sign3A_739, %sign3A_742 : i32
    %sign3A_744 = arith.constant 0 : i32
    %sign3A_745 = arith.cmpi sgt, %jit3A_735, %sign3A_744 : i32
    %sign3A_746 = arith.extui %sign3A_745 : i1 to i32
    %sign3A_747 = arith.constant 0 : i32
    %sign3A_748 = arith.cmpi slt, %jit3A_735, %sign3A_747 : i32
    %sign3A_749 = arith.extui %sign3A_748 : i1 to i32
    %sign3A_750 = arith.subi %sign3A_746, %sign3A_749 : i32
    %ne3A_751 = arith.cmpi ne, %sign3A_743, %sign3A_750 : i32
    %rem3A_752 = arith.remsi %add3A_734, %jit3A_735 : i32
    %ne3A_753 = arith.constant 0 : i32
    %ne3A_754 = arith.cmpi ne, %rem3A_752, %ne3A_753 : i32
    %and3A_755 = arith.andi %ne3A_751, %ne3A_754 : i1
    %sub3A_756 = arith.constant 1 : i32
    %sub3A_757 = arith.subi %div3A_736, %sub3A_756 : i32
    %select_n3A_758 = arith.select %and3A_755, %sub3A_757, %div3A_736 : i32
    %jit3A_759 = arith.constant 32 : i32
    %eq3A_760 = arith.constant 0 : i32
    %eq3A_761 = arith.cmpi eq, %jit3A_759, %eq3A_760 : i32
    %jit3A_762 = arith.constant 1 : i32
    %select_n3A_763 = arith.select %eq3A_761, %jit3A_762, %jit3A_759 : i32
    %rem3A_764 = arith.remsi %add3A_734, %select_n3A_763 : i32
    %ne3A_765 = arith.constant 0 : i32
    %ne3A_766 = arith.cmpi ne, %rem3A_764, %ne3A_765 : i32
    %lt3A_767 = arith.constant 0 : i32
    %lt3A_768 = arith.cmpi slt, %rem3A_764, %lt3A_767 : i32
    %lt3A_769 = arith.constant 0 : i32
    %lt3A_770 = arith.cmpi slt, %select_n3A_763, %lt3A_769 : i32
    %ne3A_771 = arith.xori %lt3A_768, %lt3A_770 : i1
    %and3A_772 = arith.andi %ne3A_771, %ne3A_766 : i1
    %add3A_773 = arith.addi %rem3A_764, %select_n3A_763 : i32
    %select_n3A_774 = arith.select %and3A_772, %add3A_773, %rem3A_764 : i32
    %sub3A_775 = arith.constant 16 : i32
    %sub3A_776 = arith.subi %sub3A_775, %select_n3A_774 : i32
    %abs3A_777 = math.absi %sub3A_776 : i32
    %sub3A_778 = arith.constant 16 : i32
    %sub3A_779 = arith.subi %sub3A_778, %select_n3A_758 : i32
    %abs3A_780 = math.absi %sub3A_779 : i32
    %add3A_781 = arith.addi %abs3A_777, %abs3A_780 : i32
    %sub3A_782 = arith.constant 1 : i32
    %sub3A_783 = arith.subi %add3A_781, %sub3A_782 : i32
    %max3A_784 = arith.constant 0 : i32
    %max3A_785 = arith.maxsi %sub3A_783, %max3A_784 : i32
    %add3A_786 = arith.constant 15 : i32
    %add3A_787 = arith.addi %mul3A_2, %add3A_786 : i32
    %jit3A_788 = arith.constant 32 : i32
    %div3A_789 = arith.divsi %add3A_787, %jit3A_788 : i32
    %sign3A_790 = arith.constant 0 : i32
    %sign3A_791 = arith.cmpi sgt, %add3A_787, %sign3A_790 : i32
    %sign3A_792 = arith.extui %sign3A_791 : i1 to i32
    %sign3A_793 = arith.constant 0 : i32
    %sign3A_794 = arith.cmpi slt, %add3A_787, %sign3A_793 : i32
    %sign3A_795 = arith.extui %sign3A_794 : i1 to i32
    %sign3A_796 = arith.subi %sign3A_792, %sign3A_795 : i32
    %sign3A_797 = arith.constant 0 : i32
    %sign3A_798 = arith.cmpi sgt, %jit3A_788, %sign3A_797 : i32
    %sign3A_799 = arith.extui %sign3A_798 : i1 to i32
    %sign3A_800 = arith.constant 0 : i32
    %sign3A_801 = arith.cmpi slt, %jit3A_788, %sign3A_800 : i32
    %sign3A_802 = arith.extui %sign3A_801 : i1 to i32
    %sign3A_803 = arith.subi %sign3A_799, %sign3A_802 : i32
    %ne3A_804 = arith.cmpi ne, %sign3A_796, %sign3A_803 : i32
    %rem3A_805 = arith.remsi %add3A_787, %jit3A_788 : i32
    %ne3A_806 = arith.constant 0 : i32
    %ne3A_807 = arith.cmpi ne, %rem3A_805, %ne3A_806 : i32
    %and3A_808 = arith.andi %ne3A_804, %ne3A_807 : i1
    %sub3A_809 = arith.constant 1 : i32
    %sub3A_810 = arith.subi %div3A_789, %sub3A_809 : i32
    %select_n3A_811 = arith.select %and3A_808, %sub3A_810, %div3A_789 : i32
    %jit3A_812 = arith.constant 32 : i32
    %eq3A_813 = arith.constant 0 : i32
    %eq3A_814 = arith.cmpi eq, %jit3A_812, %eq3A_813 : i32
    %jit3A_815 = arith.constant 1 : i32
    %select_n3A_816 = arith.select %eq3A_814, %jit3A_815, %jit3A_812 : i32
    %rem3A_817 = arith.remsi %add3A_787, %select_n3A_816 : i32
    %ne3A_818 = arith.constant 0 : i32
    %ne3A_819 = arith.cmpi ne, %rem3A_817, %ne3A_818 : i32
    %lt3A_820 = arith.constant 0 : i32
    %lt3A_821 = arith.cmpi slt, %rem3A_817, %lt3A_820 : i32
    %lt3A_822 = arith.constant 0 : i32
    %lt3A_823 = arith.cmpi slt, %select_n3A_816, %lt3A_822 : i32
    %ne3A_824 = arith.xori %lt3A_821, %lt3A_823 : i1
    %and3A_825 = arith.andi %ne3A_824, %ne3A_819 : i1
    %add3A_826 = arith.addi %rem3A_817, %select_n3A_816 : i32
    %select_n3A_827 = arith.select %and3A_825, %add3A_826, %rem3A_817 : i32
    %sub3A_828 = arith.constant 16 : i32
    %sub3A_829 = arith.subi %sub3A_828, %select_n3A_827 : i32
    %abs3A_830 = math.absi %sub3A_829 : i32
    %sub3A_831 = arith.constant 16 : i32
    %sub3A_832 = arith.subi %sub3A_831, %select_n3A_811 : i32
    %abs3A_833 = math.absi %sub3A_832 : i32
    %add3A_834 = arith.addi %abs3A_830, %abs3A_833 : i32
    %sub3A_835 = arith.constant 1 : i32
    %sub3A_836 = arith.subi %add3A_834, %sub3A_835 : i32
    %max3A_837 = arith.constant 0 : i32
    %max3A_838 = arith.maxsi %sub3A_836, %max3A_837 : i32
    %add3A_839 = arith.constant 16 : i32
    %add3A_840 = arith.addi %mul3A_2, %add3A_839 : i32
    %jit3A_841 = arith.constant 32 : i32
    %div3A_842 = arith.divsi %add3A_840, %jit3A_841 : i32
    %sign3A_843 = arith.constant 0 : i32
    %sign3A_844 = arith.cmpi sgt, %add3A_840, %sign3A_843 : i32
    %sign3A_845 = arith.extui %sign3A_844 : i1 to i32
    %sign3A_846 = arith.constant 0 : i32
    %sign3A_847 = arith.cmpi slt, %add3A_840, %sign3A_846 : i32
    %sign3A_848 = arith.extui %sign3A_847 : i1 to i32
    %sign3A_849 = arith.subi %sign3A_845, %sign3A_848 : i32
    %sign3A_850 = arith.constant 0 : i32
    %sign3A_851 = arith.cmpi sgt, %jit3A_841, %sign3A_850 : i32
    %sign3A_852 = arith.extui %sign3A_851 : i1 to i32
    %sign3A_853 = arith.constant 0 : i32
    %sign3A_854 = arith.cmpi slt, %jit3A_841, %sign3A_853 : i32
    %sign3A_855 = arith.extui %sign3A_854 : i1 to i32
    %sign3A_856 = arith.subi %sign3A_852, %sign3A_855 : i32
    %ne3A_857 = arith.cmpi ne, %sign3A_849, %sign3A_856 : i32
    %rem3A_858 = arith.remsi %add3A_840, %jit3A_841 : i32
    %ne3A_859 = arith.constant 0 : i32
    %ne3A_860 = arith.cmpi ne, %rem3A_858, %ne3A_859 : i32
    %and3A_861 = arith.andi %ne3A_857, %ne3A_860 : i1
    %sub3A_862 = arith.constant 1 : i32
    %sub3A_863 = arith.subi %div3A_842, %sub3A_862 : i32
    %select_n3A_864 = arith.select %and3A_861, %sub3A_863, %div3A_842 : i32
    %jit3A_865 = arith.constant 32 : i32
    %eq3A_866 = arith.constant 0 : i32
    %eq3A_867 = arith.cmpi eq, %jit3A_865, %eq3A_866 : i32
    %jit3A_868 = arith.constant 1 : i32
    %select_n3A_869 = arith.select %eq3A_867, %jit3A_868, %jit3A_865 : i32
    %rem3A_870 = arith.remsi %add3A_840, %select_n3A_869 : i32
    %ne3A_871 = arith.constant 0 : i32
    %ne3A_872 = arith.cmpi ne, %rem3A_870, %ne3A_871 : i32
    %lt3A_873 = arith.constant 0 : i32
    %lt3A_874 = arith.cmpi slt, %rem3A_870, %lt3A_873 : i32
    %lt3A_875 = arith.constant 0 : i32
    %lt3A_876 = arith.cmpi slt, %select_n3A_869, %lt3A_875 : i32
    %ne3A_877 = arith.xori %lt3A_874, %lt3A_876 : i1
    %and3A_878 = arith.andi %ne3A_877, %ne3A_872 : i1
    %add3A_879 = arith.addi %rem3A_870, %select_n3A_869 : i32
    %select_n3A_880 = arith.select %and3A_878, %add3A_879, %rem3A_870 : i32
    %sub3A_881 = arith.constant 16 : i32
    %sub3A_882 = arith.subi %sub3A_881, %select_n3A_880 : i32
    %abs3A_883 = math.absi %sub3A_882 : i32
    %sub3A_884 = arith.constant 16 : i32
    %sub3A_885 = arith.subi %sub3A_884, %select_n3A_864 : i32
    %abs3A_886 = math.absi %sub3A_885 : i32
    %add3A_887 = arith.addi %abs3A_883, %abs3A_886 : i32
    %sub3A_888 = arith.constant 1 : i32
    %sub3A_889 = arith.subi %add3A_887, %sub3A_888 : i32
    %max3A_890 = arith.constant 0 : i32
    %max3A_891 = arith.maxsi %sub3A_889, %max3A_890 : i32
    %add3A_892 = arith.constant 17 : i32
    %add3A_893 = arith.addi %mul3A_2, %add3A_892 : i32
    %jit3A_894 = arith.constant 32 : i32
    %div3A_895 = arith.divsi %add3A_893, %jit3A_894 : i32
    %sign3A_896 = arith.constant 0 : i32
    %sign3A_897 = arith.cmpi sgt, %add3A_893, %sign3A_896 : i32
    %sign3A_898 = arith.extui %sign3A_897 : i1 to i32
    %sign3A_899 = arith.constant 0 : i32
    %sign3A_900 = arith.cmpi slt, %add3A_893, %sign3A_899 : i32
    %sign3A_901 = arith.extui %sign3A_900 : i1 to i32
    %sign3A_902 = arith.subi %sign3A_898, %sign3A_901 : i32
    %sign3A_903 = arith.constant 0 : i32
    %sign3A_904 = arith.cmpi sgt, %jit3A_894, %sign3A_903 : i32
    %sign3A_905 = arith.extui %sign3A_904 : i1 to i32
    %sign3A_906 = arith.constant 0 : i32
    %sign3A_907 = arith.cmpi slt, %jit3A_894, %sign3A_906 : i32
    %sign3A_908 = arith.extui %sign3A_907 : i1 to i32
    %sign3A_909 = arith.subi %sign3A_905, %sign3A_908 : i32
    %ne3A_910 = arith.cmpi ne, %sign3A_902, %sign3A_909 : i32
    %rem3A_911 = arith.remsi %add3A_893, %jit3A_894 : i32
    %ne3A_912 = arith.constant 0 : i32
    %ne3A_913 = arith.cmpi ne, %rem3A_911, %ne3A_912 : i32
    %and3A_914 = arith.andi %ne3A_910, %ne3A_913 : i1
    %sub3A_915 = arith.constant 1 : i32
    %sub3A_916 = arith.subi %div3A_895, %sub3A_915 : i32
    %select_n3A_917 = arith.select %and3A_914, %sub3A_916, %div3A_895 : i32
    %jit3A_918 = arith.constant 32 : i32
    %eq3A_919 = arith.constant 0 : i32
    %eq3A_920 = arith.cmpi eq, %jit3A_918, %eq3A_919 : i32
    %jit3A_921 = arith.constant 1 : i32
    %select_n3A_922 = arith.select %eq3A_920, %jit3A_921, %jit3A_918 : i32
    %rem3A_923 = arith.remsi %add3A_893, %select_n3A_922 : i32
    %ne3A_924 = arith.constant 0 : i32
    %ne3A_925 = arith.cmpi ne, %rem3A_923, %ne3A_924 : i32
    %lt3A_926 = arith.constant 0 : i32
    %lt3A_927 = arith.cmpi slt, %rem3A_923, %lt3A_926 : i32
    %lt3A_928 = arith.constant 0 : i32
    %lt3A_929 = arith.cmpi slt, %select_n3A_922, %lt3A_928 : i32
    %ne3A_930 = arith.xori %lt3A_927, %lt3A_929 : i1
    %and3A_931 = arith.andi %ne3A_930, %ne3A_925 : i1
    %add3A_932 = arith.addi %rem3A_923, %select_n3A_922 : i32
    %select_n3A_933 = arith.select %and3A_931, %add3A_932, %rem3A_923 : i32
    %sub3A_934 = arith.constant 16 : i32
    %sub3A_935 = arith.subi %sub3A_934, %select_n3A_933 : i32
    %abs3A_936 = math.absi %sub3A_935 : i32
    %sub3A_937 = arith.constant 16 : i32
    %sub3A_938 = arith.subi %sub3A_937, %select_n3A_917 : i32
    %abs3A_939 = math.absi %sub3A_938 : i32
    %add3A_940 = arith.addi %abs3A_936, %abs3A_939 : i32
    %sub3A_941 = arith.constant 1 : i32
    %sub3A_942 = arith.subi %add3A_940, %sub3A_941 : i32
    %max3A_943 = arith.constant 0 : i32
    %max3A_944 = arith.maxsi %sub3A_942, %max3A_943 : i32
    %add3A_945 = arith.constant 18 : i32
    %add3A_946 = arith.addi %mul3A_2, %add3A_945 : i32
    %jit3A_947 = arith.constant 32 : i32
    %div3A_948 = arith.divsi %add3A_946, %jit3A_947 : i32
    %sign3A_949 = arith.constant 0 : i32
    %sign3A_950 = arith.cmpi sgt, %add3A_946, %sign3A_949 : i32
    %sign3A_951 = arith.extui %sign3A_950 : i1 to i32
    %sign3A_952 = arith.constant 0 : i32
    %sign3A_953 = arith.cmpi slt, %add3A_946, %sign3A_952 : i32
    %sign3A_954 = arith.extui %sign3A_953 : i1 to i32
    %sign3A_955 = arith.subi %sign3A_951, %sign3A_954 : i32
    %sign3A_956 = arith.constant 0 : i32
    %sign3A_957 = arith.cmpi sgt, %jit3A_947, %sign3A_956 : i32
    %sign3A_958 = arith.extui %sign3A_957 : i1 to i32
    %sign3A_959 = arith.constant 0 : i32
    %sign3A_960 = arith.cmpi slt, %jit3A_947, %sign3A_959 : i32
    %sign3A_961 = arith.extui %sign3A_960 : i1 to i32
    %sign3A_962 = arith.subi %sign3A_958, %sign3A_961 : i32
    %ne3A_963 = arith.cmpi ne, %sign3A_955, %sign3A_962 : i32
    %rem3A_964 = arith.remsi %add3A_946, %jit3A_947 : i32
    %ne3A_965 = arith.constant 0 : i32
    %ne3A_966 = arith.cmpi ne, %rem3A_964, %ne3A_965 : i32
    %and3A_967 = arith.andi %ne3A_963, %ne3A_966 : i1
    %sub3A_968 = arith.constant 1 : i32
    %sub3A_969 = arith.subi %div3A_948, %sub3A_968 : i32
    %select_n3A_970 = arith.select %and3A_967, %sub3A_969, %div3A_948 : i32
    %jit3A_971 = arith.constant 32 : i32
    %eq3A_972 = arith.constant 0 : i32
    %eq3A_973 = arith.cmpi eq, %jit3A_971, %eq3A_972 : i32
    %jit3A_974 = arith.constant 1 : i32
    %select_n3A_975 = arith.select %eq3A_973, %jit3A_974, %jit3A_971 : i32
    %rem3A_976 = arith.remsi %add3A_946, %select_n3A_975 : i32
    %ne3A_977 = arith.constant 0 : i32
    %ne3A_978 = arith.cmpi ne, %rem3A_976, %ne3A_977 : i32
    %lt3A_979 = arith.constant 0 : i32
    %lt3A_980 = arith.cmpi slt, %rem3A_976, %lt3A_979 : i32
    %lt3A_981 = arith.constant 0 : i32
    %lt3A_982 = arith.cmpi slt, %select_n3A_975, %lt3A_981 : i32
    %ne3A_983 = arith.xori %lt3A_980, %lt3A_982 : i1
    %and3A_984 = arith.andi %ne3A_983, %ne3A_978 : i1
    %add3A_985 = arith.addi %rem3A_976, %select_n3A_975 : i32
    %select_n3A_986 = arith.select %and3A_984, %add3A_985, %rem3A_976 : i32
    %sub3A_987 = arith.constant 16 : i32
    %sub3A_988 = arith.subi %sub3A_987, %select_n3A_986 : i32
    %abs3A_989 = math.absi %sub3A_988 : i32
    %sub3A_990 = arith.constant 16 : i32
    %sub3A_991 = arith.subi %sub3A_990, %select_n3A_970 : i32
    %abs3A_992 = math.absi %sub3A_991 : i32
    %add3A_993 = arith.addi %abs3A_989, %abs3A_992 : i32
    %sub3A_994 = arith.constant 1 : i32
    %sub3A_995 = arith.subi %add3A_993, %sub3A_994 : i32
    %max3A_996 = arith.constant 0 : i32
    %max3A_997 = arith.maxsi %sub3A_995, %max3A_996 : i32
    %add3A_998 = arith.constant 19 : i32
    %add3A_999 = arith.addi %mul3A_2, %add3A_998 : i32
    %jit3A_1000 = arith.constant 32 : i32
    %div3A_1001 = arith.divsi %add3A_999, %jit3A_1000 : i32
    %sign3A_1002 = arith.constant 0 : i32
    %sign3A_1003 = arith.cmpi sgt, %add3A_999, %sign3A_1002 : i32
    %sign3A_1004 = arith.extui %sign3A_1003 : i1 to i32
    %sign3A_1005 = arith.constant 0 : i32
    %sign3A_1006 = arith.cmpi slt, %add3A_999, %sign3A_1005 : i32
    %sign3A_1007 = arith.extui %sign3A_1006 : i1 to i32
    %sign3A_1008 = arith.subi %sign3A_1004, %sign3A_1007 : i32
    %sign3A_1009 = arith.constant 0 : i32
    %sign3A_1010 = arith.cmpi sgt, %jit3A_1000, %sign3A_1009 : i32
    %sign3A_1011 = arith.extui %sign3A_1010 : i1 to i32
    %sign3A_1012 = arith.constant 0 : i32
    %sign3A_1013 = arith.cmpi slt, %jit3A_1000, %sign3A_1012 : i32
    %sign3A_1014 = arith.extui %sign3A_1013 : i1 to i32
    %sign3A_1015 = arith.subi %sign3A_1011, %sign3A_1014 : i32
    %ne3A_1016 = arith.cmpi ne, %sign3A_1008, %sign3A_1015 : i32
    %rem3A_1017 = arith.remsi %add3A_999, %jit3A_1000 : i32
    %ne3A_1018 = arith.constant 0 : i32
    %ne3A_1019 = arith.cmpi ne, %rem3A_1017, %ne3A_1018 : i32
    %and3A_1020 = arith.andi %ne3A_1016, %ne3A_1019 : i1
    %sub3A_1021 = arith.constant 1 : i32
    %sub3A_1022 = arith.subi %div3A_1001, %sub3A_1021 : i32
    %select_n3A_1023 = arith.select %and3A_1020, %sub3A_1022, %div3A_1001 : i32
    %jit3A_1024 = arith.constant 32 : i32
    %eq3A_1025 = arith.constant 0 : i32
    %eq3A_1026 = arith.cmpi eq, %jit3A_1024, %eq3A_1025 : i32
    %jit3A_1027 = arith.constant 1 : i32
    %select_n3A_1028 = arith.select %eq3A_1026, %jit3A_1027, %jit3A_1024 : i32
    %rem3A_1029 = arith.remsi %add3A_999, %select_n3A_1028 : i32
    %ne3A_1030 = arith.constant 0 : i32
    %ne3A_1031 = arith.cmpi ne, %rem3A_1029, %ne3A_1030 : i32
    %lt3A_1032 = arith.constant 0 : i32
    %lt3A_1033 = arith.cmpi slt, %rem3A_1029, %lt3A_1032 : i32
    %lt3A_1034 = arith.constant 0 : i32
    %lt3A_1035 = arith.cmpi slt, %select_n3A_1028, %lt3A_1034 : i32
    %ne3A_1036 = arith.xori %lt3A_1033, %lt3A_1035 : i1
    %and3A_1037 = arith.andi %ne3A_1036, %ne3A_1031 : i1
    %add3A_1038 = arith.addi %rem3A_1029, %select_n3A_1028 : i32
    %select_n3A_1039 = arith.select %and3A_1037, %add3A_1038, %rem3A_1029 : i32
    %sub3A_1040 = arith.constant 16 : i32
    %sub3A_1041 = arith.subi %sub3A_1040, %select_n3A_1039 : i32
    %abs3A_1042 = math.absi %sub3A_1041 : i32
    %sub3A_1043 = arith.constant 16 : i32
    %sub3A_1044 = arith.subi %sub3A_1043, %select_n3A_1023 : i32
    %abs3A_1045 = math.absi %sub3A_1044 : i32
    %add3A_1046 = arith.addi %abs3A_1042, %abs3A_1045 : i32
    %sub3A_1047 = arith.constant 1 : i32
    %sub3A_1048 = arith.subi %add3A_1046, %sub3A_1047 : i32
    %max3A_1049 = arith.constant 0 : i32
    %max3A_1050 = arith.maxsi %sub3A_1048, %max3A_1049 : i32
    %add3A_1051 = arith.constant 20 : i32
    %add3A_1052 = arith.addi %mul3A_2, %add3A_1051 : i32
    %jit3A_1053 = arith.constant 32 : i32
    %div3A_1054 = arith.divsi %add3A_1052, %jit3A_1053 : i32
    %sign3A_1055 = arith.constant 0 : i32
    %sign3A_1056 = arith.cmpi sgt, %add3A_1052, %sign3A_1055 : i32
    %sign3A_1057 = arith.extui %sign3A_1056 : i1 to i32
    %sign3A_1058 = arith.constant 0 : i32
    %sign3A_1059 = arith.cmpi slt, %add3A_1052, %sign3A_1058 : i32
    %sign3A_1060 = arith.extui %sign3A_1059 : i1 to i32
    %sign3A_1061 = arith.subi %sign3A_1057, %sign3A_1060 : i32
    %sign3A_1062 = arith.constant 0 : i32
    %sign3A_1063 = arith.cmpi sgt, %jit3A_1053, %sign3A_1062 : i32
    %sign3A_1064 = arith.extui %sign3A_1063 : i1 to i32
    %sign3A_1065 = arith.constant 0 : i32
    %sign3A_1066 = arith.cmpi slt, %jit3A_1053, %sign3A_1065 : i32
    %sign3A_1067 = arith.extui %sign3A_1066 : i1 to i32
    %sign3A_1068 = arith.subi %sign3A_1064, %sign3A_1067 : i32
    %ne3A_1069 = arith.cmpi ne, %sign3A_1061, %sign3A_1068 : i32
    %rem3A_1070 = arith.remsi %add3A_1052, %jit3A_1053 : i32
    %ne3A_1071 = arith.constant 0 : i32
    %ne3A_1072 = arith.cmpi ne, %rem3A_1070, %ne3A_1071 : i32
    %and3A_1073 = arith.andi %ne3A_1069, %ne3A_1072 : i1
    %sub3A_1074 = arith.constant 1 : i32
    %sub3A_1075 = arith.subi %div3A_1054, %sub3A_1074 : i32
    %select_n3A_1076 = arith.select %and3A_1073, %sub3A_1075, %div3A_1054 : i32
    %jit3A_1077 = arith.constant 32 : i32
    %eq3A_1078 = arith.constant 0 : i32
    %eq3A_1079 = arith.cmpi eq, %jit3A_1077, %eq3A_1078 : i32
    %jit3A_1080 = arith.constant 1 : i32
    %select_n3A_1081 = arith.select %eq3A_1079, %jit3A_1080, %jit3A_1077 : i32
    %rem3A_1082 = arith.remsi %add3A_1052, %select_n3A_1081 : i32
    %ne3A_1083 = arith.constant 0 : i32
    %ne3A_1084 = arith.cmpi ne, %rem3A_1082, %ne3A_1083 : i32
    %lt3A_1085 = arith.constant 0 : i32
    %lt3A_1086 = arith.cmpi slt, %rem3A_1082, %lt3A_1085 : i32
    %lt3A_1087 = arith.constant 0 : i32
    %lt3A_1088 = arith.cmpi slt, %select_n3A_1081, %lt3A_1087 : i32
    %ne3A_1089 = arith.xori %lt3A_1086, %lt3A_1088 : i1
    %and3A_1090 = arith.andi %ne3A_1089, %ne3A_1084 : i1
    %add3A_1091 = arith.addi %rem3A_1082, %select_n3A_1081 : i32
    %select_n3A_1092 = arith.select %and3A_1090, %add3A_1091, %rem3A_1082 : i32
    %sub3A_1093 = arith.constant 16 : i32
    %sub3A_1094 = arith.subi %sub3A_1093, %select_n3A_1092 : i32
    %abs3A_1095 = math.absi %sub3A_1094 : i32
    %sub3A_1096 = arith.constant 16 : i32
    %sub3A_1097 = arith.subi %sub3A_1096, %select_n3A_1076 : i32
    %abs3A_1098 = math.absi %sub3A_1097 : i32
    %add3A_1099 = arith.addi %abs3A_1095, %abs3A_1098 : i32
    %sub3A_1100 = arith.constant 1 : i32
    %sub3A_1101 = arith.subi %add3A_1099, %sub3A_1100 : i32
    %max3A_1102 = arith.constant 0 : i32
    %max3A_1103 = arith.maxsi %sub3A_1101, %max3A_1102 : i32
    %add3A_1104 = arith.constant 21 : i32
    %add3A_1105 = arith.addi %mul3A_2, %add3A_1104 : i32
    %jit3A_1106 = arith.constant 32 : i32
    %div3A_1107 = arith.divsi %add3A_1105, %jit3A_1106 : i32
    %sign3A_1108 = arith.constant 0 : i32
    %sign3A_1109 = arith.cmpi sgt, %add3A_1105, %sign3A_1108 : i32
    %sign3A_1110 = arith.extui %sign3A_1109 : i1 to i32
    %sign3A_1111 = arith.constant 0 : i32
    %sign3A_1112 = arith.cmpi slt, %add3A_1105, %sign3A_1111 : i32
    %sign3A_1113 = arith.extui %sign3A_1112 : i1 to i32
    %sign3A_1114 = arith.subi %sign3A_1110, %sign3A_1113 : i32
    %sign3A_1115 = arith.constant 0 : i32
    %sign3A_1116 = arith.cmpi sgt, %jit3A_1106, %sign3A_1115 : i32
    %sign3A_1117 = arith.extui %sign3A_1116 : i1 to i32
    %sign3A_1118 = arith.constant 0 : i32
    %sign3A_1119 = arith.cmpi slt, %jit3A_1106, %sign3A_1118 : i32
    %sign3A_1120 = arith.extui %sign3A_1119 : i1 to i32
    %sign3A_1121 = arith.subi %sign3A_1117, %sign3A_1120 : i32
    %ne3A_1122 = arith.cmpi ne, %sign3A_1114, %sign3A_1121 : i32
    %rem3A_1123 = arith.remsi %add3A_1105, %jit3A_1106 : i32
    %ne3A_1124 = arith.constant 0 : i32
    %ne3A_1125 = arith.cmpi ne, %rem3A_1123, %ne3A_1124 : i32
    %and3A_1126 = arith.andi %ne3A_1122, %ne3A_1125 : i1
    %sub3A_1127 = arith.constant 1 : i32
    %sub3A_1128 = arith.subi %div3A_1107, %sub3A_1127 : i32
    %select_n3A_1129 = arith.select %and3A_1126, %sub3A_1128, %div3A_1107 : i32
    %jit3A_1130 = arith.constant 32 : i32
    %eq3A_1131 = arith.constant 0 : i32
    %eq3A_1132 = arith.cmpi eq, %jit3A_1130, %eq3A_1131 : i32
    %jit3A_1133 = arith.constant 1 : i32
    %select_n3A_1134 = arith.select %eq3A_1132, %jit3A_1133, %jit3A_1130 : i32
    %rem3A_1135 = arith.remsi %add3A_1105, %select_n3A_1134 : i32
    %ne3A_1136 = arith.constant 0 : i32
    %ne3A_1137 = arith.cmpi ne, %rem3A_1135, %ne3A_1136 : i32
    %lt3A_1138 = arith.constant 0 : i32
    %lt3A_1139 = arith.cmpi slt, %rem3A_1135, %lt3A_1138 : i32
    %lt3A_1140 = arith.constant 0 : i32
    %lt3A_1141 = arith.cmpi slt, %select_n3A_1134, %lt3A_1140 : i32
    %ne3A_1142 = arith.xori %lt3A_1139, %lt3A_1141 : i1
    %and3A_1143 = arith.andi %ne3A_1142, %ne3A_1137 : i1
    %add3A_1144 = arith.addi %rem3A_1135, %select_n3A_1134 : i32
    %select_n3A_1145 = arith.select %and3A_1143, %add3A_1144, %rem3A_1135 : i32
    %sub3A_1146 = arith.constant 16 : i32
    %sub3A_1147 = arith.subi %sub3A_1146, %select_n3A_1145 : i32
    %abs3A_1148 = math.absi %sub3A_1147 : i32
    %sub3A_1149 = arith.constant 16 : i32
    %sub3A_1150 = arith.subi %sub3A_1149, %select_n3A_1129 : i32
    %abs3A_1151 = math.absi %sub3A_1150 : i32
    %add3A_1152 = arith.addi %abs3A_1148, %abs3A_1151 : i32
    %sub3A_1153 = arith.constant 1 : i32
    %sub3A_1154 = arith.subi %add3A_1152, %sub3A_1153 : i32
    %max3A_1155 = arith.constant 0 : i32
    %max3A_1156 = arith.maxsi %sub3A_1154, %max3A_1155 : i32
    %add3A_1157 = arith.constant 22 : i32
    %add3A_1158 = arith.addi %mul3A_2, %add3A_1157 : i32
    %jit3A_1159 = arith.constant 32 : i32
    %div3A_1160 = arith.divsi %add3A_1158, %jit3A_1159 : i32
    %sign3A_1161 = arith.constant 0 : i32
    %sign3A_1162 = arith.cmpi sgt, %add3A_1158, %sign3A_1161 : i32
    %sign3A_1163 = arith.extui %sign3A_1162 : i1 to i32
    %sign3A_1164 = arith.constant 0 : i32
    %sign3A_1165 = arith.cmpi slt, %add3A_1158, %sign3A_1164 : i32
    %sign3A_1166 = arith.extui %sign3A_1165 : i1 to i32
    %sign3A_1167 = arith.subi %sign3A_1163, %sign3A_1166 : i32
    %sign3A_1168 = arith.constant 0 : i32
    %sign3A_1169 = arith.cmpi sgt, %jit3A_1159, %sign3A_1168 : i32
    %sign3A_1170 = arith.extui %sign3A_1169 : i1 to i32
    %sign3A_1171 = arith.constant 0 : i32
    %sign3A_1172 = arith.cmpi slt, %jit3A_1159, %sign3A_1171 : i32
    %sign3A_1173 = arith.extui %sign3A_1172 : i1 to i32
    %sign3A_1174 = arith.subi %sign3A_1170, %sign3A_1173 : i32
    %ne3A_1175 = arith.cmpi ne, %sign3A_1167, %sign3A_1174 : i32
    %rem3A_1176 = arith.remsi %add3A_1158, %jit3A_1159 : i32
    %ne3A_1177 = arith.constant 0 : i32
    %ne3A_1178 = arith.cmpi ne, %rem3A_1176, %ne3A_1177 : i32
    %and3A_1179 = arith.andi %ne3A_1175, %ne3A_1178 : i1
    %sub3A_1180 = arith.constant 1 : i32
    %sub3A_1181 = arith.subi %div3A_1160, %sub3A_1180 : i32
    %select_n3A_1182 = arith.select %and3A_1179, %sub3A_1181, %div3A_1160 : i32
    %jit3A_1183 = arith.constant 32 : i32
    %eq3A_1184 = arith.constant 0 : i32
    %eq3A_1185 = arith.cmpi eq, %jit3A_1183, %eq3A_1184 : i32
    %jit3A_1186 = arith.constant 1 : i32
    %select_n3A_1187 = arith.select %eq3A_1185, %jit3A_1186, %jit3A_1183 : i32
    %rem3A_1188 = arith.remsi %add3A_1158, %select_n3A_1187 : i32
    %ne3A_1189 = arith.constant 0 : i32
    %ne3A_1190 = arith.cmpi ne, %rem3A_1188, %ne3A_1189 : i32
    %lt3A_1191 = arith.constant 0 : i32
    %lt3A_1192 = arith.cmpi slt, %rem3A_1188, %lt3A_1191 : i32
    %lt3A_1193 = arith.constant 0 : i32
    %lt3A_1194 = arith.cmpi slt, %select_n3A_1187, %lt3A_1193 : i32
    %ne3A_1195 = arith.xori %lt3A_1192, %lt3A_1194 : i1
    %and3A_1196 = arith.andi %ne3A_1195, %ne3A_1190 : i1
    %add3A_1197 = arith.addi %rem3A_1188, %select_n3A_1187 : i32
    %select_n3A_1198 = arith.select %and3A_1196, %add3A_1197, %rem3A_1188 : i32
    %sub3A_1199 = arith.constant 16 : i32
    %sub3A_1200 = arith.subi %sub3A_1199, %select_n3A_1198 : i32
    %abs3A_1201 = math.absi %sub3A_1200 : i32
    %sub3A_1202 = arith.constant 16 : i32
    %sub3A_1203 = arith.subi %sub3A_1202, %select_n3A_1182 : i32
    %abs3A_1204 = math.absi %sub3A_1203 : i32
    %add3A_1205 = arith.addi %abs3A_1201, %abs3A_1204 : i32
    %sub3A_1206 = arith.constant 1 : i32
    %sub3A_1207 = arith.subi %add3A_1205, %sub3A_1206 : i32
    %max3A_1208 = arith.constant 0 : i32
    %max3A_1209 = arith.maxsi %sub3A_1207, %max3A_1208 : i32
    %add3A_1210 = arith.constant 23 : i32
    %add3A_1211 = arith.addi %mul3A_2, %add3A_1210 : i32
    %jit3A_1212 = arith.constant 32 : i32
    %div3A_1213 = arith.divsi %add3A_1211, %jit3A_1212 : i32
    %sign3A_1214 = arith.constant 0 : i32
    %sign3A_1215 = arith.cmpi sgt, %add3A_1211, %sign3A_1214 : i32
    %sign3A_1216 = arith.extui %sign3A_1215 : i1 to i32
    %sign3A_1217 = arith.constant 0 : i32
    %sign3A_1218 = arith.cmpi slt, %add3A_1211, %sign3A_1217 : i32
    %sign3A_1219 = arith.extui %sign3A_1218 : i1 to i32
    %sign3A_1220 = arith.subi %sign3A_1216, %sign3A_1219 : i32
    %sign3A_1221 = arith.constant 0 : i32
    %sign3A_1222 = arith.cmpi sgt, %jit3A_1212, %sign3A_1221 : i32
    %sign3A_1223 = arith.extui %sign3A_1222 : i1 to i32
    %sign3A_1224 = arith.constant 0 : i32
    %sign3A_1225 = arith.cmpi slt, %jit3A_1212, %sign3A_1224 : i32
    %sign3A_1226 = arith.extui %sign3A_1225 : i1 to i32
    %sign3A_1227 = arith.subi %sign3A_1223, %sign3A_1226 : i32
    %ne3A_1228 = arith.cmpi ne, %sign3A_1220, %sign3A_1227 : i32
    %rem3A_1229 = arith.remsi %add3A_1211, %jit3A_1212 : i32
    %ne3A_1230 = arith.constant 0 : i32
    %ne3A_1231 = arith.cmpi ne, %rem3A_1229, %ne3A_1230 : i32
    %and3A_1232 = arith.andi %ne3A_1228, %ne3A_1231 : i1
    %sub3A_1233 = arith.constant 1 : i32
    %sub3A_1234 = arith.subi %div3A_1213, %sub3A_1233 : i32
    %select_n3A_1235 = arith.select %and3A_1232, %sub3A_1234, %div3A_1213 : i32
    %jit3A_1236 = arith.constant 32 : i32
    %eq3A_1237 = arith.constant 0 : i32
    %eq3A_1238 = arith.cmpi eq, %jit3A_1236, %eq3A_1237 : i32
    %jit3A_1239 = arith.constant 1 : i32
    %select_n3A_1240 = arith.select %eq3A_1238, %jit3A_1239, %jit3A_1236 : i32
    %rem3A_1241 = arith.remsi %add3A_1211, %select_n3A_1240 : i32
    %ne3A_1242 = arith.constant 0 : i32
    %ne3A_1243 = arith.cmpi ne, %rem3A_1241, %ne3A_1242 : i32
    %lt3A_1244 = arith.constant 0 : i32
    %lt3A_1245 = arith.cmpi slt, %rem3A_1241, %lt3A_1244 : i32
    %lt3A_1246 = arith.constant 0 : i32
    %lt3A_1247 = arith.cmpi slt, %select_n3A_1240, %lt3A_1246 : i32
    %ne3A_1248 = arith.xori %lt3A_1245, %lt3A_1247 : i1
    %and3A_1249 = arith.andi %ne3A_1248, %ne3A_1243 : i1
    %add3A_1250 = arith.addi %rem3A_1241, %select_n3A_1240 : i32
    %select_n3A_1251 = arith.select %and3A_1249, %add3A_1250, %rem3A_1241 : i32
    %sub3A_1252 = arith.constant 16 : i32
    %sub3A_1253 = arith.subi %sub3A_1252, %select_n3A_1251 : i32
    %abs3A_1254 = math.absi %sub3A_1253 : i32
    %sub3A_1255 = arith.constant 16 : i32
    %sub3A_1256 = arith.subi %sub3A_1255, %select_n3A_1235 : i32
    %abs3A_1257 = math.absi %sub3A_1256 : i32
    %add3A_1258 = arith.addi %abs3A_1254, %abs3A_1257 : i32
    %sub3A_1259 = arith.constant 1 : i32
    %sub3A_1260 = arith.subi %add3A_1258, %sub3A_1259 : i32
    %max3A_1261 = arith.constant 0 : i32
    %max3A_1262 = arith.maxsi %sub3A_1260, %max3A_1261 : i32
    %add3A_1263 = arith.constant 24 : i32
    %add3A_1264 = arith.addi %mul3A_2, %add3A_1263 : i32
    %jit3A_1265 = arith.constant 32 : i32
    %div3A_1266 = arith.divsi %add3A_1264, %jit3A_1265 : i32
    %sign3A_1267 = arith.constant 0 : i32
    %sign3A_1268 = arith.cmpi sgt, %add3A_1264, %sign3A_1267 : i32
    %sign3A_1269 = arith.extui %sign3A_1268 : i1 to i32
    %sign3A_1270 = arith.constant 0 : i32
    %sign3A_1271 = arith.cmpi slt, %add3A_1264, %sign3A_1270 : i32
    %sign3A_1272 = arith.extui %sign3A_1271 : i1 to i32
    %sign3A_1273 = arith.subi %sign3A_1269, %sign3A_1272 : i32
    %sign3A_1274 = arith.constant 0 : i32
    %sign3A_1275 = arith.cmpi sgt, %jit3A_1265, %sign3A_1274 : i32
    %sign3A_1276 = arith.extui %sign3A_1275 : i1 to i32
    %sign3A_1277 = arith.constant 0 : i32
    %sign3A_1278 = arith.cmpi slt, %jit3A_1265, %sign3A_1277 : i32
    %sign3A_1279 = arith.extui %sign3A_1278 : i1 to i32
    %sign3A_1280 = arith.subi %sign3A_1276, %sign3A_1279 : i32
    %ne3A_1281 = arith.cmpi ne, %sign3A_1273, %sign3A_1280 : i32
    %rem3A_1282 = arith.remsi %add3A_1264, %jit3A_1265 : i32
    %ne3A_1283 = arith.constant 0 : i32
    %ne3A_1284 = arith.cmpi ne, %rem3A_1282, %ne3A_1283 : i32
    %and3A_1285 = arith.andi %ne3A_1281, %ne3A_1284 : i1
    %sub3A_1286 = arith.constant 1 : i32
    %sub3A_1287 = arith.subi %div3A_1266, %sub3A_1286 : i32
    %select_n3A_1288 = arith.select %and3A_1285, %sub3A_1287, %div3A_1266 : i32
    %jit3A_1289 = arith.constant 32 : i32
    %eq3A_1290 = arith.constant 0 : i32
    %eq3A_1291 = arith.cmpi eq, %jit3A_1289, %eq3A_1290 : i32
    %jit3A_1292 = arith.constant 1 : i32
    %select_n3A_1293 = arith.select %eq3A_1291, %jit3A_1292, %jit3A_1289 : i32
    %rem3A_1294 = arith.remsi %add3A_1264, %select_n3A_1293 : i32
    %ne3A_1295 = arith.constant 0 : i32
    %ne3A_1296 = arith.cmpi ne, %rem3A_1294, %ne3A_1295 : i32
    %lt3A_1297 = arith.constant 0 : i32
    %lt3A_1298 = arith.cmpi slt, %rem3A_1294, %lt3A_1297 : i32
    %lt3A_1299 = arith.constant 0 : i32
    %lt3A_1300 = arith.cmpi slt, %select_n3A_1293, %lt3A_1299 : i32
    %ne3A_1301 = arith.xori %lt3A_1298, %lt3A_1300 : i1
    %and3A_1302 = arith.andi %ne3A_1301, %ne3A_1296 : i1
    %add3A_1303 = arith.addi %rem3A_1294, %select_n3A_1293 : i32
    %select_n3A_1304 = arith.select %and3A_1302, %add3A_1303, %rem3A_1294 : i32
    %sub3A_1305 = arith.constant 16 : i32
    %sub3A_1306 = arith.subi %sub3A_1305, %select_n3A_1304 : i32
    %abs3A_1307 = math.absi %sub3A_1306 : i32
    %sub3A_1308 = arith.constant 16 : i32
    %sub3A_1309 = arith.subi %sub3A_1308, %select_n3A_1288 : i32
    %abs3A_1310 = math.absi %sub3A_1309 : i32
    %add3A_1311 = arith.addi %abs3A_1307, %abs3A_1310 : i32
    %sub3A_1312 = arith.constant 1 : i32
    %sub3A_1313 = arith.subi %add3A_1311, %sub3A_1312 : i32
    %max3A_1314 = arith.constant 0 : i32
    %max3A_1315 = arith.maxsi %sub3A_1313, %max3A_1314 : i32
    %add3A_1316 = arith.constant 25 : i32
    %add3A_1317 = arith.addi %mul3A_2, %add3A_1316 : i32
    %jit3A_1318 = arith.constant 32 : i32
    %div3A_1319 = arith.divsi %add3A_1317, %jit3A_1318 : i32
    %sign3A_1320 = arith.constant 0 : i32
    %sign3A_1321 = arith.cmpi sgt, %add3A_1317, %sign3A_1320 : i32
    %sign3A_1322 = arith.extui %sign3A_1321 : i1 to i32
    %sign3A_1323 = arith.constant 0 : i32
    %sign3A_1324 = arith.cmpi slt, %add3A_1317, %sign3A_1323 : i32
    %sign3A_1325 = arith.extui %sign3A_1324 : i1 to i32
    %sign3A_1326 = arith.subi %sign3A_1322, %sign3A_1325 : i32
    %sign3A_1327 = arith.constant 0 : i32
    %sign3A_1328 = arith.cmpi sgt, %jit3A_1318, %sign3A_1327 : i32
    %sign3A_1329 = arith.extui %sign3A_1328 : i1 to i32
    %sign3A_1330 = arith.constant 0 : i32
    %sign3A_1331 = arith.cmpi slt, %jit3A_1318, %sign3A_1330 : i32
    %sign3A_1332 = arith.extui %sign3A_1331 : i1 to i32
    %sign3A_1333 = arith.subi %sign3A_1329, %sign3A_1332 : i32
    %ne3A_1334 = arith.cmpi ne, %sign3A_1326, %sign3A_1333 : i32
    %rem3A_1335 = arith.remsi %add3A_1317, %jit3A_1318 : i32
    %ne3A_1336 = arith.constant 0 : i32
    %ne3A_1337 = arith.cmpi ne, %rem3A_1335, %ne3A_1336 : i32
    %and3A_1338 = arith.andi %ne3A_1334, %ne3A_1337 : i1
    %sub3A_1339 = arith.constant 1 : i32
    %sub3A_1340 = arith.subi %div3A_1319, %sub3A_1339 : i32
    %select_n3A_1341 = arith.select %and3A_1338, %sub3A_1340, %div3A_1319 : i32
    %jit3A_1342 = arith.constant 32 : i32
    %eq3A_1343 = arith.constant 0 : i32
    %eq3A_1344 = arith.cmpi eq, %jit3A_1342, %eq3A_1343 : i32
    %jit3A_1345 = arith.constant 1 : i32
    %select_n3A_1346 = arith.select %eq3A_1344, %jit3A_1345, %jit3A_1342 : i32
    %rem3A_1347 = arith.remsi %add3A_1317, %select_n3A_1346 : i32
    %ne3A_1348 = arith.constant 0 : i32
    %ne3A_1349 = arith.cmpi ne, %rem3A_1347, %ne3A_1348 : i32
    %lt3A_1350 = arith.constant 0 : i32
    %lt3A_1351 = arith.cmpi slt, %rem3A_1347, %lt3A_1350 : i32
    %lt3A_1352 = arith.constant 0 : i32
    %lt3A_1353 = arith.cmpi slt, %select_n3A_1346, %lt3A_1352 : i32
    %ne3A_1354 = arith.xori %lt3A_1351, %lt3A_1353 : i1
    %and3A_1355 = arith.andi %ne3A_1354, %ne3A_1349 : i1
    %add3A_1356 = arith.addi %rem3A_1347, %select_n3A_1346 : i32
    %select_n3A_1357 = arith.select %and3A_1355, %add3A_1356, %rem3A_1347 : i32
    %sub3A_1358 = arith.constant 16 : i32
    %sub3A_1359 = arith.subi %sub3A_1358, %select_n3A_1357 : i32
    %abs3A_1360 = math.absi %sub3A_1359 : i32
    %sub3A_1361 = arith.constant 16 : i32
    %sub3A_1362 = arith.subi %sub3A_1361, %select_n3A_1341 : i32
    %abs3A_1363 = math.absi %sub3A_1362 : i32
    %add3A_1364 = arith.addi %abs3A_1360, %abs3A_1363 : i32
    %sub3A_1365 = arith.constant 1 : i32
    %sub3A_1366 = arith.subi %add3A_1364, %sub3A_1365 : i32
    %max3A_1367 = arith.constant 0 : i32
    %max3A_1368 = arith.maxsi %sub3A_1366, %max3A_1367 : i32
    %add3A_1369 = arith.constant 26 : i32
    %add3A_1370 = arith.addi %mul3A_2, %add3A_1369 : i32
    %jit3A_1371 = arith.constant 32 : i32
    %div3A_1372 = arith.divsi %add3A_1370, %jit3A_1371 : i32
    %sign3A_1373 = arith.constant 0 : i32
    %sign3A_1374 = arith.cmpi sgt, %add3A_1370, %sign3A_1373 : i32
    %sign3A_1375 = arith.extui %sign3A_1374 : i1 to i32
    %sign3A_1376 = arith.constant 0 : i32
    %sign3A_1377 = arith.cmpi slt, %add3A_1370, %sign3A_1376 : i32
    %sign3A_1378 = arith.extui %sign3A_1377 : i1 to i32
    %sign3A_1379 = arith.subi %sign3A_1375, %sign3A_1378 : i32
    %sign3A_1380 = arith.constant 0 : i32
    %sign3A_1381 = arith.cmpi sgt, %jit3A_1371, %sign3A_1380 : i32
    %sign3A_1382 = arith.extui %sign3A_1381 : i1 to i32
    %sign3A_1383 = arith.constant 0 : i32
    %sign3A_1384 = arith.cmpi slt, %jit3A_1371, %sign3A_1383 : i32
    %sign3A_1385 = arith.extui %sign3A_1384 : i1 to i32
    %sign3A_1386 = arith.subi %sign3A_1382, %sign3A_1385 : i32
    %ne3A_1387 = arith.cmpi ne, %sign3A_1379, %sign3A_1386 : i32
    %rem3A_1388 = arith.remsi %add3A_1370, %jit3A_1371 : i32
    %ne3A_1389 = arith.constant 0 : i32
    %ne3A_1390 = arith.cmpi ne, %rem3A_1388, %ne3A_1389 : i32
    %and3A_1391 = arith.andi %ne3A_1387, %ne3A_1390 : i1
    %sub3A_1392 = arith.constant 1 : i32
    %sub3A_1393 = arith.subi %div3A_1372, %sub3A_1392 : i32
    %select_n3A_1394 = arith.select %and3A_1391, %sub3A_1393, %div3A_1372 : i32
    %jit3A_1395 = arith.constant 32 : i32
    %eq3A_1396 = arith.constant 0 : i32
    %eq3A_1397 = arith.cmpi eq, %jit3A_1395, %eq3A_1396 : i32
    %jit3A_1398 = arith.constant 1 : i32
    %select_n3A_1399 = arith.select %eq3A_1397, %jit3A_1398, %jit3A_1395 : i32
    %rem3A_1400 = arith.remsi %add3A_1370, %select_n3A_1399 : i32
    %ne3A_1401 = arith.constant 0 : i32
    %ne3A_1402 = arith.cmpi ne, %rem3A_1400, %ne3A_1401 : i32
    %lt3A_1403 = arith.constant 0 : i32
    %lt3A_1404 = arith.cmpi slt, %rem3A_1400, %lt3A_1403 : i32
    %lt3A_1405 = arith.constant 0 : i32
    %lt3A_1406 = arith.cmpi slt, %select_n3A_1399, %lt3A_1405 : i32
    %ne3A_1407 = arith.xori %lt3A_1404, %lt3A_1406 : i1
    %and3A_1408 = arith.andi %ne3A_1407, %ne3A_1402 : i1
    %add3A_1409 = arith.addi %rem3A_1400, %select_n3A_1399 : i32
    %select_n3A_1410 = arith.select %and3A_1408, %add3A_1409, %rem3A_1400 : i32
    %sub3A_1411 = arith.constant 16 : i32
    %sub3A_1412 = arith.subi %sub3A_1411, %select_n3A_1410 : i32
    %abs3A_1413 = math.absi %sub3A_1412 : i32
    %sub3A_1414 = arith.constant 16 : i32
    %sub3A_1415 = arith.subi %sub3A_1414, %select_n3A_1394 : i32
    %abs3A_1416 = math.absi %sub3A_1415 : i32
    %add3A_1417 = arith.addi %abs3A_1413, %abs3A_1416 : i32
    %sub3A_1418 = arith.constant 1 : i32
    %sub3A_1419 = arith.subi %add3A_1417, %sub3A_1418 : i32
    %max3A_1420 = arith.constant 0 : i32
    %max3A_1421 = arith.maxsi %sub3A_1419, %max3A_1420 : i32
    %add3A_1422 = arith.constant 27 : i32
    %add3A_1423 = arith.addi %mul3A_2, %add3A_1422 : i32
    %jit3A_1424 = arith.constant 32 : i32
    %div3A_1425 = arith.divsi %add3A_1423, %jit3A_1424 : i32
    %sign3A_1426 = arith.constant 0 : i32
    %sign3A_1427 = arith.cmpi sgt, %add3A_1423, %sign3A_1426 : i32
    %sign3A_1428 = arith.extui %sign3A_1427 : i1 to i32
    %sign3A_1429 = arith.constant 0 : i32
    %sign3A_1430 = arith.cmpi slt, %add3A_1423, %sign3A_1429 : i32
    %sign3A_1431 = arith.extui %sign3A_1430 : i1 to i32
    %sign3A_1432 = arith.subi %sign3A_1428, %sign3A_1431 : i32
    %sign3A_1433 = arith.constant 0 : i32
    %sign3A_1434 = arith.cmpi sgt, %jit3A_1424, %sign3A_1433 : i32
    %sign3A_1435 = arith.extui %sign3A_1434 : i1 to i32
    %sign3A_1436 = arith.constant 0 : i32
    %sign3A_1437 = arith.cmpi slt, %jit3A_1424, %sign3A_1436 : i32
    %sign3A_1438 = arith.extui %sign3A_1437 : i1 to i32
    %sign3A_1439 = arith.subi %sign3A_1435, %sign3A_1438 : i32
    %ne3A_1440 = arith.cmpi ne, %sign3A_1432, %sign3A_1439 : i32
    %rem3A_1441 = arith.remsi %add3A_1423, %jit3A_1424 : i32
    %ne3A_1442 = arith.constant 0 : i32
    %ne3A_1443 = arith.cmpi ne, %rem3A_1441, %ne3A_1442 : i32
    %and3A_1444 = arith.andi %ne3A_1440, %ne3A_1443 : i1
    %sub3A_1445 = arith.constant 1 : i32
    %sub3A_1446 = arith.subi %div3A_1425, %sub3A_1445 : i32
    %select_n3A_1447 = arith.select %and3A_1444, %sub3A_1446, %div3A_1425 : i32
    %jit3A_1448 = arith.constant 32 : i32
    %eq3A_1449 = arith.constant 0 : i32
    %eq3A_1450 = arith.cmpi eq, %jit3A_1448, %eq3A_1449 : i32
    %jit3A_1451 = arith.constant 1 : i32
    %select_n3A_1452 = arith.select %eq3A_1450, %jit3A_1451, %jit3A_1448 : i32
    %rem3A_1453 = arith.remsi %add3A_1423, %select_n3A_1452 : i32
    %ne3A_1454 = arith.constant 0 : i32
    %ne3A_1455 = arith.cmpi ne, %rem3A_1453, %ne3A_1454 : i32
    %lt3A_1456 = arith.constant 0 : i32
    %lt3A_1457 = arith.cmpi slt, %rem3A_1453, %lt3A_1456 : i32
    %lt3A_1458 = arith.constant 0 : i32
    %lt3A_1459 = arith.cmpi slt, %select_n3A_1452, %lt3A_1458 : i32
    %ne3A_1460 = arith.xori %lt3A_1457, %lt3A_1459 : i1
    %and3A_1461 = arith.andi %ne3A_1460, %ne3A_1455 : i1
    %add3A_1462 = arith.addi %rem3A_1453, %select_n3A_1452 : i32
    %select_n3A_1463 = arith.select %and3A_1461, %add3A_1462, %rem3A_1453 : i32
    %sub3A_1464 = arith.constant 16 : i32
    %sub3A_1465 = arith.subi %sub3A_1464, %select_n3A_1463 : i32
    %abs3A_1466 = math.absi %sub3A_1465 : i32
    %sub3A_1467 = arith.constant 16 : i32
    %sub3A_1468 = arith.subi %sub3A_1467, %select_n3A_1447 : i32
    %abs3A_1469 = math.absi %sub3A_1468 : i32
    %add3A_1470 = arith.addi %abs3A_1466, %abs3A_1469 : i32
    %sub3A_1471 = arith.constant 1 : i32
    %sub3A_1472 = arith.subi %add3A_1470, %sub3A_1471 : i32
    %max3A_1473 = arith.constant 0 : i32
    %max3A_1474 = arith.maxsi %sub3A_1472, %max3A_1473 : i32
    %add3A_1475 = arith.constant 28 : i32
    %add3A_1476 = arith.addi %mul3A_2, %add3A_1475 : i32
    %jit3A_1477 = arith.constant 32 : i32
    %div3A_1478 = arith.divsi %add3A_1476, %jit3A_1477 : i32
    %sign3A_1479 = arith.constant 0 : i32
    %sign3A_1480 = arith.cmpi sgt, %add3A_1476, %sign3A_1479 : i32
    %sign3A_1481 = arith.extui %sign3A_1480 : i1 to i32
    %sign3A_1482 = arith.constant 0 : i32
    %sign3A_1483 = arith.cmpi slt, %add3A_1476, %sign3A_1482 : i32
    %sign3A_1484 = arith.extui %sign3A_1483 : i1 to i32
    %sign3A_1485 = arith.subi %sign3A_1481, %sign3A_1484 : i32
    %sign3A_1486 = arith.constant 0 : i32
    %sign3A_1487 = arith.cmpi sgt, %jit3A_1477, %sign3A_1486 : i32
    %sign3A_1488 = arith.extui %sign3A_1487 : i1 to i32
    %sign3A_1489 = arith.constant 0 : i32
    %sign3A_1490 = arith.cmpi slt, %jit3A_1477, %sign3A_1489 : i32
    %sign3A_1491 = arith.extui %sign3A_1490 : i1 to i32
    %sign3A_1492 = arith.subi %sign3A_1488, %sign3A_1491 : i32
    %ne3A_1493 = arith.cmpi ne, %sign3A_1485, %sign3A_1492 : i32
    %rem3A_1494 = arith.remsi %add3A_1476, %jit3A_1477 : i32
    %ne3A_1495 = arith.constant 0 : i32
    %ne3A_1496 = arith.cmpi ne, %rem3A_1494, %ne3A_1495 : i32
    %and3A_1497 = arith.andi %ne3A_1493, %ne3A_1496 : i1
    %sub3A_1498 = arith.constant 1 : i32
    %sub3A_1499 = arith.subi %div3A_1478, %sub3A_1498 : i32
    %select_n3A_1500 = arith.select %and3A_1497, %sub3A_1499, %div3A_1478 : i32
    %jit3A_1501 = arith.constant 32 : i32
    %eq3A_1502 = arith.constant 0 : i32
    %eq3A_1503 = arith.cmpi eq, %jit3A_1501, %eq3A_1502 : i32
    %jit3A_1504 = arith.constant 1 : i32
    %select_n3A_1505 = arith.select %eq3A_1503, %jit3A_1504, %jit3A_1501 : i32
    %rem3A_1506 = arith.remsi %add3A_1476, %select_n3A_1505 : i32
    %ne3A_1507 = arith.constant 0 : i32
    %ne3A_1508 = arith.cmpi ne, %rem3A_1506, %ne3A_1507 : i32
    %lt3A_1509 = arith.constant 0 : i32
    %lt3A_1510 = arith.cmpi slt, %rem3A_1506, %lt3A_1509 : i32
    %lt3A_1511 = arith.constant 0 : i32
    %lt3A_1512 = arith.cmpi slt, %select_n3A_1505, %lt3A_1511 : i32
    %ne3A_1513 = arith.xori %lt3A_1510, %lt3A_1512 : i1
    %and3A_1514 = arith.andi %ne3A_1513, %ne3A_1508 : i1
    %add3A_1515 = arith.addi %rem3A_1506, %select_n3A_1505 : i32
    %select_n3A_1516 = arith.select %and3A_1514, %add3A_1515, %rem3A_1506 : i32
    %sub3A_1517 = arith.constant 16 : i32
    %sub3A_1518 = arith.subi %sub3A_1517, %select_n3A_1516 : i32
    %abs3A_1519 = math.absi %sub3A_1518 : i32
    %sub3A_1520 = arith.constant 16 : i32
    %sub3A_1521 = arith.subi %sub3A_1520, %select_n3A_1500 : i32
    %abs3A_1522 = math.absi %sub3A_1521 : i32
    %add3A_1523 = arith.addi %abs3A_1519, %abs3A_1522 : i32
    %sub3A_1524 = arith.constant 1 : i32
    %sub3A_1525 = arith.subi %add3A_1523, %sub3A_1524 : i32
    %max3A_1526 = arith.constant 0 : i32
    %max3A_1527 = arith.maxsi %sub3A_1525, %max3A_1526 : i32
    %add3A_1528 = arith.constant 29 : i32
    %add3A_1529 = arith.addi %mul3A_2, %add3A_1528 : i32
    %jit3A_1530 = arith.constant 32 : i32
    %div3A_1531 = arith.divsi %add3A_1529, %jit3A_1530 : i32
    %sign3A_1532 = arith.constant 0 : i32
    %sign3A_1533 = arith.cmpi sgt, %add3A_1529, %sign3A_1532 : i32
    %sign3A_1534 = arith.extui %sign3A_1533 : i1 to i32
    %sign3A_1535 = arith.constant 0 : i32
    %sign3A_1536 = arith.cmpi slt, %add3A_1529, %sign3A_1535 : i32
    %sign3A_1537 = arith.extui %sign3A_1536 : i1 to i32
    %sign3A_1538 = arith.subi %sign3A_1534, %sign3A_1537 : i32
    %sign3A_1539 = arith.constant 0 : i32
    %sign3A_1540 = arith.cmpi sgt, %jit3A_1530, %sign3A_1539 : i32
    %sign3A_1541 = arith.extui %sign3A_1540 : i1 to i32
    %sign3A_1542 = arith.constant 0 : i32
    %sign3A_1543 = arith.cmpi slt, %jit3A_1530, %sign3A_1542 : i32
    %sign3A_1544 = arith.extui %sign3A_1543 : i1 to i32
    %sign3A_1545 = arith.subi %sign3A_1541, %sign3A_1544 : i32
    %ne3A_1546 = arith.cmpi ne, %sign3A_1538, %sign3A_1545 : i32
    %rem3A_1547 = arith.remsi %add3A_1529, %jit3A_1530 : i32
    %ne3A_1548 = arith.constant 0 : i32
    %ne3A_1549 = arith.cmpi ne, %rem3A_1547, %ne3A_1548 : i32
    %and3A_1550 = arith.andi %ne3A_1546, %ne3A_1549 : i1
    %sub3A_1551 = arith.constant 1 : i32
    %sub3A_1552 = arith.subi %div3A_1531, %sub3A_1551 : i32
    %select_n3A_1553 = arith.select %and3A_1550, %sub3A_1552, %div3A_1531 : i32
    %jit3A_1554 = arith.constant 32 : i32
    %eq3A_1555 = arith.constant 0 : i32
    %eq3A_1556 = arith.cmpi eq, %jit3A_1554, %eq3A_1555 : i32
    %jit3A_1557 = arith.constant 1 : i32
    %select_n3A_1558 = arith.select %eq3A_1556, %jit3A_1557, %jit3A_1554 : i32
    %rem3A_1559 = arith.remsi %add3A_1529, %select_n3A_1558 : i32
    %ne3A_1560 = arith.constant 0 : i32
    %ne3A_1561 = arith.cmpi ne, %rem3A_1559, %ne3A_1560 : i32
    %lt3A_1562 = arith.constant 0 : i32
    %lt3A_1563 = arith.cmpi slt, %rem3A_1559, %lt3A_1562 : i32
    %lt3A_1564 = arith.constant 0 : i32
    %lt3A_1565 = arith.cmpi slt, %select_n3A_1558, %lt3A_1564 : i32
    %ne3A_1566 = arith.xori %lt3A_1563, %lt3A_1565 : i1
    %and3A_1567 = arith.andi %ne3A_1566, %ne3A_1561 : i1
    %add3A_1568 = arith.addi %rem3A_1559, %select_n3A_1558 : i32
    %select_n3A_1569 = arith.select %and3A_1567, %add3A_1568, %rem3A_1559 : i32
    %sub3A_1570 = arith.constant 16 : i32
    %sub3A_1571 = arith.subi %sub3A_1570, %select_n3A_1569 : i32
    %abs3A_1572 = math.absi %sub3A_1571 : i32
    %sub3A_1573 = arith.constant 16 : i32
    %sub3A_1574 = arith.subi %sub3A_1573, %select_n3A_1553 : i32
    %abs3A_1575 = math.absi %sub3A_1574 : i32
    %add3A_1576 = arith.addi %abs3A_1572, %abs3A_1575 : i32
    %sub3A_1577 = arith.constant 1 : i32
    %sub3A_1578 = arith.subi %add3A_1576, %sub3A_1577 : i32
    %max3A_1579 = arith.constant 0 : i32
    %max3A_1580 = arith.maxsi %sub3A_1578, %max3A_1579 : i32
    %add3A_1581 = arith.constant 30 : i32
    %add3A_1582 = arith.addi %mul3A_2, %add3A_1581 : i32
    %jit3A_1583 = arith.constant 32 : i32
    %div3A_1584 = arith.divsi %add3A_1582, %jit3A_1583 : i32
    %sign3A_1585 = arith.constant 0 : i32
    %sign3A_1586 = arith.cmpi sgt, %add3A_1582, %sign3A_1585 : i32
    %sign3A_1587 = arith.extui %sign3A_1586 : i1 to i32
    %sign3A_1588 = arith.constant 0 : i32
    %sign3A_1589 = arith.cmpi slt, %add3A_1582, %sign3A_1588 : i32
    %sign3A_1590 = arith.extui %sign3A_1589 : i1 to i32
    %sign3A_1591 = arith.subi %sign3A_1587, %sign3A_1590 : i32
    %sign3A_1592 = arith.constant 0 : i32
    %sign3A_1593 = arith.cmpi sgt, %jit3A_1583, %sign3A_1592 : i32
    %sign3A_1594 = arith.extui %sign3A_1593 : i1 to i32
    %sign3A_1595 = arith.constant 0 : i32
    %sign3A_1596 = arith.cmpi slt, %jit3A_1583, %sign3A_1595 : i32
    %sign3A_1597 = arith.extui %sign3A_1596 : i1 to i32
    %sign3A_1598 = arith.subi %sign3A_1594, %sign3A_1597 : i32
    %ne3A_1599 = arith.cmpi ne, %sign3A_1591, %sign3A_1598 : i32
    %rem3A_1600 = arith.remsi %add3A_1582, %jit3A_1583 : i32
    %ne3A_1601 = arith.constant 0 : i32
    %ne3A_1602 = arith.cmpi ne, %rem3A_1600, %ne3A_1601 : i32
    %and3A_1603 = arith.andi %ne3A_1599, %ne3A_1602 : i1
    %sub3A_1604 = arith.constant 1 : i32
    %sub3A_1605 = arith.subi %div3A_1584, %sub3A_1604 : i32
    %select_n3A_1606 = arith.select %and3A_1603, %sub3A_1605, %div3A_1584 : i32
    %jit3A_1607 = arith.constant 32 : i32
    %eq3A_1608 = arith.constant 0 : i32
    %eq3A_1609 = arith.cmpi eq, %jit3A_1607, %eq3A_1608 : i32
    %jit3A_1610 = arith.constant 1 : i32
    %select_n3A_1611 = arith.select %eq3A_1609, %jit3A_1610, %jit3A_1607 : i32
    %rem3A_1612 = arith.remsi %add3A_1582, %select_n3A_1611 : i32
    %ne3A_1613 = arith.constant 0 : i32
    %ne3A_1614 = arith.cmpi ne, %rem3A_1612, %ne3A_1613 : i32
    %lt3A_1615 = arith.constant 0 : i32
    %lt3A_1616 = arith.cmpi slt, %rem3A_1612, %lt3A_1615 : i32
    %lt3A_1617 = arith.constant 0 : i32
    %lt3A_1618 = arith.cmpi slt, %select_n3A_1611, %lt3A_1617 : i32
    %ne3A_1619 = arith.xori %lt3A_1616, %lt3A_1618 : i1
    %and3A_1620 = arith.andi %ne3A_1619, %ne3A_1614 : i1
    %add3A_1621 = arith.addi %rem3A_1612, %select_n3A_1611 : i32
    %select_n3A_1622 = arith.select %and3A_1620, %add3A_1621, %rem3A_1612 : i32
    %sub3A_1623 = arith.constant 16 : i32
    %sub3A_1624 = arith.subi %sub3A_1623, %select_n3A_1622 : i32
    %abs3A_1625 = math.absi %sub3A_1624 : i32
    %sub3A_1626 = arith.constant 16 : i32
    %sub3A_1627 = arith.subi %sub3A_1626, %select_n3A_1606 : i32
    %abs3A_1628 = math.absi %sub3A_1627 : i32
    %add3A_1629 = arith.addi %abs3A_1625, %abs3A_1628 : i32
    %sub3A_1630 = arith.constant 1 : i32
    %sub3A_1631 = arith.subi %add3A_1629, %sub3A_1630 : i32
    %max3A_1632 = arith.constant 0 : i32
    %max3A_1633 = arith.maxsi %sub3A_1631, %max3A_1632 : i32
    %add3A_1634 = arith.constant 31 : i32
    %add3A_1635 = arith.addi %mul3A_2, %add3A_1634 : i32
    %jit3A_1636 = arith.constant 32 : i32
    %div3A_1637 = arith.divsi %add3A_1635, %jit3A_1636 : i32
    %sign3A_1638 = arith.constant 0 : i32
    %sign3A_1639 = arith.cmpi sgt, %add3A_1635, %sign3A_1638 : i32
    %sign3A_1640 = arith.extui %sign3A_1639 : i1 to i32
    %sign3A_1641 = arith.constant 0 : i32
    %sign3A_1642 = arith.cmpi slt, %add3A_1635, %sign3A_1641 : i32
    %sign3A_1643 = arith.extui %sign3A_1642 : i1 to i32
    %sign3A_1644 = arith.subi %sign3A_1640, %sign3A_1643 : i32
    %sign3A_1645 = arith.constant 0 : i32
    %sign3A_1646 = arith.cmpi sgt, %jit3A_1636, %sign3A_1645 : i32
    %sign3A_1647 = arith.extui %sign3A_1646 : i1 to i32
    %sign3A_1648 = arith.constant 0 : i32
    %sign3A_1649 = arith.cmpi slt, %jit3A_1636, %sign3A_1648 : i32
    %sign3A_1650 = arith.extui %sign3A_1649 : i1 to i32
    %sign3A_1651 = arith.subi %sign3A_1647, %sign3A_1650 : i32
    %ne3A_1652 = arith.cmpi ne, %sign3A_1644, %sign3A_1651 : i32
    %rem3A_1653 = arith.remsi %add3A_1635, %jit3A_1636 : i32
    %ne3A_1654 = arith.constant 0 : i32
    %ne3A_1655 = arith.cmpi ne, %rem3A_1653, %ne3A_1654 : i32
    %and3A_1656 = arith.andi %ne3A_1652, %ne3A_1655 : i1
    %sub3A_1657 = arith.constant 1 : i32
    %sub3A_1658 = arith.subi %div3A_1637, %sub3A_1657 : i32
    %select_n3A_1659 = arith.select %and3A_1656, %sub3A_1658, %div3A_1637 : i32
    %jit3A_1660 = arith.constant 32 : i32
    %eq3A_1661 = arith.constant 0 : i32
    %eq3A_1662 = arith.cmpi eq, %jit3A_1660, %eq3A_1661 : i32
    %jit3A_1663 = arith.constant 1 : i32
    %select_n3A_1664 = arith.select %eq3A_1662, %jit3A_1663, %jit3A_1660 : i32
    %rem3A_1665 = arith.remsi %add3A_1635, %select_n3A_1664 : i32
    %ne3A_1666 = arith.constant 0 : i32
    %ne3A_1667 = arith.cmpi ne, %rem3A_1665, %ne3A_1666 : i32
    %lt3A_1668 = arith.constant 0 : i32
    %lt3A_1669 = arith.cmpi slt, %rem3A_1665, %lt3A_1668 : i32
    %lt3A_1670 = arith.constant 0 : i32
    %lt3A_1671 = arith.cmpi slt, %select_n3A_1664, %lt3A_1670 : i32
    %ne3A_1672 = arith.xori %lt3A_1669, %lt3A_1671 : i1
    %and3A_1673 = arith.andi %ne3A_1672, %ne3A_1667 : i1
    %add3A_1674 = arith.addi %rem3A_1665, %select_n3A_1664 : i32
    %select_n3A_1675 = arith.select %and3A_1673, %add3A_1674, %rem3A_1665 : i32
    %sub3A_1676 = arith.constant 16 : i32
    %sub3A_1677 = arith.subi %sub3A_1676, %select_n3A_1675 : i32
    %abs3A_1678 = math.absi %sub3A_1677 : i32
    %sub3A_1679 = arith.constant 16 : i32
    %sub3A_1680 = arith.subi %sub3A_1679, %select_n3A_1659 : i32
    %abs3A_1681 = math.absi %sub3A_1680 : i32
    %add3A_1682 = arith.addi %abs3A_1678, %abs3A_1681 : i32
    %sub3A_1683 = arith.constant 1 : i32
    %sub3A_1684 = arith.subi %add3A_1682, %sub3A_1683 : i32
    %max3A_1685 = arith.constant 0 : i32
    %max3A_1686 = arith.maxsi %sub3A_1684, %max3A_1685 : i32
    %dma_start3A = arith.constant 0 : i32
    %dma_start3A_1687 = tpu.memref_slice %arg4[%max3A_43, %dma_start3A] : memref<32x512xf32, #tpu.memory_space<vmem>> -> memref<1x512xf32, #tpu.memory_space<vmem>>
    %dma_start3A_1688 = arith.constant 0 : i32
    %dma_start3A_1689 = tpu.memref_slice %arg3[%add3A_4, %dma_start3A_1688] : memref<1024x512xf32, #tpu.memory_space<hbm>> -> memref<1x512xf32, #tpu.memory_space<hbm>>
    %dma_start3A_1690 = arith.constant 0 : i32
    %dma_start3A_1691 = tpu.memref_slice %arg3[%add3A_4, %dma_start3A_1690] : memref<1024x512xf32, #tpu.memory_space<hbm>> -> memref<1x512xf32, #tpu.memory_space<hbm>>
    %dma_start3A_1692 = arith.constant 0 : i32
    %dma_start3A_1693 = tpu.memref_slice %arg4[%max3A_43, %dma_start3A_1692] : memref<32x512xf32, #tpu.memory_space<vmem>> -> memref<1x512xf32, #tpu.memory_space<vmem>>
    tpu.enqueue_dma source(%dma_start3A_1693 : memref<1x512xf32, #tpu.memory_space<vmem>>) target(%dma_start3A_1691 : memref<1x512xf32, #tpu.memory_space<hbm>>) target_semaphore(%arg5 : memref<!tpu.dma_semaphore, #tpu.memory_space<semaphore_mem>>)
    %dma_start3A_1694 = arith.constant 0 : i32
    %dma_start3A_1695 = tpu.memref_slice %arg4[%max3A_96, %dma_start3A_1694] : memref<32x512xf32, #tpu.memory_space<vmem>> -> memref<1x512xf32, #tpu.memory_space<vmem>>
    %dma_start3A_1696 = arith.constant 0 : i32
    %dma_start3A_1697 = tpu.memref_slice %arg3[%add3A_45, %dma_start3A_1696] : memref<1024x512xf32, #tpu.memory_space<hbm>> -> memref<1x512xf32, #tpu.memory_space<hbm>>
    %dma_start3A_1698 = arith.constant 0 : i32
    %dma_start3A_1699 = tpu.memref_slice %arg3[%add3A_45, %dma_start3A_1698] : memref<1024x512xf32, #tpu.memory_space<hbm>> -> memref<1x512xf32, #tpu.memory_space<hbm>>
    %dma_start3A_1700 = arith.constant 0 : i32
    %dma_start3A_1701 = tpu.memref_slice %arg4[%max3A_96, %dma_start3A_1700] : memref<32x512xf32, #tpu.memory_space<vmem>> -> memref<1x512xf32, #tpu.memory_space<vmem>>
    tpu.enqueue_dma source(%dma_start3A_1701 : memref<1x512xf32, #tpu.memory_space<vmem>>) target(%dma_start3A_1699 : memref<1x512xf32, #tpu.memory_space<hbm>>) target_semaphore(%arg5 : memref<!tpu.dma_semaphore, #tpu.memory_space<semaphore_mem>>)
    %dma_start3A_1702 = arith.constant 0 : i32
    %dma_start3A_1703 = tpu.memref_slice %arg4[%max3A_149, %dma_start3A_1702] : memref<32x512xf32, #tpu.memory_space<vmem>> -> memref<1x512xf32, #tpu.memory_space<vmem>>
    %dma_start3A_1704 = arith.constant 0 : i32
    %dma_start3A_1705 = tpu.memref_slice %arg3[%add3A_98, %dma_start3A_1704] : memref<1024x512xf32, #tpu.memory_space<hbm>> -> memref<1x512xf32, #tpu.memory_space<hbm>>
    %dma_start3A_1706 = arith.constant 0 : i32
    %dma_start3A_1707 = tpu.memref_slice %arg3[%add3A_98, %dma_start3A_1706] : memref<1024x512xf32, #tpu.memory_space<hbm>> -> memref<1x512xf32, #tpu.memory_space<hbm>>
    %dma_start3A_1708 = arith.constant 0 : i32
    %dma_start3A_1709 = tpu.memref_slice %arg4[%max3A_149, %dma_start3A_1708] : memref<32x512xf32, #tpu.memory_space<vmem>> -> memref<1x512xf32, #tpu.memory_space<vmem>>
    tpu.enqueue_dma source(%dma_start3A_1709 : memref<1x512xf32, #tpu.memory_space<vmem>>) target(%dma_start3A_1707 : memref<1x512xf32, #tpu.memory_space<hbm>>) target_semaphore(%arg5 : memref<!tpu.dma_semaphore, #tpu.memory_space<semaphore_mem>>)
    %dma_start3A_1710 = arith.constant 0 : i32
    %dma_start3A_1711 = tpu.memref_slice %arg4[%max3A_202, %dma_start3A_1710] : memref<32x512xf32, #tpu.memory_space<vmem>> -> memref<1x512xf32, #tpu.memory_space<vmem>>
    %dma_start3A_1712 = arith.constant 0 : i32
    %dma_start3A_1713 = tpu.memref_slice %arg3[%add3A_151, %dma_start3A_1712] : memref<1024x512xf32, #tpu.memory_space<hbm>> -> memref<1x512xf32, #tpu.memory_space<hbm>>
    %dma_start3A_1714 = arith.constant 0 : i32
    %dma_start3A_1715 = tpu.memref_slice %arg3[%add3A_151, %dma_start3A_1714] : memref<1024x512xf32, #tpu.memory_space<hbm>> -> memref<1x512xf32, #tpu.memory_space<hbm>>
    %dma_start3A_1716 = arith.constant 0 : i32
    %dma_start3A_1717 = tpu.memref_slice %arg4[%max3A_202, %dma_start3A_1716] : memref<32x512xf32, #tpu.memory_space<vmem>> -> memref<1x512xf32, #tpu.memory_space<vmem>>
    tpu.enqueue_dma source(%dma_start3A_1717 : memref<1x512xf32, #tpu.memory_space<vmem>>) target(%dma_start3A_1715 : memref<1x512xf32, #tpu.memory_space<hbm>>) target_semaphore(%arg5 : memref<!tpu.dma_semaphore, #tpu.memory_space<semaphore_mem>>)
    %dma_start3A_1718 = arith.constant 0 : i32
    %dma_start3A_1719 = tpu.memref_slice %arg4[%max3A_255, %dma_start3A_1718] : memref<32x512xf32, #tpu.memory_space<vmem>> -> memref<1x512xf32, #tpu.memory_space<vmem>>
    %dma_start3A_1720 = arith.constant 0 : i32
    %dma_start3A_1721 = tpu.memref_slice %arg3[%add3A_204, %dma_start3A_1720] : memref<1024x512xf32, #tpu.memory_space<hbm>> -> memref<1x512xf32, #tpu.memory_space<hbm>>
    %dma_start3A_1722 = arith.constant 0 : i32
    %dma_start3A_1723 = tpu.memref_slice %arg3[%add3A_204, %dma_start3A_1722] : memref<1024x512xf32, #tpu.memory_space<hbm>> -> memref<1x512xf32, #tpu.memory_space<hbm>>
    %dma_start3A_1724 = arith.constant 0 : i32
    %dma_start3A_1725 = tpu.memref_slice %arg4[%max3A_255, %dma_start3A_1724] : memref<32x512xf32, #tpu.memory_space<vmem>> -> memref<1x512xf32, #tpu.memory_space<vmem>>
    tpu.enqueue_dma source(%dma_start3A_1725 : memref<1x512xf32, #tpu.memory_space<vmem>>) target(%dma_start3A_1723 : memref<1x512xf32, #tpu.memory_space<hbm>>) target_semaphore(%arg5 : memref<!tpu.dma_semaphore, #tpu.memory_space<semaphore_mem>>)
    %dma_start3A_1726 = arith.constant 0 : i32
    %dma_start3A_1727 = tpu.memref_slice %arg4[%max3A_308, %dma_start3A_1726] : memref<32x512xf32, #tpu.memory_space<vmem>> -> memref<1x512xf32, #tpu.memory_space<vmem>>
    %dma_start3A_1728 = arith.constant 0 : i32
    %dma_start3A_1729 = tpu.memref_slice %arg3[%add3A_257, %dma_start3A_1728] : memref<1024x512xf32, #tpu.memory_space<hbm>> -> memref<1x512xf32, #tpu.memory_space<hbm>>
    %dma_start3A_1730 = arith.constant 0 : i32
    %dma_start3A_1731 = tpu.memref_slice %arg3[%add3A_257, %dma_start3A_1730] : memref<1024x512xf32, #tpu.memory_space<hbm>> -> memref<1x512xf32, #tpu.memory_space<hbm>>
    %dma_start3A_1732 = arith.constant 0 : i32
    %dma_start3A_1733 = tpu.memref_slice %arg4[%max3A_308, %dma_start3A_1732] : memref<32x512xf32, #tpu.memory_space<vmem>> -> memref<1x512xf32, #tpu.memory_space<vmem>>
    tpu.enqueue_dma source(%dma_start3A_1733 : memref<1x512xf32, #tpu.memory_space<vmem>>) target(%dma_start3A_1731 : memref<1x512xf32, #tpu.memory_space<hbm>>) target_semaphore(%arg5 : memref<!tpu.dma_semaphore, #tpu.memory_space<semaphore_mem>>)
    %dma_start3A_1734 = arith.constant 0 : i32
    %dma_start3A_1735 = tpu.memref_slice %arg4[%max3A_361, %dma_start3A_1734] : memref<32x512xf32, #tpu.memory_space<vmem>> -> memref<1x512xf32, #tpu.memory_space<vmem>>
    %dma_start3A_1736 = arith.constant 0 : i32
    %dma_start3A_1737 = tpu.memref_slice %arg3[%add3A_310, %dma_start3A_1736] : memref<1024x512xf32, #tpu.memory_space<hbm>> -> memref<1x512xf32, #tpu.memory_space<hbm>>
    %dma_start3A_1738 = arith.constant 0 : i32
    %dma_start3A_1739 = tpu.memref_slice %arg3[%add3A_310, %dma_start3A_1738] : memref<1024x512xf32, #tpu.memory_space<hbm>> -> memref<1x512xf32, #tpu.memory_space<hbm>>
    %dma_start3A_1740 = arith.constant 0 : i32
    %dma_start3A_1741 = tpu.memref_slice %arg4[%max3A_361, %dma_start3A_1740] : memref<32x512xf32, #tpu.memory_space<vmem>> -> memref<1x512xf32, #tpu.memory_space<vmem>>
    tpu.enqueue_dma source(%dma_start3A_1741 : memref<1x512xf32, #tpu.memory_space<vmem>>) target(%dma_start3A_1739 : memref<1x512xf32, #tpu.memory_space<hbm>>) target_semaphore(%arg5 : memref<!tpu.dma_semaphore, #tpu.memory_space<semaphore_mem>>)
    %dma_start3A_1742 = arith.constant 0 : i32
    %dma_start3A_1743 = tpu.memref_slice %arg4[%max3A_414, %dma_start3A_1742] : memref<32x512xf32, #tpu.memory_space<vmem>> -> memref<1x512xf32, #tpu.memory_space<vmem>>
    %dma_start3A_1744 = arith.constant 0 : i32
    %dma_start3A_1745 = tpu.memref_slice %arg3[%add3A_363, %dma_start3A_1744] : memref<1024x512xf32, #tpu.memory_space<hbm>> -> memref<1x512xf32, #tpu.memory_space<hbm>>
    %dma_start3A_1746 = arith.constant 0 : i32
    %dma_start3A_1747 = tpu.memref_slice %arg3[%add3A_363, %dma_start3A_1746] : memref<1024x512xf32, #tpu.memory_space<hbm>> -> memref<1x512xf32, #tpu.memory_space<hbm>>
    %dma_start3A_1748 = arith.constant 0 : i32
    %dma_start3A_1749 = tpu.memref_slice %arg4[%max3A_414, %dma_start3A_1748] : memref<32x512xf32, #tpu.memory_space<vmem>> -> memref<1x512xf32, #tpu.memory_space<vmem>>
    tpu.enqueue_dma source(%dma_start3A_1749 : memref<1x512xf32, #tpu.memory_space<vmem>>) target(%dma_start3A_1747 : memref<1x512xf32, #tpu.memory_space<hbm>>) target_semaphore(%arg5 : memref<!tpu.dma_semaphore, #tpu.memory_space<semaphore_mem>>)
    %dma_start3A_1750 = arith.constant 0 : i32
    %dma_start3A_1751 = tpu.memref_slice %arg4[%max3A_467, %dma_start3A_1750] : memref<32x512xf32, #tpu.memory_space<vmem>> -> memref<1x512xf32, #tpu.memory_space<vmem>>
    %dma_start3A_1752 = arith.constant 0 : i32
    %dma_start3A_1753 = tpu.memref_slice %arg3[%add3A_416, %dma_start3A_1752] : memref<1024x512xf32, #tpu.memory_space<hbm>> -> memref<1x512xf32, #tpu.memory_space<hbm>>
    %dma_start3A_1754 = arith.constant 0 : i32
    %dma_start3A_1755 = tpu.memref_slice %arg3[%add3A_416, %dma_start3A_1754] : memref<1024x512xf32, #tpu.memory_space<hbm>> -> memref<1x512xf32, #tpu.memory_space<hbm>>
    %dma_start3A_1756 = arith.constant 0 : i32
    %dma_start3A_1757 = tpu.memref_slice %arg4[%max3A_467, %dma_start3A_1756] : memref<32x512xf32, #tpu.memory_space<vmem>> -> memref<1x512xf32, #tpu.memory_space<vmem>>
    tpu.enqueue_dma source(%dma_start3A_1757 : memref<1x512xf32, #tpu.memory_space<vmem>>) target(%dma_start3A_1755 : memref<1x512xf32, #tpu.memory_space<hbm>>) target_semaphore(%arg5 : memref<!tpu.dma_semaphore, #tpu.memory_space<semaphore_mem>>)
    %dma_start3A_1758 = arith.constant 0 : i32
    %dma_start3A_1759 = tpu.memref_slice %arg4[%max3A_520, %dma_start3A_1758] : memref<32x512xf32, #tpu.memory_space<vmem>> -> memref<1x512xf32, #tpu.memory_space<vmem>>
    %dma_start3A_1760 = arith.constant 0 : i32
    %dma_start3A_1761 = tpu.memref_slice %arg3[%add3A_469, %dma_start3A_1760] : memref<1024x512xf32, #tpu.memory_space<hbm>> -> memref<1x512xf32, #tpu.memory_space<hbm>>
    %dma_start3A_1762 = arith.constant 0 : i32
    %dma_start3A_1763 = tpu.memref_slice %arg3[%add3A_469, %dma_start3A_1762] : memref<1024x512xf32, #tpu.memory_space<hbm>> -> memref<1x512xf32, #tpu.memory_space<hbm>>
    %dma_start3A_1764 = arith.constant 0 : i32
    %dma_start3A_1765 = tpu.memref_slice %arg4[%max3A_520, %dma_start3A_1764] : memref<32x512xf32, #tpu.memory_space<vmem>> -> memref<1x512xf32, #tpu.memory_space<vmem>>
    tpu.enqueue_dma source(%dma_start3A_1765 : memref<1x512xf32, #tpu.memory_space<vmem>>) target(%dma_start3A_1763 : memref<1x512xf32, #tpu.memory_space<hbm>>) target_semaphore(%arg5 : memref<!tpu.dma_semaphore, #tpu.memory_space<semaphore_mem>>)
    %dma_start3A_1766 = arith.constant 0 : i32
    %dma_start3A_1767 = tpu.memref_slice %arg4[%max3A_573, %dma_start3A_1766] : memref<32x512xf32, #tpu.memory_space<vmem>> -> memref<1x512xf32, #tpu.memory_space<vmem>>
    %dma_start3A_1768 = arith.constant 0 : i32
    %dma_start3A_1769 = tpu.memref_slice %arg3[%add3A_522, %dma_start3A_1768] : memref<1024x512xf32, #tpu.memory_space<hbm>> -> memref<1x512xf32, #tpu.memory_space<hbm>>
    %dma_start3A_1770 = arith.constant 0 : i32
    %dma_start3A_1771 = tpu.memref_slice %arg3[%add3A_522, %dma_start3A_1770] : memref<1024x512xf32, #tpu.memory_space<hbm>> -> memref<1x512xf32, #tpu.memory_space<hbm>>
    %dma_start3A_1772 = arith.constant 0 : i32
    %dma_start3A_1773 = tpu.memref_slice %arg4[%max3A_573, %dma_start3A_1772] : memref<32x512xf32, #tpu.memory_space<vmem>> -> memref<1x512xf32, #tpu.memory_space<vmem>>
    tpu.enqueue_dma source(%dma_start3A_1773 : memref<1x512xf32, #tpu.memory_space<vmem>>) target(%dma_start3A_1771 : memref<1x512xf32, #tpu.memory_space<hbm>>) target_semaphore(%arg5 : memref<!tpu.dma_semaphore, #tpu.memory_space<semaphore_mem>>)
    %dma_start3A_1774 = arith.constant 0 : i32
    %dma_start3A_1775 = tpu.memref_slice %arg4[%max3A_626, %dma_start3A_1774] : memref<32x512xf32, #tpu.memory_space<vmem>> -> memref<1x512xf32, #tpu.memory_space<vmem>>
    %dma_start3A_1776 = arith.constant 0 : i32
    %dma_start3A_1777 = tpu.memref_slice %arg3[%add3A_575, %dma_start3A_1776] : memref<1024x512xf32, #tpu.memory_space<hbm>> -> memref<1x512xf32, #tpu.memory_space<hbm>>
    %dma_start3A_1778 = arith.constant 0 : i32
    %dma_start3A_1779 = tpu.memref_slice %arg3[%add3A_575, %dma_start3A_1778] : memref<1024x512xf32, #tpu.memory_space<hbm>> -> memref<1x512xf32, #tpu.memory_space<hbm>>
    %dma_start3A_1780 = arith.constant 0 : i32
    %dma_start3A_1781 = tpu.memref_slice %arg4[%max3A_626, %dma_start3A_1780] : memref<32x512xf32, #tpu.memory_space<vmem>> -> memref<1x512xf32, #tpu.memory_space<vmem>>
    tpu.enqueue_dma source(%dma_start3A_1781 : memref<1x512xf32, #tpu.memory_space<vmem>>) target(%dma_start3A_1779 : memref<1x512xf32, #tpu.memory_space<hbm>>) target_semaphore(%arg5 : memref<!tpu.dma_semaphore, #tpu.memory_space<semaphore_mem>>)
    %dma_start3A_1782 = arith.constant 0 : i32
    %dma_start3A_1783 = tpu.memref_slice %arg4[%max3A_679, %dma_start3A_1782] : memref<32x512xf32, #tpu.memory_space<vmem>> -> memref<1x512xf32, #tpu.memory_space<vmem>>
    %dma_start3A_1784 = arith.constant 0 : i32
    %dma_start3A_1785 = tpu.memref_slice %arg3[%add3A_628, %dma_start3A_1784] : memref<1024x512xf32, #tpu.memory_space<hbm>> -> memref<1x512xf32, #tpu.memory_space<hbm>>
    %dma_start3A_1786 = arith.constant 0 : i32
    %dma_start3A_1787 = tpu.memref_slice %arg3[%add3A_628, %dma_start3A_1786] : memref<1024x512xf32, #tpu.memory_space<hbm>> -> memref<1x512xf32, #tpu.memory_space<hbm>>
    %dma_start3A_1788 = arith.constant 0 : i32
    %dma_start3A_1789 = tpu.memref_slice %arg4[%max3A_679, %dma_start3A_1788] : memref<32x512xf32, #tpu.memory_space<vmem>> -> memref<1x512xf32, #tpu.memory_space<vmem>>
    tpu.enqueue_dma source(%dma_start3A_1789 : memref<1x512xf32, #tpu.memory_space<vmem>>) target(%dma_start3A_1787 : memref<1x512xf32, #tpu.memory_space<hbm>>) target_semaphore(%arg5 : memref<!tpu.dma_semaphore, #tpu.memory_space<semaphore_mem>>)
    %dma_start3A_1790 = arith.constant 0 : i32
    %dma_start3A_1791 = tpu.memref_slice %arg4[%max3A_732, %dma_start3A_1790] : memref<32x512xf32, #tpu.memory_space<vmem>> -> memref<1x512xf32, #tpu.memory_space<vmem>>
    %dma_start3A_1792 = arith.constant 0 : i32
    %dma_start3A_1793 = tpu.memref_slice %arg3[%add3A_681, %dma_start3A_1792] : memref<1024x512xf32, #tpu.memory_space<hbm>> -> memref<1x512xf32, #tpu.memory_space<hbm>>
    %dma_start3A_1794 = arith.constant 0 : i32
    %dma_start3A_1795 = tpu.memref_slice %arg3[%add3A_681, %dma_start3A_1794] : memref<1024x512xf32, #tpu.memory_space<hbm>> -> memref<1x512xf32, #tpu.memory_space<hbm>>
    %dma_start3A_1796 = arith.constant 0 : i32
    %dma_start3A_1797 = tpu.memref_slice %arg4[%max3A_732, %dma_start3A_1796] : memref<32x512xf32, #tpu.memory_space<vmem>> -> memref<1x512xf32, #tpu.memory_space<vmem>>
    tpu.enqueue_dma source(%dma_start3A_1797 : memref<1x512xf32, #tpu.memory_space<vmem>>) target(%dma_start3A_1795 : memref<1x512xf32, #tpu.memory_space<hbm>>) target_semaphore(%arg5 : memref<!tpu.dma_semaphore, #tpu.memory_space<semaphore_mem>>)
    %dma_start3A_1798 = arith.constant 0 : i32
    %dma_start3A_1799 = tpu.memref_slice %arg4[%max3A_785, %dma_start3A_1798] : memref<32x512xf32, #tpu.memory_space<vmem>> -> memref<1x512xf32, #tpu.memory_space<vmem>>
    %dma_start3A_1800 = arith.constant 0 : i32
    %dma_start3A_1801 = tpu.memref_slice %arg3[%add3A_734, %dma_start3A_1800] : memref<1024x512xf32, #tpu.memory_space<hbm>> -> memref<1x512xf32, #tpu.memory_space<hbm>>
    %dma_start3A_1802 = arith.constant 0 : i32
    %dma_start3A_1803 = tpu.memref_slice %arg3[%add3A_734, %dma_start3A_1802] : memref<1024x512xf32, #tpu.memory_space<hbm>> -> memref<1x512xf32, #tpu.memory_space<hbm>>
    %dma_start3A_1804 = arith.constant 0 : i32
    %dma_start3A_1805 = tpu.memref_slice %arg4[%max3A_785, %dma_start3A_1804] : memref<32x512xf32, #tpu.memory_space<vmem>> -> memref<1x512xf32, #tpu.memory_space<vmem>>
    tpu.enqueue_dma source(%dma_start3A_1805 : memref<1x512xf32, #tpu.memory_space<vmem>>) target(%dma_start3A_1803 : memref<1x512xf32, #tpu.memory_space<hbm>>) target_semaphore(%arg5 : memref<!tpu.dma_semaphore, #tpu.memory_space<semaphore_mem>>)
    %dma_start3A_1806 = arith.constant 0 : i32
    %dma_start3A_1807 = tpu.memref_slice %arg4[%max3A_838, %dma_start3A_1806] : memref<32x512xf32, #tpu.memory_space<vmem>> -> memref<1x512xf32, #tpu.memory_space<vmem>>
    %dma_start3A_1808 = arith.constant 0 : i32
    %dma_start3A_1809 = tpu.memref_slice %arg3[%add3A_787, %dma_start3A_1808] : memref<1024x512xf32, #tpu.memory_space<hbm>> -> memref<1x512xf32, #tpu.memory_space<hbm>>
    %dma_start3A_1810 = arith.constant 0 : i32
    %dma_start3A_1811 = tpu.memref_slice %arg3[%add3A_787, %dma_start3A_1810] : memref<1024x512xf32, #tpu.memory_space<hbm>> -> memref<1x512xf32, #tpu.memory_space<hbm>>
    %dma_start3A_1812 = arith.constant 0 : i32
    %dma_start3A_1813 = tpu.memref_slice %arg4[%max3A_838, %dma_start3A_1812] : memref<32x512xf32, #tpu.memory_space<vmem>> -> memref<1x512xf32, #tpu.memory_space<vmem>>
    tpu.enqueue_dma source(%dma_start3A_1813 : memref<1x512xf32, #tpu.memory_space<vmem>>) target(%dma_start3A_1811 : memref<1x512xf32, #tpu.memory_space<hbm>>) target_semaphore(%arg5 : memref<!tpu.dma_semaphore, #tpu.memory_space<semaphore_mem>>)
    %dma_start3A_1814 = arith.constant 0 : i32
    %dma_start3A_1815 = tpu.memref_slice %arg4[%max3A_891, %dma_start3A_1814] : memref<32x512xf32, #tpu.memory_space<vmem>> -> memref<1x512xf32, #tpu.memory_space<vmem>>
    %dma_start3A_1816 = arith.constant 0 : i32
    %dma_start3A_1817 = tpu.memref_slice %arg3[%add3A_840, %dma_start3A_1816] : memref<1024x512xf32, #tpu.memory_space<hbm>> -> memref<1x512xf32, #tpu.memory_space<hbm>>
    %dma_start3A_1818 = arith.constant 0 : i32
    %dma_start3A_1819 = tpu.memref_slice %arg3[%add3A_840, %dma_start3A_1818] : memref<1024x512xf32, #tpu.memory_space<hbm>> -> memref<1x512xf32, #tpu.memory_space<hbm>>
    %dma_start3A_1820 = arith.constant 0 : i32
    %dma_start3A_1821 = tpu.memref_slice %arg4[%max3A_891, %dma_start3A_1820] : memref<32x512xf32, #tpu.memory_space<vmem>> -> memref<1x512xf32, #tpu.memory_space<vmem>>
    tpu.enqueue_dma source(%dma_start3A_1821 : memref<1x512xf32, #tpu.memory_space<vmem>>) target(%dma_start3A_1819 : memref<1x512xf32, #tpu.memory_space<hbm>>) target_semaphore(%arg5 : memref<!tpu.dma_semaphore, #tpu.memory_space<semaphore_mem>>)
    %dma_start3A_1822 = arith.constant 0 : i32
    %dma_start3A_1823 = tpu.memref_slice %arg4[%max3A_944, %dma_start3A_1822] : memref<32x512xf32, #tpu.memory_space<vmem>> -> memref<1x512xf32, #tpu.memory_space<vmem>>
    %dma_start3A_1824 = arith.constant 0 : i32
    %dma_start3A_1825 = tpu.memref_slice %arg3[%add3A_893, %dma_start3A_1824] : memref<1024x512xf32, #tpu.memory_space<hbm>> -> memref<1x512xf32, #tpu.memory_space<hbm>>
    %dma_start3A_1826 = arith.constant 0 : i32
    %dma_start3A_1827 = tpu.memref_slice %arg3[%add3A_893, %dma_start3A_1826] : memref<1024x512xf32, #tpu.memory_space<hbm>> -> memref<1x512xf32, #tpu.memory_space<hbm>>
    %dma_start3A_1828 = arith.constant 0 : i32
    %dma_start3A_1829 = tpu.memref_slice %arg4[%max3A_944, %dma_start3A_1828] : memref<32x512xf32, #tpu.memory_space<vmem>> -> memref<1x512xf32, #tpu.memory_space<vmem>>
    tpu.enqueue_dma source(%dma_start3A_1829 : memref<1x512xf32, #tpu.memory_space<vmem>>) target(%dma_start3A_1827 : memref<1x512xf32, #tpu.memory_space<hbm>>) target_semaphore(%arg5 : memref<!tpu.dma_semaphore, #tpu.memory_space<semaphore_mem>>)
    %dma_start3A_1830 = arith.constant 0 : i32
    %dma_start3A_1831 = tpu.memref_slice %arg4[%max3A_997, %dma_start3A_1830] : memref<32x512xf32, #tpu.memory_space<vmem>> -> memref<1x512xf32, #tpu.memory_space<vmem>>
    %dma_start3A_1832 = arith.constant 0 : i32
    %dma_start3A_1833 = tpu.memref_slice %arg3[%add3A_946, %dma_start3A_1832] : memref<1024x512xf32, #tpu.memory_space<hbm>> -> memref<1x512xf32, #tpu.memory_space<hbm>>
    %dma_start3A_1834 = arith.constant 0 : i32
    %dma_start3A_1835 = tpu.memref_slice %arg3[%add3A_946, %dma_start3A_1834] : memref<1024x512xf32, #tpu.memory_space<hbm>> -> memref<1x512xf32, #tpu.memory_space<hbm>>
    %dma_start3A_1836 = arith.constant 0 : i32
    %dma_start3A_1837 = tpu.memref_slice %arg4[%max3A_997, %dma_start3A_1836] : memref<32x512xf32, #tpu.memory_space<vmem>> -> memref<1x512xf32, #tpu.memory_space<vmem>>
    tpu.enqueue_dma source(%dma_start3A_1837 : memref<1x512xf32, #tpu.memory_space<vmem>>) target(%dma_start3A_1835 : memref<1x512xf32, #tpu.memory_space<hbm>>) target_semaphore(%arg5 : memref<!tpu.dma_semaphore, #tpu.memory_space<semaphore_mem>>)
    %dma_start3A_1838 = arith.constant 0 : i32
    %dma_start3A_1839 = tpu.memref_slice %arg4[%max3A_1050, %dma_start3A_1838] : memref<32x512xf32, #tpu.memory_space<vmem>> -> memref<1x512xf32, #tpu.memory_space<vmem>>
    %dma_start3A_1840 = arith.constant 0 : i32
    %dma_start3A_1841 = tpu.memref_slice %arg3[%add3A_999, %dma_start3A_1840] : memref<1024x512xf32, #tpu.memory_space<hbm>> -> memref<1x512xf32, #tpu.memory_space<hbm>>
    %dma_start3A_1842 = arith.constant 0 : i32
    %dma_start3A_1843 = tpu.memref_slice %arg3[%add3A_999, %dma_start3A_1842] : memref<1024x512xf32, #tpu.memory_space<hbm>> -> memref<1x512xf32, #tpu.memory_space<hbm>>
    %dma_start3A_1844 = arith.constant 0 : i32
    %dma_start3A_1845 = tpu.memref_slice %arg4[%max3A_1050, %dma_start3A_1844] : memref<32x512xf32, #tpu.memory_space<vmem>> -> memref<1x512xf32, #tpu.memory_space<vmem>>
    tpu.enqueue_dma source(%dma_start3A_1845 : memref<1x512xf32, #tpu.memory_space<vmem>>) target(%dma_start3A_1843 : memref<1x512xf32, #tpu.memory_space<hbm>>) target_semaphore(%arg5 : memref<!tpu.dma_semaphore, #tpu.memory_space<semaphore_mem>>)
    %dma_start3A_1846 = arith.constant 0 : i32
    %dma_start3A_1847 = tpu.memref_slice %arg4[%max3A_1103, %dma_start3A_1846] : memref<32x512xf32, #tpu.memory_space<vmem>> -> memref<1x512xf32, #tpu.memory_space<vmem>>
    %dma_start3A_1848 = arith.constant 0 : i32
    %dma_start3A_1849 = tpu.memref_slice %arg3[%add3A_1052, %dma_start3A_1848] : memref<1024x512xf32, #tpu.memory_space<hbm>> -> memref<1x512xf32, #tpu.memory_space<hbm>>
    %dma_start3A_1850 = arith.constant 0 : i32
    %dma_start3A_1851 = tpu.memref_slice %arg3[%add3A_1052, %dma_start3A_1850] : memref<1024x512xf32, #tpu.memory_space<hbm>> -> memref<1x512xf32, #tpu.memory_space<hbm>>
    %dma_start3A_1852 = arith.constant 0 : i32
    %dma_start3A_1853 = tpu.memref_slice %arg4[%max3A_1103, %dma_start3A_1852] : memref<32x512xf32, #tpu.memory_space<vmem>> -> memref<1x512xf32, #tpu.memory_space<vmem>>
    tpu.enqueue_dma source(%dma_start3A_1853 : memref<1x512xf32, #tpu.memory_space<vmem>>) target(%dma_start3A_1851 : memref<1x512xf32, #tpu.memory_space<hbm>>) target_semaphore(%arg5 : memref<!tpu.dma_semaphore, #tpu.memory_space<semaphore_mem>>)
    %dma_start3A_1854 = arith.constant 0 : i32
    %dma_start3A_1855 = tpu.memref_slice %arg4[%max3A_1156, %dma_start3A_1854] : memref<32x512xf32, #tpu.memory_space<vmem>> -> memref<1x512xf32, #tpu.memory_space<vmem>>
    %dma_start3A_1856 = arith.constant 0 : i32
    %dma_start3A_1857 = tpu.memref_slice %arg3[%add3A_1105, %dma_start3A_1856] : memref<1024x512xf32, #tpu.memory_space<hbm>> -> memref<1x512xf32, #tpu.memory_space<hbm>>
    %dma_start3A_1858 = arith.constant 0 : i32
    %dma_start3A_1859 = tpu.memref_slice %arg3[%add3A_1105, %dma_start3A_1858] : memref<1024x512xf32, #tpu.memory_space<hbm>> -> memref<1x512xf32, #tpu.memory_space<hbm>>
    %dma_start3A_1860 = arith.constant 0 : i32
    %dma_start3A_1861 = tpu.memref_slice %arg4[%max3A_1156, %dma_start3A_1860] : memref<32x512xf32, #tpu.memory_space<vmem>> -> memref<1x512xf32, #tpu.memory_space<vmem>>
    tpu.enqueue_dma source(%dma_start3A_1861 : memref<1x512xf32, #tpu.memory_space<vmem>>) target(%dma_start3A_1859 : memref<1x512xf32, #tpu.memory_space<hbm>>) target_semaphore(%arg5 : memref<!tpu.dma_semaphore, #tpu.memory_space<semaphore_mem>>)
    %dma_start3A_1862 = arith.constant 0 : i32
    %dma_start3A_1863 = tpu.memref_slice %arg4[%max3A_1209, %dma_start3A_1862] : memref<32x512xf32, #tpu.memory_space<vmem>> -> memref<1x512xf32, #tpu.memory_space<vmem>>
    %dma_start3A_1864 = arith.constant 0 : i32
    %dma_start3A_1865 = tpu.memref_slice %arg3[%add3A_1158, %dma_start3A_1864] : memref<1024x512xf32, #tpu.memory_space<hbm>> -> memref<1x512xf32, #tpu.memory_space<hbm>>
    %dma_start3A_1866 = arith.constant 0 : i32
    %dma_start3A_1867 = tpu.memref_slice %arg3[%add3A_1158, %dma_start3A_1866] : memref<1024x512xf32, #tpu.memory_space<hbm>> -> memref<1x512xf32, #tpu.memory_space<hbm>>
    %dma_start3A_1868 = arith.constant 0 : i32
    %dma_start3A_1869 = tpu.memref_slice %arg4[%max3A_1209, %dma_start3A_1868] : memref<32x512xf32, #tpu.memory_space<vmem>> -> memref<1x512xf32, #tpu.memory_space<vmem>>
    tpu.enqueue_dma source(%dma_start3A_1869 : memref<1x512xf32, #tpu.memory_space<vmem>>) target(%dma_start3A_1867 : memref<1x512xf32, #tpu.memory_space<hbm>>) target_semaphore(%arg5 : memref<!tpu.dma_semaphore, #tpu.memory_space<semaphore_mem>>)
    %dma_start3A_1870 = arith.constant 0 : i32
    %dma_start3A_1871 = tpu.memref_slice %arg4[%max3A_1262, %dma_start3A_1870] : memref<32x512xf32, #tpu.memory_space<vmem>> -> memref<1x512xf32, #tpu.memory_space<vmem>>
    %dma_start3A_1872 = arith.constant 0 : i32
    %dma_start3A_1873 = tpu.memref_slice %arg3[%add3A_1211, %dma_start3A_1872] : memref<1024x512xf32, #tpu.memory_space<hbm>> -> memref<1x512xf32, #tpu.memory_space<hbm>>
    %dma_start3A_1874 = arith.constant 0 : i32
    %dma_start3A_1875 = tpu.memref_slice %arg3[%add3A_1211, %dma_start3A_1874] : memref<1024x512xf32, #tpu.memory_space<hbm>> -> memref<1x512xf32, #tpu.memory_space<hbm>>
    %dma_start3A_1876 = arith.constant 0 : i32
    %dma_start3A_1877 = tpu.memref_slice %arg4[%max3A_1262, %dma_start3A_1876] : memref<32x512xf32, #tpu.memory_space<vmem>> -> memref<1x512xf32, #tpu.memory_space<vmem>>
    tpu.enqueue_dma source(%dma_start3A_1877 : memref<1x512xf32, #tpu.memory_space<vmem>>) target(%dma_start3A_1875 : memref<1x512xf32, #tpu.memory_space<hbm>>) target_semaphore(%arg5 : memref<!tpu.dma_semaphore, #tpu.memory_space<semaphore_mem>>)
    %dma_start3A_1878 = arith.constant 0 : i32
    %dma_start3A_1879 = tpu.memref_slice %arg4[%max3A_1315, %dma_start3A_1878] : memref<32x512xf32, #tpu.memory_space<vmem>> -> memref<1x512xf32, #tpu.memory_space<vmem>>
    %dma_start3A_1880 = arith.constant 0 : i32
    %dma_start3A_1881 = tpu.memref_slice %arg3[%add3A_1264, %dma_start3A_1880] : memref<1024x512xf32, #tpu.memory_space<hbm>> -> memref<1x512xf32, #tpu.memory_space<hbm>>
    %dma_start3A_1882 = arith.constant 0 : i32
    %dma_start3A_1883 = tpu.memref_slice %arg3[%add3A_1264, %dma_start3A_1882] : memref<1024x512xf32, #tpu.memory_space<hbm>> -> memref<1x512xf32, #tpu.memory_space<hbm>>
    %dma_start3A_1884 = arith.constant 0 : i32
    %dma_start3A_1885 = tpu.memref_slice %arg4[%max3A_1315, %dma_start3A_1884] : memref<32x512xf32, #tpu.memory_space<vmem>> -> memref<1x512xf32, #tpu.memory_space<vmem>>
    tpu.enqueue_dma source(%dma_start3A_1885 : memref<1x512xf32, #tpu.memory_space<vmem>>) target(%dma_start3A_1883 : memref<1x512xf32, #tpu.memory_space<hbm>>) target_semaphore(%arg5 : memref<!tpu.dma_semaphore, #tpu.memory_space<semaphore_mem>>)
    %dma_start3A_1886 = arith.constant 0 : i32
    %dma_start3A_1887 = tpu.memref_slice %arg4[%max3A_1368, %dma_start3A_1886] : memref<32x512xf32, #tpu.memory_space<vmem>> -> memref<1x512xf32, #tpu.memory_space<vmem>>
    %dma_start3A_1888 = arith.constant 0 : i32
    %dma_start3A_1889 = tpu.memref_slice %arg3[%add3A_1317, %dma_start3A_1888] : memref<1024x512xf32, #tpu.memory_space<hbm>> -> memref<1x512xf32, #tpu.memory_space<hbm>>
    %dma_start3A_1890 = arith.constant 0 : i32
    %dma_start3A_1891 = tpu.memref_slice %arg3[%add3A_1317, %dma_start3A_1890] : memref<1024x512xf32, #tpu.memory_space<hbm>> -> memref<1x512xf32, #tpu.memory_space<hbm>>
    %dma_start3A_1892 = arith.constant 0 : i32
    %dma_start3A_1893 = tpu.memref_slice %arg4[%max3A_1368, %dma_start3A_1892] : memref<32x512xf32, #tpu.memory_space<vmem>> -> memref<1x512xf32, #tpu.memory_space<vmem>>
    tpu.enqueue_dma source(%dma_start3A_1893 : memref<1x512xf32, #tpu.memory_space<vmem>>) target(%dma_start3A_1891 : memref<1x512xf32, #tpu.memory_space<hbm>>) target_semaphore(%arg5 : memref<!tpu.dma_semaphore, #tpu.memory_space<semaphore_mem>>)
    %dma_start3A_1894 = arith.constant 0 : i32
    %dma_start3A_1895 = tpu.memref_slice %arg4[%max3A_1421, %dma_start3A_1894] : memref<32x512xf32, #tpu.memory_space<vmem>> -> memref<1x512xf32, #tpu.memory_space<vmem>>
    %dma_start3A_1896 = arith.constant 0 : i32
    %dma_start3A_1897 = tpu.memref_slice %arg3[%add3A_1370, %dma_start3A_1896] : memref<1024x512xf32, #tpu.memory_space<hbm>> -> memref<1x512xf32, #tpu.memory_space<hbm>>
    %dma_start3A_1898 = arith.constant 0 : i32
    %dma_start3A_1899 = tpu.memref_slice %arg3[%add3A_1370, %dma_start3A_1898] : memref<1024x512xf32, #tpu.memory_space<hbm>> -> memref<1x512xf32, #tpu.memory_space<hbm>>
    %dma_start3A_1900 = arith.constant 0 : i32
    %dma_start3A_1901 = tpu.memref_slice %arg4[%max3A_1421, %dma_start3A_1900] : memref<32x512xf32, #tpu.memory_space<vmem>> -> memref<1x512xf32, #tpu.memory_space<vmem>>
    tpu.enqueue_dma source(%dma_start3A_1901 : memref<1x512xf32, #tpu.memory_space<vmem>>) target(%dma_start3A_1899 : memref<1x512xf32, #tpu.memory_space<hbm>>) target_semaphore(%arg5 : memref<!tpu.dma_semaphore, #tpu.memory_space<semaphore_mem>>)
    %dma_start3A_1902 = arith.constant 0 : i32
    %dma_start3A_1903 = tpu.memref_slice %arg4[%max3A_1474, %dma_start3A_1902] : memref<32x512xf32, #tpu.memory_space<vmem>> -> memref<1x512xf32, #tpu.memory_space<vmem>>
    %dma_start3A_1904 = arith.constant 0 : i32
    %dma_start3A_1905 = tpu.memref_slice %arg3[%add3A_1423, %dma_start3A_1904] : memref<1024x512xf32, #tpu.memory_space<hbm>> -> memref<1x512xf32, #tpu.memory_space<hbm>>
    %dma_start3A_1906 = arith.constant 0 : i32
    %dma_start3A_1907 = tpu.memref_slice %arg3[%add3A_1423, %dma_start3A_1906] : memref<1024x512xf32, #tpu.memory_space<hbm>> -> memref<1x512xf32, #tpu.memory_space<hbm>>
    %dma_start3A_1908 = arith.constant 0 : i32
    %dma_start3A_1909 = tpu.memref_slice %arg4[%max3A_1474, %dma_start3A_1908] : memref<32x512xf32, #tpu.memory_space<vmem>> -> memref<1x512xf32, #tpu.memory_space<vmem>>
    tpu.enqueue_dma source(%dma_start3A_1909 : memref<1x512xf32, #tpu.memory_space<vmem>>) target(%dma_start3A_1907 : memref<1x512xf32, #tpu.memory_space<hbm>>) target_semaphore(%arg5 : memref<!tpu.dma_semaphore, #tpu.memory_space<semaphore_mem>>)
    %dma_start3A_1910 = arith.constant 0 : i32
    %dma_start3A_1911 = tpu.memref_slice %arg4[%max3A_1527, %dma_start3A_1910] : memref<32x512xf32, #tpu.memory_space<vmem>> -> memref<1x512xf32, #tpu.memory_space<vmem>>
    %dma_start3A_1912 = arith.constant 0 : i32
    %dma_start3A_1913 = tpu.memref_slice %arg3[%add3A_1476, %dma_start3A_1912] : memref<1024x512xf32, #tpu.memory_space<hbm>> -> memref<1x512xf32, #tpu.memory_space<hbm>>
    %dma_start3A_1914 = arith.constant 0 : i32
    %dma_start3A_1915 = tpu.memref_slice %arg3[%add3A_1476, %dma_start3A_1914] : memref<1024x512xf32, #tpu.memory_space<hbm>> -> memref<1x512xf32, #tpu.memory_space<hbm>>
    %dma_start3A_1916 = arith.constant 0 : i32
    %dma_start3A_1917 = tpu.memref_slice %arg4[%max3A_1527, %dma_start3A_1916] : memref<32x512xf32, #tpu.memory_space<vmem>> -> memref<1x512xf32, #tpu.memory_space<vmem>>
    tpu.enqueue_dma source(%dma_start3A_1917 : memref<1x512xf32, #tpu.memory_space<vmem>>) target(%dma_start3A_1915 : memref<1x512xf32, #tpu.memory_space<hbm>>) target_semaphore(%arg5 : memref<!tpu.dma_semaphore, #tpu.memory_space<semaphore_mem>>)
    %dma_start3A_1918 = arith.constant 0 : i32
    %dma_start3A_1919 = tpu.memref_slice %arg4[%max3A_1580, %dma_start3A_1918] : memref<32x512xf32, #tpu.memory_space<vmem>> -> memref<1x512xf32, #tpu.memory_space<vmem>>
    %dma_start3A_1920 = arith.constant 0 : i32
    %dma_start3A_1921 = tpu.memref_slice %arg3[%add3A_1529, %dma_start3A_1920] : memref<1024x512xf32, #tpu.memory_space<hbm>> -> memref<1x512xf32, #tpu.memory_space<hbm>>
    %dma_start3A_1922 = arith.constant 0 : i32
    %dma_start3A_1923 = tpu.memref_slice %arg3[%add3A_1529, %dma_start3A_1922] : memref<1024x512xf32, #tpu.memory_space<hbm>> -> memref<1x512xf32, #tpu.memory_space<hbm>>
    %dma_start3A_1924 = arith.constant 0 : i32
    %dma_start3A_1925 = tpu.memref_slice %arg4[%max3A_1580, %dma_start3A_1924] : memref<32x512xf32, #tpu.memory_space<vmem>> -> memref<1x512xf32, #tpu.memory_space<vmem>>
    tpu.enqueue_dma source(%dma_start3A_1925 : memref<1x512xf32, #tpu.memory_space<vmem>>) target(%dma_start3A_1923 : memref<1x512xf32, #tpu.memory_space<hbm>>) target_semaphore(%arg5 : memref<!tpu.dma_semaphore, #tpu.memory_space<semaphore_mem>>)
    %dma_start3A_1926 = arith.constant 0 : i32
    %dma_start3A_1927 = tpu.memref_slice %arg4[%max3A_1633, %dma_start3A_1926] : memref<32x512xf32, #tpu.memory_space<vmem>> -> memref<1x512xf32, #tpu.memory_space<vmem>>
    %dma_start3A_1928 = arith.constant 0 : i32
    %dma_start3A_1929 = tpu.memref_slice %arg3[%add3A_1582, %dma_start3A_1928] : memref<1024x512xf32, #tpu.memory_space<hbm>> -> memref<1x512xf32, #tpu.memory_space<hbm>>
    %dma_start3A_1930 = arith.constant 0 : i32
    %dma_start3A_1931 = tpu.memref_slice %arg3[%add3A_1582, %dma_start3A_1930] : memref<1024x512xf32, #tpu.memory_space<hbm>> -> memref<1x512xf32, #tpu.memory_space<hbm>>
    %dma_start3A_1932 = arith.constant 0 : i32
    %dma_start3A_1933 = tpu.memref_slice %arg4[%max3A_1633, %dma_start3A_1932] : memref<32x512xf32, #tpu.memory_space<vmem>> -> memref<1x512xf32, #tpu.memory_space<vmem>>
    tpu.enqueue_dma source(%dma_start3A_1933 : memref<1x512xf32, #tpu.memory_space<vmem>>) target(%dma_start3A_1931 : memref<1x512xf32, #tpu.memory_space<hbm>>) target_semaphore(%arg5 : memref<!tpu.dma_semaphore, #tpu.memory_space<semaphore_mem>>)
    %dma_start3A_1934 = arith.constant 0 : i32
    %dma_start3A_1935 = tpu.memref_slice %arg4[%max3A_1686, %dma_start3A_1934] : memref<32x512xf32, #tpu.memory_space<vmem>> -> memref<1x512xf32, #tpu.memory_space<vmem>>
    %dma_start3A_1936 = arith.constant 0 : i32
    %dma_start3A_1937 = tpu.memref_slice %arg3[%add3A_1635, %dma_start3A_1936] : memref<1024x512xf32, #tpu.memory_space<hbm>> -> memref<1x512xf32, #tpu.memory_space<hbm>>
    %dma_start3A_1938 = arith.constant 0 : i32
    %dma_start3A_1939 = tpu.memref_slice %arg3[%add3A_1635, %dma_start3A_1938] : memref<1024x512xf32, #tpu.memory_space<hbm>> -> memref<1x512xf32, #tpu.memory_space<hbm>>
    %dma_start3A_1940 = arith.constant 0 : i32
    %dma_start3A_1941 = tpu.memref_slice %arg4[%max3A_1686, %dma_start3A_1940] : memref<32x512xf32, #tpu.memory_space<vmem>> -> memref<1x512xf32, #tpu.memory_space<vmem>>
    tpu.enqueue_dma source(%dma_start3A_1941 : memref<1x512xf32, #tpu.memory_space<vmem>>) target(%dma_start3A_1939 : memref<1x512xf32, #tpu.memory_space<hbm>>) target_semaphore(%arg5 : memref<!tpu.dma_semaphore, #tpu.memory_space<semaphore_mem>>)
    %dma_wait3A = arith.constant 0 : i32
    %dma_wait3A_1942 = tpu.memref_slice %arg4[%max3A_43, %dma_wait3A] : memref<32x512xf32, #tpu.memory_space<vmem>> -> memref<1x512xf32, #tpu.memory_space<vmem>>
    %dma_wait3A_1943 = arith.constant 0 : i32
    %dma_wait3A_1944 = tpu.memref_slice %arg3[%add3A_4, %dma_wait3A_1943] : memref<1024x512xf32, #tpu.memory_space<hbm>> -> memref<1x512xf32, #tpu.memory_space<hbm>>
    %dma_wait3A_1945 = arith.constant 0 : i32
    %dma_wait3A_1946 = tpu.memref_slice %arg3[%add3A_4, %dma_wait3A_1945] : memref<1024x512xf32, #tpu.memory_space<hbm>> -> memref<1x512xf32, #tpu.memory_space<hbm>>
    %dma_wait3A_1947 = arith.constant 0 : i32
    %dma_wait3A_1948 = tpu.memref_slice %arg4[%max3A_43, %dma_wait3A_1947] : memref<32x512xf32, #tpu.memory_space<vmem>> -> memref<1x512xf32, #tpu.memory_space<vmem>>
    tpu.wait_dma2 semaphore(%arg5 : memref<!tpu.dma_semaphore, #tpu.memory_space<semaphore_mem>>) src(%dma_wait3A_1948 : memref<1x512xf32, #tpu.memory_space<vmem>>) dst(%dma_wait3A_1946 : memref<1x512xf32, #tpu.memory_space<hbm>>)
    %dma_wait3A_1949 = arith.constant 0 : i32
    %dma_wait3A_1950 = tpu.memref_slice %arg4[%max3A_96, %dma_wait3A_1949] : memref<32x512xf32, #tpu.memory_space<vmem>> -> memref<1x512xf32, #tpu.memory_space<vmem>>
    %dma_wait3A_1951 = arith.constant 0 : i32
    %dma_wait3A_1952 = tpu.memref_slice %arg3[%add3A_45, %dma_wait3A_1951] : memref<1024x512xf32, #tpu.memory_space<hbm>> -> memref<1x512xf32, #tpu.memory_space<hbm>>
    %dma_wait3A_1953 = arith.constant 0 : i32
    %dma_wait3A_1954 = tpu.memref_slice %arg3[%add3A_45, %dma_wait3A_1953] : memref<1024x512xf32, #tpu.memory_space<hbm>> -> memref<1x512xf32, #tpu.memory_space<hbm>>
    %dma_wait3A_1955 = arith.constant 0 : i32
    %dma_wait3A_1956 = tpu.memref_slice %arg4[%max3A_96, %dma_wait3A_1955] : memref<32x512xf32, #tpu.memory_space<vmem>> -> memref<1x512xf32, #tpu.memory_space<vmem>>
    tpu.wait_dma2 semaphore(%arg5 : memref<!tpu.dma_semaphore, #tpu.memory_space<semaphore_mem>>) src(%dma_wait3A_1956 : memref<1x512xf32, #tpu.memory_space<vmem>>) dst(%dma_wait3A_1954 : memref<1x512xf32, #tpu.memory_space<hbm>>)
    %dma_wait3A_1957 = arith.constant 0 : i32
    %dma_wait3A_1958 = tpu.memref_slice %arg4[%max3A_149, %dma_wait3A_1957] : memref<32x512xf32, #tpu.memory_space<vmem>> -> memref<1x512xf32, #tpu.memory_space<vmem>>
    %dma_wait3A_1959 = arith.constant 0 : i32
    %dma_wait3A_1960 = tpu.memref_slice %arg3[%add3A_98, %dma_wait3A_1959] : memref<1024x512xf32, #tpu.memory_space<hbm>> -> memref<1x512xf32, #tpu.memory_space<hbm>>
    %dma_wait3A_1961 = arith.constant 0 : i32
    %dma_wait3A_1962 = tpu.memref_slice %arg3[%add3A_98, %dma_wait3A_1961] : memref<1024x512xf32, #tpu.memory_space<hbm>> -> memref<1x512xf32, #tpu.memory_space<hbm>>
    %dma_wait3A_1963 = arith.constant 0 : i32
    %dma_wait3A_1964 = tpu.memref_slice %arg4[%max3A_149, %dma_wait3A_1963] : memref<32x512xf32, #tpu.memory_space<vmem>> -> memref<1x512xf32, #tpu.memory_space<vmem>>
    tpu.wait_dma2 semaphore(%arg5 : memref<!tpu.dma_semaphore, #tpu.memory_space<semaphore_mem>>) src(%dma_wait3A_1964 : memref<1x512xf32, #tpu.memory_space<vmem>>) dst(%dma_wait3A_1962 : memref<1x512xf32, #tpu.memory_space<hbm>>)
    %dma_wait3A_1965 = arith.constant 0 : i32
    %dma_wait3A_1966 = tpu.memref_slice %arg4[%max3A_202, %dma_wait3A_1965] : memref<32x512xf32, #tpu.memory_space<vmem>> -> memref<1x512xf32, #tpu.memory_space<vmem>>
    %dma_wait3A_1967 = arith.constant 0 : i32
    %dma_wait3A_1968 = tpu.memref_slice %arg3[%add3A_151, %dma_wait3A_1967] : memref<1024x512xf32, #tpu.memory_space<hbm>> -> memref<1x512xf32, #tpu.memory_space<hbm>>
    %dma_wait3A_1969 = arith.constant 0 : i32
    %dma_wait3A_1970 = tpu.memref_slice %arg3[%add3A_151, %dma_wait3A_1969] : memref<1024x512xf32, #tpu.memory_space<hbm>> -> memref<1x512xf32, #tpu.memory_space<hbm>>
    %dma_wait3A_1971 = arith.constant 0 : i32
    %dma_wait3A_1972 = tpu.memref_slice %arg4[%max3A_202, %dma_wait3A_1971] : memref<32x512xf32, #tpu.memory_space<vmem>> -> memref<1x512xf32, #tpu.memory_space<vmem>>
    tpu.wait_dma2 semaphore(%arg5 : memref<!tpu.dma_semaphore, #tpu.memory_space<semaphore_mem>>) src(%dma_wait3A_1972 : memref<1x512xf32, #tpu.memory_space<vmem>>) dst(%dma_wait3A_1970 : memref<1x512xf32, #tpu.memory_space<hbm>>)
    %dma_wait3A_1973 = arith.constant 0 : i32
    %dma_wait3A_1974 = tpu.memref_slice %arg4[%max3A_255, %dma_wait3A_1973] : memref<32x512xf32, #tpu.memory_space<vmem>> -> memref<1x512xf32, #tpu.memory_space<vmem>>
    %dma_wait3A_1975 = arith.constant 0 : i32
    %dma_wait3A_1976 = tpu.memref_slice %arg3[%add3A_204, %dma_wait3A_1975] : memref<1024x512xf32, #tpu.memory_space<hbm>> -> memref<1x512xf32, #tpu.memory_space<hbm>>
    %dma_wait3A_1977 = arith.constant 0 : i32
    %dma_wait3A_1978 = tpu.memref_slice %arg3[%add3A_204, %dma_wait3A_1977] : memref<1024x512xf32, #tpu.memory_space<hbm>> -> memref<1x512xf32, #tpu.memory_space<hbm>>
    %dma_wait3A_1979 = arith.constant 0 : i32
    %dma_wait3A_1980 = tpu.memref_slice %arg4[%max3A_255, %dma_wait3A_1979] : memref<32x512xf32, #tpu.memory_space<vmem>> -> memref<1x512xf32, #tpu.memory_space<vmem>>
    tpu.wait_dma2 semaphore(%arg5 : memref<!tpu.dma_semaphore, #tpu.memory_space<semaphore_mem>>) src(%dma_wait3A_1980 : memref<1x512xf32, #tpu.memory_space<vmem>>) dst(%dma_wait3A_1978 : memref<1x512xf32, #tpu.memory_space<hbm>>)
    %dma_wait3A_1981 = arith.constant 0 : i32
    %dma_wait3A_1982 = tpu.memref_slice %arg4[%max3A_308, %dma_wait3A_1981] : memref<32x512xf32, #tpu.memory_space<vmem>> -> memref<1x512xf32, #tpu.memory_space<vmem>>
    %dma_wait3A_1983 = arith.constant 0 : i32
    %dma_wait3A_1984 = tpu.memref_slice %arg3[%add3A_257, %dma_wait3A_1983] : memref<1024x512xf32, #tpu.memory_space<hbm>> -> memref<1x512xf32, #tpu.memory_space<hbm>>
    %dma_wait3A_1985 = arith.constant 0 : i32
    %dma_wait3A_1986 = tpu.memref_slice %arg3[%add3A_257, %dma_wait3A_1985] : memref<1024x512xf32, #tpu.memory_space<hbm>> -> memref<1x512xf32, #tpu.memory_space<hbm>>
    %dma_wait3A_1987 = arith.constant 0 : i32
    %dma_wait3A_1988 = tpu.memref_slice %arg4[%max3A_308, %dma_wait3A_1987] : memref<32x512xf32, #tpu.memory_space<vmem>> -> memref<1x512xf32, #tpu.memory_space<vmem>>
    tpu.wait_dma2 semaphore(%arg5 : memref<!tpu.dma_semaphore, #tpu.memory_space<semaphore_mem>>) src(%dma_wait3A_1988 : memref<1x512xf32, #tpu.memory_space<vmem>>) dst(%dma_wait3A_1986 : memref<1x512xf32, #tpu.memory_space<hbm>>)
    %dma_wait3A_1989 = arith.constant 0 : i32
    %dma_wait3A_1990 = tpu.memref_slice %arg4[%max3A_361, %dma_wait3A_1989] : memref<32x512xf32, #tpu.memory_space<vmem>> -> memref<1x512xf32, #tpu.memory_space<vmem>>
    %dma_wait3A_1991 = arith.constant 0 : i32
    %dma_wait3A_1992 = tpu.memref_slice %arg3[%add3A_310, %dma_wait3A_1991] : memref<1024x512xf32, #tpu.memory_space<hbm>> -> memref<1x512xf32, #tpu.memory_space<hbm>>
    %dma_wait3A_1993 = arith.constant 0 : i32
    %dma_wait3A_1994 = tpu.memref_slice %arg3[%add3A_310, %dma_wait3A_1993] : memref<1024x512xf32, #tpu.memory_space<hbm>> -> memref<1x512xf32, #tpu.memory_space<hbm>>
    %dma_wait3A_1995 = arith.constant 0 : i32
    %dma_wait3A_1996 = tpu.memref_slice %arg4[%max3A_361, %dma_wait3A_1995] : memref<32x512xf32, #tpu.memory_space<vmem>> -> memref<1x512xf32, #tpu.memory_space<vmem>>
    tpu.wait_dma2 semaphore(%arg5 : memref<!tpu.dma_semaphore, #tpu.memory_space<semaphore_mem>>) src(%dma_wait3A_1996 : memref<1x512xf32, #tpu.memory_space<vmem>>) dst(%dma_wait3A_1994 : memref<1x512xf32, #tpu.memory_space<hbm>>)
    %dma_wait3A_1997 = arith.constant 0 : i32
    %dma_wait3A_1998 = tpu.memref_slice %arg4[%max3A_414, %dma_wait3A_1997] : memref<32x512xf32, #tpu.memory_space<vmem>> -> memref<1x512xf32, #tpu.memory_space<vmem>>
    %dma_wait3A_1999 = arith.constant 0 : i32
    %dma_wait3A_2000 = tpu.memref_slice %arg3[%add3A_363, %dma_wait3A_1999] : memref<1024x512xf32, #tpu.memory_space<hbm>> -> memref<1x512xf32, #tpu.memory_space<hbm>>
    %dma_wait3A_2001 = arith.constant 0 : i32
    %dma_wait3A_2002 = tpu.memref_slice %arg3[%add3A_363, %dma_wait3A_2001] : memref<1024x512xf32, #tpu.memory_space<hbm>> -> memref<1x512xf32, #tpu.memory_space<hbm>>
    %dma_wait3A_2003 = arith.constant 0 : i32
    %dma_wait3A_2004 = tpu.memref_slice %arg4[%max3A_414, %dma_wait3A_2003] : memref<32x512xf32, #tpu.memory_space<vmem>> -> memref<1x512xf32, #tpu.memory_space<vmem>>
    tpu.wait_dma2 semaphore(%arg5 : memref<!tpu.dma_semaphore, #tpu.memory_space<semaphore_mem>>) src(%dma_wait3A_2004 : memref<1x512xf32, #tpu.memory_space<vmem>>) dst(%dma_wait3A_2002 : memref<1x512xf32, #tpu.memory_space<hbm>>)
    %dma_wait3A_2005 = arith.constant 0 : i32
    %dma_wait3A_2006 = tpu.memref_slice %arg4[%max3A_467, %dma_wait3A_2005] : memref<32x512xf32, #tpu.memory_space<vmem>> -> memref<1x512xf32, #tpu.memory_space<vmem>>
    %dma_wait3A_2007 = arith.constant 0 : i32
    %dma_wait3A_2008 = tpu.memref_slice %arg3[%add3A_416, %dma_wait3A_2007] : memref<1024x512xf32, #tpu.memory_space<hbm>> -> memref<1x512xf32, #tpu.memory_space<hbm>>
    %dma_wait3A_2009 = arith.constant 0 : i32
    %dma_wait3A_2010 = tpu.memref_slice %arg3[%add3A_416, %dma_wait3A_2009] : memref<1024x512xf32, #tpu.memory_space<hbm>> -> memref<1x512xf32, #tpu.memory_space<hbm>>
    %dma_wait3A_2011 = arith.constant 0 : i32
    %dma_wait3A_2012 = tpu.memref_slice %arg4[%max3A_467, %dma_wait3A_2011] : memref<32x512xf32, #tpu.memory_space<vmem>> -> memref<1x512xf32, #tpu.memory_space<vmem>>
    tpu.wait_dma2 semaphore(%arg5 : memref<!tpu.dma_semaphore, #tpu.memory_space<semaphore_mem>>) src(%dma_wait3A_2012 : memref<1x512xf32, #tpu.memory_space<vmem>>) dst(%dma_wait3A_2010 : memref<1x512xf32, #tpu.memory_space<hbm>>)
    %dma_wait3A_2013 = arith.constant 0 : i32
    %dma_wait3A_2014 = tpu.memref_slice %arg4[%max3A_520, %dma_wait3A_2013] : memref<32x512xf32, #tpu.memory_space<vmem>> -> memref<1x512xf32, #tpu.memory_space<vmem>>
    %dma_wait3A_2015 = arith.constant 0 : i32
    %dma_wait3A_2016 = tpu.memref_slice %arg3[%add3A_469, %dma_wait3A_2015] : memref<1024x512xf32, #tpu.memory_space<hbm>> -> memref<1x512xf32, #tpu.memory_space<hbm>>
    %dma_wait3A_2017 = arith.constant 0 : i32
    %dma_wait3A_2018 = tpu.memref_slice %arg3[%add3A_469, %dma_wait3A_2017] : memref<1024x512xf32, #tpu.memory_space<hbm>> -> memref<1x512xf32, #tpu.memory_space<hbm>>
    %dma_wait3A_2019 = arith.constant 0 : i32
    %dma_wait3A_2020 = tpu.memref_slice %arg4[%max3A_520, %dma_wait3A_2019] : memref<32x512xf32, #tpu.memory_space<vmem>> -> memref<1x512xf32, #tpu.memory_space<vmem>>
    tpu.wait_dma2 semaphore(%arg5 : memref<!tpu.dma_semaphore, #tpu.memory_space<semaphore_mem>>) src(%dma_wait3A_2020 : memref<1x512xf32, #tpu.memory_space<vmem>>) dst(%dma_wait3A_2018 : memref<1x512xf32, #tpu.memory_space<hbm>>)
    %dma_wait3A_2021 = arith.constant 0 : i32
    %dma_wait3A_2022 = tpu.memref_slice %arg4[%max3A_573, %dma_wait3A_2021] : memref<32x512xf32, #tpu.memory_space<vmem>> -> memref<1x512xf32, #tpu.memory_space<vmem>>
    %dma_wait3A_2023 = arith.constant 0 : i32
    %dma_wait3A_2024 = tpu.memref_slice %arg3[%add3A_522, %dma_wait3A_2023] : memref<1024x512xf32, #tpu.memory_space<hbm>> -> memref<1x512xf32, #tpu.memory_space<hbm>>
    %dma_wait3A_2025 = arith.constant 0 : i32
    %dma_wait3A_2026 = tpu.memref_slice %arg3[%add3A_522, %dma_wait3A_2025] : memref<1024x512xf32, #tpu.memory_space<hbm>> -> memref<1x512xf32, #tpu.memory_space<hbm>>
    %dma_wait3A_2027 = arith.constant 0 : i32
    %dma_wait3A_2028 = tpu.memref_slice %arg4[%max3A_573, %dma_wait3A_2027] : memref<32x512xf32, #tpu.memory_space<vmem>> -> memref<1x512xf32, #tpu.memory_space<vmem>>
    tpu.wait_dma2 semaphore(%arg5 : memref<!tpu.dma_semaphore, #tpu.memory_space<semaphore_mem>>) src(%dma_wait3A_2028 : memref<1x512xf32, #tpu.memory_space<vmem>>) dst(%dma_wait3A_2026 : memref<1x512xf32, #tpu.memory_space<hbm>>)
    %dma_wait3A_2029 = arith.constant 0 : i32
    %dma_wait3A_2030 = tpu.memref_slice %arg4[%max3A_626, %dma_wait3A_2029] : memref<32x512xf32, #tpu.memory_space<vmem>> -> memref<1x512xf32, #tpu.memory_space<vmem>>
    %dma_wait3A_2031 = arith.constant 0 : i32
    %dma_wait3A_2032 = tpu.memref_slice %arg3[%add3A_575, %dma_wait3A_2031] : memref<1024x512xf32, #tpu.memory_space<hbm>> -> memref<1x512xf32, #tpu.memory_space<hbm>>
    %dma_wait3A_2033 = arith.constant 0 : i32
    %dma_wait3A_2034 = tpu.memref_slice %arg3[%add3A_575, %dma_wait3A_2033] : memref<1024x512xf32, #tpu.memory_space<hbm>> -> memref<1x512xf32, #tpu.memory_space<hbm>>
    %dma_wait3A_2035 = arith.constant 0 : i32
    %dma_wait3A_2036 = tpu.memref_slice %arg4[%max3A_626, %dma_wait3A_2035] : memref<32x512xf32, #tpu.memory_space<vmem>> -> memref<1x512xf32, #tpu.memory_space<vmem>>
    tpu.wait_dma2 semaphore(%arg5 : memref<!tpu.dma_semaphore, #tpu.memory_space<semaphore_mem>>) src(%dma_wait3A_2036 : memref<1x512xf32, #tpu.memory_space<vmem>>) dst(%dma_wait3A_2034 : memref<1x512xf32, #tpu.memory_space<hbm>>)
    %dma_wait3A_2037 = arith.constant 0 : i32
    %dma_wait3A_2038 = tpu.memref_slice %arg4[%max3A_679, %dma_wait3A_2037] : memref<32x512xf32, #tpu.memory_space<vmem>> -> memref<1x512xf32, #tpu.memory_space<vmem>>
    %dma_wait3A_2039 = arith.constant 0 : i32
    %dma_wait3A_2040 = tpu.memref_slice %arg3[%add3A_628, %dma_wait3A_2039] : memref<1024x512xf32, #tpu.memory_space<hbm>> -> memref<1x512xf32, #tpu.memory_space<hbm>>
    %dma_wait3A_2041 = arith.constant 0 : i32
    %dma_wait3A_2042 = tpu.memref_slice %arg3[%add3A_628, %dma_wait3A_2041] : memref<1024x512xf32, #tpu.memory_space<hbm>> -> memref<1x512xf32, #tpu.memory_space<hbm>>
    %dma_wait3A_2043 = arith.constant 0 : i32
    %dma_wait3A_2044 = tpu.memref_slice %arg4[%max3A_679, %dma_wait3A_2043] : memref<32x512xf32, #tpu.memory_space<vmem>> -> memref<1x512xf32, #tpu.memory_space<vmem>>
    tpu.wait_dma2 semaphore(%arg5 : memref<!tpu.dma_semaphore, #tpu.memory_space<semaphore_mem>>) src(%dma_wait3A_2044 : memref<1x512xf32, #tpu.memory_space<vmem>>) dst(%dma_wait3A_2042 : memref<1x512xf32, #tpu.memory_space<hbm>>)
    %dma_wait3A_2045 = arith.constant 0 : i32
    %dma_wait3A_2046 = tpu.memref_slice %arg4[%max3A_732, %dma_wait3A_2045] : memref<32x512xf32, #tpu.memory_space<vmem>> -> memref<1x512xf32, #tpu.memory_space<vmem>>
    %dma_wait3A_2047 = arith.constant 0 : i32
    %dma_wait3A_2048 = tpu.memref_slice %arg3[%add3A_681, %dma_wait3A_2047] : memref<1024x512xf32, #tpu.memory_space<hbm>> -> memref<1x512xf32, #tpu.memory_space<hbm>>
    %dma_wait3A_2049 = arith.constant 0 : i32
    %dma_wait3A_2050 = tpu.memref_slice %arg3[%add3A_681, %dma_wait3A_2049] : memref<1024x512xf32, #tpu.memory_space<hbm>> -> memref<1x512xf32, #tpu.memory_space<hbm>>
    %dma_wait3A_2051 = arith.constant 0 : i32
    %dma_wait3A_2052 = tpu.memref_slice %arg4[%max3A_732, %dma_wait3A_2051] : memref<32x512xf32, #tpu.memory_space<vmem>> -> memref<1x512xf32, #tpu.memory_space<vmem>>
    tpu.wait_dma2 semaphore(%arg5 : memref<!tpu.dma_semaphore, #tpu.memory_space<semaphore_mem>>) src(%dma_wait3A_2052 : memref<1x512xf32, #tpu.memory_space<vmem>>) dst(%dma_wait3A_2050 : memref<1x512xf32, #tpu.memory_space<hbm>>)
    %dma_wait3A_2053 = arith.constant 0 : i32
    %dma_wait3A_2054 = tpu.memref_slice %arg4[%max3A_785, %dma_wait3A_2053] : memref<32x512xf32, #tpu.memory_space<vmem>> -> memref<1x512xf32, #tpu.memory_space<vmem>>
    %dma_wait3A_2055 = arith.constant 0 : i32
    %dma_wait3A_2056 = tpu.memref_slice %arg3[%add3A_734, %dma_wait3A_2055] : memref<1024x512xf32, #tpu.memory_space<hbm>> -> memref<1x512xf32, #tpu.memory_space<hbm>>
    %dma_wait3A_2057 = arith.constant 0 : i32
    %dma_wait3A_2058 = tpu.memref_slice %arg3[%add3A_734, %dma_wait3A_2057] : memref<1024x512xf32, #tpu.memory_space<hbm>> -> memref<1x512xf32, #tpu.memory_space<hbm>>
    %dma_wait3A_2059 = arith.constant 0 : i32
    %dma_wait3A_2060 = tpu.memref_slice %arg4[%max3A_785, %dma_wait3A_2059] : memref<32x512xf32, #tpu.memory_space<vmem>> -> memref<1x512xf32, #tpu.memory_space<vmem>>
    tpu.wait_dma2 semaphore(%arg5 : memref<!tpu.dma_semaphore, #tpu.memory_space<semaphore_mem>>) src(%dma_wait3A_2060 : memref<1x512xf32, #tpu.memory_space<vmem>>) dst(%dma_wait3A_2058 : memref<1x512xf32, #tpu.memory_space<hbm>>)
    %dma_wait3A_2061 = arith.constant 0 : i32
    %dma_wait3A_2062 = tpu.memref_slice %arg4[%max3A_838, %dma_wait3A_2061] : memref<32x512xf32, #tpu.memory_space<vmem>> -> memref<1x512xf32, #tpu.memory_space<vmem>>
    %dma_wait3A_2063 = arith.constant 0 : i32
    %dma_wait3A_2064 = tpu.memref_slice %arg3[%add3A_787, %dma_wait3A_2063] : memref<1024x512xf32, #tpu.memory_space<hbm>> -> memref<1x512xf32, #tpu.memory_space<hbm>>
    %dma_wait3A_2065 = arith.constant 0 : i32
    %dma_wait3A_2066 = tpu.memref_slice %arg3[%add3A_787, %dma_wait3A_2065] : memref<1024x512xf32, #tpu.memory_space<hbm>> -> memref<1x512xf32, #tpu.memory_space<hbm>>
    %dma_wait3A_2067 = arith.constant 0 : i32
    %dma_wait3A_2068 = tpu.memref_slice %arg4[%max3A_838, %dma_wait3A_2067] : memref<32x512xf32, #tpu.memory_space<vmem>> -> memref<1x512xf32, #tpu.memory_space<vmem>>
    tpu.wait_dma2 semaphore(%arg5 : memref<!tpu.dma_semaphore, #tpu.memory_space<semaphore_mem>>) src(%dma_wait3A_2068 : memref<1x512xf32, #tpu.memory_space<vmem>>) dst(%dma_wait3A_2066 : memref<1x512xf32, #tpu.memory_space<hbm>>)
    %dma_wait3A_2069 = arith.constant 0 : i32
    %dma_wait3A_2070 = tpu.memref_slice %arg4[%max3A_891, %dma_wait3A_2069] : memref<32x512xf32, #tpu.memory_space<vmem>> -> memref<1x512xf32, #tpu.memory_space<vmem>>
    %dma_wait3A_2071 = arith.constant 0 : i32
    %dma_wait3A_2072 = tpu.memref_slice %arg3[%add3A_840, %dma_wait3A_2071] : memref<1024x512xf32, #tpu.memory_space<hbm>> -> memref<1x512xf32, #tpu.memory_space<hbm>>
    %dma_wait3A_2073 = arith.constant 0 : i32
    %dma_wait3A_2074 = tpu.memref_slice %arg3[%add3A_840, %dma_wait3A_2073] : memref<1024x512xf32, #tpu.memory_space<hbm>> -> memref<1x512xf32, #tpu.memory_space<hbm>>
    %dma_wait3A_2075 = arith.constant 0 : i32
    %dma_wait3A_2076 = tpu.memref_slice %arg4[%max3A_891, %dma_wait3A_2075] : memref<32x512xf32, #tpu.memory_space<vmem>> -> memref<1x512xf32, #tpu.memory_space<vmem>>
    tpu.wait_dma2 semaphore(%arg5 : memref<!tpu.dma_semaphore, #tpu.memory_space<semaphore_mem>>) src(%dma_wait3A_2076 : memref<1x512xf32, #tpu.memory_space<vmem>>) dst(%dma_wait3A_2074 : memref<1x512xf32, #tpu.memory_space<hbm>>)
    %dma_wait3A_2077 = arith.constant 0 : i32
    %dma_wait3A_2078 = tpu.memref_slice %arg4[%max3A_944, %dma_wait3A_2077] : memref<32x512xf32, #tpu.memory_space<vmem>> -> memref<1x512xf32, #tpu.memory_space<vmem>>
    %dma_wait3A_2079 = arith.constant 0 : i32
    %dma_wait3A_2080 = tpu.memref_slice %arg3[%add3A_893, %dma_wait3A_2079] : memref<1024x512xf32, #tpu.memory_space<hbm>> -> memref<1x512xf32, #tpu.memory_space<hbm>>
    %dma_wait3A_2081 = arith.constant 0 : i32
    %dma_wait3A_2082 = tpu.memref_slice %arg3[%add3A_893, %dma_wait3A_2081] : memref<1024x512xf32, #tpu.memory_space<hbm>> -> memref<1x512xf32, #tpu.memory_space<hbm>>
    %dma_wait3A_2083 = arith.constant 0 : i32
    %dma_wait3A_2084 = tpu.memref_slice %arg4[%max3A_944, %dma_wait3A_2083] : memref<32x512xf32, #tpu.memory_space<vmem>> -> memref<1x512xf32, #tpu.memory_space<vmem>>
    tpu.wait_dma2 semaphore(%arg5 : memref<!tpu.dma_semaphore, #tpu.memory_space<semaphore_mem>>) src(%dma_wait3A_2084 : memref<1x512xf32, #tpu.memory_space<vmem>>) dst(%dma_wait3A_2082 : memref<1x512xf32, #tpu.memory_space<hbm>>)
    %dma_wait3A_2085 = arith.constant 0 : i32
    %dma_wait3A_2086 = tpu.memref_slice %arg4[%max3A_997, %dma_wait3A_2085] : memref<32x512xf32, #tpu.memory_space<vmem>> -> memref<1x512xf32, #tpu.memory_space<vmem>>
    %dma_wait3A_2087 = arith.constant 0 : i32
    %dma_wait3A_2088 = tpu.memref_slice %arg3[%add3A_946, %dma_wait3A_2087] : memref<1024x512xf32, #tpu.memory_space<hbm>> -> memref<1x512xf32, #tpu.memory_space<hbm>>
    %dma_wait3A_2089 = arith.constant 0 : i32
    %dma_wait3A_2090 = tpu.memref_slice %arg3[%add3A_946, %dma_wait3A_2089] : memref<1024x512xf32, #tpu.memory_space<hbm>> -> memref<1x512xf32, #tpu.memory_space<hbm>>
    %dma_wait3A_2091 = arith.constant 0 : i32
    %dma_wait3A_2092 = tpu.memref_slice %arg4[%max3A_997, %dma_wait3A_2091] : memref<32x512xf32, #tpu.memory_space<vmem>> -> memref<1x512xf32, #tpu.memory_space<vmem>>
    tpu.wait_dma2 semaphore(%arg5 : memref<!tpu.dma_semaphore, #tpu.memory_space<semaphore_mem>>) src(%dma_wait3A_2092 : memref<1x512xf32, #tpu.memory_space<vmem>>) dst(%dma_wait3A_2090 : memref<1x512xf32, #tpu.memory_space<hbm>>)
    %dma_wait3A_2093 = arith.constant 0 : i32
    %dma_wait3A_2094 = tpu.memref_slice %arg4[%max3A_1050, %dma_wait3A_2093] : memref<32x512xf32, #tpu.memory_space<vmem>> -> memref<1x512xf32, #tpu.memory_space<vmem>>
    %dma_wait3A_2095 = arith.constant 0 : i32
    %dma_wait3A_2096 = tpu.memref_slice %arg3[%add3A_999, %dma_wait3A_2095] : memref<1024x512xf32, #tpu.memory_space<hbm>> -> memref<1x512xf32, #tpu.memory_space<hbm>>
    %dma_wait3A_2097 = arith.constant 0 : i32
    %dma_wait3A_2098 = tpu.memref_slice %arg3[%add3A_999, %dma_wait3A_2097] : memref<1024x512xf32, #tpu.memory_space<hbm>> -> memref<1x512xf32, #tpu.memory_space<hbm>>
    %dma_wait3A_2099 = arith.constant 0 : i32
    %dma_wait3A_2100 = tpu.memref_slice %arg4[%max3A_1050, %dma_wait3A_2099] : memref<32x512xf32, #tpu.memory_space<vmem>> -> memref<1x512xf32, #tpu.memory_space<vmem>>
    tpu.wait_dma2 semaphore(%arg5 : memref<!tpu.dma_semaphore, #tpu.memory_space<semaphore_mem>>) src(%dma_wait3A_2100 : memref<1x512xf32, #tpu.memory_space<vmem>>) dst(%dma_wait3A_2098 : memref<1x512xf32, #tpu.memory_space<hbm>>)
    %dma_wait3A_2101 = arith.constant 0 : i32
    %dma_wait3A_2102 = tpu.memref_slice %arg4[%max3A_1103, %dma_wait3A_2101] : memref<32x512xf32, #tpu.memory_space<vmem>> -> memref<1x512xf32, #tpu.memory_space<vmem>>
    %dma_wait3A_2103 = arith.constant 0 : i32
    %dma_wait3A_2104 = tpu.memref_slice %arg3[%add3A_1052, %dma_wait3A_2103] : memref<1024x512xf32, #tpu.memory_space<hbm>> -> memref<1x512xf32, #tpu.memory_space<hbm>>
    %dma_wait3A_2105 = arith.constant 0 : i32
    %dma_wait3A_2106 = tpu.memref_slice %arg3[%add3A_1052, %dma_wait3A_2105] : memref<1024x512xf32, #tpu.memory_space<hbm>> -> memref<1x512xf32, #tpu.memory_space<hbm>>
    %dma_wait3A_2107 = arith.constant 0 : i32
    %dma_wait3A_2108 = tpu.memref_slice %arg4[%max3A_1103, %dma_wait3A_2107] : memref<32x512xf32, #tpu.memory_space<vmem>> -> memref<1x512xf32, #tpu.memory_space<vmem>>
    tpu.wait_dma2 semaphore(%arg5 : memref<!tpu.dma_semaphore, #tpu.memory_space<semaphore_mem>>) src(%dma_wait3A_2108 : memref<1x512xf32, #tpu.memory_space<vmem>>) dst(%dma_wait3A_2106 : memref<1x512xf32, #tpu.memory_space<hbm>>)
    %dma_wait3A_2109 = arith.constant 0 : i32
    %dma_wait3A_2110 = tpu.memref_slice %arg4[%max3A_1156, %dma_wait3A_2109] : memref<32x512xf32, #tpu.memory_space<vmem>> -> memref<1x512xf32, #tpu.memory_space<vmem>>
    %dma_wait3A_2111 = arith.constant 0 : i32
    %dma_wait3A_2112 = tpu.memref_slice %arg3[%add3A_1105, %dma_wait3A_2111] : memref<1024x512xf32, #tpu.memory_space<hbm>> -> memref<1x512xf32, #tpu.memory_space<hbm>>
    %dma_wait3A_2113 = arith.constant 0 : i32
    %dma_wait3A_2114 = tpu.memref_slice %arg3[%add3A_1105, %dma_wait3A_2113] : memref<1024x512xf32, #tpu.memory_space<hbm>> -> memref<1x512xf32, #tpu.memory_space<hbm>>
    %dma_wait3A_2115 = arith.constant 0 : i32
    %dma_wait3A_2116 = tpu.memref_slice %arg4[%max3A_1156, %dma_wait3A_2115] : memref<32x512xf32, #tpu.memory_space<vmem>> -> memref<1x512xf32, #tpu.memory_space<vmem>>
    tpu.wait_dma2 semaphore(%arg5 : memref<!tpu.dma_semaphore, #tpu.memory_space<semaphore_mem>>) src(%dma_wait3A_2116 : memref<1x512xf32, #tpu.memory_space<vmem>>) dst(%dma_wait3A_2114 : memref<1x512xf32, #tpu.memory_space<hbm>>)
    %dma_wait3A_2117 = arith.constant 0 : i32
    %dma_wait3A_2118 = tpu.memref_slice %arg4[%max3A_1209, %dma_wait3A_2117] : memref<32x512xf32, #tpu.memory_space<vmem>> -> memref<1x512xf32, #tpu.memory_space<vmem>>
    %dma_wait3A_2119 = arith.constant 0 : i32
    %dma_wait3A_2120 = tpu.memref_slice %arg3[%add3A_1158, %dma_wait3A_2119] : memref<1024x512xf32, #tpu.memory_space<hbm>> -> memref<1x512xf32, #tpu.memory_space<hbm>>
    %dma_wait3A_2121 = arith.constant 0 : i32
    %dma_wait3A_2122 = tpu.memref_slice %arg3[%add3A_1158, %dma_wait3A_2121] : memref<1024x512xf32, #tpu.memory_space<hbm>> -> memref<1x512xf32, #tpu.memory_space<hbm>>
    %dma_wait3A_2123 = arith.constant 0 : i32
    %dma_wait3A_2124 = tpu.memref_slice %arg4[%max3A_1209, %dma_wait3A_2123] : memref<32x512xf32, #tpu.memory_space<vmem>> -> memref<1x512xf32, #tpu.memory_space<vmem>>
    tpu.wait_dma2 semaphore(%arg5 : memref<!tpu.dma_semaphore, #tpu.memory_space<semaphore_mem>>) src(%dma_wait3A_2124 : memref<1x512xf32, #tpu.memory_space<vmem>>) dst(%dma_wait3A_2122 : memref<1x512xf32, #tpu.memory_space<hbm>>)
    %dma_wait3A_2125 = arith.constant 0 : i32
    %dma_wait3A_2126 = tpu.memref_slice %arg4[%max3A_1262, %dma_wait3A_2125] : memref<32x512xf32, #tpu.memory_space<vmem>> -> memref<1x512xf32, #tpu.memory_space<vmem>>
    %dma_wait3A_2127 = arith.constant 0 : i32
    %dma_wait3A_2128 = tpu.memref_slice %arg3[%add3A_1211, %dma_wait3A_2127] : memref<1024x512xf32, #tpu.memory_space<hbm>> -> memref<1x512xf32, #tpu.memory_space<hbm>>
    %dma_wait3A_2129 = arith.constant 0 : i32
    %dma_wait3A_2130 = tpu.memref_slice %arg3[%add3A_1211, %dma_wait3A_2129] : memref<1024x512xf32, #tpu.memory_space<hbm>> -> memref<1x512xf32, #tpu.memory_space<hbm>>
    %dma_wait3A_2131 = arith.constant 0 : i32
    %dma_wait3A_2132 = tpu.memref_slice %arg4[%max3A_1262, %dma_wait3A_2131] : memref<32x512xf32, #tpu.memory_space<vmem>> -> memref<1x512xf32, #tpu.memory_space<vmem>>
    tpu.wait_dma2 semaphore(%arg5 : memref<!tpu.dma_semaphore, #tpu.memory_space<semaphore_mem>>) src(%dma_wait3A_2132 : memref<1x512xf32, #tpu.memory_space<vmem>>) dst(%dma_wait3A_2130 : memref<1x512xf32, #tpu.memory_space<hbm>>)
    %dma_wait3A_2133 = arith.constant 0 : i32
    %dma_wait3A_2134 = tpu.memref_slice %arg4[%max3A_1315, %dma_wait3A_2133] : memref<32x512xf32, #tpu.memory_space<vmem>> -> memref<1x512xf32, #tpu.memory_space<vmem>>
    %dma_wait3A_2135 = arith.constant 0 : i32
    %dma_wait3A_2136 = tpu.memref_slice %arg3[%add3A_1264, %dma_wait3A_2135] : memref<1024x512xf32, #tpu.memory_space<hbm>> -> memref<1x512xf32, #tpu.memory_space<hbm>>
    %dma_wait3A_2137 = arith.constant 0 : i32
    %dma_wait3A_2138 = tpu.memref_slice %arg3[%add3A_1264, %dma_wait3A_2137] : memref<1024x512xf32, #tpu.memory_space<hbm>> -> memref<1x512xf32, #tpu.memory_space<hbm>>
    %dma_wait3A_2139 = arith.constant 0 : i32
    %dma_wait3A_2140 = tpu.memref_slice %arg4[%max3A_1315, %dma_wait3A_2139] : memref<32x512xf32, #tpu.memory_space<vmem>> -> memref<1x512xf32, #tpu.memory_space<vmem>>
    tpu.wait_dma2 semaphore(%arg5 : memref<!tpu.dma_semaphore, #tpu.memory_space<semaphore_mem>>) src(%dma_wait3A_2140 : memref<1x512xf32, #tpu.memory_space<vmem>>) dst(%dma_wait3A_2138 : memref<1x512xf32, #tpu.memory_space<hbm>>)
    %dma_wait3A_2141 = arith.constant 0 : i32
    %dma_wait3A_2142 = tpu.memref_slice %arg4[%max3A_1368, %dma_wait3A_2141] : memref<32x512xf32, #tpu.memory_space<vmem>> -> memref<1x512xf32, #tpu.memory_space<vmem>>
    %dma_wait3A_2143 = arith.constant 0 : i32
    %dma_wait3A_2144 = tpu.memref_slice %arg3[%add3A_1317, %dma_wait3A_2143] : memref<1024x512xf32, #tpu.memory_space<hbm>> -> memref<1x512xf32, #tpu.memory_space<hbm>>
    %dma_wait3A_2145 = arith.constant 0 : i32
    %dma_wait3A_2146 = tpu.memref_slice %arg3[%add3A_1317, %dma_wait3A_2145] : memref<1024x512xf32, #tpu.memory_space<hbm>> -> memref<1x512xf32, #tpu.memory_space<hbm>>
    %dma_wait3A_2147 = arith.constant 0 : i32
    %dma_wait3A_2148 = tpu.memref_slice %arg4[%max3A_1368, %dma_wait3A_2147] : memref<32x512xf32, #tpu.memory_space<vmem>> -> memref<1x512xf32, #tpu.memory_space<vmem>>
    tpu.wait_dma2 semaphore(%arg5 : memref<!tpu.dma_semaphore, #tpu.memory_space<semaphore_mem>>) src(%dma_wait3A_2148 : memref<1x512xf32, #tpu.memory_space<vmem>>) dst(%dma_wait3A_2146 : memref<1x512xf32, #tpu.memory_space<hbm>>)
    %dma_wait3A_2149 = arith.constant 0 : i32
    %dma_wait3A_2150 = tpu.memref_slice %arg4[%max3A_1421, %dma_wait3A_2149] : memref<32x512xf32, #tpu.memory_space<vmem>> -> memref<1x512xf32, #tpu.memory_space<vmem>>
    %dma_wait3A_2151 = arith.constant 0 : i32
    %dma_wait3A_2152 = tpu.memref_slice %arg3[%add3A_1370, %dma_wait3A_2151] : memref<1024x512xf32, #tpu.memory_space<hbm>> -> memref<1x512xf32, #tpu.memory_space<hbm>>
    %dma_wait3A_2153 = arith.constant 0 : i32
    %dma_wait3A_2154 = tpu.memref_slice %arg3[%add3A_1370, %dma_wait3A_2153] : memref<1024x512xf32, #tpu.memory_space<hbm>> -> memref<1x512xf32, #tpu.memory_space<hbm>>
    %dma_wait3A_2155 = arith.constant 0 : i32
    %dma_wait3A_2156 = tpu.memref_slice %arg4[%max3A_1421, %dma_wait3A_2155] : memref<32x512xf32, #tpu.memory_space<vmem>> -> memref<1x512xf32, #tpu.memory_space<vmem>>
    tpu.wait_dma2 semaphore(%arg5 : memref<!tpu.dma_semaphore, #tpu.memory_space<semaphore_mem>>) src(%dma_wait3A_2156 : memref<1x512xf32, #tpu.memory_space<vmem>>) dst(%dma_wait3A_2154 : memref<1x512xf32, #tpu.memory_space<hbm>>)
    %dma_wait3A_2157 = arith.constant 0 : i32
    %dma_wait3A_2158 = tpu.memref_slice %arg4[%max3A_1474, %dma_wait3A_2157] : memref<32x512xf32, #tpu.memory_space<vmem>> -> memref<1x512xf32, #tpu.memory_space<vmem>>
    %dma_wait3A_2159 = arith.constant 0 : i32
    %dma_wait3A_2160 = tpu.memref_slice %arg3[%add3A_1423, %dma_wait3A_2159] : memref<1024x512xf32, #tpu.memory_space<hbm>> -> memref<1x512xf32, #tpu.memory_space<hbm>>
    %dma_wait3A_2161 = arith.constant 0 : i32
    %dma_wait3A_2162 = tpu.memref_slice %arg3[%add3A_1423, %dma_wait3A_2161] : memref<1024x512xf32, #tpu.memory_space<hbm>> -> memref<1x512xf32, #tpu.memory_space<hbm>>
    %dma_wait3A_2163 = arith.constant 0 : i32
    %dma_wait3A_2164 = tpu.memref_slice %arg4[%max3A_1474, %dma_wait3A_2163] : memref<32x512xf32, #tpu.memory_space<vmem>> -> memref<1x512xf32, #tpu.memory_space<vmem>>
    tpu.wait_dma2 semaphore(%arg5 : memref<!tpu.dma_semaphore, #tpu.memory_space<semaphore_mem>>) src(%dma_wait3A_2164 : memref<1x512xf32, #tpu.memory_space<vmem>>) dst(%dma_wait3A_2162 : memref<1x512xf32, #tpu.memory_space<hbm>>)
    %dma_wait3A_2165 = arith.constant 0 : i32
    %dma_wait3A_2166 = tpu.memref_slice %arg4[%max3A_1527, %dma_wait3A_2165] : memref<32x512xf32, #tpu.memory_space<vmem>> -> memref<1x512xf32, #tpu.memory_space<vmem>>
    %dma_wait3A_2167 = arith.constant 0 : i32
    %dma_wait3A_2168 = tpu.memref_slice %arg3[%add3A_1476, %dma_wait3A_2167] : memref<1024x512xf32, #tpu.memory_space<hbm>> -> memref<1x512xf32, #tpu.memory_space<hbm>>
    %dma_wait3A_2169 = arith.constant 0 : i32
    %dma_wait3A_2170 = tpu.memref_slice %arg3[%add3A_1476, %dma_wait3A_2169] : memref<1024x512xf32, #tpu.memory_space<hbm>> -> memref<1x512xf32, #tpu.memory_space<hbm>>
    %dma_wait3A_2171 = arith.constant 0 : i32
    %dma_wait3A_2172 = tpu.memref_slice %arg4[%max3A_1527, %dma_wait3A_2171] : memref<32x512xf32, #tpu.memory_space<vmem>> -> memref<1x512xf32, #tpu.memory_space<vmem>>
    tpu.wait_dma2 semaphore(%arg5 : memref<!tpu.dma_semaphore, #tpu.memory_space<semaphore_mem>>) src(%dma_wait3A_2172 : memref<1x512xf32, #tpu.memory_space<vmem>>) dst(%dma_wait3A_2170 : memref<1x512xf32, #tpu.memory_space<hbm>>)
    %dma_wait3A_2173 = arith.constant 0 : i32
    %dma_wait3A_2174 = tpu.memref_slice %arg4[%max3A_1580, %dma_wait3A_2173] : memref<32x512xf32, #tpu.memory_space<vmem>> -> memref<1x512xf32, #tpu.memory_space<vmem>>
    %dma_wait3A_2175 = arith.constant 0 : i32
    %dma_wait3A_2176 = tpu.memref_slice %arg3[%add3A_1529, %dma_wait3A_2175] : memref<1024x512xf32, #tpu.memory_space<hbm>> -> memref<1x512xf32, #tpu.memory_space<hbm>>
    %dma_wait3A_2177 = arith.constant 0 : i32
    %dma_wait3A_2178 = tpu.memref_slice %arg3[%add3A_1529, %dma_wait3A_2177] : memref<1024x512xf32, #tpu.memory_space<hbm>> -> memref<1x512xf32, #tpu.memory_space<hbm>>
    %dma_wait3A_2179 = arith.constant 0 : i32
    %dma_wait3A_2180 = tpu.memref_slice %arg4[%max3A_1580, %dma_wait3A_2179] : memref<32x512xf32, #tpu.memory_space<vmem>> -> memref<1x512xf32, #tpu.memory_space<vmem>>
    tpu.wait_dma2 semaphore(%arg5 : memref<!tpu.dma_semaphore, #tpu.memory_space<semaphore_mem>>) src(%dma_wait3A_2180 : memref<1x512xf32, #tpu.memory_space<vmem>>) dst(%dma_wait3A_2178 : memref<1x512xf32, #tpu.memory_space<hbm>>)
    %dma_wait3A_2181 = arith.constant 0 : i32
    %dma_wait3A_2182 = tpu.memref_slice %arg4[%max3A_1633, %dma_wait3A_2181] : memref<32x512xf32, #tpu.memory_space<vmem>> -> memref<1x512xf32, #tpu.memory_space<vmem>>
    %dma_wait3A_2183 = arith.constant 0 : i32
    %dma_wait3A_2184 = tpu.memref_slice %arg3[%add3A_1582, %dma_wait3A_2183] : memref<1024x512xf32, #tpu.memory_space<hbm>> -> memref<1x512xf32, #tpu.memory_space<hbm>>
    %dma_wait3A_2185 = arith.constant 0 : i32
    %dma_wait3A_2186 = tpu.memref_slice %arg3[%add3A_1582, %dma_wait3A_2185] : memref<1024x512xf32, #tpu.memory_space<hbm>> -> memref<1x512xf32, #tpu.memory_space<hbm>>
    %dma_wait3A_2187 = arith.constant 0 : i32
    %dma_wait3A_2188 = tpu.memref_slice %arg4[%max3A_1633, %dma_wait3A_2187] : memref<32x512xf32, #tpu.memory_space<vmem>> -> memref<1x512xf32, #tpu.memory_space<vmem>>
    tpu.wait_dma2 semaphore(%arg5 : memref<!tpu.dma_semaphore, #tpu.memory_space<semaphore_mem>>) src(%dma_wait3A_2188 : memref<1x512xf32, #tpu.memory_space<vmem>>) dst(%dma_wait3A_2186 : memref<1x512xf32, #tpu.memory_space<hbm>>)
    %dma_wait3A_2189 = arith.constant 0 : i32
    %dma_wait3A_2190 = tpu.memref_slice %arg4[%max3A_1686, %dma_wait3A_2189] : memref<32x512xf32, #tpu.memory_space<vmem>> -> memref<1x512xf32, #tpu.memory_space<vmem>>
    %dma_wait3A_2191 = arith.constant 0 : i32
    %dma_wait3A_2192 = tpu.memref_slice %arg3[%add3A_1635, %dma_wait3A_2191] : memref<1024x512xf32, #tpu.memory_space<hbm>> -> memref<1x512xf32, #tpu.memory_space<hbm>>
    %dma_wait3A_2193 = arith.constant 0 : i32
    %dma_wait3A_2194 = tpu.memref_slice %arg3[%add3A_1635, %dma_wait3A_2193] : memref<1024x512xf32, #tpu.memory_space<hbm>> -> memref<1x512xf32, #tpu.memory_space<hbm>>
    %dma_wait3A_2195 = arith.constant 0 : i32
    %dma_wait3A_2196 = tpu.memref_slice %arg4[%max3A_1686, %dma_wait3A_2195] : memref<32x512xf32, #tpu.memory_space<vmem>> -> memref<1x512xf32, #tpu.memory_space<vmem>>
    tpu.wait_dma2 semaphore(%arg5 : memref<!tpu.dma_semaphore, #tpu.memory_space<semaphore_mem>>) src(%dma_wait3A_2196 : memref<1x512xf32, #tpu.memory_space<vmem>>) dst(%dma_wait3A_2194 : memref<1x512xf32, #tpu.memory_space<hbm>>)
    return
  }
}

module attributes {stable_mosaic.version = 14 : i64} {
  func.func @_fanout_kernel(%arg0: memref<1024x512xf32, #tpu.memory_space<vmem>>, %arg1: memref<16x1024x512xf32, #tpu.memory_space<hbm>>, %arg2: memref<2x1024x512xf32, #tpu.memory_space<vmem>>, %arg3: memref<8x!tpu.dma_semaphore, #tpu.memory_space<semaphore_mem>>) attributes {dimension_semantics = [], scalar_prefetch = 0 : i64, scratch_operands = 2 : i64, tpu.core_type = #tpu.core_type<tc>} {
    %get3A = arith.constant 0 : index
    %get3A_0 = arith.constant 0 : index
    %get3A_1 = vector.load %arg0[%get3A, %get3A_0] : memref<1024x512xf32, #tpu.memory_space<vmem>>, vector<1024x512xf32>
    %swap3A = arith.constant 0 : index
    %swap3A_2 = arith.constant 0 : index
    %swap3A_3 = arith.constant 0 : index
    %swap3A_4 = vector.load %arg2[%swap3A, %swap3A_2, %swap3A_3] : memref<2x1024x512xf32, #tpu.memory_space<vmem>>, vector<1x1024x512xf32>
    %swap3A_5 = vector.shape_cast %swap3A_4 : vector<1x1024x512xf32> to vector<1024x512xf32>
    %swap3A_6 = vector.shape_cast %get3A_1 : vector<1024x512xf32> to vector<1x1024x512xf32>
    tpu.vector_store %arg2[%swap3A, %swap3A_2, %swap3A_3], %swap3A_6 {strides = array<i32>} : memref<2x1024x512xf32, #tpu.memory_space<vmem>>, vector<1x1024x512xf32>,
    %get3A_7 = arith.constant 0 : index
    %get3A_8 = arith.constant 0 : index
    %get3A_9 = vector.load %arg0[%get3A_7, %get3A_8] : memref<1024x512xf32, #tpu.memory_space<vmem>>, vector<1024x512xf32>
    %swap3A_10 = arith.constant 1 : index
    %swap3A_11 = arith.constant 0 : index
    %swap3A_12 = arith.constant 0 : index
    %swap3A_13 = vector.load %arg2[%swap3A_10, %swap3A_11, %swap3A_12] : memref<2x1024x512xf32, #tpu.memory_space<vmem>>, vector<1x1024x512xf32>
    %swap3A_14 = vector.shape_cast %swap3A_13 : vector<1x1024x512xf32> to vector<1024x512xf32>
    %swap3A_15 = vector.shape_cast %get3A_9 : vector<1024x512xf32> to vector<1x1024x512xf32>
    tpu.vector_store %arg2[%swap3A_10, %swap3A_11, %swap3A_12], %swap3A_15 {strides = array<i32>} : memref<2x1024x512xf32, #tpu.memory_space<vmem>>, vector<1x1024x512xf32>,
    %dma_start3A = arith.constant 0 : i32
    %dma_start3A_16 = tpu.memref_slice %arg3[%dma_start3A] : memref<8x!tpu.dma_semaphore, #tpu.memory_space<semaphore_mem>> -> memref<1x!tpu.dma_semaphore, #tpu.memory_space<semaphore_mem>>
    %dma_start3A_17 = tpu.memref_squeeze %dma_start3A_16 : memref<1x!tpu.dma_semaphore, #tpu.memory_space<semaphore_mem>> -> memref<!tpu.dma_semaphore, #tpu.memory_space<semaphore_mem>>
    %dma_start3A_18 = arith.constant 0 : i32
    %dma_start3A_19 = arith.constant 0 : i32
    %dma_start3A_20 = arith.constant 0 : i32
    %dma_start3A_21 = tpu.memref_slice %arg1[%dma_start3A_18, %dma_start3A_19, %dma_start3A_20] : memref<16x1024x512xf32, #tpu.memory_space<hbm>> -> memref<2x1024x512xf32, #tpu.memory_space<hbm>>
    tpu.enqueue_dma source(%arg2 : memref<2x1024x512xf32, #tpu.memory_space<vmem>>) target(%dma_start3A_21 : memref<2x1024x512xf32, #tpu.memory_space<hbm>>) target_semaphore(%dma_start3A_17 : memref<!tpu.dma_semaphore, #tpu.memory_space<semaphore_mem>>)
    %dma_start3A_22 = arith.constant 1 : i32
    %dma_start3A_23 = tpu.memref_slice %arg3[%dma_start3A_22] : memref<8x!tpu.dma_semaphore, #tpu.memory_space<semaphore_mem>> -> memref<1x!tpu.dma_semaphore, #tpu.memory_space<semaphore_mem>>
    %dma_start3A_24 = tpu.memref_squeeze %dma_start3A_23 : memref<1x!tpu.dma_semaphore, #tpu.memory_space<semaphore_mem>> -> memref<!tpu.dma_semaphore, #tpu.memory_space<semaphore_mem>>
    %dma_start3A_25 = arith.constant 2 : i32
    %dma_start3A_26 = arith.constant 0 : i32
    %dma_start3A_27 = arith.constant 0 : i32
    %dma_start3A_28 = tpu.memref_slice %arg1[%dma_start3A_25, %dma_start3A_26, %dma_start3A_27] : memref<16x1024x512xf32, #tpu.memory_space<hbm>> -> memref<2x1024x512xf32, #tpu.memory_space<hbm>>
    tpu.enqueue_dma source(%arg2 : memref<2x1024x512xf32, #tpu.memory_space<vmem>>) target(%dma_start3A_28 : memref<2x1024x512xf32, #tpu.memory_space<hbm>>) target_semaphore(%dma_start3A_24 : memref<!tpu.dma_semaphore, #tpu.memory_space<semaphore_mem>>)
    %dma_start3A_29 = arith.constant 2 : i32
    %dma_start3A_30 = tpu.memref_slice %arg3[%dma_start3A_29] : memref<8x!tpu.dma_semaphore, #tpu.memory_space<semaphore_mem>> -> memref<1x!tpu.dma_semaphore, #tpu.memory_space<semaphore_mem>>
    %dma_start3A_31 = tpu.memref_squeeze %dma_start3A_30 : memref<1x!tpu.dma_semaphore, #tpu.memory_space<semaphore_mem>> -> memref<!tpu.dma_semaphore, #tpu.memory_space<semaphore_mem>>
    %dma_start3A_32 = arith.constant 4 : i32
    %dma_start3A_33 = arith.constant 0 : i32
    %dma_start3A_34 = arith.constant 0 : i32
    %dma_start3A_35 = tpu.memref_slice %arg1[%dma_start3A_32, %dma_start3A_33, %dma_start3A_34] : memref<16x1024x512xf32, #tpu.memory_space<hbm>> -> memref<2x1024x512xf32, #tpu.memory_space<hbm>>
    tpu.enqueue_dma source(%arg2 : memref<2x1024x512xf32, #tpu.memory_space<vmem>>) target(%dma_start3A_35 : memref<2x1024x512xf32, #tpu.memory_space<hbm>>) target_semaphore(%dma_start3A_31 : memref<!tpu.dma_semaphore, #tpu.memory_space<semaphore_mem>>)
    %dma_start3A_36 = arith.constant 3 : i32
    %dma_start3A_37 = tpu.memref_slice %arg3[%dma_start3A_36] : memref<8x!tpu.dma_semaphore, #tpu.memory_space<semaphore_mem>> -> memref<1x!tpu.dma_semaphore, #tpu.memory_space<semaphore_mem>>
    %dma_start3A_38 = tpu.memref_squeeze %dma_start3A_37 : memref<1x!tpu.dma_semaphore, #tpu.memory_space<semaphore_mem>> -> memref<!tpu.dma_semaphore, #tpu.memory_space<semaphore_mem>>
    %dma_start3A_39 = arith.constant 6 : i32
    %dma_start3A_40 = arith.constant 0 : i32
    %dma_start3A_41 = arith.constant 0 : i32
    %dma_start3A_42 = tpu.memref_slice %arg1[%dma_start3A_39, %dma_start3A_40, %dma_start3A_41] : memref<16x1024x512xf32, #tpu.memory_space<hbm>> -> memref<2x1024x512xf32, #tpu.memory_space<hbm>>
    tpu.enqueue_dma source(%arg2 : memref<2x1024x512xf32, #tpu.memory_space<vmem>>) target(%dma_start3A_42 : memref<2x1024x512xf32, #tpu.memory_space<hbm>>) target_semaphore(%dma_start3A_38 : memref<!tpu.dma_semaphore, #tpu.memory_space<semaphore_mem>>)
    %dma_start3A_43 = arith.constant 4 : i32
    %dma_start3A_44 = tpu.memref_slice %arg3[%dma_start3A_43] : memref<8x!tpu.dma_semaphore, #tpu.memory_space<semaphore_mem>> -> memref<1x!tpu.dma_semaphore, #tpu.memory_space<semaphore_mem>>
    %dma_start3A_45 = tpu.memref_squeeze %dma_start3A_44 : memref<1x!tpu.dma_semaphore, #tpu.memory_space<semaphore_mem>> -> memref<!tpu.dma_semaphore, #tpu.memory_space<semaphore_mem>>
    %dma_start3A_46 = arith.constant 8 : i32
    %dma_start3A_47 = arith.constant 0 : i32
    %dma_start3A_48 = arith.constant 0 : i32
    %dma_start3A_49 = tpu.memref_slice %arg1[%dma_start3A_46, %dma_start3A_47, %dma_start3A_48] : memref<16x1024x512xf32, #tpu.memory_space<hbm>> -> memref<2x1024x512xf32, #tpu.memory_space<hbm>>
    tpu.enqueue_dma source(%arg2 : memref<2x1024x512xf32, #tpu.memory_space<vmem>>) target(%dma_start3A_49 : memref<2x1024x512xf32, #tpu.memory_space<hbm>>) target_semaphore(%dma_start3A_45 : memref<!tpu.dma_semaphore, #tpu.memory_space<semaphore_mem>>)
    %dma_start3A_50 = arith.constant 5 : i32
    %dma_start3A_51 = tpu.memref_slice %arg3[%dma_start3A_50] : memref<8x!tpu.dma_semaphore, #tpu.memory_space<semaphore_mem>> -> memref<1x!tpu.dma_semaphore, #tpu.memory_space<semaphore_mem>>
    %dma_start3A_52 = tpu.memref_squeeze %dma_start3A_51 : memref<1x!tpu.dma_semaphore, #tpu.memory_space<semaphore_mem>> -> memref<!tpu.dma_semaphore, #tpu.memory_space<semaphore_mem>>
    %dma_start3A_53 = arith.constant 10 : i32
    %dma_start3A_54 = arith.constant 0 : i32
    %dma_start3A_55 = arith.constant 0 : i32
    %dma_start3A_56 = tpu.memref_slice %arg1[%dma_start3A_53, %dma_start3A_54, %dma_start3A_55] : memref<16x1024x512xf32, #tpu.memory_space<hbm>> -> memref<2x1024x512xf32, #tpu.memory_space<hbm>>
    tpu.enqueue_dma source(%arg2 : memref<2x1024x512xf32, #tpu.memory_space<vmem>>) target(%dma_start3A_56 : memref<2x1024x512xf32, #tpu.memory_space<hbm>>) target_semaphore(%dma_start3A_52 : memref<!tpu.dma_semaphore, #tpu.memory_space<semaphore_mem>>)
    %dma_start3A_57 = arith.constant 6 : i32
    %dma_start3A_58 = tpu.memref_slice %arg3[%dma_start3A_57] : memref<8x!tpu.dma_semaphore, #tpu.memory_space<semaphore_mem>> -> memref<1x!tpu.dma_semaphore, #tpu.memory_space<semaphore_mem>>
    %dma_start3A_59 = tpu.memref_squeeze %dma_start3A_58 : memref<1x!tpu.dma_semaphore, #tpu.memory_space<semaphore_mem>> -> memref<!tpu.dma_semaphore, #tpu.memory_space<semaphore_mem>>
    %dma_start3A_60 = arith.constant 12 : i32
    %dma_start3A_61 = arith.constant 0 : i32
    %dma_start3A_62 = arith.constant 0 : i32
    %dma_start3A_63 = tpu.memref_slice %arg1[%dma_start3A_60, %dma_start3A_61, %dma_start3A_62] : memref<16x1024x512xf32, #tpu.memory_space<hbm>> -> memref<2x1024x512xf32, #tpu.memory_space<hbm>>
    tpu.enqueue_dma source(%arg2 : memref<2x1024x512xf32, #tpu.memory_space<vmem>>) target(%dma_start3A_63 : memref<2x1024x512xf32, #tpu.memory_space<hbm>>) target_semaphore(%dma_start3A_59 : memref<!tpu.dma_semaphore, #tpu.memory_space<semaphore_mem>>)
    %dma_start3A_64 = arith.constant 7 : i32
    %dma_start3A_65 = tpu.memref_slice %arg3[%dma_start3A_64] : memref<8x!tpu.dma_semaphore, #tpu.memory_space<semaphore_mem>> -> memref<1x!tpu.dma_semaphore, #tpu.memory_space<semaphore_mem>>
    %dma_start3A_66 = tpu.memref_squeeze %dma_start3A_65 : memref<1x!tpu.dma_semaphore, #tpu.memory_space<semaphore_mem>> -> memref<!tpu.dma_semaphore, #tpu.memory_space<semaphore_mem>>
    %dma_start3A_67 = arith.constant 14 : i32
    %dma_start3A_68 = arith.constant 0 : i32
    %dma_start3A_69 = arith.constant 0 : i32
    %dma_start3A_70 = tpu.memref_slice %arg1[%dma_start3A_67, %dma_start3A_68, %dma_start3A_69] : memref<16x1024x512xf32, #tpu.memory_space<hbm>> -> memref<2x1024x512xf32, #tpu.memory_space<hbm>>
    tpu.enqueue_dma source(%arg2 : memref<2x1024x512xf32, #tpu.memory_space<vmem>>) target(%dma_start3A_70 : memref<2x1024x512xf32, #tpu.memory_space<hbm>>) target_semaphore(%dma_start3A_66 : memref<!tpu.dma_semaphore, #tpu.memory_space<semaphore_mem>>)
    %dma_wait3A = arith.constant 0 : i32
    %dma_wait3A_71 = tpu.memref_slice %arg3[%dma_wait3A] : memref<8x!tpu.dma_semaphore, #tpu.memory_space<semaphore_mem>> -> memref<1x!tpu.dma_semaphore, #tpu.memory_space<semaphore_mem>>
    %dma_wait3A_72 = tpu.memref_squeeze %dma_wait3A_71 : memref<1x!tpu.dma_semaphore, #tpu.memory_space<semaphore_mem>> -> memref<!tpu.dma_semaphore, #tpu.memory_space<semaphore_mem>>
    %dma_wait3A_73 = arith.constant 0 : i32
    %dma_wait3A_74 = arith.constant 0 : i32
    %dma_wait3A_75 = arith.constant 0 : i32
    %dma_wait3A_76 = tpu.memref_slice %arg1[%dma_wait3A_73, %dma_wait3A_74, %dma_wait3A_75] : memref<16x1024x512xf32, #tpu.memory_space<hbm>> -> memref<2x1024x512xf32, #tpu.memory_space<hbm>>
    tpu.wait_dma2 semaphore(%dma_wait3A_72 : memref<!tpu.dma_semaphore, #tpu.memory_space<semaphore_mem>>) src(%arg2 : memref<2x1024x512xf32, #tpu.memory_space<vmem>>) dst(%dma_wait3A_76 : memref<2x1024x512xf32, #tpu.memory_space<hbm>>)
    %dma_wait3A_77 = arith.constant 1 : i32
    %dma_wait3A_78 = tpu.memref_slice %arg3[%dma_wait3A_77] : memref<8x!tpu.dma_semaphore, #tpu.memory_space<semaphore_mem>> -> memref<1x!tpu.dma_semaphore, #tpu.memory_space<semaphore_mem>>
    %dma_wait3A_79 = tpu.memref_squeeze %dma_wait3A_78 : memref<1x!tpu.dma_semaphore, #tpu.memory_space<semaphore_mem>> -> memref<!tpu.dma_semaphore, #tpu.memory_space<semaphore_mem>>
    %dma_wait3A_80 = arith.constant 2 : i32
    %dma_wait3A_81 = arith.constant 0 : i32
    %dma_wait3A_82 = arith.constant 0 : i32
    %dma_wait3A_83 = tpu.memref_slice %arg1[%dma_wait3A_80, %dma_wait3A_81, %dma_wait3A_82] : memref<16x1024x512xf32, #tpu.memory_space<hbm>> -> memref<2x1024x512xf32, #tpu.memory_space<hbm>>
    tpu.wait_dma2 semaphore(%dma_wait3A_79 : memref<!tpu.dma_semaphore, #tpu.memory_space<semaphore_mem>>) src(%arg2 : memref<2x1024x512xf32, #tpu.memory_space<vmem>>) dst(%dma_wait3A_83 : memref<2x1024x512xf32, #tpu.memory_space<hbm>>)
    %dma_wait3A_84 = arith.constant 2 : i32
    %dma_wait3A_85 = tpu.memref_slice %arg3[%dma_wait3A_84] : memref<8x!tpu.dma_semaphore, #tpu.memory_space<semaphore_mem>> -> memref<1x!tpu.dma_semaphore, #tpu.memory_space<semaphore_mem>>
    %dma_wait3A_86 = tpu.memref_squeeze %dma_wait3A_85 : memref<1x!tpu.dma_semaphore, #tpu.memory_space<semaphore_mem>> -> memref<!tpu.dma_semaphore, #tpu.memory_space<semaphore_mem>>
    %dma_wait3A_87 = arith.constant 4 : i32
    %dma_wait3A_88 = arith.constant 0 : i32
    %dma_wait3A_89 = arith.constant 0 : i32
    %dma_wait3A_90 = tpu.memref_slice %arg1[%dma_wait3A_87, %dma_wait3A_88, %dma_wait3A_89] : memref<16x1024x512xf32, #tpu.memory_space<hbm>> -> memref<2x1024x512xf32, #tpu.memory_space<hbm>>
    tpu.wait_dma2 semaphore(%dma_wait3A_86 : memref<!tpu.dma_semaphore, #tpu.memory_space<semaphore_mem>>) src(%arg2 : memref<2x1024x512xf32, #tpu.memory_space<vmem>>) dst(%dma_wait3A_90 : memref<2x1024x512xf32, #tpu.memory_space<hbm>>)
    %dma_wait3A_91 = arith.constant 3 : i32
    %dma_wait3A_92 = tpu.memref_slice %arg3[%dma_wait3A_91] : memref<8x!tpu.dma_semaphore, #tpu.memory_space<semaphore_mem>> -> memref<1x!tpu.dma_semaphore, #tpu.memory_space<semaphore_mem>>
    %dma_wait3A_93 = tpu.memref_squeeze %dma_wait3A_92 : memref<1x!tpu.dma_semaphore, #tpu.memory_space<semaphore_mem>> -> memref<!tpu.dma_semaphore, #tpu.memory_space<semaphore_mem>>
    %dma_wait3A_94 = arith.constant 6 : i32
    %dma_wait3A_95 = arith.constant 0 : i32
    %dma_wait3A_96 = arith.constant 0 : i32
    %dma_wait3A_97 = tpu.memref_slice %arg1[%dma_wait3A_94, %dma_wait3A_95, %dma_wait3A_96] : memref<16x1024x512xf32, #tpu.memory_space<hbm>> -> memref<2x1024x512xf32, #tpu.memory_space<hbm>>
    tpu.wait_dma2 semaphore(%dma_wait3A_93 : memref<!tpu.dma_semaphore, #tpu.memory_space<semaphore_mem>>) src(%arg2 : memref<2x1024x512xf32, #tpu.memory_space<vmem>>) dst(%dma_wait3A_97 : memref<2x1024x512xf32, #tpu.memory_space<hbm>>)
    %dma_wait3A_98 = arith.constant 4 : i32
    %dma_wait3A_99 = tpu.memref_slice %arg3[%dma_wait3A_98] : memref<8x!tpu.dma_semaphore, #tpu.memory_space<semaphore_mem>> -> memref<1x!tpu.dma_semaphore, #tpu.memory_space<semaphore_mem>>
    %dma_wait3A_100 = tpu.memref_squeeze %dma_wait3A_99 : memref<1x!tpu.dma_semaphore, #tpu.memory_space<semaphore_mem>> -> memref<!tpu.dma_semaphore, #tpu.memory_space<semaphore_mem>>
    %dma_wait3A_101 = arith.constant 8 : i32
    %dma_wait3A_102 = arith.constant 0 : i32
    %dma_wait3A_103 = arith.constant 0 : i32
    %dma_wait3A_104 = tpu.memref_slice %arg1[%dma_wait3A_101, %dma_wait3A_102, %dma_wait3A_103] : memref<16x1024x512xf32, #tpu.memory_space<hbm>> -> memref<2x1024x512xf32, #tpu.memory_space<hbm>>
    tpu.wait_dma2 semaphore(%dma_wait3A_100 : memref<!tpu.dma_semaphore, #tpu.memory_space<semaphore_mem>>) src(%arg2 : memref<2x1024x512xf32, #tpu.memory_space<vmem>>) dst(%dma_wait3A_104 : memref<2x1024x512xf32, #tpu.memory_space<hbm>>)
    %dma_wait3A_105 = arith.constant 5 : i32
    %dma_wait3A_106 = tpu.memref_slice %arg3[%dma_wait3A_105] : memref<8x!tpu.dma_semaphore, #tpu.memory_space<semaphore_mem>> -> memref<1x!tpu.dma_semaphore, #tpu.memory_space<semaphore_mem>>
    %dma_wait3A_107 = tpu.memref_squeeze %dma_wait3A_106 : memref<1x!tpu.dma_semaphore, #tpu.memory_space<semaphore_mem>> -> memref<!tpu.dma_semaphore, #tpu.memory_space<semaphore_mem>>
    %dma_wait3A_108 = arith.constant 10 : i32
    %dma_wait3A_109 = arith.constant 0 : i32
    %dma_wait3A_110 = arith.constant 0 : i32
    %dma_wait3A_111 = tpu.memref_slice %arg1[%dma_wait3A_108, %dma_wait3A_109, %dma_wait3A_110] : memref<16x1024x512xf32, #tpu.memory_space<hbm>> -> memref<2x1024x512xf32, #tpu.memory_space<hbm>>
    tpu.wait_dma2 semaphore(%dma_wait3A_107 : memref<!tpu.dma_semaphore, #tpu.memory_space<semaphore_mem>>) src(%arg2 : memref<2x1024x512xf32, #tpu.memory_space<vmem>>) dst(%dma_wait3A_111 : memref<2x1024x512xf32, #tpu.memory_space<hbm>>)
    %dma_wait3A_112 = arith.constant 6 : i32
    %dma_wait3A_113 = tpu.memref_slice %arg3[%dma_wait3A_112] : memref<8x!tpu.dma_semaphore, #tpu.memory_space<semaphore_mem>> -> memref<1x!tpu.dma_semaphore, #tpu.memory_space<semaphore_mem>>
    %dma_wait3A_114 = tpu.memref_squeeze %dma_wait3A_113 : memref<1x!tpu.dma_semaphore, #tpu.memory_space<semaphore_mem>> -> memref<!tpu.dma_semaphore, #tpu.memory_space<semaphore_mem>>
    %dma_wait3A_115 = arith.constant 12 : i32
    %dma_wait3A_116 = arith.constant 0 : i32
    %dma_wait3A_117 = arith.constant 0 : i32
    %dma_wait3A_118 = tpu.memref_slice %arg1[%dma_wait3A_115, %dma_wait3A_116, %dma_wait3A_117] : memref<16x1024x512xf32, #tpu.memory_space<hbm>> -> memref<2x1024x512xf32, #tpu.memory_space<hbm>>
    tpu.wait_dma2 semaphore(%dma_wait3A_114 : memref<!tpu.dma_semaphore, #tpu.memory_space<semaphore_mem>>) src(%arg2 : memref<2x1024x512xf32, #tpu.memory_space<vmem>>) dst(%dma_wait3A_118 : memref<2x1024x512xf32, #tpu.memory_space<hbm>>)
    %dma_wait3A_119 = arith.constant 7 : i32
    %dma_wait3A_120 = tpu.memref_slice %arg3[%dma_wait3A_119] : memref<8x!tpu.dma_semaphore, #tpu.memory_space<semaphore_mem>> -> memref<1x!tpu.dma_semaphore, #tpu.memory_space<semaphore_mem>>
    %dma_wait3A_121 = tpu.memref_squeeze %dma_wait3A_120 : memref<1x!tpu.dma_semaphore, #tpu.memory_space<semaphore_mem>> -> memref<!tpu.dma_semaphore, #tpu.memory_space<semaphore_mem>>
    %dma_wait3A_122 = arith.constant 14 : i32
    %dma_wait3A_123 = arith.constant 0 : i32
    %dma_wait3A_124 = arith.constant 0 : i32
    %dma_wait3A_125 = tpu.memref_slice %arg1[%dma_wait3A_122, %dma_wait3A_123, %dma_wait3A_124] : memref<16x1024x512xf32, #tpu.memory_space<hbm>> -> memref<2x1024x512xf32, #tpu.memory_space<hbm>>
    tpu.wait_dma2 semaphore(%dma_wait3A_121 : memref<!tpu.dma_semaphore, #tpu.memory_space<semaphore_mem>>) src(%arg2 : memref<2x1024x512xf32, #tpu.memory_space<vmem>>) dst(%dma_wait3A_125 : memref<2x1024x512xf32, #tpu.memory_space<hbm>>)
    return
  }
}

</mosaic_0001>

<sc_bundles>
// kernel: kernel.4.cloned.1.call-start
scs
__scs_entry_jumppad:
0x0: {  	(pc) =	sbr.rel $0x88, $3  }
0x1: {  	(tag) =	ssettag $0x0;
	lr =	simm.s32 $0x1  }
0x2: {  	[smem:$0x3FA0] =	sst lr;
	_ =	strace $0xD0000000  }
0x3: {  	_ = 	snop  }
0x4: {  	_ = 	snop  }
0x5: {  	_ = 	snop  }
0x6: {  	_ = 	snop  }
0x7: {  	_ = 	snop  }
__scs_overlays_trampoline_lowered:
0x8: {  	[smem:$0x3FAF] =	sst s0  }
0x9: {  	[smem:$0x3FB0] =	sst s1  }
0xa: {  	[smem:$0x3FB1] =	sst s2  }
0xb: {  	[smem:$0x3FB2] =	sst s3  }
0xc: {  	[smem:$0x3FB3] =	sst s4  }
0xd: {  	[smem:$0x3FB4] =	sst s5  }
0xe: {  	[smem:$0x3FB5] =	sst s6  }
0xf: {  	[smem:$0x3FB6] =	sst s7  }
0x10: {  	[smem:$0x3FB7] =	sst s8  }
0x11: {  	[smem:$0x3FB8] =	sst s9;
	s0 =	simm.s32 @!p0 $0x0  }
0x12: {  	s1 =	sld [smem:$0x3F9E];
	s0 =	simm.s32 @p0 $0x1  }
0x13: {  	[smem:$0x3FB9] =	sst s0;
	s0 =	simm.s32 @!p1 $0x0  }
0x14: {  	s2 =	sld [smem:$0x3F9D];
	s0 =	simm.s32 @p1 $0x1  }
0x15: {  	[smem:$0x3FBA] =	sst s0;
	s0 =	simm.s32 @!p2 $0x0  }
0x16: {  	s3 =	sld [smem:$0x3FDB];
	s0 =	simm.s32 @p2 $0x1  }
0x17: {  	s4 =	simm.s32 $0x1BF5;
	[smem:$0x3FBC] =	sst s0  }
0x18: {  	s0 =	sld [smem:$0x3F9F];
	_ =	swait.ge [sflag:s4], $0x0  }
0x19: {  	s7 =	sld [smem:$0x3FA0]  }
0x1a: {  	s8 =	sadd.s32 $0xFFFFE003, lr  }
0x1b: {  	s9 =	sadd.s32 $0xFFFFFEF7, lr;
	s5 =	simm.s32 $0xFFFFFFFF;
	p2 =	slt.u32 s8, $0xFFFFF086  }
0x1c: {  	p1 =	slt.u32 s9, $0xF7A;
	s5 =	simm.s32 @!p2 $0x0  }
0x1d: {  	s5 =	simm.s32 @p1 $0x1;
	p0 =	seq.s32 s7, s2  }
0x1e: {  	s7 =	smul.u32 @!p0 $0xF7A, s2;
	p2 =	seq.s32 @!p0 s5, $0x0  }
0x1f: {  	s9 =	smul.u32 $0xF7A, s1;
	s8 =	simm.s32 @!p0 $0x1BF5;
	p2 =	por !p2, p0  }
0x20: {  	[sflag:s8] =	ssyncset.s32 @!p0 $0xFFFFF086;
	s6 =	sadd.s32 @!p0 s3, s7;
	s7 =	simm.s32 @!p0 $0x108  }
0x21: {  	s3 =	sadd.s32 s3, s9;
	s6 =	sadd.s32 @!p0 $0x88, s6;
	s7 =	simm.s32 @p2 $0x1082  }
0x22: {  	[simem:s7], [sflag:s8] =	dma.local @!p0 [hbm:s6], $0xF7A  }
0x23: {  	s9 =	sor.u32 $0xD0000000, s2;
	s6 =	simm.s32 $0x108;
	_ =	swait.ge @!p0 [sflag:s8], $0x0  }
0x24: {  	s3 =	sadd.s32 $0x88, s3;
	s6 =	simm.s32 @!p1 $0x1082;
	[sflag:s4] =	ssyncset.s32 $0xFFFFF086  }
0x25: {  	[simem:s6], [sflag:s4] =	dma.local [hbm:s3], $0xF7A  }
0x26: {  	[smem:$0x3FA0] =	sst s1;
	(tag) =	ssettag s2;
	_ =	strace s9  }
0x27: {  	s1 =	sld [smem:$0x3FB0]  }
0x28: {  	s2 =	sld [smem:$0x3FB1]  }
0x29: {  	s4 =	sld [smem:$0x3FB3]  }
0x2a: {  	p0 =	seq.s32 s5, $0x0;
	s5 =	sld [smem:$0x3FB4]  }
0x2b: {  	s6 =	sld [smem:$0x3FB5]  }
0x2c: {  	s7 =	sld [smem:$0x3FB6]  }
0x2d: {  	s3 =	simm.s32 $0x108;
	s8 =	sld [smem:$0x3FB7]  }
0x2e: {  	s3 =	simm.s32 @!p0 $0x1082;
	s9 =	sld [smem:$0x3FB8]  }
0x2f: {  	lr =	sadd.s32 s0, s3;
	s0 =	sld [smem:$0x3FAF]  }
0x30: {  	s3 =	sld [smem:$0x3FB2]  }
0x31: {  	[smem:$0x3FBB] =	sst s10  }
0x32: {  	s10 =	sld [smem:$0x3FB9];
	_ =	sdelay $0x3  }
0x33: {  	p0 =	seq.s32 s10, $0x1;
	s10 =	sld [smem:$0x3FBB];
	_ =	sdelay $0x3  }
0x34: {  	[smem:$0x3FBB] =	sst s10  }
0x35: {  	s10 =	sld [smem:$0x3FBA];
	_ =	sdelay $0x3  }
0x36: {  	p1 =	seq.s32 s10, $0x1;
	s10 =	sld [smem:$0x3FBB];
	_ =	sdelay $0x3  }
0x37: {  	[smem:$0x3FBB] =	sst s10  }
0x38: {  	s10 =	sld [smem:$0x3FBC]  }
0x39: {  	_ = 	snop;
	(pc) =	sbr.ind lr, $3  }
0x3a: {  	_ = 	snop  }
0x3b: {  	_ = 	snop  }
0x3c: {  	p2 =	seq.s32 s10, $0x1;
	s10 =	sld [smem:$0x3FBB]  }
0x3d: {  	_ =	shalt  }
0x3e: {  	_ =	shalt  }
0x3f: {  	_ =	shalt  }
0x40: {  	_ =	shalt  }
0x41: {  	_ =	shalt  }
0x42: {  	_ =	shalt  }
0x43: {  	_ =	shalt  }
0x44: {  	_ =	shalt  }
0x45: {  	_ =	shalt  }
0x46: {  	_ =	shalt  }
0x47: {  	_ =	shalt  }
0x48: {  	_ =	shalt  }
0x49: {  	_ =	shalt  }
0x4a: {  	_ =	shalt  }
0x4b: {  	_ =	shalt  }
0x4c: {  	_ =	shalt  }
0x4d: {  	_ =	shalt  }
0x4e: {  	_ =	shalt  }
0x4f: {  	_ =	shalt  }
0x50: {  	_ =	shalt  }
0x51: {  	_ =	shalt  }
0x52: {  	_ =	shalt  }
0x53: {  	_ =	shalt  }
0x54: {  	_ =	shalt  }
0x55: {  	_ =	shalt  }
0x56: {  	_ =	shalt  }
0x57: {  	_ =	shalt  }
0x58: {  	_ =	shalt  }
0x59: {  	_ =	shalt  }
0x5a: {  	_ =	shalt  }
0x5b: {  	_ =	shalt  }
0x5c: {  	_ =	shalt  }
0x5d: {  	_ =	shalt  }
0x5e: {  	_ =	shalt  }
0x5f: {  	_ =	shalt  }
0x60: {  	_ =	shalt  }
0x61: {  	_ =	shalt  }
0x62: {  	_ =	shalt  }
0x63: {  	_ =	shalt  }
0x64: {  	_ =	shalt  }
0x65: {  	_ =	shalt  }
0x66: {  	_ =	shalt  }
0x67: {  	_ =	shalt  }
0x68: {  	_ =	shalt  }
0x69: {  	_ =	shalt  }
0x6a: {  	_ =	shalt  }
0x6b: {  	_ =	shalt  }
0x6c: {  	_ =	shalt  }
0x6d: {  	_ =	shalt  }
0x6e: {  	_ =	shalt  }
0x6f: {  	_ =	shalt  }
0x70: {  	_ =	shalt  }
0x71: {  	_ =	shalt  }
0x72: {  	_ =	shalt  }
0x73: {  	_ =	shalt  }
0x74: {  	_ =	shalt  }
0x75: {  	_ =	shalt  }
0x76: {  	_ =	shalt  }
0x77: {  	_ =	shalt  }
0x78: {  	_ =	shalt  }
0x79: {  	_ =	shalt  }
0x7a: {  	_ =	shalt  }
0x7b: {  	_ =	shalt  }
0x7c: {  	_ =	shalt  }
0x7d: {  	_ =	shalt  }
0x7e: {  	_ =	shalt  }
0x7f: {  	_ =	shalt  }
0x80: {  	_ =	shalt  }
0x81: {  	_ =	shalt  }
0x82: {  	_ =	shalt  }
0x83: {  	_ =	shalt  }
0x84: {  	_ =	shalt  }
0x85: {  	_ =	shalt  }
0x86: {  	_ =	shalt  }
0x87: {  	_ =	shalt  }
.Lfunc_end0:
.L_simem_size_0:
called_computation_lowered:
.L_overlay_start_0:
0x88: {  	s2 =	sld [smem:$0x3FD9]  }
0x89: {  	s3 =	sld [smem:$0x3FFE];
	_ =	sdelay $0x1  }
0x8a: {  	s1 =	srdreg.scid  }
0x8b: {  	s0 =	sand.u32 $0x1, s1  }
0x8c: {  	s18 =	sshll.u32 s0, $0xA;
	s2 =	sadd.s32 s3, s2  }
0x8d: {  	s2 =	sadd.s32 s2, s18  }
0x8e: {  	[smem:$0x3FC7] =	sst s2  }
0x8f: {  	_ = 	snop  }
0x90: {  	s2 =	sld [smem:$0x3FC9]  }
0x91: {  	s19 =	sld [smem:$0x3FD0];
	(tm) =	ssettm $0x1  }
0x92: {  	s4 =	sld [smem:$0x3FFB];
	_ =	sdelay $0x3  }
0x93: {  	_ =	strace s4  }
0x94: {  	s4 =	sld [smem:$0x3FFC];
	_ =	sdelay $0x3  }
0x95: {  	_ =	strace s4  }
0x96: {  	s4 =	sld [smem:$0x3FFD];
	_ =	sdelay $0x3  }
0x97: {  	_ =	strace s4  }
0x98: {  	_ =	strace $0x8FFFFFFF  }
0x99: {  	s20 =	sld [smem:$0x3FDB];
	_ =	sdelay $0x1  }
0x9a: {  	s5 =	simm.s32 $_scs_section_size  }
0x9b: {  	s6 =	simm.s32 $_size__tile_overlayer_lowered;
	s7 =	simm.s32 $_tile_overlayer_lowered  }
0x9c: {  	s23 =	simm.s32 $0x1BFF;
	s22 =	sshll.u32 s7, $0x1;
	s4 =	sadd.s32 s5, s20  }
0x9d: {  	s8 =	simm.s32 $0x0;
	s21 =	sshll.u32 s6, $0x1;
	s6 =	sadd.s32 s22, s4  }
0x9e: {  	[timem:s8], [sflag:s23] =	dma.local [hbm:s6], s21  }
0x9f: {  	_ =	swait.ge [sflag:s23], s21  }
0xa0: {  	s5 =	ssub.s32 $0x0, s21;
	[sflag:s23] =	ssyncset.done $0x0  }
0xa1: {  	[sflag:s23] =	ssyncadd.s32 s5;
	_ =	sdelay $0x1  }
0xa2: {  	s24 =	simm.s32 $0x1B8B  }
0xa3: {  	_ =	swait.ge [sflag:s24], $0x1  }
0xa4: {  	[sflag:s24] =	ssyncset.done $0x0  }
0xa5: {  	s25 =	simm.s32 $0x1B8E;
	[sflag:s24] =	ssyncadd.s32 $0xFFFFFFFF  }
0xa6: {  	s26 =	simm.s32 $execute0_lowered;
	[smem:$0x3FD2] =	sst s25  }
0xa7: {  	s5 =	sshll.u32 s26, $0x1;
	_ =	strace $0x80000046;
	[dreg:$0x1] =	wrdreg $0xFFFFFFFF  }
0xa8: {  	s28 =	simm.s32 $_size_execute0_lowered;
	s4 =	sadd.s32 s4, s5;
	[dreg:$0x0] =	wrdreg $0x0  }
0xa9: {  	s5 =	sshll.u32 s28, $0x1;
	[dreg:$0x2] =	wrdreg s4  }
0xaa: {  	[dreg:$0x3] =	wrdreg s5  }
0xab: {  	[dreg:$0x4] =	wrdreg $0xC0  }
0xac: {  	_ =	task [dreg:s8], $0x5FFFF  }
0xad: {  	[dreg:$0x1] =	wrdreg $0xFFFFFFFF  }
0xae: {  	[dreg:$0x0] =	wrdreg $0x60  }
0xaf: {  	[dreg:$0x2] =	wrdreg s2  }
0xb0: {  	[dreg:$0x3] =	wrdreg s19  }
0xb1: {  	[dreg:$0x4] =	wrdreg $0x9  }
0xb2: {  	_ =	task.clear_ibuf [dreg:s8], $0x5FFFF;
	_ =	strace $0x90000046  }
0xb3: {  	s29 =	simm.s32 $0x9;
	_ =	strace $0x80000048  }
0xb4: {  	_ =	swait.ge [sflag:s29], $0x1  }
0xb5: {  	[sflag:s29] =	ssyncadd.s32 $0xFFFFFFFF  }
0xb6: {  	_ =	strace $0x90000048  }
0xb7: {  	_ =	sfence  }
0xb8: {  	s30 =	sld [smem:$0x0];
	_ =	sdelay $0x2  }
0xb9: {  	s31 =	sshll.u32 s1, $0xD;
	s1 =	sshrl.u32 s1, $0x2  }
0xba: {  	s3 =	sand.u32 $0x4000, s31;
	s1 =	sadd.s32 s1, s30  }
0xbb: {  	s0 =	sor.u32 s3, s0;
	s1 =	sshll.u32 s1, $0x11  }
0xbc: {  	s0 =	sor.u32 s1, s0  }
0xbd: {  	s0 =	sadd.s32 $0x8F2B, s0  }
0xbe: {  	[sflag:s0] =	ssyncadd.remote.s32 $0x1  }
0xbf: {  	_ =	sfence.sel $0xFFFF  }
0xc0: {  	[dreg:$0x0] =	wrdreg $0xFFFFFFFF;
	(pc) =	sbr.abs _section_cstart, $3  }
0xc1: {  	[dreg:$0x1] =	wrdreg $0xFFFFFFFF  }
0xc2: {  	_ =	task.clear_ibuf [dreg:s8], $0x2FFFF;
	_ =	strace $0x9FFFFFFF  }
0xc3: {  	(tm) =	ssettm $0x7FFFFFFF  }
tec
execute0_lowered:
.L_overlay_start_1:
0x0: {  	(tag) =	ssettag $0x1  }
0x1: {  	s0 =	srdreg.scid  }
0x2: {  	s2 =	stileid.u32;
	s1 =	rddreg [dreg:$0x0];
	s0 =	sand.u32 $0x1, s0  }
0x3: {  	s9 =	rddreg [dreg:$0x1];
	s2 =	sshll.u32 s2, $0x6;
	s3 =	sshll.u32 s0, $0x5  }
0x4: {  	[dreg:$0x3] =	wrdreg s1;
	s0 =	ssub.s32 $0x2, s0;
	s8 =	sor.u32 s3, s2  }
0x5: {  	s2 =	simm.s32 $0x0;
	s4 =	sshrl.u32 s0, $0x1;
	s29 =	sshrl.u32 s8, $0x5  }
0x6: {  	[smem:$0x7FF] =	sst s2;
	s8 =	sshll.u32 s8, $0x6;
	s1 =	ssub.s32 $0x10, s29  }
0x7: {  	s23 =	ssub.s32 s0, s4;
	s0 =	sadd.s32 s9, s8;
	s30 =	ssub.s32 $0x0, s1  }
0x8: {  	_ =	strace $0x80000047;
	s28 =	sadd.s32 $0x10, s0;
	s1 =	smin.u32 s1, s30  }
0x9: {  	[smem:$0x7B7] =	sst s28;
	s3 =	sadd.s32 $0xF, s1;
	s10 =	sadd.s32 $0xE, s1  }
0xa: {  	s11 =	sadd.s32 $0xD, s1;
	s12 =	sadd.s32 $0xC, s1;
	s13 =	sadd.s32 $0xB, s1  }
0xb: {  	s14 =	sadd.s32 $0xA, s1;
	s15 =	sadd.s32 $0x9, s1;
	s16 =	sadd.s32 $0x8, s1  }
0xc: {  	s17 =	sadd.s32 $0x7, s1;
	s18 =	sadd.s32 $0x6, s1;
	s19 =	sadd.s32 $0x5, s1  }
0xd: {  	s7 =	sadd.s32 $0x4, s1;
	s6 =	sadd.s32 $0x3, s1;
	s4 =	sadd.s32 $0x2, s1  }
0xe: {  	s20 =	smax.u32 s1, $0x1;
	s5 =	sshll.u32 s3, $0x9;
	s3 =	sshll.u32 s3, $0x7  }
0xf: {  	s31 =	sshll.u32 s10, $0x9;
	s10 =	sshll.u32 s10, $0x7;
	s25 =	sshll.u32 s11, $0x9  }
0x10: {  	s26 =	sshll.u32 s11, $0x7;
	s29 =	sshll.u32 s12, $0x9;
	s30 =	sshll.u32 s12, $0x7  }
0x11: {  	s11 =	sshll.u32 s13, $0x9;
	s13 =	sshll.u32 s13, $0x7;
	s28 =	sshll.u32 s15, $0x9  }
0x12: {  	s21 =	sand.u32 $0x7FFFF000, s5;
	s22 =	sand.u32 $0x380, s3;
	s5 =	sadd.s32 $0x1, s1  }
0x13: {  	s3 =	sadd.s32 $0xFFFFFFFF, s20;
	s8 =	sand.u32 $0x7FFFF000, s25;
	s9 =	sand.u32 $0x380, s26  }
0x14: {  	s20 =	sshll.u32 s14, $0x9;
	s26 =	sshll.u32 s14, $0x7;
	s24 =	sor.u32 s22, s21  }
0x15: {  	s21 =	sand.u32 $0x7FFFF000, s31;
	s22 =	sand.u32 $0x380, s10;
	s31 =	sadd.s32 $0x20, s0  }
0x16: {  	s25 =	sand.u32 $0x7FFFF000, s20;
	s10 =	sshll.u32 s16, $0x7;
	s22 =	sor.u32 s22, s21  }
0x17: {  	s21 =	sor.u32 s9, s8;
	[smem:$0x7B8] =	sst s31;
	s8 =	sand.u32 $0x7FFFF000, s29  }
0x18: {  	s9 =	sand.u32 $0x380, s30;
	s29 =	sshll.u32 s15, $0x7;
	s30 =	sand.u32 $0x7FFFF000, s28  }
0x19: {  	s28 =	sshll.u32 s18, $0x7;
	[smem:$0x7B9] =	sst s24;
	s12 =	sor.u32 s9, s8  }
0x1a: {  	s8 =	sand.u32 $0x7FFFF000, s11;
	s9 =	sand.u32 $0x380, s13;
	[smem:$0x7F5] =	sst s22  }
0x1b: {  	s31 =	sand.u32 $0x380, s29;
	s11 =	sshll.u32 s17, $0x9;
	[smem:$0x7FA] =	sst s21  }
0x1c: {  	s13 =	sor.u32 s9, s8;
	s9 =	sand.u32 $0x380, s26;
	s15 =	sor.u32 s31, s30  }
0x1d: {  	s20 =	sand.u32 $0x7FFFF000, s11;
	s26 =	sshll.u32 s18, $0x9;
	s30 =	sand.u32 $0x380, s28  }
0x1e: {  	s11 =	sshll.u32 s7, $0x9;
	s7 =	sshll.u32 s7, $0x7;
	s28 =	sshll.u32 s4, $0x9  }
0x1f: {  	s4 =	sshll.u32 s4, $0x7;
	s14 =	sor.u32 s9, s25;
	s9 =	sshll.u32 s16, $0x9  }
0x20: {  	s25 =	sshll.u32 s17, $0x7;
	s29 =	sand.u32 $0x7FFFF000, s26;
	[smem:$0x7F6] =	sst s15  }
0x21: {  	s8 =	sand.u32 $0x7FFFF000, s9;
	s9 =	sand.u32 $0x380, s10;
	s31 =	sor.u32 s30, s29  }
0x22: {  	s18 =	smov.u32 s14;
	s29 =	sshll.u32 s5, $0x9;
	s5 =	sshll.u32 s5, $0x7  }
0x23: {  	s16 =	sor.u32 s9, s8;
	s9 =	sand.u32 $0x380, s25;
	s25 =	sshll.u32 s6, $0x9  }
0x24: {  	s30 =	sand.u32 $0x7FFFF000, s29;
	s29 =	sor.u32 $0x800, s24;
	[smem:$0x7FC] =	sst s18  }
0x25: {  	s5 =	sand.u32 $0x380, s5;
	s26 =	sand.u32 $0x7FFFF000, s25;
	[dreg:$0x5] =	wrdreg s29  }
0x26: {  	s25 =	sor.u32 s5, s30;
	s30 =	sor.u32 $0xC00, s24;
	[smem:$0x7F7] =	sst s16  }
0x27: {  	s5 =	smov.u32 s0;
	s0 =	sadd.s32 $0x30, s0;
	[dreg:$0x6] =	wrdreg s30  }
0x28: {  	s7 =	sand.u32 $0x380, s7;
	s4 =	sand.u32 $0x380, s4;
	[smem:$0x7BA] =	sst s0  }
0x29: {  	s10 =	sshll.u32 s19, $0x7;
	s6 =	sshll.u32 s6, $0x7;
	[dreg:$0x12] =	wrdreg s25  }
0x2a: {  	s17 =	sor.u32 s9, s20;
	s9 =	sshll.u32 s19, $0x9;
	[smem:$0x7F4] =	sst s5  }
0x2b: {  	s20 =	sand.u32 $0x7FFFF000, s11;
	s11 =	smov.u32 s12;
	[smem:$0x7F8] =	sst s17  }
0x2c: {  	s8 =	sand.u32 $0x7FFFF000, s9;
	s29 =	sadd.s32 $0x200, s5;
	[smem:$0x7FB] =	sst s11  }
0x2d: {  	s9 =	sand.u32 $0x380, s10;
	s30 =	sadd.s32 $0x210, s5;
	[smem:$0x7BF] =	sst s29  }
0x2e: {  	s10 =	smov.u32 s13;
	s13 =	smov.u32 s31;
	[smem:$0x7C0] =	sst s30  }
0x2f: {  	s6 =	sand.u32 $0x380, s6;
	s19 =	sor.u32 s9, s8;
	[smem:$0x7F9] =	sst s13  }
0x30: {  	s9 =	sor.u32 s6, s26;
	s26 =	sor.u32 $0x400, s24;
	[smem:$0x7FD] =	sst s10  }
0x31: {  	s31 =	sshll.u32 s3, $0x9;
	s24 =	sadd.s32 $0x50, s5;
	[dreg:$0x4] =	wrdreg s26  }
0x32: {  	s3 =	sshll.u32 s3, $0x7;
	s29 =	sadd.s32 $0x430, s5;
	[smem:$0x7BC] =	sst s24  }
0x33: {  	s8 =	sor.u32 s7, s20;
	s30 =	sadd.s32 $0x440, s5;
	[smem:$0x7CA] =	sst s29  }
0x34: {  	s6 =	sand.u32 $0x7FFFF000, s28;
	s7 =	sand.u32 $0x7FFFF000, s31;
	[smem:$0x7CB] =	sst s30  }
0x35: {  	s3 =	sand.u32 $0x380, s3;
	s20 =	sshll.u32 s1, $0x9;
	[dreg:$0x16] =	wrdreg s8  }
0x36: {  	s14 =	sor.u32 s4, s6;
	s6 =	sor.u32 s3, s7;
	[dreg:$0x14] =	wrdreg s9  }
0x37: {  	s28 =	sand.u32 $0x7FFFF000, s20;
	s20 =	sadd.s32 $0x40, s5;
	[dreg:$0x1c] =	wrdreg s6  }
0x38: {  	s26 =	sadd.s32 $0x60, s5;
	[smem:$0x7BB] =	sst s20  }
0x39: {  	s24 =	sadd.s32 $0x400, s5;
	[smem:$0x7BD] =	sst s26  }
0x3a: {  	s29 =	sadd.s32 $0x660, s5;
	[smem:$0x7C7] =	sst s24  }
0x3b: {  	s30 =	sor.u32 $0x400, s22;
	[dreg:$0xb] =	wrdreg s29  }
0x3c: {  	[smem:$0x7CC] =	sst s30  }
0x3d: {  	s31 =	sor.u32 $0x400, s6;
	[dreg:$0x13] =	wrdreg s14  }
0x3e: {  	s1 =	sshll.u32 s1, $0x7;
	s3 =	sor.u32 $0x800, s6;
	[dreg:$0x7] =	wrdreg s31  }
0x3f: {  	s1 =	sand.u32 $0x380, s1;
	s7 =	sor.u32 $0xC00, s6;
	[dreg:$0x8] =	wrdreg s3  }
0x40: {  	s4 =	sor.u32 s1, s28;
	s28 =	sadd.s32 $0x70, s5;
	[dreg:$0x9] =	wrdreg s7  }
0x41: {  	s23 =	smax.u32 s23, $0x1;
	s6 =	sadd.s32 $0x240, s5;
	[smem:$0x7BE] =	sst s28  }
0x42: {  	p1 =	sne.s32 s23, $0x1;
	s20 =	sadd.s32 $0x260, s5;
	[smem:$0x7C3] =	sst s6  }
0x43: {  	s1 =	sadd.s32 $0xFFFFFFFF, s23;
	s23 =	sadd.s32 $0x270, s5;
	[smem:$0x7C5] =	sst s20  }
0x44: {  	s26 =	sadd.s32 $0x410, s5;
	[smem:$0x7C6] =	sst s23  }
0x45: {  	s24 =	sadd.s32 $0x630, s5;
	[smem:$0x7C8] =	sst s26  }
0x46: {  	s29 =	sor.u32 $0x400, s10;
	[dreg:$0xe] =	wrdreg s24  }
0x47: {  	s30 =	sor.u32 $0x800, s10;
	[smem:$0x7D5] =	sst s29  }
0x48: {  	[smem:$0x7D6] =	sst s30  }
0x49: {  	s31 =	sadd.s32 $0x220, s5;
	[dreg:$0x1f] =	wrdreg s4  }
0x4a: {  	s3 =	sadd.s32 $0x230, s5;
	[smem:$0x7C1] =	sst s31  }
0x4b: {  	s7 =	sadd.s32 $0x250, s5;
	[smem:$0x7C2] =	sst s3  }
0x4c: {  	s28 =	sadd.s32 $0x420, s5;
	[smem:$0x7C4] =	sst s7  }
0x4d: {  	s6 =	sadd.s32 $0x470, s5;
	[smem:$0x7C9] =	sst s28  }
0x4e: {  	s20 =	sadd.s32 $0x610, s5;
	[dreg:$0x15] =	wrdreg s6  }
0x4f: {  	s23 =	sadd.s32 $0x620, s5;
	[dreg:$0x10] =	wrdreg s20  }
0x50: {  	s26 =	sadd.s32 $0x640, s5;
	[dreg:$0xf] =	wrdreg s23  }
0x51: {  	s29 =	sor.u32 $0x800, s16;
	[dreg:$0xd] =	wrdreg s26  }
0x52: {  	s30 =	sor.u32 $0xC00, s16;
	[dreg:$0x1d] =	wrdreg s29  }
0x53: {  	s24 =	sadd.s32 $0x670, s5;
	[dreg:$0x1b] =	wrdreg s30  }
0x54: {  	s31 =	sadd.s32 $0x450, s5;
	[dreg:$0xa] =	wrdreg s24  }
0x55: {  	s3 =	sadd.s32 $0x460, s5;
	[dreg:$0x1a] =	wrdreg s31  }
0x56: {  	s7 =	sadd.s32 $0x600, s5;
	[dreg:$0x18] =	wrdreg s3  }
0x57: {  	s28 =	sadd.s32 $0x650, s5;
	[dreg:$0x11] =	wrdreg s7  }
0x58: {  	s6 =	sor.u32 $0x400, s21;
	[dreg:$0xc] =	wrdreg s28  }
0x59: {  	s20 =	sor.u32 $0xC00, s21;
	[smem:$0x7CF] =	sst s6  }
0x5a: {  	s23 =	sor.u32 $0x400, s11;
	[smem:$0x7D1] =	sst s20  }
0x5b: {  	s26 =	sor.u32 $0x800, s11;
	[smem:$0x7D2] =	sst s23  }
0x5c: {  	s29 =	sor.u32 $0xC00, s19;
	[smem:$0x7D3] =	sst s26  }
0x5d: {  	s30 =	sor.u32 $0x400, s8;
	[smem:$0x7E4] =	sst s29  }
0x5e: {  	s31 =	sor.u32 $0x800, s22;
	[smem:$0x7E5] =	sst s30  }
0x5f: {  	s3 =	sor.u32 $0xC00, s22;
	[smem:$0x7CD] =	sst s31  }
0x60: {  	s7 =	sor.u32 $0x800, s21;
	[smem:$0x7CE] =	sst s3  }
0x61: {  	s28 =	sor.u32 $0xC00, s11;
	[smem:$0x7D0] =	sst s7  }
0x62: {  	s6 =	sor.u32 $0x800, s18;
	[smem:$0x7D4] =	sst s28  }
0x63: {  	s20 =	sor.u32 $0x400, s15;
	[smem:$0x7D9] =	sst s6  }
0x64: {  	s23 =	sor.u32 $0x800, s15;
	[dreg:$0x19] =	wrdreg s20  }
0x65: {  	s26 =	sor.u32 $0xC00, s15;
	[dreg:$0x17] =	wrdreg s23  }
0x66: {  	s29 =	sor.u32 $0x400, s4;
	[smem:$0x7DB] =	sst s26  }
0x67: {  	s30 =	sor.u32 $0x800, s4;
	[smem:$0x7F1] =	sst s29  }
0x68: {  	s31 =	sor.u32 $0xC00, s10;
	[smem:$0x7F2] =	sst s30  }
0x69: {  	s3 =	sor.u32 $0x400, s18;
	[smem:$0x7D7] =	sst s31  }
0x6a: {  	s7 =	sor.u32 $0xC00, s18;
	[smem:$0x7D8] =	sst s3  }
0x6b: {  	s28 =	sor.u32 $0x400, s16;
	[smem:$0x7DA] =	sst s7  }
0x6c: {  	s6 =	sor.u32 $0xC00, s17;
	[dreg:$0x1e] =	wrdreg s28  }
0x6d: {  	s20 =	sor.u32 $0x800, s13;
	[smem:$0x7DE] =	sst s6  }
0x6e: {  	s23 =	sor.u32 $0xC00, s13;
	[smem:$0x7E0] =	sst s20  }
0x6f: {  	s26 =	sor.u32 $0x400, s19;
	[smem:$0x7E1] =	sst s23  }
0x70: {  	s31 =	sor.u32 $0x400, s17;
	[smem:$0x7E2] =	sst s26  }
0x71: {  	s3 =	sor.u32 $0x800, s17;
	[smem:$0x7DC] =	sst s31  }
0x72: {  	s7 =	sor.u32 $0x400, s13;
	[smem:$0x7DD] =	sst s3  }
0x73: {  	s28 =	sor.u32 $0x800, s19;
	[smem:$0x7DF] =	sst s7  }
0x74: {  	s6 =	sor.u32 $0x400, s9;
	[smem:$0x7E3] =	sst s28  }
0x75: {  	s12 =	smov.u32 s19;
	s19 =	sor.u32 $0x800, s14;
	[smem:$0x7E8] =	sst s6  }
0x76: {  	s20 =	sor.u32 $0xC00, s14;
	[smem:$0x7EC] =	sst s19  }
0x77: {  	s23 =	sor.u32 $0x400, s25;
	[smem:$0x7ED] =	sst s20  }
0x78: {  	s26 =	sor.u32 $0x800, s25;
	[smem:$0x7EE] =	sst s23  }
0x79: {  	[smem:$0x7EF] =	sst s26  }
0x7a: {  	s31 =	sor.u32 $0x800, s8;
	s6 =	rddreg [dreg:$0x3]  }
0x7b: {  	s3 =	sor.u32 $0xC00, s8;
	[smem:$0x7E6] =	sst s31  }
0x7c: {  	s7 =	sor.u32 $0x800, s9;
	[smem:$0x7E7] =	sst s3  }
.Ltmp0:
0x7d: {  	s8 =	sor.u32 $0xC00, s9;
	[smem:$0x7E9] =	sst s7;
	(pc) =	sbr.rel @!p1 .LBB2_1-.Ltmp0, $4  }
0x7e: {  	s9 =	sor.u32 $0x400, s14;
	[smem:$0x7EA] =	sst s8  }
0x7f: {  	s28 =	sor.u32 $0xC00, s25;
	[smem:$0x7EB] =	sst s9  }
0x80: {  	p0 =	por $0x0, $0x0;
	[smem:$0x7F0] =	sst s28;
	s31 =	sor.u32 $0xC00, s4  }
0x81: {  	s0 =	simm.s32 $0x2;
	s23 =	simm.s32 $0x1;
	[smem:$0x7F3] =	sst s31  }
0x82: {  	[tilespmem:s2], [sflag:$0x2] =	stream.linear.gather [hbm4b:s6+s2], $0x4000, $0x38;
	[tilespmem:$0x4000] =	vst v63  }
0x83: {  	_ =	swait.ge [sflag:s0], $0x4000  }
0x84: {  	s19 =	rddreg [dreg:$0x4]  }
0x85: {  	s8 =	sld [smem:$0x7B9]  }
0x86: {  	[smem:$0x7B6] =	sst s1  }
0x87: {  	s20 =	sadd.s32 $0x80, s5;
	s25 =	rddreg [dreg:$0x5]  }
0x88: {  	s24 =	smov.u32 s5;
	[smem:$0x755] =	sst s20  }
0x89: {  	s26 =	sadd.s32 $0x100, s24;
	s28 =	rddreg [dreg:$0x6]  }
0x8a: {  	s29 =	sadd.s32 $0x180, s24;
	[smem:$0x756] =	sst s26  }
0x8b: {  	[smem:$0x757] =	sst s29  }
0x8c: {  	s4 =	sld [smem:$0x7B7]  }
0x8d: {  	s31 =	sld [smem:$0x7CC]  }
0x8e: {  	s3 =	sld [smem:$0x7CD]  }
0x8f: {  	s6 =	sld [smem:$0x7B8]  }
0x90: {  	[sflag:s0] =	ssyncset.done $0x0;
	s9 =	sld [smem:$0x7CF]  }
0x91: {  	[smem:$0x797] =	sst s12;
	[sflag:s0] =	ssyncadd.s32 $0xFFFFC000  }
0x92: {  	[hbm4b:s5+s2] =	stream.linear.scatter [tilespmem:s8], [sflag:$0x1], $0x80, $0x38;
	[tilespmem:$0x4000] =	vst v63  }
0x93: {  	s30 =	sadd.s32 $0x80, s4;
	s5 =	sld [smem:$0x7CE]  }
0x94: {  	s1 =	sadd.s32 $0x100, s4;
	[smem:$0x758] =	sst s30  }
0x95: {  	s8 =	sadd.s32 $0x80, s6;
	[smem:$0x759] =	sst s1  }
0x96: {  	s14 =	sadd.s32 $0x100, s6;
	[smem:$0x75B] =	sst s8  }
0x97: {  	[smem:$0x75C] =	sst s14  }
0x98: {  	[hbm4b:s20+s2] =	stream.linear.scatter [tilespmem:s19], [sflag:$0x1], $0x80, $0x38;
	[tilespmem:$0x4000] =	vst v63  }
0x99: {  	s19 =	sld [smem:$0x7D0];
	s20 =	sadd.s32 $0x180, s6  }
0x9a: {  	[smem:$0x75D] =	sst s20  }
0x9b: {  	[hbm4b:s26+s2] =	stream.linear.scatter [tilespmem:s25], [sflag:$0x1], $0x80, $0x38;
	[tilespmem:$0x4000] =	vst v63  }
0x9c: {  	s26 =	sld [smem:$0x7D3]  }
0x9d: {  	[hbm4b:s29+s2] =	stream.linear.scatter [tilespmem:s28], [sflag:$0x1], $0x80, $0x38;
	[tilespmem:$0x4000] =	vst v63  }
0x9e: {  	s28 =	sld [smem:$0x7D4]  }
0x9f: {  	s29 =	sld [smem:$0x7BB]  }
0xa0: {  	[hbm4b:s4+s2] =	stream.linear.scatter [tilespmem:s22], [sflag:$0x1], $0x80, $0x38;
	[tilespmem:$0x4000] =	vst v63  }
0xa1: {  	s7 =	smov.u32 s22;
	s4 =	sadd.s32 $0x180, s4;
	s22 =	sld [smem:$0x7BA]  }
0xa2: {  	[smem:$0x75A] =	sst s4  }
0xa3: {  	[hbm4b:s30+s2] =	stream.linear.scatter [tilespmem:s31], [sflag:$0x1], $0x80, $0x38;
	[tilespmem:$0x4000] =	vst v63  }
0xa4: {  	s30 =	sadd.s32 $0x80, s29;
	s31 =	sld [smem:$0x7D5]  }
0xa5: {  	[smem:$0x761] =	sst s30  }
0xa6: {  	[hbm4b:s1+s2] =	stream.linear.scatter [tilespmem:s3], [sflag:$0x1], $0x80, $0x38;
	[tilespmem:$0x4000] =	vst v63  }
0xa7: {  	s24 =	sadd.s32 $0x80, s22;
	s3 =	sld [smem:$0x7D2]  }
0xa8: {  	s25 =	sadd.s32 $0x100, s22;
	[smem:$0x75E] =	sst s24  }
0xa9: {  	s0 =	sadd.s32 $0x180, s22;
	[smem:$0x75F] =	sst s25  }
0xaa: {  	[smem:$0x760] =	sst s0  }
0xab: {  	s1 =	sld [smem:$0x7C3]  }
0xac: {  	[hbm4b:s4+s2] =	stream.linear.scatter [tilespmem:s5], [sflag:$0x1], $0x80, $0x38;
	[tilespmem:$0x4000] =	vst v63  }
0xad: {  	s4 =	sadd.s32 $0x100, s29;
	s5 =	sld [smem:$0x7D6]  }
0xae: {  	[smem:$0x762] =	sst s4  }
0xaf: {  	[hbm4b:s6+s2] =	stream.linear.scatter [tilespmem:s21], [sflag:$0x1], $0x80, $0x38;
	[tilespmem:$0x4000] =	vst v63  }
0xb0: {  	s21 =	sld [smem:$0x7D1]  }
0xb1: {  	s6 =	sld [smem:$0x7D7]  }
0xb2: {  	[hbm4b:s8+s2] =	stream.linear.scatter [tilespmem:s9], [sflag:$0x1], $0x80, $0x38;
	[tilespmem:$0x4000] =	vst v63  }
0xb3: {  	s8 =	sld [smem:$0x7BC]  }
0xb4: {  	[hbm4b:s14+s2] =	stream.linear.scatter [tilespmem:s19], [sflag:$0x1], $0x80, $0x38;
	[tilespmem:$0x4000] =	vst v63  }
0xb5: {  	s14 =	sld [smem:$0x7D9]  }
0xb6: {  	s19 =	sld [smem:$0x7BD];
	s9 =	sadd.s32 $0x80, s8  }
0xb7: {  	[hbm4b:s20+s2] =	stream.linear.scatter [tilespmem:s21], [sflag:$0x1], $0x80, $0x38;
	[tilespmem:$0x4000] =	vst v63  }
0xb8: {  	[smem:$0x764] =	sst s9  }
0xb9: {  	s21 =	rddreg [dreg:$0x19];
	s20 =	sadd.s32 $0x80, s19  }
0xba: {  	[hbm4b:s22+s2] =	stream.linear.scatter [tilespmem:s11], [sflag:$0x1], $0x80, $0x38;
	[tilespmem:$0x4000] =	vst v63  }
0xbb: {  	s11 =	sadd.s32 $0x100, s8;
	[smem:$0x767] =	sst s20  }
0xbc: {  	s22 =	sadd.s32 $0x100, s19;
	[smem:$0x765] =	sst s11  }
0xbd: {  	[smem:$0x768] =	sst s22  }
0xbe: {  	[hbm4b:s24+s2] =	stream.linear.scatter [tilespmem:s3], [sflag:$0x1], $0x80, $0x38;
	[tilespmem:$0x4000] =	vst v63  }
0xbf: {  	s24 =	rddreg [dreg:$0x17];
	s3 =	sadd.s32 $0x80, s1  }
0xc0: {  	[smem:$0x779] =	sst s3  }
0xc1: {  	[hbm4b:s25+s2] =	stream.linear.scatter [tilespmem:s26], [sflag:$0x1], $0x80, $0x38;
	[tilespmem:$0x4000] =	vst v63  }
0xc2: {  	s25 =	sld [smem:$0x7DB]  }
0xc3: {  	[hbm4b:s0+s2] =	stream.linear.scatter [tilespmem:s28], [sflag:$0x1], $0x80, $0x38;
	[tilespmem:$0x4000] =	vst v63  }
0xc4: {  	s26 =	sld [smem:$0x7BE];
	s0 =	sadd.s32 $0x180, s29  }
0xc5: {  	[smem:$0x763] =	sst s0  }
0xc6: {  	[hbm4b:s29+s2] =	stream.linear.scatter [tilespmem:s10], [sflag:$0x1], $0x80, $0x38;
	[tilespmem:$0x4000] =	vst v63  }
0xc7: {  	s10 =	sld [smem:$0x7D8]  }
0xc8: {  	s28 =	sadd.s32 $0x80, s26;
	s29 =	rddreg [dreg:$0x1e]  }
0xc9: {  	[smem:$0x76A] =	sst s28  }
0xca: {  	[hbm4b:s30+s2] =	stream.linear.scatter [tilespmem:s31], [sflag:$0x1], $0x80, $0x38;
	[tilespmem:$0x4000] =	vst v63  }
0xcb: {  	s30 =	sadd.s32 $0x100, s26;
	s31 =	rddreg [dreg:$0x1d]  }
0xcc: {  	[smem:$0x76B] =	sst s30  }
0xcd: {  	[hbm4b:s4+s2] =	stream.linear.scatter [tilespmem:s5], [sflag:$0x1], $0x80, $0x38;
	[tilespmem:$0x4000] =	vst v63  }
0xce: {  	s4 =	rddreg [dreg:$0x1b]  }
0xcf: {  	[hbm4b:s0+s2] =	stream.linear.scatter [tilespmem:s6], [sflag:$0x1], $0x80, $0x38;
	[tilespmem:$0x4000] =	vst v63  }
0xd0: {  	s5 =	sld [smem:$0x7BF];
	s0 =	sadd.s32 $0x180, s8  }
0xd1: {  	[smem:$0x766] =	sst s0  }
0xd2: {  	[hbm4b:s8+s2] =	stream.linear.scatter [tilespmem:s18], [sflag:$0x1], $0x80, $0x38;
	[tilespmem:$0x4000] =	vst v63  }
0xd3: {  	s18 =	sld [smem:$0x7DA]  }
0xd4: {  	s6 =	sadd.s32 $0x80, s5;
	s8 =	sld [smem:$0x7DC]  }
0xd5: {  	[smem:$0x76D] =	sst s6  }
0xd6: {  	[hbm4b:s9+s2] =	stream.linear.scatter [tilespmem:s10], [sflag:$0x1], $0x80, $0x38;
	[tilespmem:$0x4000] =	vst v63  }
0xd7: {  	s9 =	sadd.s32 $0x100, s5;
	s10 =	sld [smem:$0x7DD]  }
0xd8: {  	[smem:$0x76E] =	sst s9  }
0xd9: {  	[hbm4b:s11+s2] =	stream.linear.scatter [tilespmem:s14], [sflag:$0x1], $0x80, $0x38;
	[tilespmem:$0x4000] =	vst v63  }
0xda: {  	s11 =	sld [smem:$0x7DE]  }
0xdb: {  	s14 =	sld [smem:$0x7C0]  }
0xdc: {  	[hbm4b:s0+s2] =	stream.linear.scatter [tilespmem:s18], [sflag:$0x1], $0x80, $0x38;
	[tilespmem:$0x4000] =	vst v63  }
0xdd: {  	s0 =	sadd.s32 $0x180, s19;
	s18 =	sld [smem:$0x7E1]  }
0xde: {  	[smem:$0x769] =	sst s0  }
0xdf: {  	[hbm4b:s19+s2] =	stream.linear.scatter [tilespmem:s15], [sflag:$0x1], $0x80, $0x38;
	[tilespmem:$0x4000] =	vst v63  }
0xe0: {  	s15 =	sadd.s32 $0x80, s14;
	s19 =	sld [smem:$0x7C1]  }
0xe1: {  	[hbm4b:s20+s2] =	stream.linear.scatter [tilespmem:s21], [sflag:$0x1], $0x80, $0x38;
	[tilespmem:$0x4000] =	vst v63  }
0xe2: {  	[smem:$0x770] =	sst s15  }
0xe3: {  	[hbm4b:s22+s2] =	stream.linear.scatter [tilespmem:s24], [sflag:$0x1], $0x80, $0x38;
	[tilespmem:$0x4000] =	vst v63  }
0xe4: {  	s20 =	sadd.s32 $0x80, s19;
	s24 =	sld [smem:$0x7E2]  }
0xe5: {  	s21 =	sadd.s32 $0x100, s19;
	[smem:$0x773] =	sst s20  }
0xe6: {  	[smem:$0x774] =	sst s21  }
0xe7: {  	s22 =	sld [smem:$0x7C2]  }
0xe8: {  	[hbm4b:s0+s2] =	stream.linear.scatter [tilespmem:s25], [sflag:$0x1], $0x80, $0x38;
	[tilespmem:$0x4000] =	vst v63  }
0xe9: {  	s0 =	sadd.s32 $0x180, s26;
	s25 =	sld [smem:$0x7E3]  }
0xea: {  	[hbm4b:s26+s2] =	stream.linear.scatter [tilespmem:s16], [sflag:$0x1], $0x80, $0x38;
	[tilespmem:$0x4000] =	vst v63  }
0xeb: {  	[smem:$0x76C] =	sst s0;
	s16 =	sadd.s32 $0x100, s14  }
0xec: {  	s26 =	sadd.s32 $0x80, s22;
	[smem:$0x771] =	sst s16  }
0xed: {  	[smem:$0x776] =	sst s26  }
0xee: {  	[hbm4b:s28+s2] =	stream.linear.scatter [tilespmem:s29], [sflag:$0x1], $0x80, $0x38;
	[tilespmem:$0x4000] =	vst v63  }
0xef: {  	s29 =	sld [smem:$0x7E4];
	s28 =	sadd.s32 $0x100, s22  }
0xf0: {  	[smem:$0x777] =	sst s28  }
0xf1: {  	[hbm4b:s30+s2] =	stream.linear.scatter [tilespmem:s31], [sflag:$0x1], $0x80, $0x38;
	[tilespmem:$0x4000] =	vst v63  }
0xf2: {  	s31 =	sld [smem:$0x7DF]  }
0xf3: {  	[hbm4b:s0+s2] =	stream.linear.scatter [tilespmem:s4], [sflag:$0x1], $0x80, $0x38;
	[tilespmem:$0x4000] =	vst v63  }
0xf4: {  	s30 =	rddreg [dreg:$0x16];
	s0 =	sadd.s32 $0x180, s5  }
0xf5: {  	s4 =	sadd.s32 $0x100, s1;
	[smem:$0x76F] =	sst s0  }
0xf6: {  	[hbm4b:s5+s2] =	stream.linear.scatter [tilespmem:s17], [sflag:$0x1], $0x80, $0x38;
	[tilespmem:$0x4000] =	vst v63  }
0xf7: {  	[smem:$0x77A] =	sst s4  }
0xf8: {  	[hbm4b:s6+s2] =	stream.linear.scatter [tilespmem:s8], [sflag:$0x1], $0x80, $0x38;
	[tilespmem:$0x4000] =	vst v63  }
0xf9: {  	s6 =	sld [smem:$0x7C4]  }
0xfa: {  	s17 =	sld [smem:$0x7E0];
	s5 =	sadd.s32 $0x180, s1  }
0xfb: {  	[hbm4b:s9+s2] =	stream.linear.scatter [tilespmem:s10], [sflag:$0x1], $0x80, $0x38;
	[tilespmem:$0x4000] =	vst v63  }
0xfc: {  	[smem:$0x77B] =	sst s5;
	s8 =	sadd.s32 $0x80, s6  }
0xfd: {  	[hbm4b:s0+s2] =	stream.linear.scatter [tilespmem:s11], [sflag:$0x1], $0x80, $0x38;
	[tilespmem:$0x4000] =	vst v63  }
0xfe: {  	s9 =	sadd.s32 $0x100, s6;
	[smem:$0x77C] =	sst s8  }
0xff: {  	s10 =	sadd.s32 $0x180, s6;
	[smem:$0x77D] =	sst s9  }
0x100: {  	[smem:$0x77E] =	sst s10  }
0x101: {  	s0 =	sadd.s32 $0x180, s14;
	s11 =	sld [smem:$0x7C5]  }
0x102: {  	[smem:$0x772] =	sst s0  }
0x103: {  	[hbm4b:s14+s2] =	stream.linear.scatter [tilespmem:s13], [sflag:$0x1], $0x80, $0x38;
	[tilespmem:$0x4000] =	vst v63  }
0x104: {  	s13 =	sld [smem:$0x7EB]  }
0x105: {  	s14 =	sld [smem:$0x7ED]  }
0x106: {  	[hbm4b:s15+s2] =	stream.linear.scatter [tilespmem:s31], [sflag:$0x1], $0x80, $0x38;
	[tilespmem:$0x4000] =	vst v63  }
0x107: {  	s15 =	sld [smem:$0x7E8]  }
0x108: {  	[hbm4b:s16+s2] =	stream.linear.scatter [tilespmem:s17], [sflag:$0x1], $0x80, $0x38;
	[tilespmem:$0x4000] =	vst v63  }
0x109: {  	s16 =	sld [smem:$0x7E9]  }
0x10a: {  	s17 =	sld [smem:$0x7EA]  }
0x10b: {  	[hbm4b:s0+s2] =	stream.linear.scatter [tilespmem:s18], [sflag:$0x1], $0x80, $0x38;
	[tilespmem:$0x4000] =	vst v63  }
0x10c: {  	s0 =	sadd.s32 $0x180, s19;
	s18 =	rddreg [dreg:$0x13]  }
0x10d: {  	[hbm4b:s19+s2] =	stream.linear.scatter [tilespmem:s12], [sflag:$0x1], $0x80, $0x38;
	[tilespmem:$0x4000] =	vst v63  }
0x10e: {  	[smem:$0x775] =	sst s0  }
0x10f: {  	[hbm4b:s20+s2] =	stream.linear.scatter [tilespmem:s24], [sflag:$0x1], $0x80, $0x38;
	[tilespmem:$0x4000] =	vst v63  }
0x110: {  	s19 =	sld [smem:$0x7E5]  }
0x111: {  	[hbm4b:s21+s2] =	stream.linear.scatter [tilespmem:s25], [sflag:$0x1], $0x80, $0x38;
	[tilespmem:$0x4000] =	vst v63  }
0x112: {  	s12 =	sld [smem:$0x7EC]  }
0x113: {  	[hbm4b:s0+s2] =	stream.linear.scatter [tilespmem:s29], [sflag:$0x1], $0x80, $0x38;
	[tilespmem:$0x4000] =	vst v63  }
0x114: {  	s20 =	sld [smem:$0x7E6]  }
0x115: {  	[hbm4b:s22+s2] =	stream.linear.scatter [tilespmem:s30], [sflag:$0x1], $0x80, $0x38;
	[tilespmem:$0x4000] =	vst v63  }
0x116: {  	s21 =	sld [smem:$0x7E7];
	s0 =	sadd.s32 $0x180, s22  }
0x117: {  	[hbm4b:s26+s2] =	stream.linear.scatter [tilespmem:s19], [sflag:$0x1], $0x80, $0x38;
	[tilespmem:$0x4000] =	vst v63  }
0x118: {  	[smem:$0x778] =	sst s0  }
0x119: {  	[hbm4b:s28+s2] =	stream.linear.scatter [tilespmem:s20], [sflag:$0x1], $0x80, $0x38;
	[tilespmem:$0x4000] =	vst v63  }
0x11a: {  	s22 =	rddreg [dreg:$0x14]  }
0x11b: {  	[hbm4b:s0+s2] =	stream.linear.scatter [tilespmem:s21], [sflag:$0x1], $0x80, $0x38;
	[tilespmem:$0x4000] =	vst v63  }
0x11c: {  	s26 =	rddreg [dreg:$0x12];
	s28 =	sadd.s32 $0x80, s11  }
0x11d: {  	[hbm4b:s1+s2] =	stream.linear.scatter [tilespmem:s22], [sflag:$0x1], $0x80, $0x38;
	[tilespmem:$0x4000] =	vst v63  }
0x11e: {  	[smem:$0x77F] =	sst s28  }
0x11f: {  	[hbm4b:s3+s2] =	stream.linear.scatter [tilespmem:s15], [sflag:$0x1], $0x80, $0x38;
	[tilespmem:$0x4000] =	vst v63  }
0x120: {  	s0 =	rddreg [dreg:$0x1c]  }
0x121: {  	[hbm4b:s4+s2] =	stream.linear.scatter [tilespmem:s16], [sflag:$0x1], $0x80, $0x38;
	[tilespmem:$0x4000] =	vst v63  }
0x122: {  	s1 =	sadd.s32 $0x100, s11;
	s4 =	sld [smem:$0x7C6]  }
0x123: {  	[smem:$0x780] =	sst s1;
	s3 =	sadd.s32 $0x180, s11  }
0x124: {  	[hbm4b:s5+s2] =	stream.linear.scatter [tilespmem:s17], [sflag:$0x1], $0x80, $0x38;
	[tilespmem:$0x4000] =	vst v63  }
0x125: {  	[smem:$0x781] =	sst s3;
	s5 =	sadd.s32 $0x180, s4  }
0x126: {  	[hbm4b:s6+s2] =	stream.linear.scatter [tilespmem:s18], [sflag:$0x1], $0x80, $0x38;
	[tilespmem:$0x4000] =	vst v63  }
0x127: {  	s6 =	sadd.s32 $0x80, s4;
	[smem:$0x784] =	sst s5  }
0x128: {  	[hbm4b:s8+s2] =	stream.linear.scatter [tilespmem:s13], [sflag:$0x1], $0x80, $0x38;
	[tilespmem:$0x4000] =	vst v63  }
0x129: {  	[smem:$0x782] =	sst s6  }
0x12a: {  	[hbm4b:s9+s2] =	stream.linear.scatter [tilespmem:s12], [sflag:$0x1], $0x80, $0x38;
	[tilespmem:$0x4000] =	vst v63  }
0x12b: {  	s8 =	sld [smem:$0x7EF]  }
0x12c: {  	[hbm4b:s10+s2] =	stream.linear.scatter [tilespmem:s14], [sflag:$0x1], $0x80, $0x38;
	[tilespmem:$0x4000] =	vst v63  }
0x12d: {  	s9 =	sadd.s32 $0x100, s4;
	s10 =	sld [smem:$0x7EE]  }
0x12e: {  	[hbm4b:s11+s2] =	stream.linear.scatter [tilespmem:s26], [sflag:$0x1], $0x80, $0x38;
	[tilespmem:$0x4000] =	vst v63  }
0x12f: {  	[smem:$0x783] =	sst s9  }
0x130: {  	[hbm4b:s28+s2] =	stream.linear.scatter [tilespmem:s10], [sflag:$0x1], $0x80, $0x38;
	[tilespmem:$0x4000] =	vst v63  }
0x131: {  	s11 =	sld [smem:$0x7F0]  }
0x132: {  	[hbm4b:s1+s2] =	stream.linear.scatter [tilespmem:s8], [sflag:$0x1], $0x80, $0x38;
	[tilespmem:$0x4000] =	vst v63  }
0x133: {  	s28 =	rddreg [dreg:$0x1f]  }
0x134: {  	[hbm4b:s3+s2] =	stream.linear.scatter [tilespmem:s11], [sflag:$0x1], $0x80, $0x38;
	[tilespmem:$0x4000] =	vst v63  }
0x135: {  	s3 =	sld [smem:$0x7F1]  }
0x136: {  	[hbm4b:s4+s2] =	stream.linear.scatter [tilespmem:s28], [sflag:$0x1], $0x80, $0x38;
	[tilespmem:$0x4000] =	vst v63  }
0x137: {  	s1 =	sld [smem:$0x7F2]  }
0x138: {  	[hbm4b:s6+s2] =	stream.linear.scatter [tilespmem:s3], [sflag:$0x1], $0x80, $0x38;
	[tilespmem:$0x4000] =	vst v63  }
0x139: {  	s4 =	sld [smem:$0x7F3]  }
0x13a: {  	[hbm4b:s9+s2] =	stream.linear.scatter [tilespmem:s1], [sflag:$0x1], $0x80, $0x38;
	[tilespmem:$0x4000] =	vst v63  }
0x13b: {  	s9 =	sld [smem:$0x7C7]  }
0x13c: {  	[hbm4b:s5+s2] =	stream.linear.scatter [tilespmem:s4], [sflag:$0x1], $0x80, $0x38;
	[tilespmem:$0x4000] =	vst v63  }
0x13d: {  	s6 =	rddreg [dreg:$0x8]  }
0x13e: {  	[hbm4b:s9+s2] =	stream.linear.scatter [tilespmem:s0], [sflag:$0x1], $0x80, $0x38;
	[tilespmem:$0x4000] =	vst v63  }
0x13f: {  	s5 =	rddreg [dreg:$0x7];
	s0 =	sadd.s32 $0x80, s9  }
0x140: {  	[smem:$0x785] =	sst s0  }
0x141: {  	[hbm4b:s0+s2] =	stream.linear.scatter [tilespmem:s5], [sflag:$0x1], $0x80, $0x38;
	[tilespmem:$0x4000] =	vst v63  }
0x142: {  	s0 =	sadd.s32 $0x100, s9;
	s5 =	rddreg [dreg:$0x9]  }
0x143: {  	[hbm4b:s0+s2] =	stream.linear.scatter [tilespmem:s6], [sflag:$0x1], $0x80, $0x38;
	[tilespmem:$0x4000] =	vst v63  }
0x144: {  	s9 =	sadd.s32 $0x180, s9;
	s6 =	sld [smem:$0x7C8]  }
0x145: {  	[hbm4b:s9+s2] =	stream.linear.scatter [tilespmem:s5], [sflag:$0x1], $0x80, $0x38;
	[tilespmem:$0x4000] =	vst v63  }
0x146: {  	[smem:$0x786] =	sst s0  }
0x147: {  	[hbm4b:s6+s2] =	stream.linear.scatter [tilespmem:s28], [sflag:$0x1], $0x80, $0x38;
	[tilespmem:$0x4000] =	vst v63  }
0x148: {  	[smem:$0x787] =	sst s9;
	s9 =	sadd.s32 $0x80, s6  }
0x149: {  	[hbm4b:s9+s2] =	stream.linear.scatter [tilespmem:s3], [sflag:$0x1], $0x80, $0x38;
	[tilespmem:$0x4000] =	vst v63  }
0x14a: {  	s5 =	sld [smem:$0x7D6];
	s28 =	sadd.s32 $0x100, s6  }
0x14b: {  	[hbm4b:s28+s2] =	stream.linear.scatter [tilespmem:s1], [sflag:$0x1], $0x80, $0x38;
	[tilespmem:$0x4000] =	vst v63  }
0x14c: {  	[smem:$0x788] =	sst s9;
	s3 =	sadd.s32 $0x180, s6  }
0x14d: {  	[hbm4b:s3+s2] =	stream.linear.scatter [tilespmem:s4], [sflag:$0x1], $0x80, $0x38;
	[tilespmem:$0x4000] =	vst v63  }
0x14e: {  	s4 =	sld [smem:$0x7C9]  }
0x14f: {  	[smem:$0x789] =	sst s28  }
0x150: {  	[smem:$0x78A] =	sst s3  }
0x151: {  	[hbm4b:s4+s2] =	stream.linear.scatter [tilespmem:s26], [sflag:$0x1], $0x80, $0x38;
	[tilespmem:$0x4000] =	vst v63  }
0x152: {  	s3 =	sld [smem:$0x7CB];
	s6 =	sadd.s32 $0x80, s4  }
0x153: {  	s9 =	sadd.s32 $0x100, s4;
	[smem:$0x78B] =	sst s6  }
0x154: {  	[hbm4b:s6+s2] =	stream.linear.scatter [tilespmem:s10], [sflag:$0x1], $0x80, $0x38;
	[tilespmem:$0x4000] =	vst v63  }
0x155: {  	[smem:$0x78C] =	sst s9;
	s10 =	sadd.s32 $0x180, s4  }
0x156: {  	s4 =	sadd.s32 $0x80, s3;
	[smem:$0x78D] =	sst s10  }
0x157: {  	s6 =	sadd.s32 $0x100, s3;
	[smem:$0x791] =	sst s4  }
0x158: {  	[smem:$0x792] =	sst s6  }
0x159: {  	[hbm4b:s9+s2] =	stream.linear.scatter [tilespmem:s8], [sflag:$0x1], $0x80, $0x38;
	[tilespmem:$0x4000] =	vst v63  }
0x15a: {  	s9 =	rddreg [dreg:$0x1a]  }
0x15b: {  	[hbm4b:s10+s2] =	stream.linear.scatter [tilespmem:s11], [sflag:$0x1], $0x80, $0x38;
	[tilespmem:$0x4000] =	vst v63  }
0x15c: {  	s8 =	sadd.s32 $0x180, s3;
	s11 =	sld [smem:$0x7CA]  }
0x15d: {  	[smem:$0x793] =	sst s8;
	s0 =	sadd.s32 $0x180, s9  }
0x15e: {  	s10 =	sadd.s32 $0x80, s9;
	[smem:$0x796] =	sst s0  }
0x15f: {  	[hbm4b:s11+s2] =	stream.linear.scatter [tilespmem:s18], [sflag:$0x1], $0x80, $0x38;
	[tilespmem:$0x4000] =	vst v63  }
0x160: {  	[smem:$0x794] =	sst s10;
	s26 =	sadd.s32 $0x80, s11  }
0x161: {  	s28 =	sadd.s32 $0x100, s11;
	[smem:$0x78E] =	sst s26  }
0x162: {  	s1 =	sadd.s32 $0x180, s11;
	[smem:$0x78F] =	sst s28  }
0x163: {  	s11 =	sadd.s32 $0x100, s9;
	[smem:$0x790] =	sst s1  }
0x164: {  	[smem:$0x795] =	sst s11  }
0x165: {  	[hbm4b:s26+s2] =	stream.linear.scatter [tilespmem:s13], [sflag:$0x1], $0x80, $0x38;
	[tilespmem:$0x4000] =	vst v63  }
0x166: {  	s13 =	sld [smem:$0x797]  }
0x167: {  	[hbm4b:s28+s2] =	stream.linear.scatter [tilespmem:s12], [sflag:$0x1], $0x80, $0x38;
	[tilespmem:$0x4000] =	vst v63  }
0x168: {  	s26 =	sld [smem:$0x7DC]  }
0x169: {  	[hbm4b:s1+s2] =	stream.linear.scatter [tilespmem:s14], [sflag:$0x1], $0x80, $0x38;
	[tilespmem:$0x4000] =	vst v63  }
0x16a: {  	s12 =	rddreg [dreg:$0x18]  }
0x16b: {  	[hbm4b:s3+s2] =	stream.linear.scatter [tilespmem:s22], [sflag:$0x1], $0x80, $0x38;
	[tilespmem:$0x4000] =	vst v63  }
0x16c: {  	s14 =	sadd.s32 $0x80, s12;
	s22 =	rddreg [dreg:$0x11]  }
0x16d: {  	[smem:$0x798] =	sst s14;
	s28 =	sadd.s32 $0x100, s22  }
0x16e: {  	[hbm4b:s4+s2] =	stream.linear.scatter [tilespmem:s15], [sflag:$0x1], $0x80, $0x38;
	[tilespmem:$0x4000] =	vst v63  }
0x16f: {  	[smem:$0x79F] =	sst s28  }
0x170: {  	s15 =	sadd.s32 $0x100, s12;
	s4 =	sld [smem:$0x7F7]  }
0x171: {  	[smem:$0x799] =	sst s15  }
0x172: {  	[hbm4b:s6+s2] =	stream.linear.scatter [tilespmem:s16], [sflag:$0x1], $0x80, $0x38;
	[tilespmem:$0x4000] =	vst v63  }
0x173: {  	s16 =	rddreg [dreg:$0x15]  }
0x174: {  	[hbm4b:s8+s2] =	stream.linear.scatter [tilespmem:s17], [sflag:$0x1], $0x80, $0x38;
	[tilespmem:$0x4000] =	vst v63  }
0x175: {  	s18 =	sadd.s32 $0x80, s16;
	s17 =	sld [smem:$0x7F9]  }
0x176: {  	[smem:$0x79B] =	sst s18  }
0x177: {  	s8 =	rddreg [dreg:$0x1e]  }
0x178: {  	[hbm4b:s9+s2] =	stream.linear.scatter [tilespmem:s30], [sflag:$0x1], $0x80, $0x38;
	[tilespmem:$0x4000] =	vst v63  }
0x179: {  	s30 =	sld [smem:$0x7DE]  }
0x17a: {  	[hbm4b:s10+s2] =	stream.linear.scatter [tilespmem:s19], [sflag:$0x1], $0x80, $0x38;
	[tilespmem:$0x4000] =	vst v63  }
0x17b: {  	s19 =	sadd.s32 $0x100, s16;
	s10 =	rddreg [dreg:$0x1d]  }
0x17c: {  	[smem:$0x79C] =	sst s19  }
0x17d: {  	[hbm4b:s11+s2] =	stream.linear.scatter [tilespmem:s20], [sflag:$0x1], $0x80, $0x38;
	[tilespmem:$0x4000] =	vst v63  }
0x17e: {  	s20 =	sld [smem:$0x7E0]  }
0x17f: {  	s11 =	rddreg [dreg:$0x1b]  }
0x180: {  	[hbm4b:s0+s2] =	stream.linear.scatter [tilespmem:s21], [sflag:$0x1], $0x80, $0x38;
	[tilespmem:$0x4000] =	vst v63  }
0x181: {  	s0 =	sadd.s32 $0x180, s12;
	s21 =	sld [smem:$0x7E1]  }
0x182: {  	[smem:$0x79A] =	sst s0  }
0x183: {  	[hbm4b:s12+s2] =	stream.linear.scatter [tilespmem:s13], [sflag:$0x1], $0x80, $0x38;
	[tilespmem:$0x4000] =	vst v63  }
0x184: {  	s12 =	rddreg [dreg:$0xf]  }
0x185: {  	s13 =	sld [smem:$0x7F6]  }
0x186: {  	[hbm4b:s14+s2] =	stream.linear.scatter [tilespmem:s24], [sflag:$0x1], $0x80, $0x38;
	[tilespmem:$0x4000] =	vst v63  }
0x187: {  	s24 =	sld [smem:$0x7F8];
	s14 =	sadd.s32 $0x80, s12  }
0x188: {  	[smem:$0x7A4] =	sst s14  }
0x189: {  	[hbm4b:s15+s2] =	stream.linear.scatter [tilespmem:s25], [sflag:$0x1], $0x80, $0x38;
	[tilespmem:$0x4000] =	vst v63  }
0x18a: {  	s25 =	sadd.s32 $0x80, s22;
	s15 =	rddreg [dreg:$0x19]  }
0x18b: {  	[smem:$0x79E] =	sst s25  }
0x18c: {  	[hbm4b:s0+s2] =	stream.linear.scatter [tilespmem:s29], [sflag:$0x1], $0x80, $0x38;
	[tilespmem:$0x4000] =	vst v63  }
0x18d: {  	s0 =	sadd.s32 $0x180, s16;
	s29 =	sld [smem:$0x7DD]  }
0x18e: {  	[smem:$0x79D] =	sst s0  }
0x18f: {  	[hbm4b:s16+s2] =	stream.linear.scatter [tilespmem:s17], [sflag:$0x1], $0x80, $0x38;
	[tilespmem:$0x4000] =	vst v63  }
0x190: {  	s16 =	sadd.s32 $0x100, s12;
	s17 =	rddreg [dreg:$0x17]  }
0x191: {  	[smem:$0x7A5] =	sst s16  }
0x192: {  	[hbm4b:s18+s2] =	stream.linear.scatter [tilespmem:s31], [sflag:$0x1], $0x80, $0x38;
	[tilespmem:$0x4000] =	vst v63  }
0x193: {  	s31 =	rddreg [dreg:$0x10]  }
0x194: {  	s18 =	sld [smem:$0x7DB];
	s6 =	sadd.s32 $0x80, s31  }
0x195: {  	[hbm4b:s19+s2] =	stream.linear.scatter [tilespmem:s20], [sflag:$0x1], $0x80, $0x38;
	[tilespmem:$0x4000] =	vst v63  }
0x196: {  	s9 =	sadd.s32 $0x100, s31;
	[smem:$0x7A1] =	sst s6  }
0x197: {  	[smem:$0x7A2] =	sst s9  }
0x198: {  	s19 =	rddreg [dreg:$0xe]  }
0x199: {  	[hbm4b:s0+s2] =	stream.linear.scatter [tilespmem:s21], [sflag:$0x1], $0x80, $0x38;
	[tilespmem:$0x4000] =	vst v63  }
0x19a: {  	s20 =	sld [smem:$0x7FC];
	s0 =	sadd.s32 $0x180, s22  }
0x19b: {  	s21 =	sadd.s32 $0x80, s19;
	[smem:$0x7A0] =	sst s0  }
0x19c: {  	[smem:$0x7A7] =	sst s21  }
0x19d: {  	[hbm4b:s22+s2] =	stream.linear.scatter [tilespmem:s24], [sflag:$0x1], $0x80, $0x38;
	[tilespmem:$0x4000] =	vst v63  }
0x19e: {  	s22 =	sld [smem:$0x7D8];
	s24 =	sadd.s32 $0x100, s19  }
0x19f: {  	[smem:$0x7A8] =	sst s24  }
0x1a0: {  	[hbm4b:s25+s2] =	stream.linear.scatter [tilespmem:s26], [sflag:$0x1], $0x80, $0x38;
	[tilespmem:$0x4000] =	vst v63  }
0x1a1: {  	s25 =	sld [smem:$0x7D9]  }
0x1a2: {  	s26 =	sld [smem:$0x7DA]  }
0x1a3: {  	[hbm4b:s28+s2] =	stream.linear.scatter [tilespmem:s29], [sflag:$0x1], $0x80, $0x38;
	[tilespmem:$0x4000] =	vst v63  }
0x1a4: {  	s28 =	rddreg [dreg:$0xd]  }
0x1a5: {  	[hbm4b:s0+s2] =	stream.linear.scatter [tilespmem:s30], [sflag:$0x1], $0x80, $0x38;
	[tilespmem:$0x4000] =	vst v63  }
0x1a6: {  	s29 =	sld [smem:$0x7FD];
	s0 =	sadd.s32 $0x180, s31  }
0x1a7: {  	s30 =	sadd.s32 $0x80, s28;
	[smem:$0x7A3] =	sst s0  }
0x1a8: {  	[smem:$0x7AA] =	sst s30  }
0x1a9: {  	[hbm4b:s31+s2] =	stream.linear.scatter [tilespmem:s4], [sflag:$0x1], $0x80, $0x38;
	[tilespmem:$0x4000] =	vst v63  }
0x1aa: {  	s31 =	sld [smem:$0x7D5];
	s4 =	sadd.s32 $0x100, s28  }
0x1ab: {  	[smem:$0x7AB] =	sst s4  }
0x1ac: {  	[hbm4b:s6+s2] =	stream.linear.scatter [tilespmem:s8], [sflag:$0x1], $0x80, $0x38;
	[tilespmem:$0x4000] =	vst v63  }
0x1ad: {  	s6 =	sld [smem:$0x7D7]  }
0x1ae: {  	s8 =	rddreg [dreg:$0xc]  }
0x1af: {  	[hbm4b:s9+s2] =	stream.linear.scatter [tilespmem:s10], [sflag:$0x1], $0x80, $0x38;
	[tilespmem:$0x4000] =	vst v63  }
0x1b0: {  	s9 =	sld [smem:$0x7FB];
	s10 =	sadd.s32 $0x80, s8  }
0x1b1: {  	[hbm4b:s0+s2] =	stream.linear.scatter [tilespmem:s11], [sflag:$0x1], $0x80, $0x38;
	[tilespmem:$0x4000] =	vst v63  }
0x1b2: {  	[smem:$0x7AD] =	sst s10  }
0x1b3: {  	[hbm4b:s12+s2] =	stream.linear.scatter [tilespmem:s13], [sflag:$0x1], $0x80, $0x38;
	[tilespmem:$0x4000] =	vst v63  }
0x1b4: {  	s0 =	sadd.s32 $0x180, s12;
	s11 =	sld [smem:$0x7D2]  }
0x1b5: {  	[hbm4b:s14+s2] =	stream.linear.scatter [tilespmem:s15], [sflag:$0x1], $0x80, $0x38;
	[tilespmem:$0x4000] =	vst v63  }
0x1b6: {  	[smem:$0x7A6] =	sst s0  }
0x1b7: {  	[hbm4b:s16+s2] =	stream.linear.scatter [tilespmem:s17], [sflag:$0x1], $0x80, $0x38;
	[tilespmem:$0x4000] =	vst v63  }
0x1b8: {  	s12 =	sadd.s32 $0x100, s8;
	s13 =	sld [smem:$0x7D3]  }
0x1b9: {  	[hbm4b:s0+s2] =	stream.linear.scatter [tilespmem:s18], [sflag:$0x1], $0x80, $0x38;
	[tilespmem:$0x4000] =	vst v63  }
0x1ba: {  	[smem:$0x7AE] =	sst s12  }
0x1bb: {  	[hbm4b:s19+s2] =	stream.linear.scatter [tilespmem:s20], [sflag:$0x1], $0x80, $0x38;
	[tilespmem:$0x4000] =	vst v63  }
0x1bc: {  	s14 =	sld [smem:$0x7D4]  }
0x1bd: {  	[hbm4b:s21+s2] =	stream.linear.scatter [tilespmem:s22], [sflag:$0x1], $0x80, $0x38;
	[tilespmem:$0x4000] =	vst v63  }
0x1be: {  	s15 =	rddreg [dreg:$0xb]  }
0x1bf: {  	[hbm4b:s24+s2] =	stream.linear.scatter [tilespmem:s25], [sflag:$0x1], $0x80, $0x38;
	[tilespmem:$0x4000] =	vst v63  }
0x1c0: {  	s16 =	sld [smem:$0x7FA];
	s17 =	sadd.s32 $0x80, s15;
	s0 =	sadd.s32 $0x180, s19  }
0x1c1: {  	[hbm4b:s0+s2] =	stream.linear.scatter [tilespmem:s26], [sflag:$0x1], $0x80, $0x38;
	[tilespmem:$0x4000] =	vst v63  }
0x1c2: {  	[smem:$0x7B0] =	sst s17  }
0x1c3: {  	[hbm4b:s28+s2] =	stream.linear.scatter [tilespmem:s29], [sflag:$0x1], $0x80, $0x38;
	[tilespmem:$0x4000] =	vst v63  }
0x1c4: {  	s18 =	sld [smem:$0x7CF]  }
0x1c5: {  	[hbm4b:s30+s2] =	stream.linear.scatter [tilespmem:s31], [sflag:$0x1], $0x80, $0x38;
	[tilespmem:$0x4000] =	vst v63  }
0x1c6: {  	[smem:$0x7A9] =	sst s0  }
0x1c7: {  	[hbm4b:s4+s2] =	stream.linear.scatter [tilespmem:s5], [sflag:$0x1], $0x80, $0x38;
	[tilespmem:$0x4000] =	vst v63  }
0x1c8: {  	s19 =	sadd.s32 $0x100, s15;
	s20 =	sld [smem:$0x7D0];
	s0 =	sadd.s32 $0x180, s28  }
0x1c9: {  	[hbm4b:s0+s2] =	stream.linear.scatter [tilespmem:s6], [sflag:$0x1], $0x80, $0x38;
	[tilespmem:$0x4000] =	vst v63  }
0x1ca: {  	[smem:$0x7B1] =	sst s19  }
0x1cb: {  	[hbm4b:s8+s2] =	stream.linear.scatter [tilespmem:s9], [sflag:$0x1], $0x80, $0x38;
	[tilespmem:$0x4000] =	vst v63  }
0x1cc: {  	s21 =	sld [smem:$0x7D1]  }
0x1cd: {  	[hbm4b:s10+s2] =	stream.linear.scatter [tilespmem:s11], [sflag:$0x1], $0x80, $0x38;
	[tilespmem:$0x4000] =	vst v63  }
0x1ce: {  	s22 =	rddreg [dreg:$0xa]  }
0x1cf: {  	[hbm4b:s12+s2] =	stream.linear.scatter [tilespmem:s13], [sflag:$0x1], $0x80, $0x38;
	[tilespmem:$0x4000] =	vst v63  }
0x1d0: {  	[smem:$0x7AC] =	sst s0;
	s0 =	sadd.s32 $0x180, s8  }
0x1d1: {  	[hbm4b:s0+s2] =	stream.linear.scatter [tilespmem:s14], [sflag:$0x1], $0x80, $0x38;
	[tilespmem:$0x4000] =	vst v63  }
0x1d2: {  	s24 =	sadd.s32 $0x80, s22;
	s25 =	sld [smem:$0x7CC]  }
0x1d3: {  	[hbm4b:s15+s2] =	stream.linear.scatter [tilespmem:s16], [sflag:$0x1], $0x80, $0x38;
	[tilespmem:$0x4000] =	vst v63  }
0x1d4: {  	[smem:$0x7B3] =	sst s24;
	s26 =	sadd.s32 $0x100, s22  }
0x1d5: {  	[hbm4b:s17+s2] =	stream.linear.scatter [tilespmem:s18], [sflag:$0x1], $0x80, $0x38;
	[tilespmem:$0x4000] =	vst v63  }
0x1d6: {  	[smem:$0x7B4] =	sst s26  }
0x1d7: {  	[hbm4b:s19+s2] =	stream.linear.scatter [tilespmem:s20], [sflag:$0x1], $0x80, $0x38;
	[tilespmem:$0x4000] =	vst v63  }
0x1d8: {  	[smem:$0x7AF] =	sst s0;
	s0 =	sadd.s32 $0x180, s15  }
0x1d9: {  	[hbm4b:s0+s2] =	stream.linear.scatter [tilespmem:s21], [sflag:$0x1], $0x80, $0x38;
	[tilespmem:$0x4000] =	vst v63  }
0x1da: {  	s28 =	sld [smem:$0x7CD];
	s29 =	sadd.s32 $0x180, s22  }
0x1db: {  	[hbm4b:s22+s2] =	stream.linear.scatter [tilespmem:s7], [sflag:$0x1], $0x80, $0x38;
	[tilespmem:$0x4000] =	vst v63  }
0x1dc: {  	[smem:$0x7B5] =	sst s29  }
0x1dd: {  	[hbm4b:s24+s2] =	stream.linear.scatter [tilespmem:s25], [sflag:$0x1], $0x80, $0x38;
	[tilespmem:$0x4000] =	vst v63  }
0x1de: {  	s30 =	sld [smem:$0x7CE]  }
0x1df: {  	[hbm4b:s26+s2] =	stream.linear.scatter [tilespmem:s28], [sflag:$0x1], $0x80, $0x38;
	[tilespmem:$0x4000] =	vst v63  }
0x1e0: {  	[smem:$0x7B2] =	sst s0  }
0x1e1: {  	[hbm4b:s29+s2] =	stream.linear.scatter [tilespmem:s30], [sflag:$0x1], $0x80, $0x38;
	[tilespmem:$0x4000] =	vst v63  }
0x1e2: {  	_ =	swait.ge [sflag:s23], $0x200  }
0x1e3: {  	[sflag:s23] =	ssyncset.done $0x0  }
0x1e4: {  	[sflag:s23] =	ssyncadd.s32 $0xFFFFFE00  }
0x1e5: {  	_ =	swait.ge [sflag:s23], $0x200  }
0x1e6: {  	[sflag:s23] =	ssyncset.done $0x0  }
0x1e7: {  	[sflag:s23] =	ssyncadd.s32 $0xFFFFFE00  }
0x1e8: {  	_ =	swait.ge [sflag:s23], $0x200  }
0x1e9: {  	[sflag:s23] =	ssyncset.done $0x0  }
0x1ea: {  	[sflag:s23] =	ssyncadd.s32 $0xFFFFFE00  }
0x1eb: {  	_ =	swait.ge [sflag:s23], $0x200  }
0x1ec: {  	[sflag:s23] =	ssyncset.done $0x0  }
0x1ed: {  	[sflag:s23] =	ssyncadd.s32 $0xFFFFFE00  }
0x1ee: {  	_ =	swait.ge [sflag:s23], $0x200  }
0x1ef: {  	[sflag:s23] =	ssyncset.done $0x0  }
0x1f0: {  	[sflag:s23] =	ssyncadd.s32 $0xFFFFFE00  }
0x1f1: {  	_ =	swait.ge [sflag:s23], $0x200  }
0x1f2: {  	[sflag:s23] =	ssyncset.done $0x0  }
0x1f3: {  	[sflag:s23] =	ssyncadd.s32 $0xFFFFFE00  }
0x1f4: {  	_ =	swait.ge [sflag:s23], $0x200  }
0x1f5: {  	[sflag:s23] =	ssyncset.done $0x0  }
0x1f6: {  	[sflag:s23] =	ssyncadd.s32 $0xFFFFFE00  }
0x1f7: {  	_ =	swait.ge [sflag:s23], $0x200  }
0x1f8: {  	[sflag:s23] =	ssyncset.done $0x0  }
0x1f9: {  	[sflag:s23] =	ssyncadd.s32 $0xFFFFFE00  }
0x1fa: {  	_ =	swait.ge [sflag:s23], $0x200  }
0x1fb: {  	[sflag:s23] =	ssyncset.done $0x0  }
0x1fc: {  	[sflag:s23] =	ssyncadd.s32 $0xFFFFFE00  }
0x1fd: {  	_ =	swait.ge [sflag:s23], $0x200  }
0x1fe: {  	[sflag:s23] =	ssyncset.done $0x0  }
0x1ff: {  	[sflag:s23] =	ssyncadd.s32 $0xFFFFFE00  }
0x200: {  	_ =	swait.ge [sflag:s23], $0x200  }
0x201: {  	[sflag:s23] =	ssyncset.done $0x0  }
0x202: {  	[sflag:s23] =	ssyncadd.s32 $0xFFFFFE00  }
0x203: {  	_ =	swait.ge [sflag:s23], $0x200  }
0x204: {  	[sflag:s23] =	ssyncset.done $0x0  }
0x205: {  	[sflag:s23] =	ssyncadd.s32 $0xFFFFFE00  }
0x206: {  	_ =	swait.ge [sflag:s23], $0x200  }
0x207: {  	[sflag:s23] =	ssyncset.done $0x0  }
0x208: {  	[sflag:s23] =	ssyncadd.s32 $0xFFFFFE00  }
0x209: {  	_ =	swait.ge [sflag:s23], $0x200  }
0x20a: {  	[sflag:s23] =	ssyncset.done $0x0  }
0x20b: {  	[sflag:s23] =	ssyncadd.s32 $0xFFFFFE00  }
0x20c: {  	_ =	swait.ge [sflag:s23], $0x200  }
0x20d: {  	[sflag:s23] =	ssyncset.done $0x0  }
0x20e: {  	[sflag:s23] =	ssyncadd.s32 $0xFFFFFE00  }
0x20f: {  	_ =	swait.ge [sflag:s23], $0x200  }
0x210: {  	[sflag:s23] =	ssyncset.done $0x0  }
0x211: {  	[sflag:s23] =	ssyncadd.s32 $0xFFFFFE00  }
0x212: {  	_ =	swait.ge [sflag:s23], $0x200  }
0x213: {  	[sflag:s23] =	ssyncset.done $0x0  }
0x214: {  	[sflag:s23] =	ssyncadd.s32 $0xFFFFFE00  }
0x215: {  	_ =	swait.ge [sflag:s23], $0x200  }
0x216: {  	[sflag:s23] =	ssyncset.done $0x0  }
0x217: {  	[sflag:s23] =	ssyncadd.s32 $0xFFFFFE00  }
0x218: {  	_ =	swait.ge [sflag:s23], $0x200  }
0x219: {  	[sflag:s23] =	ssyncset.done $0x0  }
0x21a: {  	[sflag:s23] =	ssyncadd.s32 $0xFFFFFE00  }
0x21b: {  	_ =	swait.ge [sflag:s23], $0x200  }
0x21c: {  	[sflag:s23] =	ssyncset.done $0x0  }
0x21d: {  	[sflag:s23] =	ssyncadd.s32 $0xFFFFFE00  }
0x21e: {  	_ =	swait.ge [sflag:s23], $0x200  }
0x21f: {  	[sflag:s23] =	ssyncset.done $0x0  }
0x220: {  	[sflag:s23] =	ssyncadd.s32 $0xFFFFFE00  }
0x221: {  	_ =	swait.ge [sflag:s23], $0x200  }
0x222: {  	[sflag:s23] =	ssyncset.done $0x0  }
0x223: {  	[sflag:s23] =	ssyncadd.s32 $0xFFFFFE00  }
0x224: {  	_ =	swait.ge [sflag:s23], $0x200  }
0x225: {  	[sflag:s23] =	ssyncset.done $0x0  }
0x226: {  	[sflag:s23] =	ssyncadd.s32 $0xFFFFFE00  }
0x227: {  	_ =	swait.ge [sflag:s23], $0x200  }
0x228: {  	[sflag:s23] =	ssyncset.done $0x0  }
0x229: {  	[sflag:s23] =	ssyncadd.s32 $0xFFFFFE00  }
0x22a: {  	_ =	swait.ge [sflag:s23], $0x200  }
0x22b: {  	[sflag:s23] =	ssyncset.done $0x0  }
0x22c: {  	[sflag:s23] =	ssyncadd.s32 $0xFFFFFE00  }
0x22d: {  	_ =	swait.ge [sflag:s23], $0x200  }
0x22e: {  	[sflag:s23] =	ssyncset.done $0x0  }
0x22f: {  	[sflag:s23] =	ssyncadd.s32 $0xFFFFFE00  }
0x230: {  	_ =	swait.ge [sflag:s23], $0x200  }
0x231: {  	[sflag:s23] =	ssyncset.done $0x0  }
0x232: {  	[sflag:s23] =	ssyncadd.s32 $0xFFFFFE00  }
0x233: {  	_ =	swait.ge [sflag:s23], $0x200  }
0x234: {  	[sflag:s23] =	ssyncset.done $0x0  }
0x235: {  	[sflag:s23] =	ssyncadd.s32 $0xFFFFFE00  }
0x236: {  	_ =	swait.ge [sflag:s23], $0x200  }
0x237: {  	[sflag:s23] =	ssyncset.done $0x0  }
0x238: {  	[sflag:s23] =	ssyncadd.s32 $0xFFFFFE00  }
0x239: {  	_ =	swait.ge [sflag:s23], $0x200  }
0x23a: {  	[sflag:s23] =	ssyncset.done $0x0  }
0x23b: {  	[sflag:s23] =	ssyncadd.s32 $0xFFFFFE00  }
0x23c: {  	_ =	swait.ge [sflag:s23], $0x200  }
0x23d: {  	s31 =	sld [smem:$0x7B6];
	_ =	sdelay $0x2  }
0x23e: {  	p1 =	sne.s32 s31, $0x1  }
.Ltmp1:
0x23f: {  	_ = 	snop;
	(pc) =	sbr.rel @!p1 .LBB2_3-.Ltmp1, $4  }
0x240: {  	[sflag:s23] =	ssyncset.done $0x0  }
0x241: {  	[sflag:s23] =	ssyncadd.s32 $0xFFFFFE00  }
0x242: {  	p0 =	por $0x1, $0x1;
	_ =	swait.ge [sflag:s23], $0x200  }
0x243: {  	s0 =	sadd.s32 $0xFFFFFFFF, s31;
	[sflag:s23] =	ssyncset.done $0x0;
	s6 =	rddreg [dreg:$0x3]  }
.LBB2_4:
0x244: {  	s22 =	sadd.s32 $0xFFFFFFFF, s0  }
0x245: {  	[sflag:s23] =	ssyncadd.s32 $0xFFFFFE00;
	s24 =	simm.s32 $0x2;
	[smem:$0x754] =	sst s22  }
0x246: {  	[tilespmem:s2], [sflag:$0x2] =	stream.linear.gather [hbm4b:s6+s2], $0x4000, $0x38;
	[tilespmem:$0x4000] =	vst v63  }
0x247: {  	_ =	swait.ge [sflag:s24], $0x4000  }
0x248: {  	s25 =	rddreg [dreg:$0x4]  }
0x249: {  	s8 =	sld [smem:$0x7B9]  }
0x24a: {  	s26 =	sld [smem:$0x7F4]  }
0x24b: {  	s7 =	rddreg [dreg:$0x5]  }
0x24c: {  	s28 =	sld [smem:$0x755]  }
0x24d: {  	s29 =	rddreg [dreg:$0x6]  }
0x24e: {  	s30 =	sld [smem:$0x756]  }
0x24f: {  	s31 =	sld [smem:$0x757]  }
0x250: {  	s4 =	sld [smem:$0x7B7]  }
0x251: {  	s1 =	sld [smem:$0x7F5]  }
0x252: {  	s3 =	sld [smem:$0x758]  }
0x253: {  	s5 =	sld [smem:$0x759]  }
0x254: {  	s6 =	sld [smem:$0x7CE]  }
0x255: {  	s9 =	sld [smem:$0x7FA]  }
0x256: {  	s10 =	sld [smem:$0x7CF]  }
0x257: {  	s11 =	sld [smem:$0x75B]  }
0x258: {  	s12 =	sld [smem:$0x7D0]  }
0x259: {  	s13 =	sld [smem:$0x75C]  }
0x25a: {  	s14 =	sld [smem:$0x7D1]  }
0x25b: {  	s15 =	sld [smem:$0x75D]  }
0x25c: {  	s16 =	sld [smem:$0x7BA]  }
0x25d: {  	s17 =	sld [smem:$0x7FB]  }
0x25e: {  	s18 =	sld [smem:$0x7D2]  }
0x25f: {  	s19 =	sld [smem:$0x75E]  }
0x260: {  	s20 =	sld [smem:$0x7D3]  }
0x261: {  	s21 =	sld [smem:$0x75F]  }
0x262: {  	s22 =	sld [smem:$0x7D4]  }
0x263: {  	p1 =	sne.s32 s0, $0x1;
	[sflag:s24] =	ssyncset.done $0x0;
	s0 =	sld [smem:$0x7D7]  }
0x264: {  	[sflag:s24] =	ssyncadd.s32 $0xFFFFC000;
	s24 =	sld [smem:$0x760]  }
0x265: {  	[hbm4b:s26+s2] =	stream.linear.scatter [tilespmem:s8], [sflag:$0x1], $0x80, $0x38;
	[tilespmem:$0x4000] =	vst v63  }
0x266: {  	s8 =	sld [smem:$0x7B8]  }
0x267: {  	s26 =	sld [smem:$0x7FD]  }
0x268: {  	[hbm4b:s28+s2] =	stream.linear.scatter [tilespmem:s25], [sflag:$0x1], $0x80, $0x38;
	[tilespmem:$0x4000] =	vst v63  }
0x269: {  	s25 =	sld [smem:$0x7BB]  }
0x26a: {  	s28 =	sld [smem:$0x7D5]  }
0x26b: {  	[hbm4b:s30+s2] =	stream.linear.scatter [tilespmem:s7], [sflag:$0x1], $0x80, $0x38;
	[tilespmem:$0x4000] =	vst v63  }
0x26c: {  	s7 =	sld [smem:$0x75A]  }
0x26d: {  	s30 =	sld [smem:$0x7D6]  }
0x26e: {  	[hbm4b:s31+s2] =	stream.linear.scatter [tilespmem:s29], [sflag:$0x1], $0x80, $0x38;
	[tilespmem:$0x4000] =	vst v63  }
0x26f: {  	s29 =	sld [smem:$0x761]  }
0x270: {  	[hbm4b:s4+s2] =	stream.linear.scatter [tilespmem:s1], [sflag:$0x1], $0x80, $0x38;
	[tilespmem:$0x4000] =	vst v63  }
0x271: {  	s1 =	sld [smem:$0x7CC]  }
0x272: {  	s31 =	sld [smem:$0x762]  }
0x273: {  	s4 =	sld [smem:$0x7CD]  }
0x274: {  	[hbm4b:s3+s2] =	stream.linear.scatter [tilespmem:s1], [sflag:$0x1], $0x80, $0x38;
	[tilespmem:$0x4000] =	vst v63  }
0x275: {  	s3 =	sld [smem:$0x763]  }
0x276: {  	s1 =	sld [smem:$0x779]  }
0x277: {  	[hbm4b:s5+s2] =	stream.linear.scatter [tilespmem:s4], [sflag:$0x1], $0x80, $0x38;
	[tilespmem:$0x4000] =	vst v63  }
0x278: {  	s4 =	sld [smem:$0x7BC]  }
0x279: {  	s5 =	sld [smem:$0x7FC]  }
0x27a: {  	[hbm4b:s7+s2] =	stream.linear.scatter [tilespmem:s6], [sflag:$0x1], $0x80, $0x38;
	[tilespmem:$0x4000] =	vst v63  }
0x27b: {  	s6 =	sld [smem:$0x7D8]  }
0x27c: {  	s7 =	sld [smem:$0x764]  }
0x27d: {  	[hbm4b:s8+s2] =	stream.linear.scatter [tilespmem:s9], [sflag:$0x1], $0x80, $0x38;
	[tilespmem:$0x4000] =	vst v63  }
0x27e: {  	s8 =	sld [smem:$0x7D9]  }
0x27f: {  	s9 =	sld [smem:$0x765]  }
0x280: {  	[hbm4b:s11+s2] =	stream.linear.scatter [tilespmem:s10], [sflag:$0x1], $0x80, $0x38;
	[tilespmem:$0x4000] =	vst v63  }
0x281: {  	s10 =	sld [smem:$0x7DA]  }
0x282: {  	s11 =	sld [smem:$0x766]  }
0x283: {  	[hbm4b:s13+s2] =	stream.linear.scatter [tilespmem:s12], [sflag:$0x1], $0x80, $0x38;
	[tilespmem:$0x4000] =	vst v63  }
0x284: {  	s12 =	sld [smem:$0x7BD]  }
0x285: {  	s13 =	sld [smem:$0x7F6]  }
0x286: {  	[hbm4b:s15+s2] =	stream.linear.scatter [tilespmem:s14], [sflag:$0x1], $0x80, $0x38;
	[tilespmem:$0x4000] =	vst v63  }
0x287: {  	s14 =	rddreg [dreg:$0x19]  }
0x288: {  	s15 =	sld [smem:$0x767]  }
0x289: {  	[hbm4b:s16+s2] =	stream.linear.scatter [tilespmem:s17], [sflag:$0x1], $0x80, $0x38;
	[tilespmem:$0x4000] =	vst v63  }
0x28a: {  	s16 =	rddreg [dreg:$0x17]  }
0x28b: {  	s17 =	sld [smem:$0x768]  }
0x28c: {  	[hbm4b:s19+s2] =	stream.linear.scatter [tilespmem:s18], [sflag:$0x1], $0x80, $0x38;
	[tilespmem:$0x4000] =	vst v63  }
0x28d: {  	s18 =	sld [smem:$0x7DB]  }
0x28e: {  	s19 =	sld [smem:$0x769]  }
0x28f: {  	[hbm4b:s21+s2] =	stream.linear.scatter [tilespmem:s20], [sflag:$0x1], $0x80, $0x38;
	[tilespmem:$0x4000] =	vst v63  }
0x290: {  	s20 =	sld [smem:$0x7BE]  }
0x291: {  	s21 =	sld [smem:$0x7F7]  }
0x292: {  	[hbm4b:s24+s2] =	stream.linear.scatter [tilespmem:s22], [sflag:$0x1], $0x80, $0x38;
	[tilespmem:$0x4000] =	vst v63  }
0x293: {  	s22 =	rddreg [dreg:$0x1e]  }
0x294: {  	s24 =	sld [smem:$0x76A]  }
0x295: {  	[hbm4b:s25+s2] =	stream.linear.scatter [tilespmem:s26], [sflag:$0x1], $0x80, $0x38;
	[tilespmem:$0x4000] =	vst v63  }
0x296: {  	s25 =	rddreg [dreg:$0x1d]  }
0x297: {  	s26 =	sld [smem:$0x76B]  }
0x298: {  	[hbm4b:s29+s2] =	stream.linear.scatter [tilespmem:s28], [sflag:$0x1], $0x80, $0x38;
	[tilespmem:$0x4000] =	vst v63  }
0x299: {  	s28 =	rddreg [dreg:$0x1b]  }
0x29a: {  	s29 =	sld [smem:$0x76C]  }
0x29b: {  	[hbm4b:s31+s2] =	stream.linear.scatter [tilespmem:s30], [sflag:$0x1], $0x80, $0x38;
	[tilespmem:$0x4000] =	vst v63  }
0x29c: {  	s30 =	sld [smem:$0x7BF]  }
0x29d: {  	s31 =	sld [smem:$0x7F8]  }
0x29e: {  	[hbm4b:s3+s2] =	stream.linear.scatter [tilespmem:s0], [sflag:$0x1], $0x80, $0x38;
	[tilespmem:$0x4000] =	vst v63  }
0x29f: {  	s3 =	sld [smem:$0x7DC]  }
0x2a0: {  	s0 =	sld [smem:$0x7C3]  }
0x2a1: {  	[hbm4b:s4+s2] =	stream.linear.scatter [tilespmem:s5], [sflag:$0x1], $0x80, $0x38;
	[tilespmem:$0x4000] =	vst v63  }
0x2a2: {  	s4 =	sld [smem:$0x76D]  }
0x2a3: {  	s5 =	sld [smem:$0x7DD]  }
0x2a4: {  	[hbm4b:s7+s2] =	stream.linear.scatter [tilespmem:s6], [sflag:$0x1], $0x80, $0x38;
	[tilespmem:$0x4000] =	vst v63  }
0x2a5: {  	s6 =	sld [smem:$0x76E]  }
0x2a6: {  	s7 =	sld [smem:$0x7DE]  }
0x2a7: {  	[hbm4b:s9+s2] =	stream.linear.scatter [tilespmem:s8], [sflag:$0x1], $0x80, $0x38;
	[tilespmem:$0x4000] =	vst v63  }
0x2a8: {  	s8 =	sld [smem:$0x76F]  }
0x2a9: {  	s9 =	sld [smem:$0x7C0]  }
0x2aa: {  	[hbm4b:s11+s2] =	stream.linear.scatter [tilespmem:s10], [sflag:$0x1], $0x80, $0x38;
	[tilespmem:$0x4000] =	vst v63  }
0x2ab: {  	s10 =	sld [smem:$0x770]  }
0x2ac: {  	s11 =	sld [smem:$0x7E0]  }
0x2ad: {  	[hbm4b:s12+s2] =	stream.linear.scatter [tilespmem:s13], [sflag:$0x1], $0x80, $0x38;
	[tilespmem:$0x4000] =	vst v63  }
0x2ae: {  	s12 =	sld [smem:$0x771]  }
0x2af: {  	s13 =	sld [smem:$0x7E1]  }
0x2b0: {  	[hbm4b:s15+s2] =	stream.linear.scatter [tilespmem:s14], [sflag:$0x1], $0x80, $0x38;
	[tilespmem:$0x4000] =	vst v63  }
0x2b1: {  	s14 =	sld [smem:$0x772]  }
0x2b2: {  	s15 =	sld [smem:$0x7C1]  }
0x2b3: {  	[hbm4b:s17+s2] =	stream.linear.scatter [tilespmem:s16], [sflag:$0x1], $0x80, $0x38;
	[tilespmem:$0x4000] =	vst v63  }
0x2b4: {  	s16 =	sld [smem:$0x797]  }
0x2b5: {  	s17 =	sld [smem:$0x773]  }
0x2b6: {  	[hbm4b:s19+s2] =	stream.linear.scatter [tilespmem:s18], [sflag:$0x1], $0x80, $0x38;
	[tilespmem:$0x4000] =	vst v63  }
0x2b7: {  	s18 =	sld [smem:$0x774]  }
0x2b8: {  	s19 =	sld [smem:$0x775]  }
0x2b9: {  	[hbm4b:s20+s2] =	stream.linear.scatter [tilespmem:s21], [sflag:$0x1], $0x80, $0x38;
	[tilespmem:$0x4000] =	vst v63  }
0x2ba: {  	s20 =	sld [smem:$0x7C2]  }
0x2bb: {  	s21 =	sld [smem:$0x776]  }
0x2bc: {  	[hbm4b:s24+s2] =	stream.linear.scatter [tilespmem:s22], [sflag:$0x1], $0x80, $0x38;
	[tilespmem:$0x4000] =	vst v63  }
0x2bd: {  	s22 =	sld [smem:$0x7E2]  }
0x2be: {  	s24 =	sld [smem:$0x777]  }
0x2bf: {  	[hbm4b:s26+s2] =	stream.linear.scatter [tilespmem:s25], [sflag:$0x1], $0x80, $0x38;
	[tilespmem:$0x4000] =	vst v63  }
0x2c0: {  	s25 =	sld [smem:$0x7E5]  }
0x2c1: {  	s26 =	sld [smem:$0x778]  }
0x2c2: {  	[hbm4b:s29+s2] =	stream.linear.scatter [tilespmem:s28], [sflag:$0x1], $0x80, $0x38;
	[tilespmem:$0x4000] =	vst v63  }
0x2c3: {  	s28 =	sld [smem:$0x7F9]  }
0x2c4: {  	s29 =	sld [smem:$0x7E3]  }
0x2c5: {  	[hbm4b:s30+s2] =	stream.linear.scatter [tilespmem:s31], [sflag:$0x1], $0x80, $0x38;
	[tilespmem:$0x4000] =	vst v63  }
0x2c6: {  	s30 =	sld [smem:$0x7DF]  }
0x2c7: {  	s31 =	sld [smem:$0x7E4]  }
0x2c8: {  	[hbm4b:s4+s2] =	stream.linear.scatter [tilespmem:s3], [sflag:$0x1], $0x80, $0x38;
	[tilespmem:$0x4000] =	vst v63  }
0x2c9: {  	s3 =	sld [smem:$0x77A]  }
0x2ca: {  	s4 =	sld [smem:$0x77B]  }
0x2cb: {  	[hbm4b:s6+s2] =	stream.linear.scatter [tilespmem:s5], [sflag:$0x1], $0x80, $0x38;
	[tilespmem:$0x4000] =	vst v63  }
0x2cc: {  	s5 =	sld [smem:$0x7C4]  }
0x2cd: {  	s6 =	sld [smem:$0x77C]  }
0x2ce: {  	[hbm4b:s8+s2] =	stream.linear.scatter [tilespmem:s7], [sflag:$0x1], $0x80, $0x38;
	[tilespmem:$0x4000] =	vst v63  }
0x2cf: {  	s8 =	sld [smem:$0x7EB]  }
0x2d0: {  	s7 =	sld [smem:$0x77D]  }
0x2d1: {  	[hbm4b:s9+s2] =	stream.linear.scatter [tilespmem:s28], [sflag:$0x1], $0x80, $0x38;
	[tilespmem:$0x4000] =	vst v63  }
0x2d2: {  	s9 =	sld [smem:$0x77E]  }
0x2d3: {  	[hbm4b:s10+s2] =	stream.linear.scatter [tilespmem:s30], [sflag:$0x1], $0x80, $0x38;
	[tilespmem:$0x4000] =	vst v63  }
0x2d4: {  	s10 =	sld [smem:$0x7E8]  }
0x2d5: {  	[hbm4b:s12+s2] =	stream.linear.scatter [tilespmem:s11], [sflag:$0x1], $0x80, $0x38;
	[tilespmem:$0x4000] =	vst v63  }
0x2d6: {  	s12 =	rddreg [dreg:$0x14]  }
0x2d7: {  	s11 =	sld [smem:$0x7EA]  }
0x2d8: {  	[hbm4b:s14+s2] =	stream.linear.scatter [tilespmem:s13], [sflag:$0x1], $0x80, $0x38;
	[tilespmem:$0x4000] =	vst v63  }
0x2d9: {  	s14 =	rddreg [dreg:$0x16]  }
0x2da: {  	[hbm4b:s15+s2] =	stream.linear.scatter [tilespmem:s16], [sflag:$0x1], $0x80, $0x38;
	[tilespmem:$0x4000] =	vst v63  }
0x2db: {  	s13 =	sld [smem:$0x7E7]  }
0x2dc: {  	[hbm4b:s17+s2] =	stream.linear.scatter [tilespmem:s22], [sflag:$0x1], $0x80, $0x38;
	[tilespmem:$0x4000] =	vst v63  }
0x2dd: {  	s15 =	sld [smem:$0x7E6]  }
0x2de: {  	[hbm4b:s18+s2] =	stream.linear.scatter [tilespmem:s29], [sflag:$0x1], $0x80, $0x38;
	[tilespmem:$0x4000] =	vst v63  }
0x2df: {  	s17 =	sld [smem:$0x7C5]  }
0x2e0: {  	[hbm4b:s19+s2] =	stream.linear.scatter [tilespmem:s31], [sflag:$0x1], $0x80, $0x38;
	[tilespmem:$0x4000] =	vst v63  }
0x2e1: {  	s18 =	sld [smem:$0x77F]  }
0x2e2: {  	[hbm4b:s20+s2] =	stream.linear.scatter [tilespmem:s14], [sflag:$0x1], $0x80, $0x38;
	[tilespmem:$0x4000] =	vst v63  }
0x2e3: {  	s19 =	sld [smem:$0x780]  }
0x2e4: {  	[hbm4b:s21+s2] =	stream.linear.scatter [tilespmem:s25], [sflag:$0x1], $0x80, $0x38;
	[tilespmem:$0x4000] =	vst v63  }
0x2e5: {  	s20 =	rddreg [dreg:$0x12]  }
0x2e6: {  	[hbm4b:s24+s2] =	stream.linear.scatter [tilespmem:s15], [sflag:$0x1], $0x80, $0x38;
	[tilespmem:$0x4000] =	vst v63  }
0x2e7: {  	s21 =	sld [smem:$0x7E9]  }
0x2e8: {  	[hbm4b:s26+s2] =	stream.linear.scatter [tilespmem:s13], [sflag:$0x1], $0x80, $0x38;
	[tilespmem:$0x4000] =	vst v63  }
0x2e9: {  	s24 =	sld [smem:$0x781]  }
0x2ea: {  	[hbm4b:s0+s2] =	stream.linear.scatter [tilespmem:s12], [sflag:$0x1], $0x80, $0x38;
	[tilespmem:$0x4000] =	vst v63  }
0x2eb: {  	s26 =	rddreg [dreg:$0x13]  }
0x2ec: {  	[hbm4b:s1+s2] =	stream.linear.scatter [tilespmem:s10], [sflag:$0x1], $0x80, $0x38;
	[tilespmem:$0x4000] =	vst v63  }
0x2ed: {  	s0 =	sld [smem:$0x7F0]  }
0x2ee: {  	[hbm4b:s3+s2] =	stream.linear.scatter [tilespmem:s21], [sflag:$0x1], $0x80, $0x38;
	[tilespmem:$0x4000] =	vst v63  }
0x2ef: {  	s1 =	sld [smem:$0x7EF]  }
0x2f0: {  	[hbm4b:s4+s2] =	stream.linear.scatter [tilespmem:s11], [sflag:$0x1], $0x80, $0x38;
	[tilespmem:$0x4000] =	vst v63  }
0x2f1: {  	s3 =	sld [smem:$0x7EE]  }
0x2f2: {  	[hbm4b:s5+s2] =	stream.linear.scatter [tilespmem:s26], [sflag:$0x1], $0x80, $0x38;
	[tilespmem:$0x4000] =	vst v63  }
0x2f3: {  	s5 =	sld [smem:$0x7EC]  }
0x2f4: {  	[hbm4b:s6+s2] =	stream.linear.scatter [tilespmem:s8], [sflag:$0x1], $0x80, $0x38;
	[tilespmem:$0x4000] =	vst v63  }
0x2f5: {  	s4 =	sld [smem:$0x7ED]  }
0x2f6: {  	[hbm4b:s7+s2] =	stream.linear.scatter [tilespmem:s5], [sflag:$0x1], $0x80, $0x38;
	[tilespmem:$0x4000] =	vst v63  }
0x2f7: {  	s7 =	sld [smem:$0x7C6]  }
0x2f8: {  	[hbm4b:s9+s2] =	stream.linear.scatter [tilespmem:s4], [sflag:$0x1], $0x80, $0x38;
	[tilespmem:$0x4000] =	vst v63  }
0x2f9: {  	s9 =	sld [smem:$0x782]  }
0x2fa: {  	[hbm4b:s17+s2] =	stream.linear.scatter [tilespmem:s20], [sflag:$0x1], $0x80, $0x38;
	[tilespmem:$0x4000] =	vst v63  }
0x2fb: {  	s17 =	sld [smem:$0x783]  }
0x2fc: {  	[hbm4b:s18+s2] =	stream.linear.scatter [tilespmem:s3], [sflag:$0x1], $0x80, $0x38;
	[tilespmem:$0x4000] =	vst v63  }
0x2fd: {  	s18 =	rddreg [dreg:$0x1f]  }
0x2fe: {  	[hbm4b:s19+s2] =	stream.linear.scatter [tilespmem:s1], [sflag:$0x1], $0x80, $0x38;
	[tilespmem:$0x4000] =	vst v63  }
0x2ff: {  	s19 =	sld [smem:$0x7F2]  }
0x300: {  	[hbm4b:s24+s2] =	stream.linear.scatter [tilespmem:s0], [sflag:$0x1], $0x80, $0x38;
	[tilespmem:$0x4000] =	vst v63  }
0x301: {  	s24 =	sld [smem:$0x7F1]  }
0x302: {  	[hbm4b:s7+s2] =	stream.linear.scatter [tilespmem:s18], [sflag:$0x1], $0x80, $0x38;
	[tilespmem:$0x4000] =	vst v63  }
0x303: {  	s7 =	sld [smem:$0x784]  }
0x304: {  	[hbm4b:s9+s2] =	stream.linear.scatter [tilespmem:s24], [sflag:$0x1], $0x80, $0x38;
	[tilespmem:$0x4000] =	vst v63  }
0x305: {  	s9 =	sld [smem:$0x7F3]  }
0x306: {  	[hbm4b:s17+s2] =	stream.linear.scatter [tilespmem:s19], [sflag:$0x1], $0x80, $0x38;
	[tilespmem:$0x4000] =	vst v63  }
0x307: {  	s17 =	sld [smem:$0x7C7]  }
0x308: {  	[hbm4b:s7+s2] =	stream.linear.scatter [tilespmem:s9], [sflag:$0x1], $0x80, $0x38;
	[tilespmem:$0x4000] =	vst v63  }
0x309: {  	s7 =	rddreg [dreg:$0x1c]  }
0x30a: {  	[hbm4b:s17+s2] =	stream.linear.scatter [tilespmem:s7], [sflag:$0x1], $0x80, $0x38;
	[tilespmem:$0x4000] =	vst v63  }
0x30b: {  	s17 =	sld [smem:$0x785];
	_ =	sdelay $0x1  }
0x30c: {  	s6 =	rddreg [dreg:$0x7]  }
0x30d: {  	[hbm4b:s17+s2] =	stream.linear.scatter [tilespmem:s6], [sflag:$0x1], $0x80, $0x38;
	[tilespmem:$0x4000] =	vst v63  }
0x30e: {  	s17 =	sld [smem:$0x786];
	_ =	sdelay $0x1  }
0x30f: {  	s7 =	rddreg [dreg:$0x8]  }
0x310: {  	[hbm4b:s17+s2] =	stream.linear.scatter [tilespmem:s7], [sflag:$0x1], $0x80, $0x38;
	[tilespmem:$0x4000] =	vst v63  }
0x311: {  	s17 =	sld [smem:$0x787];
	_ =	sdelay $0x1  }
0x312: {  	s6 =	rddreg [dreg:$0x9]  }
0x313: {  	[hbm4b:s17+s2] =	stream.linear.scatter [tilespmem:s6], [sflag:$0x1], $0x80, $0x38;
	[tilespmem:$0x4000] =	vst v63  }
0x314: {  	s17 =	sld [smem:$0x7C8];
	_ =	sdelay $0x1  }
0x315: {  	s7 =	sld [smem:$0x7F5]  }
0x316: {  	[hbm4b:s17+s2] =	stream.linear.scatter [tilespmem:s18], [sflag:$0x1], $0x80, $0x38;
	[tilespmem:$0x4000] =	vst v63  }
0x317: {  	s17 =	sld [smem:$0x788]  }
0x318: {  	s6 =	sld [smem:$0x794]  }
0x319: {  	s18 =	sld [smem:$0x789]  }
0x31a: {  	[hbm4b:s17+s2] =	stream.linear.scatter [tilespmem:s24], [sflag:$0x1], $0x80, $0x38;
	[tilespmem:$0x4000] =	vst v63  }
0x31b: {  	s24 =	sld [smem:$0x7C9]  }
0x31c: {  	[hbm4b:s18+s2] =	stream.linear.scatter [tilespmem:s19], [sflag:$0x1], $0x80, $0x38;
	[tilespmem:$0x4000] =	vst v63  }
0x31d: {  	s19 =	sld [smem:$0x78A]  }
0x31e: {  	s17 =	sld [smem:$0x78C]  }
0x31f: {  	s18 =	sld [smem:$0x78D]  }
0x320: {  	[hbm4b:s19+s2] =	stream.linear.scatter [tilespmem:s9], [sflag:$0x1], $0x80, $0x38;
	[tilespmem:$0x4000] =	vst v63  }
0x321: {  	s9 =	sld [smem:$0x78B]  }
0x322: {  	s19 =	sld [smem:$0x7CA]  }
0x323: {  	[hbm4b:s24+s2] =	stream.linear.scatter [tilespmem:s20], [sflag:$0x1], $0x80, $0x38;
	[tilespmem:$0x4000] =	vst v63  }
0x324: {  	s20 =	sld [smem:$0x78E]  }
0x325: {  	s24 =	sld [smem:$0x78F]  }
0x326: {  	[hbm4b:s9+s2] =	stream.linear.scatter [tilespmem:s3], [sflag:$0x1], $0x80, $0x38;
	[tilespmem:$0x4000] =	vst v63  }
0x327: {  	s3 =	sld [smem:$0x792]  }
0x328: {  	s9 =	sld [smem:$0x796]  }
0x329: {  	[hbm4b:s17+s2] =	stream.linear.scatter [tilespmem:s1], [sflag:$0x1], $0x80, $0x38;
	[tilespmem:$0x4000] =	vst v63  }
0x32a: {  	s1 =	sld [smem:$0x791]  }
0x32b: {  	s17 =	sld [smem:$0x7E0]  }
0x32c: {  	[hbm4b:s18+s2] =	stream.linear.scatter [tilespmem:s0], [sflag:$0x1], $0x80, $0x38;
	[tilespmem:$0x4000] =	vst v63  }
0x32d: {  	s0 =	sld [smem:$0x7CB]  }
0x32e: {  	s18 =	sld [smem:$0x79D]  }
0x32f: {  	[hbm4b:s19+s2] =	stream.linear.scatter [tilespmem:s26], [sflag:$0x1], $0x80, $0x38;
	[tilespmem:$0x4000] =	vst v63  }
0x330: {  	s26 =	sld [smem:$0x790]  }
0x331: {  	s19 =	sld [smem:$0x7E1]  }
0x332: {  	[hbm4b:s20+s2] =	stream.linear.scatter [tilespmem:s8], [sflag:$0x1], $0x80, $0x38;
	[tilespmem:$0x4000] =	vst v63  }
0x333: {  	s8 =	sld [smem:$0x795]  }
0x334: {  	s20 =	rddreg [dreg:$0x11]  }
0x335: {  	[hbm4b:s24+s2] =	stream.linear.scatter [tilespmem:s5], [sflag:$0x1], $0x80, $0x38;
	[tilespmem:$0x4000] =	vst v63  }
0x336: {  	s5 =	rddreg [dreg:$0x1a]  }
0x337: {  	s24 =	sld [smem:$0x7DC]  }
0x338: {  	[hbm4b:s26+s2] =	stream.linear.scatter [tilespmem:s4], [sflag:$0x1], $0x80, $0x38;
	[tilespmem:$0x4000] =	vst v63  }
0x339: {  	s4 =	sld [smem:$0x793]  }
0x33a: {  	s26 =	sld [smem:$0x7DD]  }
0x33b: {  	[hbm4b:s0+s2] =	stream.linear.scatter [tilespmem:s12], [sflag:$0x1], $0x80, $0x38;
	[tilespmem:$0x4000] =	vst v63  }
0x33c: {  	s12 =	sld [smem:$0x799]  }
0x33d: {  	[hbm4b:s1+s2] =	stream.linear.scatter [tilespmem:s10], [sflag:$0x1], $0x80, $0x38;
	[tilespmem:$0x4000] =	vst v63  }
0x33e: {  	s10 =	rddreg [dreg:$0x18]  }
0x33f: {  	s1 =	sld [smem:$0x7AB]  }
0x340: {  	[hbm4b:s3+s2] =	stream.linear.scatter [tilespmem:s21], [sflag:$0x1], $0x80, $0x38;
	[tilespmem:$0x4000] =	vst v63  }
0x341: {  	s21 =	sld [smem:$0x7F8]  }
0x342: {  	s3 =	sld [smem:$0x7A1]  }
0x343: {  	[hbm4b:s4+s2] =	stream.linear.scatter [tilespmem:s11], [sflag:$0x1], $0x80, $0x38;
	[tilespmem:$0x4000] =	vst v63  }
0x344: {  	s11 =	sld [smem:$0x798]  }
0x345: {  	s4 =	rddreg [dreg:$0x1e]  }
0x346: {  	[hbm4b:s5+s2] =	stream.linear.scatter [tilespmem:s14], [sflag:$0x1], $0x80, $0x38;
	[tilespmem:$0x4000] =	vst v63  }
0x347: {  	s14 =	rddreg [dreg:$0x15]  }
0x348: {  	s5 =	sld [smem:$0x7A2]  }
0x349: {  	[hbm4b:s6+s2] =	stream.linear.scatter [tilespmem:s25], [sflag:$0x1], $0x80, $0x38;
	[tilespmem:$0x4000] =	vst v63  }
0x34a: {  	s25 =	sld [smem:$0x79F]  }
0x34b: {  	s6 =	rddreg [dreg:$0x1d]  }
0x34c: {  	[hbm4b:s8+s2] =	stream.linear.scatter [tilespmem:s15], [sflag:$0x1], $0x80, $0x38;
	[tilespmem:$0x4000] =	vst v63  }
0x34d: {  	s15 =	sld [smem:$0x79B]  }
0x34e: {  	s8 =	sld [smem:$0x7A3]  }
0x34f: {  	[hbm4b:s9+s2] =	stream.linear.scatter [tilespmem:s13], [sflag:$0x1], $0x80, $0x38;
	[tilespmem:$0x4000] =	vst v63  }
0x350: {  	s13 =	sld [smem:$0x79A]  }
0x351: {  	s9 =	rddreg [dreg:$0x1b]  }
0x352: {  	[hbm4b:s10+s2] =	stream.linear.scatter [tilespmem:s16], [sflag:$0x1], $0x80, $0x38;
	[tilespmem:$0x4000] =	vst v63  }
0x353: {  	s16 =	sld [smem:$0x79C]  }
0x354: {  	s10 =	rddreg [dreg:$0xf]  }
0x355: {  	[hbm4b:s11+s2] =	stream.linear.scatter [tilespmem:s22], [sflag:$0x1], $0x80, $0x38;
	[tilespmem:$0x4000] =	vst v63  }
0x356: {  	s22 =	sld [smem:$0x79E]  }
0x357: {  	s11 =	sld [smem:$0x7F6]  }
0x358: {  	[hbm4b:s12+s2] =	stream.linear.scatter [tilespmem:s29], [sflag:$0x1], $0x80, $0x38;
	[tilespmem:$0x4000] =	vst v63  }
0x359: {  	s29 =	sld [smem:$0x7DE]  }
0x35a: {  	s12 =	sld [smem:$0x7A4]  }
0x35b: {  	[hbm4b:s13+s2] =	stream.linear.scatter [tilespmem:s31], [sflag:$0x1], $0x80, $0x38;
	[tilespmem:$0x4000] =	vst v63  }
0x35c: {  	s31 =	sld [smem:$0x7F7]  }
0x35d: {  	s13 =	rddreg [dreg:$0x19]  }
0x35e: {  	[hbm4b:s14+s2] =	stream.linear.scatter [tilespmem:s28], [sflag:$0x1], $0x80, $0x38;
	[tilespmem:$0x4000] =	vst v63  }
0x35f: {  	s28 =	sld [smem:$0x7A0]  }
0x360: {  	s14 =	sld [smem:$0x7A5]  }
0x361: {  	[hbm4b:s15+s2] =	stream.linear.scatter [tilespmem:s30], [sflag:$0x1], $0x80, $0x38;
	[tilespmem:$0x4000] =	vst v63  }
0x362: {  	s30 =	rddreg [dreg:$0x10]  }
0x363: {  	s15 =	rddreg [dreg:$0x17]  }
0x364: {  	[hbm4b:s16+s2] =	stream.linear.scatter [tilespmem:s17], [sflag:$0x1], $0x80, $0x38;
	[tilespmem:$0x4000] =	vst v63  }
0x365: {  	s16 =	sld [smem:$0x7A6]  }
0x366: {  	s17 =	sld [smem:$0x7DB]  }
0x367: {  	[hbm4b:s18+s2] =	stream.linear.scatter [tilespmem:s19], [sflag:$0x1], $0x80, $0x38;
	[tilespmem:$0x4000] =	vst v63  }
0x368: {  	s18 =	rddreg [dreg:$0xe]  }
0x369: {  	s19 =	sld [smem:$0x7FC]  }
0x36a: {  	[hbm4b:s20+s2] =	stream.linear.scatter [tilespmem:s21], [sflag:$0x1], $0x80, $0x38;
	[tilespmem:$0x4000] =	vst v63  }
0x36b: {  	s20 =	sld [smem:$0x7A7]  }
0x36c: {  	s21 =	sld [smem:$0x7D8]  }
0x36d: {  	[hbm4b:s22+s2] =	stream.linear.scatter [tilespmem:s24], [sflag:$0x1], $0x80, $0x38;
	[tilespmem:$0x4000] =	vst v63  }
0x36e: {  	s22 =	sld [smem:$0x7A8]  }
0x36f: {  	s24 =	sld [smem:$0x7D9]  }
0x370: {  	[hbm4b:s25+s2] =	stream.linear.scatter [tilespmem:s26], [sflag:$0x1], $0x80, $0x38;
	[tilespmem:$0x4000] =	vst v63  }
0x371: {  	s25 =	sld [smem:$0x7A9]  }
0x372: {  	s26 =	sld [smem:$0x7DA]  }
0x373: {  	[hbm4b:s28+s2] =	stream.linear.scatter [tilespmem:s29], [sflag:$0x1], $0x80, $0x38;
	[tilespmem:$0x4000] =	vst v63  }
0x374: {  	s28 =	rddreg [dreg:$0xd]  }
0x375: {  	s29 =	sld [smem:$0x7FD]  }
0x376: {  	[hbm4b:s30+s2] =	stream.linear.scatter [tilespmem:s31], [sflag:$0x1], $0x80, $0x38;
	[tilespmem:$0x4000] =	vst v63  }
0x377: {  	s30 =	sld [smem:$0x7AA]  }
0x378: {  	s31 =	sld [smem:$0x7D5]  }
0x379: {  	[hbm4b:s3+s2] =	stream.linear.scatter [tilespmem:s4], [sflag:$0x1], $0x80, $0x38;
	[tilespmem:$0x4000] =	vst v63  }
0x37a: {  	s3 =	sld [smem:$0x7D6]  }
0x37b: {  	s4 =	sld [smem:$0x7AC]  }
0x37c: {  	[hbm4b:s5+s2] =	stream.linear.scatter [tilespmem:s6], [sflag:$0x1], $0x80, $0x38;
	[tilespmem:$0x4000] =	vst v63  }
0x37d: {  	s5 =	sld [smem:$0x7D7]  }
0x37e: {  	[hbm4b:s8+s2] =	stream.linear.scatter [tilespmem:s9], [sflag:$0x1], $0x80, $0x38;
	[tilespmem:$0x4000] =	vst v63  }
0x37f: {  	s6 =	rddreg [dreg:$0xc]  }
0x380: {  	[hbm4b:s10+s2] =	stream.linear.scatter [tilespmem:s11], [sflag:$0x1], $0x80, $0x38;
	[tilespmem:$0x4000] =	vst v63  }
0x381: {  	s8 =	sld [smem:$0x7FB]  }
0x382: {  	[hbm4b:s12+s2] =	stream.linear.scatter [tilespmem:s13], [sflag:$0x1], $0x80, $0x38;
	[tilespmem:$0x4000] =	vst v63  }
0x383: {  	s9 =	sld [smem:$0x7AD]  }
0x384: {  	[hbm4b:s14+s2] =	stream.linear.scatter [tilespmem:s15], [sflag:$0x1], $0x80, $0x38;
	[tilespmem:$0x4000] =	vst v63  }
0x385: {  	s10 =	sld [smem:$0x7D2]  }
0x386: {  	[hbm4b:s16+s2] =	stream.linear.scatter [tilespmem:s17], [sflag:$0x1], $0x80, $0x38;
	[tilespmem:$0x4000] =	vst v63  }
0x387: {  	s11 =	sld [smem:$0x7AE]  }
0x388: {  	[hbm4b:s18+s2] =	stream.linear.scatter [tilespmem:s19], [sflag:$0x1], $0x80, $0x38;
	[tilespmem:$0x4000] =	vst v63  }
0x389: {  	s12 =	sld [smem:$0x7D3]  }
0x38a: {  	[hbm4b:s20+s2] =	stream.linear.scatter [tilespmem:s21], [sflag:$0x1], $0x80, $0x38;
	[tilespmem:$0x4000] =	vst v63  }
0x38b: {  	s13 =	sld [smem:$0x7AF]  }
0x38c: {  	[hbm4b:s22+s2] =	stream.linear.scatter [tilespmem:s24], [sflag:$0x1], $0x80, $0x38;
	[tilespmem:$0x4000] =	vst v63  }
0x38d: {  	s14 =	sld [smem:$0x7D4]  }
0x38e: {  	[hbm4b:s25+s2] =	stream.linear.scatter [tilespmem:s26], [sflag:$0x1], $0x80, $0x38;
	[tilespmem:$0x4000] =	vst v63  }
0x38f: {  	s15 =	rddreg [dreg:$0xb]  }
0x390: {  	[hbm4b:s28+s2] =	stream.linear.scatter [tilespmem:s29], [sflag:$0x1], $0x80, $0x38;
	[tilespmem:$0x4000] =	vst v63  }
0x391: {  	s16 =	sld [smem:$0x7FA]  }
0x392: {  	[hbm4b:s30+s2] =	stream.linear.scatter [tilespmem:s31], [sflag:$0x1], $0x80, $0x38;
	[tilespmem:$0x4000] =	vst v63  }
0x393: {  	s17 =	sld [smem:$0x7B0]  }
0x394: {  	[hbm4b:s1+s2] =	stream.linear.scatter [tilespmem:s3], [sflag:$0x1], $0x80, $0x38;
	[tilespmem:$0x4000] =	vst v63  }
0x395: {  	s18 =	sld [smem:$0x7CF]  }
0x396: {  	[hbm4b:s4+s2] =	stream.linear.scatter [tilespmem:s5], [sflag:$0x1], $0x80, $0x38;
	[tilespmem:$0x4000] =	vst v63  }
0x397: {  	s19 =	sld [smem:$0x7B1]  }
0x398: {  	[hbm4b:s6+s2] =	stream.linear.scatter [tilespmem:s8], [sflag:$0x1], $0x80, $0x38;
	[tilespmem:$0x4000] =	vst v63  }
0x399: {  	s20 =	sld [smem:$0x7D0]  }
0x39a: {  	[hbm4b:s9+s2] =	stream.linear.scatter [tilespmem:s10], [sflag:$0x1], $0x80, $0x38;
	[tilespmem:$0x4000] =	vst v63  }
0x39b: {  	s21 =	sld [smem:$0x7B2]  }
0x39c: {  	[hbm4b:s11+s2] =	stream.linear.scatter [tilespmem:s12], [sflag:$0x1], $0x80, $0x38;
	[tilespmem:$0x4000] =	vst v63  }
0x39d: {  	s22 =	sld [smem:$0x7D1]  }
0x39e: {  	[hbm4b:s13+s2] =	stream.linear.scatter [tilespmem:s14], [sflag:$0x1], $0x80, $0x38;
	[tilespmem:$0x4000] =	vst v63  }
0x39f: {  	s24 =	rddreg [dreg:$0xa]  }
0x3a0: {  	[hbm4b:s15+s2] =	stream.linear.scatter [tilespmem:s16], [sflag:$0x1], $0x80, $0x38;
	[tilespmem:$0x4000] =	vst v63  }
0x3a1: {  	s25 =	sld [smem:$0x7B3]  }
0x3a2: {  	[hbm4b:s17+s2] =	stream.linear.scatter [tilespmem:s18], [sflag:$0x1], $0x80, $0x38;
	[tilespmem:$0x4000] =	vst v63  }
0x3a3: {  	s26 =	sld [smem:$0x7CC]  }
0x3a4: {  	[hbm4b:s19+s2] =	stream.linear.scatter [tilespmem:s20], [sflag:$0x1], $0x80, $0x38;
	[tilespmem:$0x4000] =	vst v63  }
0x3a5: {  	s28 =	sld [smem:$0x7B4]  }
0x3a6: {  	[hbm4b:s21+s2] =	stream.linear.scatter [tilespmem:s22], [sflag:$0x1], $0x80, $0x38;
	[tilespmem:$0x4000] =	vst v63  }
0x3a7: {  	s29 =	sld [smem:$0x7CD]  }
0x3a8: {  	[hbm4b:s24+s2] =	stream.linear.scatter [tilespmem:s7], [sflag:$0x1], $0x80, $0x38;
	[tilespmem:$0x4000] =	vst v63  }
0x3a9: {  	s30 =	sld [smem:$0x7B5]  }
0x3aa: {  	[hbm4b:s25+s2] =	stream.linear.scatter [tilespmem:s26], [sflag:$0x1], $0x80, $0x38;
	[tilespmem:$0x4000] =	vst v63  }
0x3ab: {  	s31 =	sld [smem:$0x7CE]  }
0x3ac: {  	[hbm4b:s28+s2] =	stream.linear.scatter [tilespmem:s29], [sflag:$0x1], $0x80, $0x38;
	[tilespmem:$0x4000] =	vst v63  }
0x3ad: {  	_ = 	snop  }
0x3ae: {  	[hbm4b:s30+s2] =	stream.linear.scatter [tilespmem:s31], [sflag:$0x1], $0x80, $0x38;
	[tilespmem:$0x4000] =	vst v63  }
0x3af: {  	s0 =	sld [smem:$0x754];
	_ =	swait.ge [sflag:s23], $0x200  }
0x3b0: {  	[sflag:s23] =	ssyncset.done $0x0  }
0x3b1: {  	[sflag:s23] =	ssyncadd.s32 $0xFFFFFE00  }
0x3b2: {  	_ =	swait.ge [sflag:s23], $0x200  }
0x3b3: {  	[sflag:s23] =	ssyncset.done $0x0  }
0x3b4: {  	[sflag:s23] =	ssyncadd.s32 $0xFFFFFE00  }
0x3b5: {  	_ =	swait.ge [sflag:s23], $0x200  }
0x3b6: {  	[sflag:s23] =	ssyncset.done $0x0  }
0x3b7: {  	[sflag:s23] =	ssyncadd.s32 $0xFFFFFE00  }
0x3b8: {  	_ =	swait.ge [sflag:s23], $0x200  }
0x3b9: {  	[sflag:s23] =	ssyncset.done $0x0  }
0x3ba: {  	[sflag:s23] =	ssyncadd.s32 $0xFFFFFE00  }
0x3bb: {  	_ =	swait.ge [sflag:s23], $0x200  }
0x3bc: {  	[sflag:s23] =	ssyncset.done $0x0  }
0x3bd: {  	[sflag:s23] =	ssyncadd.s32 $0xFFFFFE00  }
0x3be: {  	_ =	swait.ge [sflag:s23], $0x200  }
0x3bf: {  	[sflag:s23] =	ssyncset.done $0x0  }
0x3c0: {  	[sflag:s23] =	ssyncadd.s32 $0xFFFFFE00  }
0x3c1: {  	_ =	swait.ge [sflag:s23], $0x200  }
0x3c2: {  	[sflag:s23] =	ssyncset.done $0x0  }
0x3c3: {  	[sflag:s23] =	ssyncadd.s32 $0xFFFFFE00  }
0x3c4: {  	_ =	swait.ge [sflag:s23], $0x200  }
0x3c5: {  	[sflag:s23] =	ssyncset.done $0x0  }
0x3c6: {  	[sflag:s23] =	ssyncadd.s32 $0xFFFFFE00  }
0x3c7: {  	_ =	swait.ge [sflag:s23], $0x200  }
0x3c8: {  	[sflag:s23] =	ssyncset.done $0x0  }
0x3c9: {  	[sflag:s23] =	ssyncadd.s32 $0xFFFFFE00  }
0x3ca: {  	_ =	swait.ge [sflag:s23], $0x200  }
0x3cb: {  	[sflag:s23] =	ssyncset.done $0x0  }
0x3cc: {  	[sflag:s23] =	ssyncadd.s32 $0xFFFFFE00  }
0x3cd: {  	_ =	swait.ge [sflag:s23], $0x200  }
0x3ce: {  	[sflag:s23] =	ssyncset.done $0x0  }
0x3cf: {  	[sflag:s23] =	ssyncadd.s32 $0xFFFFFE00  }
0x3d0: {  	_ =	swait.ge [sflag:s23], $0x200  }
0x3d1: {  	[sflag:s23] =	ssyncset.done $0x0  }
0x3d2: {  	[sflag:s23] =	ssyncadd.s32 $0xFFFFFE00  }
0x3d3: {  	_ =	swait.ge [sflag:s23], $0x200  }
0x3d4: {  	[sflag:s23] =	ssyncset.done $0x0  }
0x3d5: {  	[sflag:s23] =	ssyncadd.s32 $0xFFFFFE00  }
0x3d6: {  	_ =	swait.ge [sflag:s23], $0x200  }
0x3d7: {  	[sflag:s23] =	ssyncset.done $0x0  }
0x3d8: {  	[sflag:s23] =	ssyncadd.s32 $0xFFFFFE00  }
0x3d9: {  	_ =	swait.ge [sflag:s23], $0x200  }
0x3da: {  	[sflag:s23] =	ssyncset.done $0x0  }
0x3db: {  	[sflag:s23] =	ssyncadd.s32 $0xFFFFFE00  }
0x3dc: {  	_ =	swait.ge [sflag:s23], $0x200  }
0x3dd: {  	[sflag:s23] =	ssyncset.done $0x0  }
0x3de: {  	[sflag:s23] =	ssyncadd.s32 $0xFFFFFE00  }
0x3df: {  	_ =	swait.ge [sflag:s23], $0x200  }
0x3e0: {  	[sflag:s23] =	ssyncset.done $0x0  }
0x3e1: {  	[sflag:s23] =	ssyncadd.s32 $0xFFFFFE00  }
0x3e2: {  	_ =	swait.ge [sflag:s23], $0x200  }
0x3e3: {  	[sflag:s23] =	ssyncset.done $0x0  }
0x3e4: {  	[sflag:s23] =	ssyncadd.s32 $0xFFFFFE00  }
0x3e5: {  	_ =	swait.ge [sflag:s23], $0x200  }
0x3e6: {  	[sflag:s23] =	ssyncset.done $0x0  }
0x3e7: {  	[sflag:s23] =	ssyncadd.s32 $0xFFFFFE00  }
0x3e8: {  	_ =	swait.ge [sflag:s23], $0x200  }
0x3e9: {  	[sflag:s23] =	ssyncset.done $0x0  }
0x3ea: {  	[sflag:s23] =	ssyncadd.s32 $0xFFFFFE00  }
0x3eb: {  	_ =	swait.ge [sflag:s23], $0x200  }
0x3ec: {  	[sflag:s23] =	ssyncset.done $0x0  }
0x3ed: {  	[sflag:s23] =	ssyncadd.s32 $0xFFFFFE00  }
0x3ee: {  	_ =	swait.ge [sflag:s23], $0x200  }
0x3ef: {  	[sflag:s23] =	ssyncset.done $0x0  }
0x3f0: {  	[sflag:s23] =	ssyncadd.s32 $0xFFFFFE00  }
0x3f1: {  	_ =	swait.ge [sflag:s23], $0x200  }
0x3f2: {  	[sflag:s23] =	ssyncset.done $0x0  }
0x3f3: {  	[sflag:s23] =	ssyncadd.s32 $0xFFFFFE00  }
0x3f4: {  	_ =	swait.ge [sflag:s23], $0x200  }
0x3f5: {  	[sflag:s23] =	ssyncset.done $0x0  }
0x3f6: {  	[sflag:s23] =	ssyncadd.s32 $0xFFFFFE00  }
0x3f7: {  	_ =	swait.ge [sflag:s23], $0x200  }
0x3f8: {  	[sflag:s23] =	ssyncset.done $0x0  }
0x3f9: {  	[sflag:s23] =	ssyncadd.s32 $0xFFFFFE00  }
0x3fa: {  	_ =	swait.ge [sflag:s23], $0x200  }
0x3fb: {  	[sflag:s23] =	ssyncset.done $0x0  }
0x3fc: {  	[sflag:s23] =	ssyncadd.s32 $0xFFFFFE00  }
0x3fd: {  	_ =	swait.ge [sflag:s23], $0x200  }
0x3fe: {  	[sflag:s23] =	ssyncset.done $0x0  }
0x3ff: {  	[sflag:s23] =	ssyncadd.s32 $0xFFFFFE00  }
0x400: {  	_ =	swait.ge [sflag:s23], $0x200  }
0x401: {  	[sflag:s23] =	ssyncset.done $0x0  }
0x402: {  	[sflag:s23] =	ssyncadd.s32 $0xFFFFFE00  }
0x403: {  	_ =	swait.ge [sflag:s23], $0x200  }
0x404: {  	[sflag:s23] =	ssyncset.done $0x0  }
0x405: {  	[sflag:s23] =	ssyncadd.s32 $0xFFFFFE00  }
0x406: {  	_ =	swait.ge [sflag:s23], $0x200  }
0x407: {  	[sflag:s23] =	ssyncset.done $0x0  }
0x408: {  	[sflag:s23] =	ssyncadd.s32 $0xFFFFFE00  }
.Ltmp2:
0x409: {  	_ =	swait.ge [sflag:s23], $0x200;
	(pc) =	sbr.rel @p1 .LBB2_4-.Ltmp2, $4  }
0x40a: {  	[sflag:s23] =	ssyncset.done $0x0  }
0x40b: {  	[sflag:s23] =	ssyncadd.s32 $0xFFFFFE00  }
0x40c: {  	_ =	swait.ge [sflag:s23], $0x200  }
0x40d: {  	s6 =	rddreg [dreg:$0x3];
	[sflag:s23] =	ssyncset.done $0x0  }
0x40e: {  	s20 =	sld [smem:$0x7D8]  }
0x40f: {  	s26 =	sld [smem:$0x7D9]  }
0x410: {  	s4 =	sld [smem:$0x7DA]  }
0x411: {  	s3 =	sld [smem:$0x7D5]  }
0x412: {  	s1 =	sld [smem:$0x7D6]  }
0x413: {  	s25 =	sld [smem:$0x7D7]  }
0x414: {  	s29 =	sld [smem:$0x7D2]  }
0x415: {  	s18 =	sld [smem:$0x7D3]  }
0x416: {  	s14 =	sld [smem:$0x7D4]  }
0x417: {  	s31 =	sld [smem:$0x7CF]  }
0x418: {  	s30 =	sld [smem:$0x7D0]  }
0x419: {  	s28 =	sld [smem:$0x7D1]  }
0x41a: {  	s9 =	sld [smem:$0x7CC]  }
0x41b: {  	s19 =	sld [smem:$0x7CD]  }
0x41c: {  	s22 =	sld [smem:$0x7CE]  }
0x41d: {  	s21 =	sld [smem:$0x797]  }
0x41e: {  	s8 =	sld [smem:$0x7F9]  }
0x41f: {  	s17 =	sld [smem:$0x7F8]  }
0x420: {  	s16 =	sld [smem:$0x7F7]  }
0x421: {  	s15 =	sld [smem:$0x7F6]  }
0x422: {  	s13 =	sld [smem:$0x7FC]  }
0x423: {  	s12 =	sld [smem:$0x7FD]  }
0x424: {  	s11 =	sld [smem:$0x7FB]  }
0x425: {  	s10 =	sld [smem:$0x7FA]  }
.LBB2_6:
0x426: {  	[sflag:s23] =	ssyncadd.s32 @p0 $0xFFFFFE00;
	s0 =	simm.s32 $0x2  }
0x427: {  	[tilespmem:s2], [sflag:$0x2] =	stream.linear.gather [hbm4b:s6+s2], $0x4000, $0x38;
	[tilespmem:$0x4000] =	vst v63  }
0x428: {  	_ =	swait.ge [sflag:s0], $0x4000  }
0x429: {  	[sflag:s0] =	ssyncset.done $0x0;
	s7 =	sld [smem:$0x7B9]  }
0x42a: {  	[sflag:s0] =	ssyncadd.s32 $0xFFFFC000;
	s0 =	sld [smem:$0x7F4];
	_ =	sdelay $0x1  }
0x42b: {  	s5 =	rddreg [dreg:$0x4]  }
0x42c: {  	[hbm4b:s0+s2] =	stream.linear.scatter [tilespmem:s7], [sflag:$0x1], $0x80, $0x38;
	[tilespmem:$0x4000] =	vst v63  }
0x42d: {  	s24 =	sadd.s32 $0x80, s0;
	s7 =	rddreg [dreg:$0x5]  }
0x42e: {  	[hbm4b:s24+s2] =	stream.linear.scatter [tilespmem:s5], [sflag:$0x1], $0x80, $0x38;
	[tilespmem:$0x4000] =	vst v63  }
0x42f: {  	s6 =	sadd.s32 $0x100, s0;
	s24 =	rddreg [dreg:$0x6]  }
0x430: {  	[hbm4b:s6+s2] =	stream.linear.scatter [tilespmem:s7], [sflag:$0x1], $0x80, $0x38;
	[tilespmem:$0x4000] =	vst v63  }
0x431: {  	s0 =	sadd.s32 $0x180, s0;
	s7 =	sld [smem:$0x7F5]  }
0x432: {  	[hbm4b:s0+s2] =	stream.linear.scatter [tilespmem:s24], [sflag:$0x1], $0x80, $0x38;
	[tilespmem:$0x4000] =	vst v63  }
0x433: {  	s24 =	sld [smem:$0x7B7];
	_ =	sdelay $0x2  }
0x434: {  	[hbm4b:s24+s2] =	stream.linear.scatter [tilespmem:s7], [sflag:$0x1], $0x80, $0x38;
	[tilespmem:$0x4000] =	vst v63  }
0x435: {  	s7 =	sadd.s32 $0x80, s24  }
0x436: {  	[hbm4b:s7+s2] =	stream.linear.scatter [tilespmem:s9], [sflag:$0x1], $0x80, $0x38;
	[tilespmem:$0x4000] =	vst v63  }
0x437: {  	s9 =	sadd.s32 $0x100, s24  }
0x438: {  	[hbm4b:s9+s2] =	stream.linear.scatter [tilespmem:s19], [sflag:$0x1], $0x80, $0x38;
	[tilespmem:$0x4000] =	vst v63  }
0x439: {  	s19 =	sadd.s32 $0x180, s24  }
0x43a: {  	[hbm4b:s19+s2] =	stream.linear.scatter [tilespmem:s22], [sflag:$0x1], $0x80, $0x38;
	[tilespmem:$0x4000] =	vst v63  }
0x43b: {  	s22 =	sld [smem:$0x7B8];
	_ =	sdelay $0x2  }
0x43c: {  	[hbm4b:s22+s2] =	stream.linear.scatter [tilespmem:s10], [sflag:$0x1], $0x80, $0x38;
	[tilespmem:$0x4000] =	vst v63  }
0x43d: {  	s24 =	sadd.s32 $0x80, s22  }
0x43e: {  	[hbm4b:s24+s2] =	stream.linear.scatter [tilespmem:s31], [sflag:$0x1], $0x80, $0x38;
	[tilespmem:$0x4000] =	vst v63  }
0x43f: {  	s0 =	sadd.s32 $0x100, s22  }
0x440: {  	[hbm4b:s0+s2] =	stream.linear.scatter [tilespmem:s30], [sflag:$0x1], $0x80, $0x38;
	[tilespmem:$0x4000] =	vst v63  }
0x441: {  	s9 =	sld [smem:$0x7BA];
	s7 =	sadd.s32 $0x180, s22  }
0x442: {  	[hbm4b:s7+s2] =	stream.linear.scatter [tilespmem:s28], [sflag:$0x1], $0x80, $0x38;
	[tilespmem:$0x4000] =	vst v63  }
0x443: {  	_ = 	snop  }
0x444: {  	[hbm4b:s9+s2] =	stream.linear.scatter [tilespmem:s11], [sflag:$0x1], $0x80, $0x38;
	[tilespmem:$0x4000] =	vst v63  }
0x445: {  	s10 =	sadd.s32 $0x80, s9  }
0x446: {  	[hbm4b:s10+s2] =	stream.linear.scatter [tilespmem:s29], [sflag:$0x1], $0x80, $0x38;
	[tilespmem:$0x4000] =	vst v63  }
0x447: {  	s11 =	sadd.s32 $0x100, s9  }
0x448: {  	[hbm4b:s11+s2] =	stream.linear.scatter [tilespmem:s18], [sflag:$0x1], $0x80, $0x38;
	[tilespmem:$0x4000] =	vst v63  }
0x449: {  	s19 =	sld [smem:$0x7BB];
	s18 =	sadd.s32 $0x180, s9  }
0x44a: {  	[hbm4b:s18+s2] =	stream.linear.scatter [tilespmem:s14], [sflag:$0x1], $0x80, $0x38;
	[tilespmem:$0x4000] =	vst v63  }
0x44b: {  	_ = 	snop  }
0x44c: {  	[hbm4b:s19+s2] =	stream.linear.scatter [tilespmem:s12], [sflag:$0x1], $0x80, $0x38;
	[tilespmem:$0x4000] =	vst v63  }
0x44d: {  	s22 =	sadd.s32 $0x80, s19  }
0x44e: {  	[hbm4b:s22+s2] =	stream.linear.scatter [tilespmem:s3], [sflag:$0x1], $0x80, $0x38;
	[tilespmem:$0x4000] =	vst v63  }
0x44f: {  	s24 =	sadd.s32 $0x100, s19  }
0x450: {  	[hbm4b:s24+s2] =	stream.linear.scatter [tilespmem:s1], [sflag:$0x1], $0x80, $0x38;
	[tilespmem:$0x4000] =	vst v63  }
0x451: {  	s28 =	sadd.s32 $0x180, s19;
	s29 =	sld [smem:$0x7BC]  }
0x452: {  	[hbm4b:s28+s2] =	stream.linear.scatter [tilespmem:s25], [sflag:$0x1], $0x80, $0x38;
	[tilespmem:$0x4000] =	vst v63  }
0x453: {  	s6 =	rddreg [dreg:$0x19]  }
0x454: {  	[hbm4b:s29+s2] =	stream.linear.scatter [tilespmem:s13], [sflag:$0x1], $0x80, $0x38;
	[tilespmem:$0x4000] =	vst v63  }
0x455: {  	s9 =	rddreg [dreg:$0x17];
	s30 =	sadd.s32 $0x80, s29  }
0x456: {  	[hbm4b:s30+s2] =	stream.linear.scatter [tilespmem:s20], [sflag:$0x1], $0x80, $0x38;
	[tilespmem:$0x4000] =	vst v63  }
0x457: {  	s11 =	sld [smem:$0x7DB];
	s31 =	sadd.s32 $0x100, s29  }
0x458: {  	[hbm4b:s31+s2] =	stream.linear.scatter [tilespmem:s26], [sflag:$0x1], $0x80, $0x38;
	[tilespmem:$0x4000] =	vst v63  }
0x459: {  	s3 =	sld [smem:$0x7BD];
	s1 =	sadd.s32 $0x180, s29  }
0x45a: {  	[hbm4b:s1+s2] =	stream.linear.scatter [tilespmem:s4], [sflag:$0x1], $0x80, $0x38;
	[tilespmem:$0x4000] =	vst v63  }
0x45b: {  	s14 =	rddreg [dreg:$0x1e]  }
0x45c: {  	[hbm4b:s3+s2] =	stream.linear.scatter [tilespmem:s15], [sflag:$0x1], $0x80, $0x38;
	[tilespmem:$0x4000] =	vst v63  }
0x45d: {  	s12 =	sld [smem:$0x7BE];
	s4 =	sadd.s32 $0x80, s3  }
0x45e: {  	[hbm4b:s4+s2] =	stream.linear.scatter [tilespmem:s6], [sflag:$0x1], $0x80, $0x38;
	[tilespmem:$0x4000] =	vst v63  }
0x45f: {  	s19 =	rddreg [dreg:$0x1b];
	s7 =	sadd.s32 $0x100, s3  }
0x460: {  	[hbm4b:s7+s2] =	stream.linear.scatter [tilespmem:s9], [sflag:$0x1], $0x80, $0x38;
	[tilespmem:$0x4000] =	vst v63  }
0x461: {  	s24 =	sld [smem:$0x7DC];
	s10 =	sadd.s32 $0x180, s3  }
0x462: {  	[hbm4b:s10+s2] =	stream.linear.scatter [tilespmem:s11], [sflag:$0x1], $0x80, $0x38;
	[tilespmem:$0x4000] =	vst v63  }
0x463: {  	s29 =	sld [smem:$0x7DE]  }
0x464: {  	[hbm4b:s12+s2] =	stream.linear.scatter [tilespmem:s16], [sflag:$0x1], $0x80, $0x38;
	[tilespmem:$0x4000] =	vst v63  }
0x465: {  	s13 =	sadd.s32 $0x80, s12;
	s20 =	sld [smem:$0x7BF]  }
0x466: {  	[hbm4b:s13+s2] =	stream.linear.scatter [tilespmem:s14], [sflag:$0x1], $0x80, $0x38;
	[tilespmem:$0x4000] =	vst v63  }
0x467: {  	s15 =	sadd.s32 $0x100, s12;
	s16 =	rddreg [dreg:$0x1d]  }
0x468: {  	[hbm4b:s15+s2] =	stream.linear.scatter [tilespmem:s16], [sflag:$0x1], $0x80, $0x38;
	[tilespmem:$0x4000] =	vst v63  }
0x469: {  	s18 =	sadd.s32 $0x180, s12;
	s30 =	sld [smem:$0x7C0]  }
0x46a: {  	[hbm4b:s18+s2] =	stream.linear.scatter [tilespmem:s19], [sflag:$0x1], $0x80, $0x38;
	[tilespmem:$0x4000] =	vst v63  }
0x46b: {  	s26 =	sld [smem:$0x7DD]  }
0x46c: {  	[hbm4b:s20+s2] =	stream.linear.scatter [tilespmem:s17], [sflag:$0x1], $0x80, $0x38;
	[tilespmem:$0x4000] =	vst v63  }
0x46d: {  	s31 =	sld [smem:$0x7DF];
	s22 =	sadd.s32 $0x80, s20  }
0x46e: {  	[hbm4b:s22+s2] =	stream.linear.scatter [tilespmem:s24], [sflag:$0x1], $0x80, $0x38;
	[tilespmem:$0x4000] =	vst v63  }
0x46f: {  	s25 =	sadd.s32 $0x100, s20;
	s4 =	sld [smem:$0x7E0]  }
0x470: {  	[hbm4b:s25+s2] =	stream.linear.scatter [tilespmem:s26], [sflag:$0x1], $0x80, $0x38;
	[tilespmem:$0x4000] =	vst v63  }
0x471: {  	s28 =	sadd.s32 $0x180, s20;
	s7 =	sld [smem:$0x7E1]  }
0x472: {  	[hbm4b:s28+s2] =	stream.linear.scatter [tilespmem:s29], [sflag:$0x1], $0x80, $0x38;
	[tilespmem:$0x4000] =	vst v63  }
0x473: {  	s12 =	sld [smem:$0x7C2]  }
0x474: {  	[hbm4b:s30+s2] =	stream.linear.scatter [tilespmem:s8], [sflag:$0x1], $0x80, $0x38;
	[tilespmem:$0x4000] =	vst v63  }
0x475: {  	s1 =	sadd.s32 $0x80, s30;
	s16 =	sld [smem:$0x7C3]  }
0x476: {  	[hbm4b:s1+s2] =	stream.linear.scatter [tilespmem:s31], [sflag:$0x1], $0x80, $0x38;
	[tilespmem:$0x4000] =	vst v63  }
0x477: {  	s3 =	sadd.s32 $0x100, s30;
	s19 =	sld [smem:$0x7E7]  }
0x478: {  	[hbm4b:s3+s2] =	stream.linear.scatter [tilespmem:s4], [sflag:$0x1], $0x80, $0x38;
	[tilespmem:$0x4000] =	vst v63  }
0x479: {  	s6 =	sadd.s32 $0x180, s30;
	s8 =	sld [smem:$0x7C1]  }
0x47a: {  	[hbm4b:s6+s2] =	stream.linear.scatter [tilespmem:s7], [sflag:$0x1], $0x80, $0x38;
	[tilespmem:$0x4000] =	vst v63  }
0x47b: {  	s25 =	sld [smem:$0x7E2]  }
0x47c: {  	[hbm4b:s8+s2] =	stream.linear.scatter [tilespmem:s21], [sflag:$0x1], $0x80, $0x38;
	[tilespmem:$0x4000] =	vst v63  }
0x47d: {  	s28 =	sld [smem:$0x7E3];
	s9 =	sadd.s32 $0x80, s8  }
0x47e: {  	[hbm4b:s9+s2] =	stream.linear.scatter [tilespmem:s25], [sflag:$0x1], $0x80, $0x38;
	[tilespmem:$0x4000] =	vst v63  }
0x47f: {  	s29 =	sld [smem:$0x7E4];
	s10 =	sadd.s32 $0x100, s8  }
0x480: {  	[hbm4b:s10+s2] =	stream.linear.scatter [tilespmem:s28], [sflag:$0x1], $0x80, $0x38;
	[tilespmem:$0x4000] =	vst v63  }
0x481: {  	s22 =	sld [smem:$0x7E5];
	s11 =	sadd.s32 $0x180, s8  }
0x482: {  	[hbm4b:s11+s2] =	stream.linear.scatter [tilespmem:s29], [sflag:$0x1], $0x80, $0x38;
	[tilespmem:$0x4000] =	vst v63  }
0x483: {  	s26 =	rddreg [dreg:$0x16]  }
0x484: {  	[hbm4b:s12+s2] =	stream.linear.scatter [tilespmem:s26], [sflag:$0x1], $0x80, $0x38;
	[tilespmem:$0x4000] =	vst v63  }
0x485: {  	s13 =	sadd.s32 $0x80, s12;
	s24 =	sld [smem:$0x7E6]  }
0x486: {  	[hbm4b:s13+s2] =	stream.linear.scatter [tilespmem:s22], [sflag:$0x1], $0x80, $0x38;
	[tilespmem:$0x4000] =	vst v63  }
0x487: {  	s14 =	sadd.s32 $0x100, s12;
	s17 =	sld [smem:$0x7E8]  }
0x488: {  	[hbm4b:s14+s2] =	stream.linear.scatter [tilespmem:s24], [sflag:$0x1], $0x80, $0x38;
	[tilespmem:$0x4000] =	vst v63  }
0x489: {  	s15 =	sadd.s32 $0x180, s12;
	s1 =	sld [smem:$0x7C4]  }
0x48a: {  	[hbm4b:s15+s2] =	stream.linear.scatter [tilespmem:s19], [sflag:$0x1], $0x80, $0x38;
	[tilespmem:$0x4000] =	vst v63  }
0x48b: {  	s30 =	smov.u32 s21;
	s21 =	rddreg [dreg:$0x14]  }
0x48c: {  	[hbm4b:s16+s2] =	stream.linear.scatter [tilespmem:s21], [sflag:$0x1], $0x80, $0x38;
	[tilespmem:$0x4000] =	vst v63  }
0x48d: {  	s18 =	sadd.s32 $0x80, s16;
	s7 =	sld [smem:$0x7C5]  }
0x48e: {  	[hbm4b:s18+s2] =	stream.linear.scatter [tilespmem:s17], [sflag:$0x1], $0x80, $0x38;
	[tilespmem:$0x4000] =	vst v63  }
0x48f: {  	s18 =	sld [smem:$0x7E9]  }
0x490: {  	s9 =	sld [smem:$0x7EA]  }
0x491: {  	s20 =	sadd.s32 $0x100, s16;
	s11 =	sld [smem:$0x7EF]  }
0x492: {  	[hbm4b:s20+s2] =	stream.linear.scatter [tilespmem:s18], [sflag:$0x1], $0x80, $0x38;
	[tilespmem:$0x4000] =	vst v63  }
0x493: {  	s0 =	sadd.s32 $0x180, s16;
	s13 =	sld [smem:$0x7EB]  }
0x494: {  	[hbm4b:s0+s2] =	stream.linear.scatter [tilespmem:s9], [sflag:$0x1], $0x80, $0x38;
	[tilespmem:$0x4000] =	vst v63  }
0x495: {  	s20 =	rddreg [dreg:$0x13]  }
0x496: {  	[hbm4b:s1+s2] =	stream.linear.scatter [tilespmem:s20], [sflag:$0x1], $0x80, $0x38;
	[tilespmem:$0x4000] =	vst v63  }
0x497: {  	s3 =	sadd.s32 $0x80, s1;
	s14 =	sld [smem:$0x7EC]  }
0x498: {  	[hbm4b:s3+s2] =	stream.linear.scatter [tilespmem:s13], [sflag:$0x1], $0x80, $0x38;
	[tilespmem:$0x4000] =	vst v63  }
0x499: {  	s4 =	sadd.s32 $0x100, s1;
	s16 =	sld [smem:$0x7ED]  }
0x49a: {  	[hbm4b:s4+s2] =	stream.linear.scatter [tilespmem:s14], [sflag:$0x1], $0x80, $0x38;
	[tilespmem:$0x4000] =	vst v63  }
0x49b: {  	s6 =	sadd.s32 $0x180, s1;
	s12 =	sld [smem:$0x7EE]  }
0x49c: {  	[hbm4b:s6+s2] =	stream.linear.scatter [tilespmem:s16], [sflag:$0x1], $0x80, $0x38;
	[tilespmem:$0x4000] =	vst v63  }
0x49d: {  	s15 =	rddreg [dreg:$0x12]  }
0x49e: {  	[hbm4b:s7+s2] =	stream.linear.scatter [tilespmem:s15], [sflag:$0x1], $0x80, $0x38;
	[tilespmem:$0x4000] =	vst v63  }
0x49f: {  	s8 =	sadd.s32 $0x80, s7;
	s3 =	sld [smem:$0x7C6]  }
0x4a0: {  	[hbm4b:s8+s2] =	stream.linear.scatter [tilespmem:s12], [sflag:$0x1], $0x80, $0x38;
	[tilespmem:$0x4000] =	vst v63  }
0x4a1: {  	s10 =	sadd.s32 $0x100, s7;
	s8 =	sld [smem:$0x7F0]  }
0x4a2: {  	[hbm4b:s10+s2] =	stream.linear.scatter [tilespmem:s11], [sflag:$0x1], $0x80, $0x38;
	[tilespmem:$0x4000] =	vst v63  }
0x4a3: {  	s1 =	sadd.s32 $0x180, s7;
	s4 =	sld [smem:$0x7F1]  }
0x4a4: {  	[hbm4b:s1+s2] =	stream.linear.scatter [tilespmem:s8], [sflag:$0x1], $0x80, $0x38;
	[tilespmem:$0x4000] =	vst v63  }
0x4a5: {  	s7 =	rddreg [dreg:$0x1f]  }
0x4a6: {  	[hbm4b:s3+s2] =	stream.linear.scatter [tilespmem:s7], [sflag:$0x1], $0x80, $0x38;
	[tilespmem:$0x4000] =	vst v63  }
0x4a7: {  	s6 =	sld [smem:$0x7F2];
	s10 =	sadd.s32 $0x80, s3  }
0x4a8: {  	[hbm4b:s10+s2] =	stream.linear.scatter [tilespmem:s4], [sflag:$0x1], $0x80, $0x38;
	[tilespmem:$0x4000] =	vst v63  }
0x4a9: {  	s1 =	sadd.s32 $0x100, s3  }
0x4aa: {  	[hbm4b:s1+s2] =	stream.linear.scatter [tilespmem:s6], [sflag:$0x1], $0x80, $0x38;
	[tilespmem:$0x4000] =	vst v63  }
0x4ab: {  	s1 =	sld [smem:$0x7F3];
	_ =	sdelay $0x1  }
0x4ac: {  	s0 =	sld [smem:$0x7C7];
	s3 =	sadd.s32 $0x180, s3  }
0x4ad: {  	[hbm4b:s3+s2] =	stream.linear.scatter [tilespmem:s1], [sflag:$0x1], $0x80, $0x38;
	[tilespmem:$0x4000] =	vst v63  }
0x4ae: {  	s10 =	rddreg [dreg:$0x1c]  }
0x4af: {  	[hbm4b:s0+s2] =	stream.linear.scatter [tilespmem:s10], [sflag:$0x1], $0x80, $0x38;
	[tilespmem:$0x4000] =	vst v63  }
0x4b0: {  	s5 =	rddreg [dreg:$0x7];
	s3 =	sadd.s32 $0x80, s0  }
0x4b1: {  	[hbm4b:s3+s2] =	stream.linear.scatter [tilespmem:s5], [sflag:$0x1], $0x80, $0x38;
	[tilespmem:$0x4000] =	vst v63  }
0x4b2: {  	s10 =	rddreg [dreg:$0x8];
	s5 =	sadd.s32 $0x100, s0  }
0x4b3: {  	[hbm4b:s5+s2] =	stream.linear.scatter [tilespmem:s10], [sflag:$0x1], $0x80, $0x38;
	[tilespmem:$0x4000] =	vst v63  }
0x4b4: {  	s3 =	rddreg [dreg:$0x9];
	s0 =	sadd.s32 $0x180, s0  }
0x4b5: {  	[hbm4b:s0+s2] =	stream.linear.scatter [tilespmem:s3], [sflag:$0x1], $0x80, $0x38;
	[tilespmem:$0x4000] =	vst v63  }
0x4b6: {  	s3 =	sld [smem:$0x7C8];
	_ =	sdelay $0x2  }
0x4b7: {  	[hbm4b:s3+s2] =	stream.linear.scatter [tilespmem:s7], [sflag:$0x1], $0x80, $0x38;
	[tilespmem:$0x4000] =	vst v63  }
0x4b8: {  	s10 =	sadd.s32 $0x80, s3  }
0x4b9: {  	[hbm4b:s10+s2] =	stream.linear.scatter [tilespmem:s4], [sflag:$0x1], $0x80, $0x38;
	[tilespmem:$0x4000] =	vst v63  }
0x4ba: {  	s0 =	sadd.s32 $0x100, s3  }
0x4bb: {  	[hbm4b:s0+s2] =	stream.linear.scatter [tilespmem:s6], [sflag:$0x1], $0x80, $0x38;
	[tilespmem:$0x4000] =	vst v63  }
0x4bc: {  	s5 =	sld [smem:$0x7C9];
	s3 =	sadd.s32 $0x180, s3  }
0x4bd: {  	[hbm4b:s3+s2] =	stream.linear.scatter [tilespmem:s1], [sflag:$0x1], $0x80, $0x38;
	[tilespmem:$0x4000] =	vst v63  }
0x4be: {  	_ = 	snop  }
0x4bf: {  	[hbm4b:s5+s2] =	stream.linear.scatter [tilespmem:s15], [sflag:$0x1], $0x80, $0x38;
	[tilespmem:$0x4000] =	vst v63  }
0x4c0: {  	s6 =	sadd.s32 $0x80, s5  }
0x4c1: {  	[hbm4b:s6+s2] =	stream.linear.scatter [tilespmem:s12], [sflag:$0x1], $0x80, $0x38;
	[tilespmem:$0x4000] =	vst v63  }
0x4c2: {  	s7 =	sadd.s32 $0x100, s5  }
0x4c3: {  	[hbm4b:s7+s2] =	stream.linear.scatter [tilespmem:s11], [sflag:$0x1], $0x80, $0x38;
	[tilespmem:$0x4000] =	vst v63  }
0x4c4: {  	s10 =	sadd.s32 $0x180, s5;
	s11 =	sld [smem:$0x7CA]  }
0x4c5: {  	[hbm4b:s10+s2] =	stream.linear.scatter [tilespmem:s8], [sflag:$0x1], $0x80, $0x38;
	[tilespmem:$0x4000] =	vst v63  }
0x4c6: {  	_ = 	snop  }
0x4c7: {  	[hbm4b:s11+s2] =	stream.linear.scatter [tilespmem:s20], [sflag:$0x1], $0x80, $0x38;
	[tilespmem:$0x4000] =	vst v63  }
0x4c8: {  	s12 =	sadd.s32 $0x80, s11  }
0x4c9: {  	[hbm4b:s12+s2] =	stream.linear.scatter [tilespmem:s13], [sflag:$0x1], $0x80, $0x38;
	[tilespmem:$0x4000] =	vst v63  }
0x4ca: {  	s13 =	sadd.s32 $0x100, s11  }
0x4cb: {  	[hbm4b:s13+s2] =	stream.linear.scatter [tilespmem:s14], [sflag:$0x1], $0x80, $0x38;
	[tilespmem:$0x4000] =	vst v63  }
0x4cc: {  	s15 =	sadd.s32 $0x180, s11  }
0x4cd: {  	[hbm4b:s15+s2] =	stream.linear.scatter [tilespmem:s16], [sflag:$0x1], $0x80, $0x38;
	[tilespmem:$0x4000] =	vst v63  }
0x4ce: {  	s16 =	sld [smem:$0x7CB];
	_ =	sdelay $0x2  }
0x4cf: {  	[hbm4b:s16+s2] =	stream.linear.scatter [tilespmem:s21], [sflag:$0x1], $0x80, $0x38;
	[tilespmem:$0x4000] =	vst v63  }
0x4d0: {  	s3 =	rddreg [dreg:$0x1a];
	s20 =	sadd.s32 $0x80, s16  }
0x4d1: {  	[hbm4b:s20+s2] =	stream.linear.scatter [tilespmem:s17], [sflag:$0x1], $0x80, $0x38;
	[tilespmem:$0x4000] =	vst v63  }
0x4d2: {  	s7 =	rddreg [dreg:$0x18];
	s21 =	sadd.s32 $0x100, s16  }
0x4d3: {  	[hbm4b:s21+s2] =	stream.linear.scatter [tilespmem:s18], [sflag:$0x1], $0x80, $0x38;
	[tilespmem:$0x4000] =	vst v63  }
0x4d4: {  	s11 =	rddreg [dreg:$0x15];
	s1 =	sadd.s32 $0x180, s16  }
0x4d5: {  	[hbm4b:s1+s2] =	stream.linear.scatter [tilespmem:s9], [sflag:$0x1], $0x80, $0x38;
	[tilespmem:$0x4000] =	vst v63  }
0x4d6: {  	s12 =	sld [smem:$0x7F9]  }
0x4d7: {  	[hbm4b:s3+s2] =	stream.linear.scatter [tilespmem:s26], [sflag:$0x1], $0x80, $0x38;
	[tilespmem:$0x4000] =	vst v63  }
0x4d8: {  	s4 =	sadd.s32 $0x80, s3;
	s15 =	sld [smem:$0x7E0]  }
0x4d9: {  	[hbm4b:s4+s2] =	stream.linear.scatter [tilespmem:s22], [sflag:$0x1], $0x80, $0x38;
	[tilespmem:$0x4000] =	vst v63  }
0x4da: {  	s5 =	sadd.s32 $0x100, s3;
	s17 =	sld [smem:$0x7E1]  }
0x4db: {  	[hbm4b:s5+s2] =	stream.linear.scatter [tilespmem:s24], [sflag:$0x1], $0x80, $0x38;
	[tilespmem:$0x4000] =	vst v63  }
0x4dc: {  	s6 =	sadd.s32 $0x180, s3;
	s18 =	rddreg [dreg:$0x11]  }
0x4dd: {  	[hbm4b:s6+s2] =	stream.linear.scatter [tilespmem:s19], [sflag:$0x1], $0x80, $0x38;
	[tilespmem:$0x4000] =	vst v63  }
0x4de: {  	s21 =	sld [smem:$0x7DC]  }
0x4df: {  	[hbm4b:s7+s2] =	stream.linear.scatter [tilespmem:s30], [sflag:$0x1], $0x80, $0x38;
	[tilespmem:$0x4000] =	vst v63  }
0x4e0: {  	s8 =	sadd.s32 $0x80, s7;
	s26 =	sld [smem:$0x7DE]  }
0x4e1: {  	[hbm4b:s8+s2] =	stream.linear.scatter [tilespmem:s25], [sflag:$0x1], $0x80, $0x38;
	[tilespmem:$0x4000] =	vst v63  }
0x4e2: {  	s9 =	sadd.s32 $0x100, s7;
	s24 =	sld [smem:$0x7DD]  }
0x4e3: {  	[hbm4b:s9+s2] =	stream.linear.scatter [tilespmem:s28], [sflag:$0x1], $0x80, $0x38;
	[tilespmem:$0x4000] =	vst v63  }
0x4e4: {  	s10 =	sadd.s32 $0x180, s7;
	s5 =	rddreg [dreg:$0x1d]  }
0x4e5: {  	[hbm4b:s10+s2] =	stream.linear.scatter [tilespmem:s29], [sflag:$0x1], $0x80, $0x38;
	[tilespmem:$0x4000] =	vst v63  }
0x4e6: {  	s19 =	sld [smem:$0x7F8]  }
0x4e7: {  	[hbm4b:s11+s2] =	stream.linear.scatter [tilespmem:s12], [sflag:$0x1], $0x80, $0x38;
	[tilespmem:$0x4000] =	vst v63  }
0x4e8: {  	s13 =	sadd.s32 $0x80, s11;
	s7 =	rddreg [dreg:$0x1b]  }
0x4e9: {  	[hbm4b:s13+s2] =	stream.linear.scatter [tilespmem:s31], [sflag:$0x1], $0x80, $0x38;
	[tilespmem:$0x4000] =	vst v63  }
0x4ea: {  	s14 =	sadd.s32 $0x100, s11;
	s8 =	rddreg [dreg:$0xf]  }
0x4eb: {  	[hbm4b:s14+s2] =	stream.linear.scatter [tilespmem:s15], [sflag:$0x1], $0x80, $0x38;
	[tilespmem:$0x4000] =	vst v63  }
0x4ec: {  	s16 =	sadd.s32 $0x180, s11;
	s28 =	rddreg [dreg:$0x10]  }
0x4ed: {  	[hbm4b:s16+s2] =	stream.linear.scatter [tilespmem:s17], [sflag:$0x1], $0x80, $0x38;
	[tilespmem:$0x4000] =	vst v63  }
0x4ee: {  	s9 =	sld [smem:$0x7F6]  }
0x4ef: {  	[hbm4b:s18+s2] =	stream.linear.scatter [tilespmem:s19], [sflag:$0x1], $0x80, $0x38;
	[tilespmem:$0x4000] =	vst v63  }
0x4f0: {  	s20 =	sadd.s32 $0x80, s18;
	s29 =	sld [smem:$0x7F7]  }
0x4f1: {  	[hbm4b:s20+s2] =	stream.linear.scatter [tilespmem:s21], [sflag:$0x1], $0x80, $0x38;
	[tilespmem:$0x4000] =	vst v63  }
0x4f2: {  	s22 =	sadd.s32 $0x100, s18;
	s11 =	rddreg [dreg:$0x19]  }
0x4f3: {  	[hbm4b:s22+s2] =	stream.linear.scatter [tilespmem:s24], [sflag:$0x1], $0x80, $0x38;
	[tilespmem:$0x4000] =	vst v63  }
0x4f4: {  	s25 =	sadd.s32 $0x180, s18;
	s31 =	rddreg [dreg:$0x1e]  }
0x4f5: {  	[hbm4b:s25+s2] =	stream.linear.scatter [tilespmem:s26], [sflag:$0x1], $0x80, $0x38;
	[tilespmem:$0x4000] =	vst v63  }
0x4f6: {  	s13 =	rddreg [dreg:$0x17]  }
0x4f7: {  	[hbm4b:s28+s2] =	stream.linear.scatter [tilespmem:s29], [sflag:$0x1], $0x80, $0x38;
	[tilespmem:$0x4000] =	vst v63  }
0x4f8: {  	s30 =	sadd.s32 $0x80, s28;
	s15 =	sld [smem:$0x7DB]  }
0x4f9: {  	[hbm4b:s30+s2] =	stream.linear.scatter [tilespmem:s31], [sflag:$0x1], $0x80, $0x38;
	[tilespmem:$0x4000] =	vst v63  }
0x4fa: {  	s4 =	sadd.s32 $0x100, s28;
	s16 =	rddreg [dreg:$0xe]  }
0x4fb: {  	[hbm4b:s4+s2] =	stream.linear.scatter [tilespmem:s5], [sflag:$0x1], $0x80, $0x38;
	[tilespmem:$0x4000] =	vst v63  }
0x4fc: {  	s6 =	sadd.s32 $0x180, s28;
	s17 =	sld [smem:$0x7FC]  }
0x4fd: {  	[hbm4b:s6+s2] =	stream.linear.scatter [tilespmem:s7], [sflag:$0x1], $0x80, $0x38;
	[tilespmem:$0x4000] =	vst v63  }
0x4fe: {  	s19 =	sld [smem:$0x7D8]  }
0x4ff: {  	[hbm4b:s8+s2] =	stream.linear.scatter [tilespmem:s9], [sflag:$0x1], $0x80, $0x38;
	[tilespmem:$0x4000] =	vst v63  }
0x500: {  	s10 =	sadd.s32 $0x80, s8;
	s21 =	sld [smem:$0x7D9]  }
0x501: {  	[hbm4b:s10+s2] =	stream.linear.scatter [tilespmem:s11], [sflag:$0x1], $0x80, $0x38;
	[tilespmem:$0x4000] =	vst v63  }
0x502: {  	s12 =	sadd.s32 $0x100, s8;
	s24 =	sld [smem:$0x7DA]  }
0x503: {  	[hbm4b:s12+s2] =	stream.linear.scatter [tilespmem:s13], [sflag:$0x1], $0x80, $0x38;
	[tilespmem:$0x4000] =	vst v63  }
0x504: {  	s14 =	sadd.s32 $0x180, s8;
	s25 =	rddreg [dreg:$0xd]  }
0x505: {  	[hbm4b:s14+s2] =	stream.linear.scatter [tilespmem:s15], [sflag:$0x1], $0x80, $0x38;
	[tilespmem:$0x4000] =	vst v63  }
0x506: {  	s26 =	sld [smem:$0x7FD]  }
0x507: {  	[hbm4b:s16+s2] =	stream.linear.scatter [tilespmem:s17], [sflag:$0x1], $0x80, $0x38;
	[tilespmem:$0x4000] =	vst v63  }
0x508: {  	s18 =	sadd.s32 $0x80, s16;
	s29 =	sld [smem:$0x7D5]  }
0x509: {  	[hbm4b:s18+s2] =	stream.linear.scatter [tilespmem:s19], [sflag:$0x1], $0x80, $0x38;
	[tilespmem:$0x4000] =	vst v63  }
0x50a: {  	s20 =	sadd.s32 $0x100, s16;
	s31 =	sld [smem:$0x7D6]  }
0x50b: {  	[hbm4b:s20+s2] =	stream.linear.scatter [tilespmem:s21], [sflag:$0x1], $0x80, $0x38;
	[tilespmem:$0x4000] =	vst v63  }
0x50c: {  	s22 =	sadd.s32 $0x180, s16;
	s4 =	sld [smem:$0x7D7]  }
0x50d: {  	[hbm4b:s22+s2] =	stream.linear.scatter [tilespmem:s24], [sflag:$0x1], $0x80, $0x38;
	[tilespmem:$0x4000] =	vst v63  }
0x50e: {  	s5 =	rddreg [dreg:$0xc]  }
0x50f: {  	[hbm4b:s25+s2] =	stream.linear.scatter [tilespmem:s26], [sflag:$0x1], $0x80, $0x38;
	[tilespmem:$0x4000] =	vst v63  }
0x510: {  	s28 =	sadd.s32 $0x80, s25;
	s6 =	sld [smem:$0x7FB]  }
0x511: {  	[hbm4b:s28+s2] =	stream.linear.scatter [tilespmem:s29], [sflag:$0x1], $0x80, $0x38;
	[tilespmem:$0x4000] =	vst v63  }
0x512: {  	s30 =	sadd.s32 $0x100, s25;
	s8 =	sld [smem:$0x7D2]  }
0x513: {  	[hbm4b:s30+s2] =	stream.linear.scatter [tilespmem:s31], [sflag:$0x1], $0x80, $0x38;
	[tilespmem:$0x4000] =	vst v63  }
0x514: {  	s3 =	sadd.s32 $0x180, s25;
	s10 =	sld [smem:$0x7D3]  }
0x515: {  	[hbm4b:s3+s2] =	stream.linear.scatter [tilespmem:s4], [sflag:$0x1], $0x80, $0x38;
	[tilespmem:$0x4000] =	vst v63  }
0x516: {  	s12 =	sld [smem:$0x7D4]  }
0x517: {  	[hbm4b:s5+s2] =	stream.linear.scatter [tilespmem:s6], [sflag:$0x1], $0x80, $0x38;
	[tilespmem:$0x4000] =	vst v63  }
0x518: {  	s7 =	sadd.s32 $0x80, s5;
	s13 =	rddreg [dreg:$0xb]  }
0x519: {  	[hbm4b:s7+s2] =	stream.linear.scatter [tilespmem:s8], [sflag:$0x1], $0x80, $0x38;
	[tilespmem:$0x4000] =	vst v63  }
0x51a: {  	s9 =	sadd.s32 $0x100, s5;
	s14 =	sld [smem:$0x7FA]  }
0x51b: {  	[hbm4b:s9+s2] =	stream.linear.scatter [tilespmem:s10], [sflag:$0x1], $0x80, $0x38;
	[tilespmem:$0x4000] =	vst v63  }
0x51c: {  	s11 =	sadd.s32 $0x180, s5;
	s16 =	sld [smem:$0x7CF]  }
0x51d: {  	[hbm4b:s11+s2] =	stream.linear.scatter [tilespmem:s12], [sflag:$0x1], $0x80, $0x38;
	[tilespmem:$0x4000] =	vst v63  }
0x51e: {  	s18 =	sld [smem:$0x7D0]  }
0x51f: {  	[hbm4b:s13+s2] =	stream.linear.scatter [tilespmem:s14], [sflag:$0x1], $0x80, $0x38;
	[tilespmem:$0x4000] =	vst v63  }
0x520: {  	s15 =	sadd.s32 $0x80, s13;
	s20 =	sld [smem:$0x7D1]  }
0x521: {  	[hbm4b:s15+s2] =	stream.linear.scatter [tilespmem:s16], [sflag:$0x1], $0x80, $0x38;
	[tilespmem:$0x4000] =	vst v63  }
0x522: {  	s17 =	sadd.s32 $0x100, s13;
	s21 =	rddreg [dreg:$0xa]  }
0x523: {  	[hbm4b:s17+s2] =	stream.linear.scatter [tilespmem:s18], [sflag:$0x1], $0x80, $0x38;
	[tilespmem:$0x4000] =	vst v63  }
0x524: {  	s19 =	sadd.s32 $0x180, s13;
	s22 =	sld [smem:$0x7F5]  }
0x525: {  	[hbm4b:s19+s2] =	stream.linear.scatter [tilespmem:s20], [sflag:$0x1], $0x80, $0x38;
	[tilespmem:$0x4000] =	vst v63  }
0x526: {  	s25 =	sld [smem:$0x7CC]  }
0x527: {  	[hbm4b:s21+s2] =	stream.linear.scatter [tilespmem:s22], [sflag:$0x1], $0x80, $0x38;
	[tilespmem:$0x4000] =	vst v63  }
0x528: {  	s24 =	sadd.s32 $0x80, s21;
	s28 =	sld [smem:$0x7CD]  }
0x529: {  	[hbm4b:s24+s2] =	stream.linear.scatter [tilespmem:s25], [sflag:$0x1], $0x80, $0x38;
	[tilespmem:$0x4000] =	vst v63  }
0x52a: {  	s26 =	sadd.s32 $0x100, s21;
	s30 =	sld [smem:$0x7CE]  }
0x52b: {  	[hbm4b:s26+s2] =	stream.linear.scatter [tilespmem:s28], [sflag:$0x1], $0x80, $0x38;
	[tilespmem:$0x4000] =	vst v63  }
0x52c: {  	s29 =	sadd.s32 $0x180, s21  }
0x52d: {  	[hbm4b:s29+s2] =	stream.linear.scatter [tilespmem:s30], [sflag:$0x1], $0x80, $0x38;
	[tilespmem:$0x4000] =	vst v63  }
0x52e: {  	_ =	swait.ge [sflag:s23], $0x200  }
0x52f: {  	[sflag:s23] =	ssyncset.done $0x0  }
0x530: {  	[sflag:s23] =	ssyncadd.s32 $0xFFFFFE00  }
0x531: {  	_ =	swait.ge [sflag:s23], $0x200  }
0x532: {  	[sflag:s23] =	ssyncset.done $0x0  }
0x533: {  	[sflag:s23] =	ssyncadd.s32 $0xFFFFFE00  }
0x534: {  	_ =	swait.ge [sflag:s23], $0x200  }
0x535: {  	[sflag:s23] =	ssyncset.done $0x0  }
0x536: {  	[sflag:s23] =	ssyncadd.s32 $0xFFFFFE00  }
0x537: {  	_ =	swait.ge [sflag:s23], $0x200  }
0x538: {  	[sflag:s23] =	ssyncset.done $0x0  }
0x539: {  	[sflag:s23] =	ssyncadd.s32 $0xFFFFFE00  }
0x53a: {  	_ =	swait.ge [sflag:s23], $0x200  }
0x53b: {  	[sflag:s23] =	ssyncset.done $0x0  }
0x53c: {  	[sflag:s23] =	ssyncadd.s32 $0xFFFFFE00  }
0x53d: {  	_ =	swait.ge [sflag:s23], $0x200  }
0x53e: {  	[sflag:s23] =	ssyncset.done $0x0  }
0x53f: {  	[sflag:s23] =	ssyncadd.s32 $0xFFFFFE00  }
0x540: {  	_ =	swait.ge [sflag:s23], $0x200  }
0x541: {  	[sflag:s23] =	ssyncset.done $0x0  }
0x542: {  	[sflag:s23] =	ssyncadd.s32 $0xFFFFFE00  }
0x543: {  	_ =	swait.ge [sflag:s23], $0x200  }
0x544: {  	[sflag:s23] =	ssyncset.done $0x0  }
0x545: {  	[sflag:s23] =	ssyncadd.s32 $0xFFFFFE00  }
0x546: {  	_ =	swait.ge [sflag:s23], $0x200  }
0x547: {  	[sflag:s23] =	ssyncset.done $0x0  }
0x548: {  	[sflag:s23] =	ssyncadd.s32 $0xFFFFFE00  }
0x549: {  	_ =	swait.ge [sflag:s23], $0x200  }
0x54a: {  	[sflag:s23] =	ssyncset.done $0x0  }
0x54b: {  	[sflag:s23] =	ssyncadd.s32 $0xFFFFFE00  }
0x54c: {  	_ =	swait.ge [sflag:s23], $0x200  }
0x54d: {  	[sflag:s23] =	ssyncset.done $0x0  }
0x54e: {  	[sflag:s23] =	ssyncadd.s32 $0xFFFFFE00  }
0x54f: {  	_ =	swait.ge [sflag:s23], $0x200  }
0x550: {  	[sflag:s23] =	ssyncset.done $0x0  }
0x551: {  	[sflag:s23] =	ssyncadd.s32 $0xFFFFFE00  }
0x552: {  	_ =	swait.ge [sflag:s23], $0x200  }
0x553: {  	[sflag:s23] =	ssyncset.done $0x0  }
0x554: {  	[sflag:s23] =	ssyncadd.s32 $0xFFFFFE00  }
0x555: {  	_ =	swait.ge [sflag:s23], $0x200  }
0x556: {  	[sflag:s23] =	ssyncset.done $0x0  }
0x557: {  	[sflag:s23] =	ssyncadd.s32 $0xFFFFFE00  }
0x558: {  	_ =	swait.ge [sflag:s23], $0x200  }
0x559: {  	[sflag:s23] =	ssyncset.done $0x0  }
0x55a: {  	[sflag:s23] =	ssyncadd.s32 $0xFFFFFE00  }
0x55b: {  	_ =	swait.ge [sflag:s23], $0x200  }
0x55c: {  	[sflag:s23] =	ssyncset.done $0x0  }
0x55d: {  	[sflag:s23] =	ssyncadd.s32 $0xFFFFFE00  }
0x55e: {  	_ =	swait.ge [sflag:s23], $0x200  }
0x55f: {  	[sflag:s23] =	ssyncset.done $0x0  }
0x560: {  	[sflag:s23] =	ssyncadd.s32 $0xFFFFFE00  }
0x561: {  	_ =	swait.ge [sflag:s23], $0x200  }
0x562: {  	[sflag:s23] =	ssyncset.done $0x0  }
0x563: {  	[sflag:s23] =	ssyncadd.s32 $0xFFFFFE00  }
0x564: {  	_ =	swait.ge [sflag:s23], $0x200  }
0x565: {  	[sflag:s23] =	ssyncset.done $0x0  }
0x566: {  	[sflag:s23] =	ssyncadd.s32 $0xFFFFFE00  }
0x567: {  	_ =	swait.ge [sflag:s23], $0x200  }
0x568: {  	[sflag:s23] =	ssyncset.done $0x0  }
0x569: {  	[sflag:s23] =	ssyncadd.s32 $0xFFFFFE00  }
0x56a: {  	_ =	swait.ge [sflag:s23], $0x200  }
0x56b: {  	[sflag:s23] =	ssyncset.done $0x0  }
0x56c: {  	[sflag:s23] =	ssyncadd.s32 $0xFFFFFE00  }
0x56d: {  	_ =	swait.ge [sflag:s23], $0x200  }
0x56e: {  	[sflag:s23] =	ssyncset.done $0x0  }
0x56f: {  	[sflag:s23] =	ssyncadd.s32 $0xFFFFFE00  }
0x570: {  	_ =	swait.ge [sflag:s23], $0x200  }
0x571: {  	[sflag:s23] =	ssyncset.done $0x0  }
0x572: {  	[sflag:s23] =	ssyncadd.s32 $0xFFFFFE00  }
0x573: {  	_ =	swait.ge [sflag:s23], $0x200  }
0x574: {  	[sflag:s23] =	ssyncset.done $0x0  }
0x575: {  	[sflag:s23] =	ssyncadd.s32 $0xFFFFFE00  }
0x576: {  	_ =	swait.ge [sflag:s23], $0x200  }
0x577: {  	[sflag:s23] =	ssyncset.done $0x0  }
0x578: {  	[sflag:s23] =	ssyncadd.s32 $0xFFFFFE00  }
0x579: {  	_ =	swait.ge [sflag:s23], $0x200  }
0x57a: {  	[sflag:s23] =	ssyncset.done $0x0  }
0x57b: {  	[sflag:s23] =	ssyncadd.s32 $0xFFFFFE00  }
0x57c: {  	_ =	swait.ge [sflag:s23], $0x200  }
0x57d: {  	[sflag:s23] =	ssyncset.done $0x0  }
0x57e: {  	[sflag:s23] =	ssyncadd.s32 $0xFFFFFE00  }
0x57f: {  	_ =	swait.ge [sflag:s23], $0x200  }
0x580: {  	[sflag:s23] =	ssyncset.done $0x0  }
0x581: {  	[sflag:s23] =	ssyncadd.s32 $0xFFFFFE00  }
0x582: {  	_ =	swait.ge [sflag:s23], $0x200  }
0x583: {  	[sflag:s23] =	ssyncset.done $0x0  }
0x584: {  	[sflag:s23] =	ssyncadd.s32 $0xFFFFFE00  }
0x585: {  	_ =	swait.ge [sflag:s23], $0x200  }
0x586: {  	[sflag:s23] =	ssyncset.done $0x0  }
0x587: {  	[sflag:s23] =	ssyncadd.s32 $0xFFFFFE00  }
0x588: {  	_ =	swait.ge [sflag:s23], $0x200  }
0x589: {  	[sflag:s23] =	ssyncset.done $0x0  }
0x58a: {  	[sflag:s23] =	ssyncadd.s32 $0xFFFFFE00  }
0x58b: {  	_ =	swait.ge [sflag:s23], $0x200  }
0x58c: {  	[sflag:s23] =	ssyncset.done $0x0  }
0x58d: {  	[sflag:s23] =	ssyncadd.s32 $0xFFFFFE00  }
0x58e: {  	_ =	sfence.sel $0x180000  }
0x58f: {  	[bflag:$0x0] =	sbarrier.arrive $0xFFFF  }
0x590: {  	_ =	strace $0x90000047  }
0x591: {  	s31 =	stileid.u32;
	[bflag:$0x2] =	sbarrier.arrive $0xFFFF  }
0x592: {  	p0 =	sne.s32 s31, $0x0;
	s0 =	rddreg [dreg:$0x2]  }
0x593: {  	s0 =	sadd.s32 @!p0 $0x100000, s0  }
0x594: {  	[sflag:s0] =	ssyncadd.tile.s32 @!p0 $0x1;
	_ =	shalt  }
.LBB2_1:
0x595: {  	s20 =	sld [smem:$0x7D8]  }
0x596: {  	s26 =	sld [smem:$0x7D9]  }
0x597: {  	s4 =	sld [smem:$0x7DA]  }
0x598: {  	s3 =	sld [smem:$0x7D5]  }
0x599: {  	s1 =	sld [smem:$0x7D6]  }
0x59a: {  	s25 =	sld [smem:$0x7D7]  }
0x59b: {  	s29 =	sld [smem:$0x7D2]  }
0x59c: {  	s5 =	smov.u32 s18;
	s18 =	sld [smem:$0x7D3]  }
0x59d: {  	s14 =	sld [smem:$0x7D4]  }
0x59e: {  	s31 =	sld [smem:$0x7CF]  }
0x59f: {  	s30 =	sld [smem:$0x7D0]  }
0x5a0: {  	s28 =	sld [smem:$0x7D1]  }
.Ltmp3:
0x5a1: {  	s9 =	sld [smem:$0x7CC];
	(pc) =	sbr.rel .LBB2_6-.Ltmp3, $4  }
0x5a2: {  	s19 =	sld [smem:$0x7CD]  }
0x5a3: {  	s22 =	sld [smem:$0x7CE]  }
0x5a4: {  	s0 =	smov.u32 s21;
	s21 =	smov.u32 s12;
	s8 =	smov.u32 s13  }
0x5a5: {  	s12 =	smov.u32 s10;
	s13 =	smov.u32 s5;
	s10 =	smov.u32 s0  }
.LBB2_3:
0x5a6: {  	s20 =	sld [smem:$0x7D8]  }
0x5a7: {  	s26 =	sld [smem:$0x7D9]  }
0x5a8: {  	s4 =	sld [smem:$0x7DA]  }
0x5a9: {  	s3 =	sld [smem:$0x7D5]  }
0x5aa: {  	s1 =	sld [smem:$0x7D6]  }
0x5ab: {  	s25 =	sld [smem:$0x7D7]  }
0x5ac: {  	s29 =	sld [smem:$0x7D2]  }
0x5ad: {  	s18 =	sld [smem:$0x7D3]  }
0x5ae: {  	s14 =	sld [smem:$0x7D4]  }
0x5af: {  	s31 =	sld [smem:$0x7CF]  }
0x5b0: {  	s30 =	sld [smem:$0x7D0]  }
0x5b1: {  	s28 =	sld [smem:$0x7D1]  }
0x5b2: {  	s9 =	sld [smem:$0x7CC]  }
0x5b3: {  	s19 =	sld [smem:$0x7CD]  }
0x5b4: {  	s22 =	sld [smem:$0x7CE]  }
0x5b5: {  	s21 =	sld [smem:$0x797]  }
0x5b6: {  	s8 =	sld [smem:$0x7F9]  }
0x5b7: {  	s17 =	sld [smem:$0x7F8]  }
0x5b8: {  	s16 =	sld [smem:$0x7F7]  }
.Ltmp4:
0x5b9: {  	s15 =	sld [smem:$0x7F6];
	(pc) =	sbr.rel .LBB2_6-.Ltmp4, $4  }
0x5ba: {  	s13 =	sld [smem:$0x7FC]  }
0x5bb: {  	s12 =	sld [smem:$0x7FD]  }
0x5bc: {  	s11 =	sld [smem:$0x7FB]  }
0x5bd: {  	s10 =	sld [smem:$0x7FA]  }
.Lfunc_end2:
_tile_overlayer_lowered:
.L_overlay_start_2:
0x5be: {  	(tag) =	ssettag $0x2  }
0x5bf: {  	s0 =	rddreg [dreg:$0x0];
	s2 =	stileid.u32  }
0x5c0: {  	s1 =	rddreg [dreg:$0x1];
	p0 =	sne.s32 s2, $0x0  }
0x5c1: {  	s3 =	rddreg [dreg:$0x2];
	[bflag:$0x3] =	sbarrier.arrive $0xFFFF;
	s2 =	simm.s32 @!p0 $0x1C02  }
0x5c2: {  	[timem:s3], [sflag:s2] =	dma.local @!p0 [hbm:s0], s1  }
0x5c3: {  	s0 =	simm.s32 @!p0 $0x2  }
0x5c4: {  	_ =	swait.ge @!p0 [sflag:s0], s1  }
0x5c5: {  	s1 =	ssub.s32 @!p0 $0x0, s1;
	[sflag:s0] =	ssyncset.done @!p0 $0x0  }
0x5c6: {  	[sflag:s0] =	ssyncadd.s32 @!p0 s1  }
0x5c7: {  	[bflag:$0x3] =	sbarrier.arrive $0xFFFF  }
0x5c8: {  	_ =	shalt  }

</sc_bundles>
